<compile_context>
chip_gen: v7x
topology: tpu7x:2x2x1
jax: 0.10.2.dev20260603
libtpu: 0.0.44.dev20260713+nightly
codegen_flags: <defaults>
</compile_context>

<pallas_src>
import functools

import jax
import jax.numpy as jnp
from jax import lax
from jax.experimental import pallas as pl
from jax.experimental.pallas import tpu as pltpu
from jax.experimental.pallas import tpu_sc as plsc

N = 10000
NPAD = 10240
PADIDX = 10000
E = 320000
EPAD = 327680
NW = 16
CHUNKS = 160
K = 128
STRIPE = NPAD // NW

PH = 2
PH_ROWS = NPAD // PH
ACC_ROWS = PH_ROWS + 256
ASTRIPE = ACC_ROWS // NW
PSTRIPE = PH_ROWS // NW

_mesh = plsc.VectorSubcoreMesh(
    core_axis_name="c", subcore_axis_name="s", num_cores=1
)
_f32 = jnp.float32
_i32 = jnp.int32
_sc_params = pltpu.CompilerParams(needs_layout_passes=False)


def _hist_update(hist, tmp, keys, vals, iota):
    ks, vs = plsc.sort_key_val(keys, vals)
    cs = plsc.cumsum(vs)
    tmp[...] = ks
    knext = plsc.load_gather(tmp, [jnp.minimum(iota + 1, 15)])
    mend = (ks != knext) | (iota == 15)
    plsc.addupdate_scatter(hist, [ks], cs, mask=mend)
    plsc.addupdate_scatter(hist, [knext], -cs, mask=mend & (iota < 15))


NVEC = NPAD // 16


@functools.partial(
    pl.kernel,
    out_type=jax.ShapeDtypeStruct((NW, NPAD), _f32),
    mesh=_mesh,
    compiler_params=_sc_params,
    scratch_types=[
        pltpu.VMEM((CHUNKS * K,), jnp.int32),
        pltpu.VMEM((NPAD,), _f32),
        pltpu.VMEM((16,), jnp.int32),
    ],
)
def _deg_kernel(dst_hbm, degh_out, idx_v, hist, tmp):
    sid = lax.axis_index("s")
    pltpu.sync_copy(dst_hbm.at[sid], idx_v)

    zero16 = jnp.zeros((16,), _f32)

    def zbody(i, _):
        hist[pl.ds(pl.multiple_of(i * 16, 16), 16)] = zero16
        return ()

    lax.fori_loop(0, NVEC, zbody, ())

    iota = lax.iota(_i32, 16)
    cnt = jnp.ones((16,), _f32)

    def cbody(j, _):
        for c in range(K // 16):
            k16 = idx_v[pl.ds(pl.multiple_of(j * K + c * 16, 16), 16)]
            _hist_update(hist, tmp, k16, cnt, iota)
        return ()

    lax.fori_loop(0, CHUNKS, cbody, ())
    pltpu.sync_copy(hist, degh_out.at[sid])


def _scale_body(xp_ref, degh_ref, xs_ref, dv_ref):
    deg = jnp.sum(degh_ref[...], axis=0) + 1.0
    dinv = lax.rsqrt(deg)
    dv_ref[...] = dinv[None, :]
    xs_ref[...] = xp_ref[...] * dinv[:, None]


_scale = pl.pallas_call(
    _scale_body,
    out_shape=(
        jax.ShapeDtypeStruct((NPAD, 128), _f32),
        jax.ShapeDtypeStruct((1, NPAD), _f32),
    ),
)


@functools.partial(
    pl.kernel,
    out_type=jax.ShapeDtypeStruct((NPAD, 128), _f32),
    mesh=_mesh,
    scratch_types=[
        pltpu.VMEM((CHUNKS, K), jnp.int32),
        pltpu.VMEM((CHUNKS, K), jnp.int32),
        pltpu.VMEM((CHUNKS, K), jnp.int32),
        pltpu.VMEM((K, 128), _f32),
        pltpu.VMEM((16, 128), _f32),
        pltpu.VMEM_SHARED((ACC_ROWS, 128), _f32),
    ],
)
def _scatter_kernel(xs_hbm, src_hbm, dst_hbm, p0_out,
                    sidx_v, didx_v, ridx_v, xb, zacc, acc_sh):
    sid = lax.axis_index("s")

    zero16 = jnp.zeros((16,), _f32)
    for i in range(16):
        for c in range(8):
            zacc[i, pl.ds(c * 16, 16)] = zero16

    pltpu.sync_copy(src_hbm.at[sid], sidx_v)
    pltpu.sync_copy(dst_hbm.at[sid], didx_v)

    for ph in range(PH):
        for t in range(ASTRIPE // 16):
            pltpu.sync_copy(
                zacc, acc_sh.at[pl.ds(sid * ASTRIPE + t * 16, 16)]
            )
        if ASTRIPE % 16:
            pltpu.sync_copy(
                zacc.at[pl.ds(0, ASTRIPE % 16)],
                acc_sh.at[pl.ds(sid * ASTRIPE + (ASTRIPE // 16) * 16,
                                ASTRIPE % 16)],
            )

        def rbody(j, _):
            for c in range(K // 16):
                d16 = didx_v[j, pl.ds(c * 16, 16)]
                loc = d16 - (ph * PH_ROWS)
                ok = (loc >= 0) & (loc < PH_ROWS)
                dummy = PH_ROWS + jnp.bitwise_and(d16, 63)
                ridx_v[j, pl.ds(c * 16, 16)] = jnp.where(ok, loc, dummy)
            return ()

        lax.fori_loop(0, CHUNKS, rbody, ())
        plsc.subcore_barrier()

        def sbody(j, _):
            pltpu.sync_copy(xs_hbm.at[sidx_v.at[j]], xb)
            pltpu.sync_copy(xb, acc_sh.at[ridx_v.at[j]], add=True)
            return ()

        lax.fori_loop(0, CHUNKS, sbody, ())
        plsc.subcore_barrier()

        pltpu.sync_copy(
            acc_sh.at[pl.ds(sid * PSTRIPE, PSTRIPE)],
            p0_out.at[pl.ds(ph * PH_ROWS + sid * PSTRIPE, PSTRIPE)],
        )
        plsc.subcore_barrier()


@functools.partial(
    pl.kernel,
    out_type=jax.ShapeDtypeStruct((NW, NPAD), _f32),
    mesh=_mesh,
    compiler_params=_sc_params,
    scratch_types=[
        pltpu.VMEM((CHUNKS * K,), jnp.int32),
        pltpu.VMEM((CHUNKS * K,), jnp.int32),
        pltpu.VMEM((NPAD,), _f32),
        pltpu.VMEM((NPAD,), _f32),
        pltpu.VMEM((16,), jnp.int32),
    ],
)
def _wsum_kernel(src_hbm, dst_hbm, dv_hbm, wsh_out,
                 sidx_v, didx_v, dinv_v, whist, tmp):
    sid = lax.axis_index("s")

    pltpu.sync_copy(src_hbm.at[sid], sidx_v)
    pltpu.sync_copy(dst_hbm.at[sid], didx_v)
    pltpu.sync_copy(dv_hbm.at[0], dinv_v)

    zero16 = jnp.zeros((16,), _f32)

    def zbody(i, _):
        whist[pl.ds(pl.multiple_of(i * 16, 16), 16)] = zero16
        return ()

    lax.fori_loop(0, NVEC, zbody, ())

    iota = lax.iota(_i32, 16)

    def cbody(j, _):
        for c in range(K // 16):
            off = pl.multiple_of(j * K + c * 16, 16)
            d16 = didx_v[pl.ds(off, 16)]
            s16 = sidx_v[pl.ds(off, 16)]
            dval = plsc.load_gather(dinv_v, [d16])
            _hist_update(whist, tmp, s16, dval, iota)
        return ()

    lax.fori_loop(0, CHUNKS, cbody, ())
    pltpu.sync_copy(whist, wsh_out.at[sid])


def _final_body(p0_ref, xp_ref, dv_ref, wsh_ref, W1_ref, b1_ref, W2_ref,
                b2_ref, out_ref):
    dinv = dv_ref[0, :]
    dcol = dinv[:, None]
    p = dcol * p0_ref[...] + (dcol * dcol) * xp_ref[...]
    h1 = jnp.maximum(
        jnp.dot(p, W1_ref[...], preferred_element_type=_f32) + b1_ref[...],
        0.0,
    )
    ws1 = jnp.sum(wsh_ref[...], axis=0)
    w = dinv * ws1 + dinv * dinv
    rows = lax.broadcasted_iota(_i32, (NPAD, 1), 0)
    wcol = jnp.where(rows < N, w[:, None], 0.0)
    u = jnp.sum(h1 * wcol, axis=0, keepdims=True)
    out_ref[...] = (
        jnp.dot(u * (1.0 / N), W2_ref[...], preferred_element_type=_f32)
        + b2_ref[...]
    )


_final = pl.pallas_call(
    _final_body,
    out_shape=jax.ShapeDtypeStruct((1, 128), _f32),
)


def kernel(x, edge_index, W1, b1, W2, b2):
    ei = edge_index.astype(jnp.int32)
    ei = jnp.concatenate(
        [ei, jnp.full((2, EPAD - E), PADIDX, jnp.int32)], axis=1
    )
    src3 = ei[0].reshape(NW, CHUNKS, K)
    dst3 = ei[1].reshape(NW, CHUNKS, K)
    xp = jnp.pad(x, ((0, NPAD - N), (0, 0)))

    srcf = ei[0].reshape(NW, CHUNKS * K)
    dstf = ei[1].reshape(NW, CHUNKS * K)
    degh = _deg_kernel(dstf)
    xs, dv = _scale(xp, degh)
    p0 = _scatter_kernel(xs, src3, dst3)
    wsh = _wsum_kernel(srcf, dstf, dv)
    out = _final(p0, xp, dv, wsh, W1, b1.reshape(1, -1), W2,
                 b2.reshape(1, -1))
    return out.reshape(128)

# --- scband reference (transcript-rebuilt; emitter-appended) ---
"""Pipeline reference for scband-text-gnn-74225624809969 (READ-ONLY COPY).

The authoritative reference and input builder live on the scoring server;
editing this copy changes nothing except your own understanding.
"""

import jax, jax.numpy as jnp
import numpy as np

N_NODES = 10000


def gcn_conv(x, edge_index, W, b, num_nodes):
    # GCNConv: x' = D^{-1/2} (A + I) D^{-1/2} x W + b
    src = edge_index[0]
    dst = edge_index[1]
    loop = jnp.arange(num_nodes, dtype=edge_index.dtype)
    src = jnp.concatenate([src, loop])
    dst = jnp.concatenate([dst, loop])
    h = x @ W
    ones = jnp.ones(dst.shape[0], dtype=x.dtype)
    deg = jax.ops.segment_sum(ones, dst, num_segments=num_nodes)
    dinv = jnp.where(deg > 0, deg ** -0.5, 0.0)
    norm = dinv[src] * dinv[dst]
    msg = h[src] * norm[:, None]
    out = jax.ops.segment_sum(msg, dst, num_segments=num_nodes)
    return out + b


def setup_inputs(seed: int = 0) -> dict:
    key = jax.random.key(seed)
    k1, k2, k3, k4, k5, k6 = jax.random.split(key, 6)
    in_dim, hidden_dim, out_dim = 128, 256, 128
    n_edges = 320000
    x = jax.random.normal(k1, (N_NODES, in_dim), dtype=jnp.float32)
    edge_index = jax.random.randint(k2, (2, n_edges), 0, N_NODES, dtype=jnp.int64)
    W1 = jax.random.normal(k3, (in_dim, hidden_dim), dtype=jnp.float32) * (1.0 / np.sqrt(in_dim))
    b1 = jnp.zeros((hidden_dim,), dtype=jnp.float32)
    W2 = jax.random.normal(k4, (hidden_dim, out_dim), dtype=jnp.float32) * (1.0 / np.sqrt(hidden_dim))
    b2 = jnp.zeros((out_dim,), dtype=jnp.float32)
    return {"x": x, "edge_index": edge_index, "W1": W1, "b1": b1, "W2": W2, "b2": b2}


def reference(x, edge_index, W1, b1, W2, b2):
    h = jax.nn.relu(gcn_conv(x, edge_index, W1, b1, N_NODES))
    h = gcn_conv(h, edge_index, W2, b2, N_NODES)
    # per-graph mean pooling (single graph -> graph embedding)
    return h.mean(axis=0)

if __name__ == "__main__":
    import jax
    _d = setup_inputs()
    print(jax.jit(kernel)(*tuple(_d.values())))

</pallas_src>

<mosaic_0001>
#map = affine_map<(d0, d1) -> (0, 0)>
module attributes {stable_mosaic.version = 14 : i64} {
  func.func @_deg_kernel(%arg0: i32, %arg1: i32, %arg2: memref<16x20480xi32, #tpu.memory_space<hbm>>, %arg3: memref<16x10240xf32, #tpu.memory_space<hbm>>, %arg4: memref<20480xi32, #tpu.memory_space<vmem>>, %arg5: memref<10240xf32, #tpu.memory_space<vmem>>, %arg6: memref<16xi32, #tpu.memory_space<vmem>>) attributes {dimension_semantics = [#tpu.dimension_semantics<core_parallel>, #tpu.dimension_semantics<subcore_parallel>], iteration_bounds = array<i64: 1, 16>, scalar_prefetch = 0 : i64, scratch_operands = 3 : i64, tpu.core_type = #tpu.core_type<sc_vector_subcore>, window_params = [{transform_indices = #map}, {transform_indices = #map}]} {
    "tpu.region"() ({
      %run_scoped3A = tpu.sem_alloc : memref<!tpu.dma_semaphore, #tpu.memory_space<semaphore_mem>>
      %dma_start3A = arith.constant 0 : i32
      %dma_start3A_12 = tpu.memref_slice %arg2[%arg1, %dma_start3A] : memref<16x20480xi32, #tpu.memory_space<hbm>> -> memref<1x20480xi32, #tpu.memory_space<hbm>>
      %dma_start3A_13 = tpu.memref_squeeze %dma_start3A_12 : memref<1x20480xi32, #tpu.memory_space<hbm>> -> memref<20480xi32, #tpu.memory_space<hbm>>
      %dma_start3A_14 = arith.constant 0 : i32
      %dma_start3A_15 = tpu.memref_slice %arg2[%arg1, %dma_start3A_14] : memref<16x20480xi32, #tpu.memory_space<hbm>> -> memref<1x20480xi32, #tpu.memory_space<hbm>>
      %dma_start3A_16 = tpu.memref_squeeze %dma_start3A_15 : memref<1x20480xi32, #tpu.memory_space<hbm>> -> memref<20480xi32, #tpu.memory_space<hbm>>
      tpu.enqueue_dma source(%dma_start3A_16 : memref<20480xi32, #tpu.memory_space<hbm>>) target(%arg4 : memref<20480xi32, #tpu.memory_space<vmem>>) target_semaphore(%run_scoped3A : memref<!tpu.dma_semaphore, #tpu.memory_space<semaphore_mem>>)
      %dma_wait3A = arith.constant 0 : i32
      %dma_wait3A_17 = tpu.memref_slice %arg2[%arg1, %dma_wait3A] : memref<16x20480xi32, #tpu.memory_space<hbm>> -> memref<1x20480xi32, #tpu.memory_space<hbm>>
      %dma_wait3A_18 = tpu.memref_squeeze %dma_wait3A_17 : memref<1x20480xi32, #tpu.memory_space<hbm>> -> memref<20480xi32, #tpu.memory_space<hbm>>
      %dma_wait3A_19 = arith.constant 0 : i32
      %dma_wait3A_20 = tpu.memref_slice %arg2[%arg1, %dma_wait3A_19] : memref<16x20480xi32, #tpu.memory_space<hbm>> -> memref<1x20480xi32, #tpu.memory_space<hbm>>
      %dma_wait3A_21 = tpu.memref_squeeze %dma_wait3A_20 : memref<1x20480xi32, #tpu.memory_space<hbm>> -> memref<20480xi32, #tpu.memory_space<hbm>>
      tpu.wait_dma2 semaphore(%run_scoped3A : memref<!tpu.dma_semaphore, #tpu.memory_space<semaphore_mem>>) src(%dma_wait3A_21 : memref<20480xi32, #tpu.memory_space<hbm>>) dst(%arg4 : memref<20480xi32, #tpu.memory_space<vmem>>)
      tpu.yield
    }) : () -> ()
    %broadcast_in_dim3A = arith.constant 0.000000e+00 : f32
    %broadcast_in_dim3A_0 = vector.broadcast %broadcast_in_dim3A : f32 to vector<16xf32>
    %scan3A = arith.constant 0 : i32
    %scan3A_1 = arith.constant 640 : i32
    %scan3A_2 = arith.addi %scan3A, %scan3A_1 : i32
    %scan3A_3 = arith.constant 1 : i32
    scf.for %scan3A_12 = %scan3A to %scan3A_2 step %scan3A_3  : i32 {
      %mul3A = arith.constant 16 : i32
      %mul3A_13 = arith.muli %scan3A_12, %mul3A : i32
      %multiple_of3A = tpu.assume_multiple %mul3A_13, 16 : i32
      %swap3A = arith.index_cast %multiple_of3A : i32 to index
      %swap3A_14 = tpu.vector_load %arg5[%swap3A] {strides = array<i32>} : memref<10240xf32, #tpu.memory_space<vmem>>, vector<16xf32>,
      tpu.vector_store %arg5[%swap3A], %broadcast_in_dim3A_0 {strides = array<i32>} : memref<10240xf32, #tpu.memory_space<vmem>>, vector<16xf32>,
    }
    %scan3A_4 = arith.constant 640 : i32
    %iota3A = tpu.iota {dimensions = array<i32: 0>} : vector<16xi32>
    %broadcast_in_dim3A_5 = arith.constant 1.000000e+00 : f32
    %broadcast_in_dim3A_6 = vector.broadcast %broadcast_in_dim3A_5 : f32 to vector<16xf32>
    %scan3A_7 = arith.constant 0 : i32
    %scan3A_8 = arith.constant 160 : i32
    %scan3A_9 = arith.addi %scan3A_7, %scan3A_8 : i32
    %scan3A_10 = arith.constant 1 : i32
    scf.for %scan3A_12 = %scan3A_7 to %scan3A_9 step %scan3A_10  : i32 {
      %mul3A = arith.constant 128 : i32
      %mul3A_13 = arith.muli %scan3A_12, %mul3A : i32
      %add3A = arith.constant 0 : i32
      %add3A_14 = arith.addi %mul3A_13, %add3A : i32
      %multiple_of3A = tpu.assume_multiple %add3A_14, 16 : i32
      %get3A = arith.index_cast %multiple_of3A : i32 to index
      %get3A_15 = tpu.vector_load %arg4[%get3A] {strides = array<i32>} : memref<20480xi32, #tpu.memory_space<vmem>>, vector<16xi32>,
      %masked_sort3A = arith.constant dense<true> : vector<16xi1>
      %masked_sort3A_16 = arith.constant -2147483648 : i32
      %masked_sort3A_17 = vector.broadcast %masked_sort3A_16 : i32 to vector<16xi32>
      %masked_sort3A_18 = arith.xori %get3A_15, %masked_sort3A_17 : vector<16xi32>
      %masked_sort3A_19, %masked_sort3A_20, %masked_sort3A_21 = tpu.sort %masked_sort3A_18, %broadcast_in_dim3A_6 masked %masked_sort3A : (vector<16xi32>, vector<16xf32>, vector<16xi1>) -> (vector<16xi1>, vector<16xi32>, vector<16xf32>)
      %masked_sort3A_22 = arith.xori %masked_sort3A_20, %masked_sort3A_17 : vector<16xi32>
      %broadcast_in_dim3A_23 = arith.constant true
      %broadcast_in_dim3A_24 = vector.broadcast %broadcast_in_dim3A_23 : i1 to vector<16xi1>
      %masked_cumsum3A = tpu.scan <sum>, %masked_sort3A_21 masked %broadcast_in_dim3A_24 : vector<16xf32>, vector<16xi1> -> vector<16xf32>
      %swap3A = arith.constant 0 : index
      %swap3A_25 = tpu.vector_load %arg6[%swap3A] {strides = array<i32>} : memref<16xi32, #tpu.memory_space<vmem>>, vector<16xi32>,
      tpu.vector_store %arg6[%swap3A], %masked_sort3A_22 {strides = array<i32>} : memref<16xi32, #tpu.memory_space<vmem>>, vector<16xi32>,
      %add3A_26 = arith.constant 1 : i32
      %add3A_27 = vector.broadcast %add3A_26 : i32 to vector<16xi32>
      %add3A_28 = arith.addi %iota3A, %add3A_27 : vector<16xi32>
      %min3A = arith.constant 15 : i32
      %min3A_29 = vector.broadcast %min3A : i32 to vector<16xi32>
      %min3A_30 = arith.minsi %add3A_28, %min3A_29 : vector<16xi32>
      %gather3A = tpu.vector_load_idx %arg6[%min3A_30] : memref<16xi32, #tpu.memory_space<vmem>>[vector<16xi32>], vector<16xi32>,
      %ne3A = arith.cmpi ne, %masked_sort3A_22, %gather3A : vector<16xi32>
      %eq3A = arith.constant 15 : i32
      %eq3A_31 = vector.broadcast %eq3A : i32 to vector<16xi32>
      %eq3A_32 = arith.cmpi eq, %iota3A, %eq3A_31 : vector<16xi32>
      %or3A = arith.ori %ne3A, %eq3A_32 : vector<16xi1>
      tpu.vector_store_idx %arg5[%masked_sort3A_22], %masked_cumsum3A masked %or3A {add = true} : memref<10240xf32, #tpu.memory_space<vmem>>[vector<16xi32>], vector<16xf32>, vector<16xi1>
      %neg3A = arith.constant 0.000000e+00 : f32
      %neg3A_33 = vector.broadcast %neg3A : f32 to vector<16xf32>
      %neg3A_34 = arith.subf %neg3A_33, %masked_cumsum3A : vector<16xf32>
      %lt3A = arith.constant 15 : i32
      %lt3A_35 = vector.broadcast %lt3A : i32 to vector<16xi32>
      %lt3A_36 = arith.cmpi slt, %iota3A, %lt3A_35 : vector<16xi32>
      %and3A = arith.andi %or3A, %lt3A_36 : vector<16xi1>
      tpu.vector_store_idx %arg5[%gather3A], %neg3A_34 masked %and3A {add = true} : memref<10240xf32, #tpu.memory_space<vmem>>[vector<16xi32>], vector<16xf32>, vector<16xi1>
      %mul3A_37 = arith.constant 128 : i32
      %mul3A_38 = arith.muli %scan3A_12, %mul3A_37 : i32
      %add3A_39 = arith.constant 16 : i32
      %add3A_40 = arith.addi %mul3A_38, %add3A_39 : i32
      %multiple_of3A_41 = tpu.assume_multiple %add3A_40, 16 : i32
      %get3A_42 = arith.index_cast %multiple_of3A_41 : i32 to index
      %get3A_43 = tpu.vector_load %arg4[%get3A_42] {strides = array<i32>} : memref<20480xi32, #tpu.memory_space<vmem>>, vector<16xi32>,
      %masked_sort3A_44 = arith.constant dense<true> : vector<16xi1>
      %masked_sort3A_45 = arith.constant -2147483648 : i32
      %masked_sort3A_46 = vector.broadcast %masked_sort3A_45 : i32 to vector<16xi32>
      %masked_sort3A_47 = arith.xori %get3A_43, %masked_sort3A_46 : vector<16xi32>
      %masked_sort3A_48, %masked_sort3A_49, %masked_sort3A_50 = tpu.sort %masked_sort3A_47, %broadcast_in_dim3A_6 masked %masked_sort3A_44 : (vector<16xi32>, vector<16xf32>, vector<16xi1>) -> (vector<16xi1>, vector<16xi32>, vector<16xf32>)
      %masked_sort3A_51 = arith.xori %masked_sort3A_49, %masked_sort3A_46 : vector<16xi32>
      %broadcast_in_dim3A_52 = arith.constant true
      %broadcast_in_dim3A_53 = vector.broadcast %broadcast_in_dim3A_52 : i1 to vector<16xi1>
      %masked_cumsum3A_54 = tpu.scan <sum>, %masked_sort3A_50 masked %broadcast_in_dim3A_53 : vector<16xf32>, vector<16xi1> -> vector<16xf32>
      %swap3A_55 = arith.constant 0 : index
      %swap3A_56 = tpu.vector_load %arg6[%swap3A_55] {strides = array<i32>} : memref<16xi32, #tpu.memory_space<vmem>>, vector<16xi32>,
      tpu.vector_store %arg6[%swap3A_55], %masked_sort3A_51 {strides = array<i32>} : memref<16xi32, #tpu.memory_space<vmem>>, vector<16xi32>,
      %add3A_57 = arith.constant 1 : i32
      %add3A_58 = vector.broadcast %add3A_57 : i32 to vector<16xi32>
      %add3A_59 = arith.addi %iota3A, %add3A_58 : vector<16xi32>
      %min3A_60 = arith.constant 15 : i32
      %min3A_61 = vector.broadcast %min3A_60 : i32 to vector<16xi32>
      %min3A_62 = arith.minsi %add3A_59, %min3A_61 : vector<16xi32>
      %gather3A_63 = tpu.vector_load_idx %arg6[%min3A_62] : memref<16xi32, #tpu.memory_space<vmem>>[vector<16xi32>], vector<16xi32>,
      %ne3A_64 = arith.cmpi ne, %masked_sort3A_51, %gather3A_63 : vector<16xi32>
      %eq3A_65 = arith.constant 15 : i32
      %eq3A_66 = vector.broadcast %eq3A_65 : i32 to vector<16xi32>
      %eq3A_67 = arith.cmpi eq, %iota3A, %eq3A_66 : vector<16xi32>
      %or3A_68 = arith.ori %ne3A_64, %eq3A_67 : vector<16xi1>
      tpu.vector_store_idx %arg5[%masked_sort3A_51], %masked_cumsum3A_54 masked %or3A_68 {add = true} : memref<10240xf32, #tpu.memory_space<vmem>>[vector<16xi32>], vector<16xf32>, vector<16xi1>
      %neg3A_69 = arith.constant 0.000000e+00 : f32
      %neg3A_70 = vector.broadcast %neg3A_69 : f32 to vector<16xf32>
      %neg3A_71 = arith.subf %neg3A_70, %masked_cumsum3A_54 : vector<16xf32>
      %lt3A_72 = arith.constant 15 : i32
      %lt3A_73 = vector.broadcast %lt3A_72 : i32 to vector<16xi32>
      %lt3A_74 = arith.cmpi slt, %iota3A, %lt3A_73 : vector<16xi32>
      %and3A_75 = arith.andi %or3A_68, %lt3A_74 : vector<16xi1>
      tpu.vector_store_idx %arg5[%gather3A_63], %neg3A_71 masked %and3A_75 {add = true} : memref<10240xf32, #tpu.memory_space<vmem>>[vector<16xi32>], vector<16xf32>, vector<16xi1>
      %mul3A_76 = arith.constant 128 : i32
      %mul3A_77 = arith.muli %scan3A_12, %mul3A_76 : i32
      %add3A_78 = arith.constant 32 : i32
      %add3A_79 = arith.addi %mul3A_77, %add3A_78 : i32
      %multiple_of3A_80 = tpu.assume_multiple %add3A_79, 16 : i32
      %get3A_81 = arith.index_cast %multiple_of3A_80 : i32 to index
      %get3A_82 = tpu.vector_load %arg4[%get3A_81] {strides = array<i32>} : memref<20480xi32, #tpu.memory_space<vmem>>, vector<16xi32>,
      %masked_sort3A_83 = arith.constant dense<true> : vector<16xi1>
      %masked_sort3A_84 = arith.constant -2147483648 : i32
      %masked_sort3A_85 = vector.broadcast %masked_sort3A_84 : i32 to vector<16xi32>
      %masked_sort3A_86 = arith.xori %get3A_82, %masked_sort3A_85 : vector<16xi32>
      %masked_sort3A_87, %masked_sort3A_88, %masked_sort3A_89 = tpu.sort %masked_sort3A_86, %broadcast_in_dim3A_6 masked %masked_sort3A_83 : (vector<16xi32>, vector<16xf32>, vector<16xi1>) -> (vector<16xi1>, vector<16xi32>, vector<16xf32>)
      %masked_sort3A_90 = arith.xori %masked_sort3A_88, %masked_sort3A_85 : vector<16xi32>
      %broadcast_in_dim3A_91 = arith.constant true
      %broadcast_in_dim3A_92 = vector.broadcast %broadcast_in_dim3A_91 : i1 to vector<16xi1>
      %masked_cumsum3A_93 = tpu.scan <sum>, %masked_sort3A_89 masked %broadcast_in_dim3A_92 : vector<16xf32>, vector<16xi1> -> vector<16xf32>
      %swap3A_94 = arith.constant 0 : index
      %swap3A_95 = tpu.vector_load %arg6[%swap3A_94] {strides = array<i32>} : memref<16xi32, #tpu.memory_space<vmem>>, vector<16xi32>,
      tpu.vector_store %arg6[%swap3A_94], %masked_sort3A_90 {strides = array<i32>} : memref<16xi32, #tpu.memory_space<vmem>>, vector<16xi32>,
      %add3A_96 = arith.constant 1 : i32
      %add3A_97 = vector.broadcast %add3A_96 : i32 to vector<16xi32>
      %add3A_98 = arith.addi %iota3A, %add3A_97 : vector<16xi32>
      %min3A_99 = arith.constant 15 : i32
      %min3A_100 = vector.broadcast %min3A_99 : i32 to vector<16xi32>
      %min3A_101 = arith.minsi %add3A_98, %min3A_100 : vector<16xi32>
      %gather3A_102 = tpu.vector_load_idx %arg6[%min3A_101] : memref<16xi32, #tpu.memory_space<vmem>>[vector<16xi32>], vector<16xi32>,
      %ne3A_103 = arith.cmpi ne, %masked_sort3A_90, %gather3A_102 : vector<16xi32>
      %eq3A_104 = arith.constant 15 : i32
      %eq3A_105 = vector.broadcast %eq3A_104 : i32 to vector<16xi32>
      %eq3A_106 = arith.cmpi eq, %iota3A, %eq3A_105 : vector<16xi32>
      %or3A_107 = arith.ori %ne3A_103, %eq3A_106 : vector<16xi1>
      tpu.vector_store_idx %arg5[%masked_sort3A_90], %masked_cumsum3A_93 masked %or3A_107 {add = true} : memref<10240xf32, #tpu.memory_space<vmem>>[vector<16xi32>], vector<16xf32>, vector<16xi1>
      %neg3A_108 = arith.constant 0.000000e+00 : f32
      %neg3A_109 = vector.broadcast %neg3A_108 : f32 to vector<16xf32>
      %neg3A_110 = arith.subf %neg3A_109, %masked_cumsum3A_93 : vector<16xf32>
      %lt3A_111 = arith.constant 15 : i32
      %lt3A_112 = vector.broadcast %lt3A_111 : i32 to vector<16xi32>
      %lt3A_113 = arith.cmpi slt, %iota3A, %lt3A_112 : vector<16xi32>
      %and3A_114 = arith.andi %or3A_107, %lt3A_113 : vector<16xi1>
      tpu.vector_store_idx %arg5[%gather3A_102], %neg3A_110 masked %and3A_114 {add = true} : memref<10240xf32, #tpu.memory_space<vmem>>[vector<16xi32>], vector<16xf32>, vector<16xi1>
      %mul3A_115 = arith.constant 128 : i32
      %mul3A_116 = arith.muli %scan3A_12, %mul3A_115 : i32
      %add3A_117 = arith.constant 48 : i32
      %add3A_118 = arith.addi %mul3A_116, %add3A_117 : i32
      %multiple_of3A_119 = tpu.assume_multiple %add3A_118, 16 : i32
      %get3A_120 = arith.index_cast %multiple_of3A_119 : i32 to index
      %get3A_121 = tpu.vector_load %arg4[%get3A_120] {strides = array<i32>} : memref<20480xi32, #tpu.memory_space<vmem>>, vector<16xi32>,
      %masked_sort3A_122 = arith.constant dense<true> : vector<16xi1>
      %masked_sort3A_123 = arith.constant -2147483648 : i32
      %masked_sort3A_124 = vector.broadcast %masked_sort3A_123 : i32 to vector<16xi32>
      %masked_sort3A_125 = arith.xori %get3A_121, %masked_sort3A_124 : vector<16xi32>
      %masked_sort3A_126, %masked_sort3A_127, %masked_sort3A_128 = tpu.sort %masked_sort3A_125, %broadcast_in_dim3A_6 masked %masked_sort3A_122 : (vector<16xi32>, vector<16xf32>, vector<16xi1>) -> (vector<16xi1>, vector<16xi32>, vector<16xf32>)
      %masked_sort3A_129 = arith.xori %masked_sort3A_127, %masked_sort3A_124 : vector<16xi32>
      %broadcast_in_dim3A_130 = arith.constant true
      %broadcast_in_dim3A_131 = vector.broadcast %broadcast_in_dim3A_130 : i1 to vector<16xi1>
      %masked_cumsum3A_132 = tpu.scan <sum>, %masked_sort3A_128 masked %broadcast_in_dim3A_131 : vector<16xf32>, vector<16xi1> -> vector<16xf32>
      %swap3A_133 = arith.constant 0 : index
      %swap3A_134 = tpu.vector_load %arg6[%swap3A_133] {strides = array<i32>} : memref<16xi32, #tpu.memory_space<vmem>>, vector<16xi32>,
      tpu.vector_store %arg6[%swap3A_133], %masked_sort3A_129 {strides = array<i32>} : memref<16xi32, #tpu.memory_space<vmem>>, vector<16xi32>,
      %add3A_135 = arith.constant 1 : i32
      %add3A_136 = vector.broadcast %add3A_135 : i32 to vector<16xi32>
      %add3A_137 = arith.addi %iota3A, %add3A_136 : vector<16xi32>
      %min3A_138 = arith.constant 15 : i32
      %min3A_139 = vector.broadcast %min3A_138 : i32 to vector<16xi32>
      %min3A_140 = arith.minsi %add3A_137, %min3A_139 : vector<16xi32>
      %gather3A_141 = tpu.vector_load_idx %arg6[%min3A_140] : memref<16xi32, #tpu.memory_space<vmem>>[vector<16xi32>], vector<16xi32>,
      %ne3A_142 = arith.cmpi ne, %masked_sort3A_129, %gather3A_141 : vector<16xi32>
      %eq3A_143 = arith.constant 15 : i32
      %eq3A_144 = vector.broadcast %eq3A_143 : i32 to vector<16xi32>
      %eq3A_145 = arith.cmpi eq, %iota3A, %eq3A_144 : vector<16xi32>
      %or3A_146 = arith.ori %ne3A_142, %eq3A_145 : vector<16xi1>
      tpu.vector_store_idx %arg5[%masked_sort3A_129], %masked_cumsum3A_132 masked %or3A_146 {add = true} : memref<10240xf32, #tpu.memory_space<vmem>>[vector<16xi32>], vector<16xf32>, vector<16xi1>
      %neg3A_147 = arith.constant 0.000000e+00 : f32
      %neg3A_148 = vector.broadcast %neg3A_147 : f32 to vector<16xf32>
      %neg3A_149 = arith.subf %neg3A_148, %masked_cumsum3A_132 : vector<16xf32>
      %lt3A_150 = arith.constant 15 : i32
      %lt3A_151 = vector.broadcast %lt3A_150 : i32 to vector<16xi32>
      %lt3A_152 = arith.cmpi slt, %iota3A, %lt3A_151 : vector<16xi32>
      %and3A_153 = arith.andi %or3A_146, %lt3A_152 : vector<16xi1>
      tpu.vector_store_idx %arg5[%gather3A_141], %neg3A_149 masked %and3A_153 {add = true} : memref<10240xf32, #tpu.memory_space<vmem>>[vector<16xi32>], vector<16xf32>, vector<16xi1>
      %mul3A_154 = arith.constant 128 : i32
      %mul3A_155 = arith.muli %scan3A_12, %mul3A_154 : i32
      %add3A_156 = arith.constant 64 : i32
      %add3A_157 = arith.addi %mul3A_155, %add3A_156 : i32
      %multiple_of3A_158 = tpu.assume_multiple %add3A_157, 16 : i32
      %get3A_159 = arith.index_cast %multiple_of3A_158 : i32 to index
      %get3A_160 = tpu.vector_load %arg4[%get3A_159] {strides = array<i32>} : memref<20480xi32, #tpu.memory_space<vmem>>, vector<16xi32>,
      %masked_sort3A_161 = arith.constant dense<true> : vector<16xi1>
      %masked_sort3A_162 = arith.constant -2147483648 : i32
      %masked_sort3A_163 = vector.broadcast %masked_sort3A_162 : i32 to vector<16xi32>
      %masked_sort3A_164 = arith.xori %get3A_160, %masked_sort3A_163 : vector<16xi32>
      %masked_sort3A_165, %masked_sort3A_166, %masked_sort3A_167 = tpu.sort %masked_sort3A_164, %broadcast_in_dim3A_6 masked %masked_sort3A_161 : (vector<16xi32>, vector<16xf32>, vector<16xi1>) -> (vector<16xi1>, vector<16xi32>, vector<16xf32>)
      %masked_sort3A_168 = arith.xori %masked_sort3A_166, %masked_sort3A_163 : vector<16xi32>
      %broadcast_in_dim3A_169 = arith.constant true
      %broadcast_in_dim3A_170 = vector.broadcast %broadcast_in_dim3A_169 : i1 to vector<16xi1>
      %masked_cumsum3A_171 = tpu.scan <sum>, %masked_sort3A_167 masked %broadcast_in_dim3A_170 : vector<16xf32>, vector<16xi1> -> vector<16xf32>
      %swap3A_172 = arith.constant 0 : index
      %swap3A_173 = tpu.vector_load %arg6[%swap3A_172] {strides = array<i32>} : memref<16xi32, #tpu.memory_space<vmem>>, vector<16xi32>,
      tpu.vector_store %arg6[%swap3A_172], %masked_sort3A_168 {strides = array<i32>} : memref<16xi32, #tpu.memory_space<vmem>>, vector<16xi32>,
      %add3A_174 = arith.constant 1 : i32
      %add3A_175 = vector.broadcast %add3A_174 : i32 to vector<16xi32>
      %add3A_176 = arith.addi %iota3A, %add3A_175 : vector<16xi32>
      %min3A_177 = arith.constant 15 : i32
      %min3A_178 = vector.broadcast %min3A_177 : i32 to vector<16xi32>
      %min3A_179 = arith.minsi %add3A_176, %min3A_178 : vector<16xi32>
      %gather3A_180 = tpu.vector_load_idx %arg6[%min3A_179] : memref<16xi32, #tpu.memory_space<vmem>>[vector<16xi32>], vector<16xi32>,
      %ne3A_181 = arith.cmpi ne, %masked_sort3A_168, %gather3A_180 : vector<16xi32>
      %eq3A_182 = arith.constant 15 : i32
      %eq3A_183 = vector.broadcast %eq3A_182 : i32 to vector<16xi32>
      %eq3A_184 = arith.cmpi eq, %iota3A, %eq3A_183 : vector<16xi32>
      %or3A_185 = arith.ori %ne3A_181, %eq3A_184 : vector<16xi1>
      tpu.vector_store_idx %arg5[%masked_sort3A_168], %masked_cumsum3A_171 masked %or3A_185 {add = true} : memref<10240xf32, #tpu.memory_space<vmem>>[vector<16xi32>], vector<16xf32>, vector<16xi1>
      %neg3A_186 = arith.constant 0.000000e+00 : f32
      %neg3A_187 = vector.broadcast %neg3A_186 : f32 to vector<16xf32>
      %neg3A_188 = arith.subf %neg3A_187, %masked_cumsum3A_171 : vector<16xf32>
      %lt3A_189 = arith.constant 15 : i32
      %lt3A_190 = vector.broadcast %lt3A_189 : i32 to vector<16xi32>
      %lt3A_191 = arith.cmpi slt, %iota3A, %lt3A_190 : vector<16xi32>
      %and3A_192 = arith.andi %or3A_185, %lt3A_191 : vector<16xi1>
      tpu.vector_store_idx %arg5[%gather3A_180], %neg3A_188 masked %and3A_192 {add = true} : memref<10240xf32, #tpu.memory_space<vmem>>[vector<16xi32>], vector<16xf32>, vector<16xi1>
      %mul3A_193 = arith.constant 128 : i32
      %mul3A_194 = arith.muli %scan3A_12, %mul3A_193 : i32
      %add3A_195 = arith.constant 80 : i32
      %add3A_196 = arith.addi %mul3A_194, %add3A_195 : i32
      %multiple_of3A_197 = tpu.assume_multiple %add3A_196, 16 : i32
      %get3A_198 = arith.index_cast %multiple_of3A_197 : i32 to index
      %get3A_199 = tpu.vector_load %arg4[%get3A_198] {strides = array<i32>} : memref<20480xi32, #tpu.memory_space<vmem>>, vector<16xi32>,
      %masked_sort3A_200 = arith.constant dense<true> : vector<16xi1>
      %masked_sort3A_201 = arith.constant -2147483648 : i32
      %masked_sort3A_202 = vector.broadcast %masked_sort3A_201 : i32 to vector<16xi32>
      %masked_sort3A_203 = arith.xori %get3A_199, %masked_sort3A_202 : vector<16xi32>
      %masked_sort3A_204, %masked_sort3A_205, %masked_sort3A_206 = tpu.sort %masked_sort3A_203, %broadcast_in_dim3A_6 masked %masked_sort3A_200 : (vector<16xi32>, vector<16xf32>, vector<16xi1>) -> (vector<16xi1>, vector<16xi32>, vector<16xf32>)
      %masked_sort3A_207 = arith.xori %masked_sort3A_205, %masked_sort3A_202 : vector<16xi32>
      %broadcast_in_dim3A_208 = arith.constant true
      %broadcast_in_dim3A_209 = vector.broadcast %broadcast_in_dim3A_208 : i1 to vector<16xi1>
      %masked_cumsum3A_210 = tpu.scan <sum>, %masked_sort3A_206 masked %broadcast_in_dim3A_209 : vector<16xf32>, vector<16xi1> -> vector<16xf32>
      %swap3A_211 = arith.constant 0 : index
      %swap3A_212 = tpu.vector_load %arg6[%swap3A_211] {strides = array<i32>} : memref<16xi32, #tpu.memory_space<vmem>>, vector<16xi32>,
      tpu.vector_store %arg6[%swap3A_211], %masked_sort3A_207 {strides = array<i32>} : memref<16xi32, #tpu.memory_space<vmem>>, vector<16xi32>,
      %add3A_213 = arith.constant 1 : i32
      %add3A_214 = vector.broadcast %add3A_213 : i32 to vector<16xi32>
      %add3A_215 = arith.addi %iota3A, %add3A_214 : vector<16xi32>
      %min3A_216 = arith.constant 15 : i32
      %min3A_217 = vector.broadcast %min3A_216 : i32 to vector<16xi32>
      %min3A_218 = arith.minsi %add3A_215, %min3A_217 : vector<16xi32>
      %gather3A_219 = tpu.vector_load_idx %arg6[%min3A_218] : memref<16xi32, #tpu.memory_space<vmem>>[vector<16xi32>], vector<16xi32>,
      %ne3A_220 = arith.cmpi ne, %masked_sort3A_207, %gather3A_219 : vector<16xi32>
      %eq3A_221 = arith.constant 15 : i32
      %eq3A_222 = vector.broadcast %eq3A_221 : i32 to vector<16xi32>
      %eq3A_223 = arith.cmpi eq, %iota3A, %eq3A_222 : vector<16xi32>
      %or3A_224 = arith.ori %ne3A_220, %eq3A_223 : vector<16xi1>
      tpu.vector_store_idx %arg5[%masked_sort3A_207], %masked_cumsum3A_210 masked %or3A_224 {add = true} : memref<10240xf32, #tpu.memory_space<vmem>>[vector<16xi32>], vector<16xf32>, vector<16xi1>
      %neg3A_225 = arith.constant 0.000000e+00 : f32
      %neg3A_226 = vector.broadcast %neg3A_225 : f32 to vector<16xf32>
      %neg3A_227 = arith.subf %neg3A_226, %masked_cumsum3A_210 : vector<16xf32>
      %lt3A_228 = arith.constant 15 : i32
      %lt3A_229 = vector.broadcast %lt3A_228 : i32 to vector<16xi32>
      %lt3A_230 = arith.cmpi slt, %iota3A, %lt3A_229 : vector<16xi32>
      %and3A_231 = arith.andi %or3A_224, %lt3A_230 : vector<16xi1>
      tpu.vector_store_idx %arg5[%gather3A_219], %neg3A_227 masked %and3A_231 {add = true} : memref<10240xf32, #tpu.memory_space<vmem>>[vector<16xi32>], vector<16xf32>, vector<16xi1>
      %mul3A_232 = arith.constant 128 : i32
      %mul3A_233 = arith.muli %scan3A_12, %mul3A_232 : i32
      %add3A_234 = arith.constant 96 : i32
      %add3A_235 = arith.addi %mul3A_233, %add3A_234 : i32
      %multiple_of3A_236 = tpu.assume_multiple %add3A_235, 16 : i32
      %get3A_237 = arith.index_cast %multiple_of3A_236 : i32 to index
      %get3A_238 = tpu.vector_load %arg4[%get3A_237] {strides = array<i32>} : memref<20480xi32, #tpu.memory_space<vmem>>, vector<16xi32>,
      %masked_sort3A_239 = arith.constant dense<true> : vector<16xi1>
      %masked_sort3A_240 = arith.constant -2147483648 : i32
      %masked_sort3A_241 = vector.broadcast %masked_sort3A_240 : i32 to vector<16xi32>
      %masked_sort3A_242 = arith.xori %get3A_238, %masked_sort3A_241 : vector<16xi32>
      %masked_sort3A_243, %masked_sort3A_244, %masked_sort3A_245 = tpu.sort %masked_sort3A_242, %broadcast_in_dim3A_6 masked %masked_sort3A_239 : (vector<16xi32>, vector<16xf32>, vector<16xi1>) -> (vector<16xi1>, vector<16xi32>, vector<16xf32>)
      %masked_sort3A_246 = arith.xori %masked_sort3A_244, %masked_sort3A_241 : vector<16xi32>
      %broadcast_in_dim3A_247 = arith.constant true
      %broadcast_in_dim3A_248 = vector.broadcast %broadcast_in_dim3A_247 : i1 to vector<16xi1>
      %masked_cumsum3A_249 = tpu.scan <sum>, %masked_sort3A_245 masked %broadcast_in_dim3A_248 : vector<16xf32>, vector<16xi1> -> vector<16xf32>
      %swap3A_250 = arith.constant 0 : index
      %swap3A_251 = tpu.vector_load %arg6[%swap3A_250] {strides = array<i32>} : memref<16xi32, #tpu.memory_space<vmem>>, vector<16xi32>,
      tpu.vector_store %arg6[%swap3A_250], %masked_sort3A_246 {strides = array<i32>} : memref<16xi32, #tpu.memory_space<vmem>>, vector<16xi32>,
      %add3A_252 = arith.constant 1 : i32
      %add3A_253 = vector.broadcast %add3A_252 : i32 to vector<16xi32>
      %add3A_254 = arith.addi %iota3A, %add3A_253 : vector<16xi32>
      %min3A_255 = arith.constant 15 : i32
      %min3A_256 = vector.broadcast %min3A_255 : i32 to vector<16xi32>
      %min3A_257 = arith.minsi %add3A_254, %min3A_256 : vector<16xi32>
      %gather3A_258 = tpu.vector_load_idx %arg6[%min3A_257] : memref<16xi32, #tpu.memory_space<vmem>>[vector<16xi32>], vector<16xi32>,
      %ne3A_259 = arith.cmpi ne, %masked_sort3A_246, %gather3A_258 : vector<16xi32>
      %eq3A_260 = arith.constant 15 : i32
      %eq3A_261 = vector.broadcast %eq3A_260 : i32 to vector<16xi32>
      %eq3A_262 = arith.cmpi eq, %iota3A, %eq3A_261 : vector<16xi32>
      %or3A_263 = arith.ori %ne3A_259, %eq3A_262 : vector<16xi1>
      tpu.vector_store_idx %arg5[%masked_sort3A_246], %masked_cumsum3A_249 masked %or3A_263 {add = true} : memref<10240xf32, #tpu.memory_space<vmem>>[vector<16xi32>], vector<16xf32>, vector<16xi1>
      %neg3A_264 = arith.constant 0.000000e+00 : f32
      %neg3A_265 = vector.broadcast %neg3A_264 : f32 to vector<16xf32>
      %neg3A_266 = arith.subf %neg3A_265, %masked_cumsum3A_249 : vector<16xf32>
      %lt3A_267 = arith.constant 15 : i32
      %lt3A_268 = vector.broadcast %lt3A_267 : i32 to vector<16xi32>
      %lt3A_269 = arith.cmpi slt, %iota3A, %lt3A_268 : vector<16xi32>
      %and3A_270 = arith.andi %or3A_263, %lt3A_269 : vector<16xi1>
      tpu.vector_store_idx %arg5[%gather3A_258], %neg3A_266 masked %and3A_270 {add = true} : memref<10240xf32, #tpu.memory_space<vmem>>[vector<16xi32>], vector<16xf32>, vector<16xi1>
      %mul3A_271 = arith.constant 128 : i32
      %mul3A_272 = arith.muli %scan3A_12, %mul3A_271 : i32
      %add3A_273 = arith.constant 112 : i32
      %add3A_274 = arith.addi %mul3A_272, %add3A_273 : i32
      %multiple_of3A_275 = tpu.assume_multiple %add3A_274, 16 : i32
      %get3A_276 = arith.index_cast %multiple_of3A_275 : i32 to index
      %get3A_277 = tpu.vector_load %arg4[%get3A_276] {strides = array<i32>} : memref<20480xi32, #tpu.memory_space<vmem>>, vector<16xi32>,
      %masked_sort3A_278 = arith.constant dense<true> : vector<16xi1>
      %masked_sort3A_279 = arith.constant -2147483648 : i32
      %masked_sort3A_280 = vector.broadcast %masked_sort3A_279 : i32 to vector<16xi32>
      %masked_sort3A_281 = arith.xori %get3A_277, %masked_sort3A_280 : vector<16xi32>
      %masked_sort3A_282, %masked_sort3A_283, %masked_sort3A_284 = tpu.sort %masked_sort3A_281, %broadcast_in_dim3A_6 masked %masked_sort3A_278 : (vector<16xi32>, vector<16xf32>, vector<16xi1>) -> (vector<16xi1>, vector<16xi32>, vector<16xf32>)
      %masked_sort3A_285 = arith.xori %masked_sort3A_283, %masked_sort3A_280 : vector<16xi32>
      %broadcast_in_dim3A_286 = arith.constant true
      %broadcast_in_dim3A_287 = vector.broadcast %broadcast_in_dim3A_286 : i1 to vector<16xi1>
      %masked_cumsum3A_288 = tpu.scan <sum>, %masked_sort3A_284 masked %broadcast_in_dim3A_287 : vector<16xf32>, vector<16xi1> -> vector<16xf32>
      %swap3A_289 = arith.constant 0 : index
      %swap3A_290 = tpu.vector_load %arg6[%swap3A_289] {strides = array<i32>} : memref<16xi32, #tpu.memory_space<vmem>>, vector<16xi32>,
      tpu.vector_store %arg6[%swap3A_289], %masked_sort3A_285 {strides = array<i32>} : memref<16xi32, #tpu.memory_space<vmem>>, vector<16xi32>,
      %add3A_291 = arith.constant 1 : i32
      %add3A_292 = vector.broadcast %add3A_291 : i32 to vector<16xi32>
      %add3A_293 = arith.addi %iota3A, %add3A_292 : vector<16xi32>
      %min3A_294 = arith.constant 15 : i32
      %min3A_295 = vector.broadcast %min3A_294 : i32 to vector<16xi32>
      %min3A_296 = arith.minsi %add3A_293, %min3A_295 : vector<16xi32>
      %gather3A_297 = tpu.vector_load_idx %arg6[%min3A_296] : memref<16xi32, #tpu.memory_space<vmem>>[vector<16xi32>], vector<16xi32>,
      %ne3A_298 = arith.cmpi ne, %masked_sort3A_285, %gather3A_297 : vector<16xi32>
      %eq3A_299 = arith.constant 15 : i32
      %eq3A_300 = vector.broadcast %eq3A_299 : i32 to vector<16xi32>
      %eq3A_301 = arith.cmpi eq, %iota3A, %eq3A_300 : vector<16xi32>
      %or3A_302 = arith.ori %ne3A_298, %eq3A_301 : vector<16xi1>
      tpu.vector_store_idx %arg5[%masked_sort3A_285], %masked_cumsum3A_288 masked %or3A_302 {add = true} : memref<10240xf32, #tpu.memory_space<vmem>>[vector<16xi32>], vector<16xf32>, vector<16xi1>
      %neg3A_303 = arith.constant 0.000000e+00 : f32
      %neg3A_304 = vector.broadcast %neg3A_303 : f32 to vector<16xf32>
      %neg3A_305 = arith.subf %neg3A_304, %masked_cumsum3A_288 : vector<16xf32>
      %lt3A_306 = arith.constant 15 : i32
      %lt3A_307 = vector.broadcast %lt3A_306 : i32 to vector<16xi32>
      %lt3A_308 = arith.cmpi slt, %iota3A, %lt3A_307 : vector<16xi32>
      %and3A_309 = arith.andi %or3A_302, %lt3A_308 : vector<16xi1>
      tpu.vector_store_idx %arg5[%gather3A_297], %neg3A_305 masked %and3A_309 {add = true} : memref<10240xf32, #tpu.memory_space<vmem>>[vector<16xi32>], vector<16xf32>, vector<16xi1>
    }
    %scan3A_11 = arith.constant 160 : i32
    "tpu.region"() ({
      %run_scoped3A = tpu.sem_alloc : memref<!tpu.dma_semaphore, #tpu.memory_space<semaphore_mem>>
      %dma_start3A = arith.constant 0 : i32
      %dma_start3A_12 = tpu.memref_slice %arg3[%arg1, %dma_start3A] : memref<16x10240xf32, #tpu.memory_space<hbm>> -> memref<1x10240xf32, #tpu.memory_space<hbm>>
      %dma_start3A_13 = tpu.memref_squeeze %dma_start3A_12 : memref<1x10240xf32, #tpu.memory_space<hbm>> -> memref<10240xf32, #tpu.memory_space<hbm>>
      %dma_start3A_14 = arith.constant 0 : i32
      %dma_start3A_15 = tpu.memref_slice %arg3[%arg1, %dma_start3A_14] : memref<16x10240xf32, #tpu.memory_space<hbm>> -> memref<1x10240xf32, #tpu.memory_space<hbm>>
      %dma_start3A_16 = tpu.memref_squeeze %dma_start3A_15 : memref<1x10240xf32, #tpu.memory_space<hbm>> -> memref<10240xf32, #tpu.memory_space<hbm>>
      tpu.enqueue_dma source(%arg5 : memref<10240xf32, #tpu.memory_space<vmem>>) target(%dma_start3A_16 : memref<10240xf32, #tpu.memory_space<hbm>>) target_semaphore(%run_scoped3A : memref<!tpu.dma_semaphore, #tpu.memory_space<semaphore_mem>>)
      %dma_wait3A = arith.constant 0 : i32
      %dma_wait3A_17 = tpu.memref_slice %arg3[%arg1, %dma_wait3A] : memref<16x10240xf32, #tpu.memory_space<hbm>> -> memref<1x10240xf32, #tpu.memory_space<hbm>>
      %dma_wait3A_18 = tpu.memref_squeeze %dma_wait3A_17 : memref<1x10240xf32, #tpu.memory_space<hbm>> -> memref<10240xf32, #tpu.memory_space<hbm>>
      %dma_wait3A_19 = arith.constant 0 : i32
      %dma_wait3A_20 = tpu.memref_slice %arg3[%arg1, %dma_wait3A_19] : memref<16x10240xf32, #tpu.memory_space<hbm>> -> memref<1x10240xf32, #tpu.memory_space<hbm>>
      %dma_wait3A_21 = tpu.memref_squeeze %dma_wait3A_20 : memref<1x10240xf32, #tpu.memory_space<hbm>> -> memref<10240xf32, #tpu.memory_space<hbm>>
      tpu.wait_dma2 semaphore(%run_scoped3A : memref<!tpu.dma_semaphore, #tpu.memory_space<semaphore_mem>>) src(%arg5 : memref<10240xf32, #tpu.memory_space<vmem>>) dst(%dma_wait3A_21 : memref<10240xf32, #tpu.memory_space<hbm>>)
      tpu.yield
    }) : () -> ()
    return
  }
}

#map = affine_map<(d0, d1) -> (0, 0)>
module attributes {stable_mosaic.version = 14 : i64} {
  func.func @_wsum_kernel(%arg0: i32, %arg1: i32, %arg2: memref<16x20480xi32, #tpu.memory_space<hbm>>, %arg3: memref<16x20480xi32, #tpu.memory_space<hbm>>, %arg4: memref<1x10240xf32, #tpu.memory_space<hbm>>, %arg5: memref<16x10240xf32, #tpu.memory_space<hbm>>, %arg6: memref<20480xi32, #tpu.memory_space<vmem>>, %arg7: memref<20480xi32, #tpu.memory_space<vmem>>, %arg8: memref<10240xf32, #tpu.memory_space<vmem>>, %arg9: memref<10240xf32, #tpu.memory_space<vmem>>, %arg10: memref<16xi32, #tpu.memory_space<vmem>>) attributes {dimension_semantics = [#tpu.dimension_semantics<core_parallel>, #tpu.dimension_semantics<subcore_parallel>], iteration_bounds = array<i64: 1, 16>, scalar_prefetch = 0 : i64, scratch_operands = 5 : i64, tpu.core_type = #tpu.core_type<sc_vector_subcore>, window_params = [{transform_indices = #map}, {transform_indices = #map}, {transform_indices = #map}, {transform_indices = #map}]} {
    "tpu.region"() ({
      %run_scoped3A_10 = tpu.sem_alloc : memref<!tpu.dma_semaphore, #tpu.memory_space<semaphore_mem>>
      %dma_start3A = arith.constant 0 : i32
      %dma_start3A_11 = tpu.memref_slice %arg2[%arg1, %dma_start3A] : memref<16x20480xi32, #tpu.memory_space<hbm>> -> memref<1x20480xi32, #tpu.memory_space<hbm>>
      %dma_start3A_12 = tpu.memref_squeeze %dma_start3A_11 : memref<1x20480xi32, #tpu.memory_space<hbm>> -> memref<20480xi32, #tpu.memory_space<hbm>>
      %dma_start3A_13 = arith.constant 0 : i32
      %dma_start3A_14 = tpu.memref_slice %arg2[%arg1, %dma_start3A_13] : memref<16x20480xi32, #tpu.memory_space<hbm>> -> memref<1x20480xi32, #tpu.memory_space<hbm>>
      %dma_start3A_15 = tpu.memref_squeeze %dma_start3A_14 : memref<1x20480xi32, #tpu.memory_space<hbm>> -> memref<20480xi32, #tpu.memory_space<hbm>>
      tpu.enqueue_dma source(%dma_start3A_15 : memref<20480xi32, #tpu.memory_space<hbm>>) target(%arg6 : memref<20480xi32, #tpu.memory_space<vmem>>) target_semaphore(%run_scoped3A_10 : memref<!tpu.dma_semaphore, #tpu.memory_space<semaphore_mem>>)
      %dma_wait3A = arith.constant 0 : i32
      %dma_wait3A_16 = tpu.memref_slice %arg2[%arg1, %dma_wait3A] : memref<16x20480xi32, #tpu.memory_space<hbm>> -> memref<1x20480xi32, #tpu.memory_space<hbm>>
      %dma_wait3A_17 = tpu.memref_squeeze %dma_wait3A_16 : memref<1x20480xi32, #tpu.memory_space<hbm>> -> memref<20480xi32, #tpu.memory_space<hbm>>
      %dma_wait3A_18 = arith.constant 0 : i32
      %dma_wait3A_19 = tpu.memref_slice %arg2[%arg1, %dma_wait3A_18] : memref<16x20480xi32, #tpu.memory_space<hbm>> -> memref<1x20480xi32, #tpu.memory_space<hbm>>
      %dma_wait3A_20 = tpu.memref_squeeze %dma_wait3A_19 : memref<1x20480xi32, #tpu.memory_space<hbm>> -> memref<20480xi32, #tpu.memory_space<hbm>>
      tpu.wait_dma2 semaphore(%run_scoped3A_10 : memref<!tpu.dma_semaphore, #tpu.memory_space<semaphore_mem>>) src(%dma_wait3A_20 : memref<20480xi32, #tpu.memory_space<hbm>>) dst(%arg6 : memref<20480xi32, #tpu.memory_space<vmem>>)
      tpu.yield
    }) : () -> ()
    "tpu.region"() ({
      %run_scoped3A_10 = tpu.sem_alloc : memref<!tpu.dma_semaphore, #tpu.memory_space<semaphore_mem>>
      %dma_start3A = arith.constant 0 : i32
      %dma_start3A_11 = tpu.memref_slice %arg3[%arg1, %dma_start3A] : memref<16x20480xi32, #tpu.memory_space<hbm>> -> memref<1x20480xi32, #tpu.memory_space<hbm>>
      %dma_start3A_12 = tpu.memref_squeeze %dma_start3A_11 : memref<1x20480xi32, #tpu.memory_space<hbm>> -> memref<20480xi32, #tpu.memory_space<hbm>>
      %dma_start3A_13 = arith.constant 0 : i32
      %dma_start3A_14 = tpu.memref_slice %arg3[%arg1, %dma_start3A_13] : memref<16x20480xi32, #tpu.memory_space<hbm>> -> memref<1x20480xi32, #tpu.memory_space<hbm>>
      %dma_start3A_15 = tpu.memref_squeeze %dma_start3A_14 : memref<1x20480xi32, #tpu.memory_space<hbm>> -> memref<20480xi32, #tpu.memory_space<hbm>>
      tpu.enqueue_dma source(%dma_start3A_15 : memref<20480xi32, #tpu.memory_space<hbm>>) target(%arg7 : memref<20480xi32, #tpu.memory_space<vmem>>) target_semaphore(%run_scoped3A_10 : memref<!tpu.dma_semaphore, #tpu.memory_space<semaphore_mem>>)
      %dma_wait3A = arith.constant 0 : i32
      %dma_wait3A_16 = tpu.memref_slice %arg3[%arg1, %dma_wait3A] : memref<16x20480xi32, #tpu.memory_space<hbm>> -> memref<1x20480xi32, #tpu.memory_space<hbm>>
      %dma_wait3A_17 = tpu.memref_squeeze %dma_wait3A_16 : memref<1x20480xi32, #tpu.memory_space<hbm>> -> memref<20480xi32, #tpu.memory_space<hbm>>
      %dma_wait3A_18 = arith.constant 0 : i32
      %dma_wait3A_19 = tpu.memref_slice %arg3[%arg1, %dma_wait3A_18] : memref<16x20480xi32, #tpu.memory_space<hbm>> -> memref<1x20480xi32, #tpu.memory_space<hbm>>
      %dma_wait3A_20 = tpu.memref_squeeze %dma_wait3A_19 : memref<1x20480xi32, #tpu.memory_space<hbm>> -> memref<20480xi32, #tpu.memory_space<hbm>>
      tpu.wait_dma2 semaphore(%run_scoped3A_10 : memref<!tpu.dma_semaphore, #tpu.memory_space<semaphore_mem>>) src(%dma_wait3A_20 : memref<20480xi32, #tpu.memory_space<hbm>>) dst(%arg7 : memref<20480xi32, #tpu.memory_space<vmem>>)
      tpu.yield
    }) : () -> ()
    %run_scoped3A = arith.constant 0 : i32
    "tpu.region"() ({
      %run_scoped3A_10 = tpu.sem_alloc : memref<!tpu.dma_semaphore, #tpu.memory_space<semaphore_mem>>
      %dma_start3A = arith.constant 0 : i32
      %dma_start3A_11 = tpu.memref_slice %arg4[%run_scoped3A, %dma_start3A] : memref<1x10240xf32, #tpu.memory_space<hbm>> -> memref<1x10240xf32, #tpu.memory_space<hbm>>
      %dma_start3A_12 = tpu.memref_squeeze %dma_start3A_11 : memref<1x10240xf32, #tpu.memory_space<hbm>> -> memref<10240xf32, #tpu.memory_space<hbm>>
      %dma_start3A_13 = arith.constant 0 : i32
      %dma_start3A_14 = tpu.memref_slice %arg4[%run_scoped3A, %dma_start3A_13] : memref<1x10240xf32, #tpu.memory_space<hbm>> -> memref<1x10240xf32, #tpu.memory_space<hbm>>
      %dma_start3A_15 = tpu.memref_squeeze %dma_start3A_14 : memref<1x10240xf32, #tpu.memory_space<hbm>> -> memref<10240xf32, #tpu.memory_space<hbm>>
      tpu.enqueue_dma source(%dma_start3A_15 : memref<10240xf32, #tpu.memory_space<hbm>>) target(%arg8 : memref<10240xf32, #tpu.memory_space<vmem>>) target_semaphore(%run_scoped3A_10 : memref<!tpu.dma_semaphore, #tpu.memory_space<semaphore_mem>>)
      %dma_wait3A = arith.constant 0 : i32
      %dma_wait3A_16 = tpu.memref_slice %arg4[%run_scoped3A, %dma_wait3A] : memref<1x10240xf32, #tpu.memory_space<hbm>> -> memref<1x10240xf32, #tpu.memory_space<hbm>>
      %dma_wait3A_17 = tpu.memref_squeeze %dma_wait3A_16 : memref<1x10240xf32, #tpu.memory_space<hbm>> -> memref<10240xf32, #tpu.memory_space<hbm>>
      %dma_wait3A_18 = arith.constant 0 : i32
      %dma_wait3A_19 = tpu.memref_slice %arg4[%run_scoped3A, %dma_wait3A_18] : memref<1x10240xf32, #tpu.memory_space<hbm>> -> memref<1x10240xf32, #tpu.memory_space<hbm>>
      %dma_wait3A_20 = tpu.memref_squeeze %dma_wait3A_19 : memref<1x10240xf32, #tpu.memory_space<hbm>> -> memref<10240xf32, #tpu.memory_space<hbm>>
      tpu.wait_dma2 semaphore(%run_scoped3A_10 : memref<!tpu.dma_semaphore, #tpu.memory_space<semaphore_mem>>) src(%dma_wait3A_20 : memref<10240xf32, #tpu.memory_space<hbm>>) dst(%arg8 : memref<10240xf32, #tpu.memory_space<vmem>>)
      tpu.yield
    }) : () -> ()
    %broadcast_in_dim3A = arith.constant 0.000000e+00 : f32
    %broadcast_in_dim3A_0 = vector.broadcast %broadcast_in_dim3A : f32 to vector<16xf32>
    %scan3A = arith.constant 0 : i32
    %scan3A_1 = arith.constant 640 : i32
    %scan3A_2 = arith.addi %scan3A, %scan3A_1 : i32
    %scan3A_3 = arith.constant 1 : i32
    scf.for %scan3A_10 = %scan3A to %scan3A_2 step %scan3A_3  : i32 {
      %mul3A = arith.constant 16 : i32
      %mul3A_11 = arith.muli %scan3A_10, %mul3A : i32
      %multiple_of3A = tpu.assume_multiple %mul3A_11, 16 : i32
      %swap3A = arith.index_cast %multiple_of3A : i32 to index
      %swap3A_12 = tpu.vector_load %arg9[%swap3A] {strides = array<i32>} : memref<10240xf32, #tpu.memory_space<vmem>>, vector<16xf32>,
      tpu.vector_store %arg9[%swap3A], %broadcast_in_dim3A_0 {strides = array<i32>} : memref<10240xf32, #tpu.memory_space<vmem>>, vector<16xf32>,
    }
    %scan3A_4 = arith.constant 640 : i32
    %iota3A = tpu.iota {dimensions = array<i32: 0>} : vector<16xi32>
    %scan3A_5 = arith.constant 0 : i32
    %scan3A_6 = arith.constant 160 : i32
    %scan3A_7 = arith.addi %scan3A_5, %scan3A_6 : i32
    %scan3A_8 = arith.constant 1 : i32
    scf.for %scan3A_10 = %scan3A_5 to %scan3A_7 step %scan3A_8  : i32 {
      %mul3A = arith.constant 128 : i32
      %mul3A_11 = arith.muli %scan3A_10, %mul3A : i32
      %add3A = arith.constant 0 : i32
      %add3A_12 = arith.addi %mul3A_11, %add3A : i32
      %multiple_of3A = tpu.assume_multiple %add3A_12, 16 : i32
      %get3A = arith.index_cast %multiple_of3A : i32 to index
      %get3A_13 = tpu.vector_load %arg7[%get3A] {strides = array<i32>} : memref<20480xi32, #tpu.memory_space<vmem>>, vector<16xi32>,
      %get3A_14 = arith.index_cast %multiple_of3A : i32 to index
      %get3A_15 = tpu.vector_load %arg6[%get3A_14] {strides = array<i32>} : memref<20480xi32, #tpu.memory_space<vmem>>, vector<16xi32>,
      %gather3A = tpu.vector_load_idx %arg8[%get3A_13] : memref<10240xf32, #tpu.memory_space<vmem>>[vector<16xi32>], vector<16xf32>,
      %masked_sort3A = arith.constant dense<true> : vector<16xi1>
      %masked_sort3A_16 = arith.constant -2147483648 : i32
      %masked_sort3A_17 = vector.broadcast %masked_sort3A_16 : i32 to vector<16xi32>
      %masked_sort3A_18 = arith.xori %get3A_15, %masked_sort3A_17 : vector<16xi32>
      %masked_sort3A_19, %masked_sort3A_20, %masked_sort3A_21 = tpu.sort %masked_sort3A_18, %gather3A masked %masked_sort3A : (vector<16xi32>, vector<16xf32>, vector<16xi1>) -> (vector<16xi1>, vector<16xi32>, vector<16xf32>)
      %masked_sort3A_22 = arith.xori %masked_sort3A_20, %masked_sort3A_17 : vector<16xi32>
      %broadcast_in_dim3A_23 = arith.constant true
      %broadcast_in_dim3A_24 = vector.broadcast %broadcast_in_dim3A_23 : i1 to vector<16xi1>
      %masked_cumsum3A = tpu.scan <sum>, %masked_sort3A_21 masked %broadcast_in_dim3A_24 : vector<16xf32>, vector<16xi1> -> vector<16xf32>
      %swap3A = arith.constant 0 : index
      %swap3A_25 = tpu.vector_load %arg10[%swap3A] {strides = array<i32>} : memref<16xi32, #tpu.memory_space<vmem>>, vector<16xi32>,
      tpu.vector_store %arg10[%swap3A], %masked_sort3A_22 {strides = array<i32>} : memref<16xi32, #tpu.memory_space<vmem>>, vector<16xi32>,
      %add3A_26 = arith.constant 1 : i32
      %add3A_27 = vector.broadcast %add3A_26 : i32 to vector<16xi32>
      %add3A_28 = arith.addi %iota3A, %add3A_27 : vector<16xi32>
      %min3A = arith.constant 15 : i32
      %min3A_29 = vector.broadcast %min3A : i32 to vector<16xi32>
      %min3A_30 = arith.minsi %add3A_28, %min3A_29 : vector<16xi32>
      %gather3A_31 = tpu.vector_load_idx %arg10[%min3A_30] : memref<16xi32, #tpu.memory_space<vmem>>[vector<16xi32>], vector<16xi32>,
      %ne3A = arith.cmpi ne, %masked_sort3A_22, %gather3A_31 : vector<16xi32>
      %eq3A = arith.constant 15 : i32
      %eq3A_32 = vector.broadcast %eq3A : i32 to vector<16xi32>
      %eq3A_33 = arith.cmpi eq, %iota3A, %eq3A_32 : vector<16xi32>
      %or3A = arith.ori %ne3A, %eq3A_33 : vector<16xi1>
      tpu.vector_store_idx %arg9[%masked_sort3A_22], %masked_cumsum3A masked %or3A {add = true} : memref<10240xf32, #tpu.memory_space<vmem>>[vector<16xi32>], vector<16xf32>, vector<16xi1>
      %neg3A = arith.constant 0.000000e+00 : f32
      %neg3A_34 = vector.broadcast %neg3A : f32 to vector<16xf32>
      %neg3A_35 = arith.subf %neg3A_34, %masked_cumsum3A : vector<16xf32>
      %lt3A = arith.constant 15 : i32
      %lt3A_36 = vector.broadcast %lt3A : i32 to vector<16xi32>
      %lt3A_37 = arith.cmpi slt, %iota3A, %lt3A_36 : vector<16xi32>
      %and3A = arith.andi %or3A, %lt3A_37 : vector<16xi1>
      tpu.vector_store_idx %arg9[%gather3A_31], %neg3A_35 masked %and3A {add = true} : memref<10240xf32, #tpu.memory_space<vmem>>[vector<16xi32>], vector<16xf32>, vector<16xi1>
      %mul3A_38 = arith.constant 128 : i32
      %mul3A_39 = arith.muli %scan3A_10, %mul3A_38 : i32
      %add3A_40 = arith.constant 16 : i32
      %add3A_41 = arith.addi %mul3A_39, %add3A_40 : i32
      %multiple_of3A_42 = tpu.assume_multiple %add3A_41, 16 : i32
      %get3A_43 = arith.index_cast %multiple_of3A_42 : i32 to index
      %get3A_44 = tpu.vector_load %arg7[%get3A_43] {strides = array<i32>} : memref<20480xi32, #tpu.memory_space<vmem>>, vector<16xi32>,
      %get3A_45 = arith.index_cast %multiple_of3A_42 : i32 to index
      %get3A_46 = tpu.vector_load %arg6[%get3A_45] {strides = array<i32>} : memref<20480xi32, #tpu.memory_space<vmem>>, vector<16xi32>,
      %gather3A_47 = tpu.vector_load_idx %arg8[%get3A_44] : memref<10240xf32, #tpu.memory_space<vmem>>[vector<16xi32>], vector<16xf32>,
      %masked_sort3A_48 = arith.constant dense<true> : vector<16xi1>
      %masked_sort3A_49 = arith.constant -2147483648 : i32
      %masked_sort3A_50 = vector.broadcast %masked_sort3A_49 : i32 to vector<16xi32>
      %masked_sort3A_51 = arith.xori %get3A_46, %masked_sort3A_50 : vector<16xi32>
      %masked_sort3A_52, %masked_sort3A_53, %masked_sort3A_54 = tpu.sort %masked_sort3A_51, %gather3A_47 masked %masked_sort3A_48 : (vector<16xi32>, vector<16xf32>, vector<16xi1>) -> (vector<16xi1>, vector<16xi32>, vector<16xf32>)
      %masked_sort3A_55 = arith.xori %masked_sort3A_53, %masked_sort3A_50 : vector<16xi32>
      %broadcast_in_dim3A_56 = arith.constant true
      %broadcast_in_dim3A_57 = vector.broadcast %broadcast_in_dim3A_56 : i1 to vector<16xi1>
      %masked_cumsum3A_58 = tpu.scan <sum>, %masked_sort3A_54 masked %broadcast_in_dim3A_57 : vector<16xf32>, vector<16xi1> -> vector<16xf32>
      %swap3A_59 = arith.constant 0 : index
      %swap3A_60 = tpu.vector_load %arg10[%swap3A_59] {strides = array<i32>} : memref<16xi32, #tpu.memory_space<vmem>>, vector<16xi32>,
      tpu.vector_store %arg10[%swap3A_59], %masked_sort3A_55 {strides = array<i32>} : memref<16xi32, #tpu.memory_space<vmem>>, vector<16xi32>,
      %add3A_61 = arith.constant 1 : i32
      %add3A_62 = vector.broadcast %add3A_61 : i32 to vector<16xi32>
      %add3A_63 = arith.addi %iota3A, %add3A_62 : vector<16xi32>
      %min3A_64 = arith.constant 15 : i32
      %min3A_65 = vector.broadcast %min3A_64 : i32 to vector<16xi32>
      %min3A_66 = arith.minsi %add3A_63, %min3A_65 : vector<16xi32>
      %gather3A_67 = tpu.vector_load_idx %arg10[%min3A_66] : memref<16xi32, #tpu.memory_space<vmem>>[vector<16xi32>], vector<16xi32>,
      %ne3A_68 = arith.cmpi ne, %masked_sort3A_55, %gather3A_67 : vector<16xi32>
      %eq3A_69 = arith.constant 15 : i32
      %eq3A_70 = vector.broadcast %eq3A_69 : i32 to vector<16xi32>
      %eq3A_71 = arith.cmpi eq, %iota3A, %eq3A_70 : vector<16xi32>
      %or3A_72 = arith.ori %ne3A_68, %eq3A_71 : vector<16xi1>
      tpu.vector_store_idx %arg9[%masked_sort3A_55], %masked_cumsum3A_58 masked %or3A_72 {add = true} : memref<10240xf32, #tpu.memory_space<vmem>>[vector<16xi32>], vector<16xf32>, vector<16xi1>
      %neg3A_73 = arith.constant 0.000000e+00 : f32
      %neg3A_74 = vector.broadcast %neg3A_73 : f32 to vector<16xf32>
      %neg3A_75 = arith.subf %neg3A_74, %masked_cumsum3A_58 : vector<16xf32>
      %lt3A_76 = arith.constant 15 : i32
      %lt3A_77 = vector.broadcast %lt3A_76 : i32 to vector<16xi32>
      %lt3A_78 = arith.cmpi slt, %iota3A, %lt3A_77 : vector<16xi32>
      %and3A_79 = arith.andi %or3A_72, %lt3A_78 : vector<16xi1>
      tpu.vector_store_idx %arg9[%gather3A_67], %neg3A_75 masked %and3A_79 {add = true} : memref<10240xf32, #tpu.memory_space<vmem>>[vector<16xi32>], vector<16xf32>, vector<16xi1>
      %mul3A_80 = arith.constant 128 : i32
      %mul3A_81 = arith.muli %scan3A_10, %mul3A_80 : i32
      %add3A_82 = arith.constant 32 : i32
      %add3A_83 = arith.addi %mul3A_81, %add3A_82 : i32
      %multiple_of3A_84 = tpu.assume_multiple %add3A_83, 16 : i32
      %get3A_85 = arith.index_cast %multiple_of3A_84 : i32 to index
      %get3A_86 = tpu.vector_load %arg7[%get3A_85] {strides = array<i32>} : memref<20480xi32, #tpu.memory_space<vmem>>, vector<16xi32>,
      %get3A_87 = arith.index_cast %multiple_of3A_84 : i32 to index
      %get3A_88 = tpu.vector_load %arg6[%get3A_87] {strides = array<i32>} : memref<20480xi32, #tpu.memory_space<vmem>>, vector<16xi32>,
      %gather3A_89 = tpu.vector_load_idx %arg8[%get3A_86] : memref<10240xf32, #tpu.memory_space<vmem>>[vector<16xi32>], vector<16xf32>,
      %masked_sort3A_90 = arith.constant dense<true> : vector<16xi1>
      %masked_sort3A_91 = arith.constant -2147483648 : i32
      %masked_sort3A_92 = vector.broadcast %masked_sort3A_91 : i32 to vector<16xi32>
      %masked_sort3A_93 = arith.xori %get3A_88, %masked_sort3A_92 : vector<16xi32>
      %masked_sort3A_94, %masked_sort3A_95, %masked_sort3A_96 = tpu.sort %masked_sort3A_93, %gather3A_89 masked %masked_sort3A_90 : (vector<16xi32>, vector<16xf32>, vector<16xi1>) -> (vector<16xi1>, vector<16xi32>, vector<16xf32>)
      %masked_sort3A_97 = arith.xori %masked_sort3A_95, %masked_sort3A_92 : vector<16xi32>
      %broadcast_in_dim3A_98 = arith.constant true
      %broadcast_in_dim3A_99 = vector.broadcast %broadcast_in_dim3A_98 : i1 to vector<16xi1>
      %masked_cumsum3A_100 = tpu.scan <sum>, %masked_sort3A_96 masked %broadcast_in_dim3A_99 : vector<16xf32>, vector<16xi1> -> vector<16xf32>
      %swap3A_101 = arith.constant 0 : index
      %swap3A_102 = tpu.vector_load %arg10[%swap3A_101] {strides = array<i32>} : memref<16xi32, #tpu.memory_space<vmem>>, vector<16xi32>,
      tpu.vector_store %arg10[%swap3A_101], %masked_sort3A_97 {strides = array<i32>} : memref<16xi32, #tpu.memory_space<vmem>>, vector<16xi32>,
      %add3A_103 = arith.constant 1 : i32
      %add3A_104 = vector.broadcast %add3A_103 : i32 to vector<16xi32>
      %add3A_105 = arith.addi %iota3A, %add3A_104 : vector<16xi32>
      %min3A_106 = arith.constant 15 : i32
      %min3A_107 = vector.broadcast %min3A_106 : i32 to vector<16xi32>
      %min3A_108 = arith.minsi %add3A_105, %min3A_107 : vector<16xi32>
      %gather3A_109 = tpu.vector_load_idx %arg10[%min3A_108] : memref<16xi32, #tpu.memory_space<vmem>>[vector<16xi32>], vector<16xi32>,
      %ne3A_110 = arith.cmpi ne, %masked_sort3A_97, %gather3A_109 : vector<16xi32>
      %eq3A_111 = arith.constant 15 : i32
      %eq3A_112 = vector.broadcast %eq3A_111 : i32 to vector<16xi32>
      %eq3A_113 = arith.cmpi eq, %iota3A, %eq3A_112 : vector<16xi32>
      %or3A_114 = arith.ori %ne3A_110, %eq3A_113 : vector<16xi1>
      tpu.vector_store_idx %arg9[%masked_sort3A_97], %masked_cumsum3A_100 masked %or3A_114 {add = true} : memref<10240xf32, #tpu.memory_space<vmem>>[vector<16xi32>], vector<16xf32>, vector<16xi1>
      %neg3A_115 = arith.constant 0.000000e+00 : f32
      %neg3A_116 = vector.broadcast %neg3A_115 : f32 to vector<16xf32>
      %neg3A_117 = arith.subf %neg3A_116, %masked_cumsum3A_100 : vector<16xf32>
      %lt3A_118 = arith.constant 15 : i32
      %lt3A_119 = vector.broadcast %lt3A_118 : i32 to vector<16xi32>
      %lt3A_120 = arith.cmpi slt, %iota3A, %lt3A_119 : vector<16xi32>
      %and3A_121 = arith.andi %or3A_114, %lt3A_120 : vector<16xi1>
      tpu.vector_store_idx %arg9[%gather3A_109], %neg3A_117 masked %and3A_121 {add = true} : memref<10240xf32, #tpu.memory_space<vmem>>[vector<16xi32>], vector<16xf32>, vector<16xi1>
      %mul3A_122 = arith.constant 128 : i32
      %mul3A_123 = arith.muli %scan3A_10, %mul3A_122 : i32
      %add3A_124 = arith.constant 48 : i32
      %add3A_125 = arith.addi %mul3A_123, %add3A_124 : i32
      %multiple_of3A_126 = tpu.assume_multiple %add3A_125, 16 : i32
      %get3A_127 = arith.index_cast %multiple_of3A_126 : i32 to index
      %get3A_128 = tpu.vector_load %arg7[%get3A_127] {strides = array<i32>} : memref<20480xi32, #tpu.memory_space<vmem>>, vector<16xi32>,
      %get3A_129 = arith.index_cast %multiple_of3A_126 : i32 to index
      %get3A_130 = tpu.vector_load %arg6[%get3A_129] {strides = array<i32>} : memref<20480xi32, #tpu.memory_space<vmem>>, vector<16xi32>,
      %gather3A_131 = tpu.vector_load_idx %arg8[%get3A_128] : memref<10240xf32, #tpu.memory_space<vmem>>[vector<16xi32>], vector<16xf32>,
      %masked_sort3A_132 = arith.constant dense<true> : vector<16xi1>
      %masked_sort3A_133 = arith.constant -2147483648 : i32
      %masked_sort3A_134 = vector.broadcast %masked_sort3A_133 : i32 to vector<16xi32>
      %masked_sort3A_135 = arith.xori %get3A_130, %masked_sort3A_134 : vector<16xi32>
      %masked_sort3A_136, %masked_sort3A_137, %masked_sort3A_138 = tpu.sort %masked_sort3A_135, %gather3A_131 masked %masked_sort3A_132 : (vector<16xi32>, vector<16xf32>, vector<16xi1>) -> (vector<16xi1>, vector<16xi32>, vector<16xf32>)
      %masked_sort3A_139 = arith.xori %masked_sort3A_137, %masked_sort3A_134 : vector<16xi32>
      %broadcast_in_dim3A_140 = arith.constant true
      %broadcast_in_dim3A_141 = vector.broadcast %broadcast_in_dim3A_140 : i1 to vector<16xi1>
      %masked_cumsum3A_142 = tpu.scan <sum>, %masked_sort3A_138 masked %broadcast_in_dim3A_141 : vector<16xf32>, vector<16xi1> -> vector<16xf32>
      %swap3A_143 = arith.constant 0 : index
      %swap3A_144 = tpu.vector_load %arg10[%swap3A_143] {strides = array<i32>} : memref<16xi32, #tpu.memory_space<vmem>>, vector<16xi32>,
      tpu.vector_store %arg10[%swap3A_143], %masked_sort3A_139 {strides = array<i32>} : memref<16xi32, #tpu.memory_space<vmem>>, vector<16xi32>,
      %add3A_145 = arith.constant 1 : i32
      %add3A_146 = vector.broadcast %add3A_145 : i32 to vector<16xi32>
      %add3A_147 = arith.addi %iota3A, %add3A_146 : vector<16xi32>
      %min3A_148 = arith.constant 15 : i32
      %min3A_149 = vector.broadcast %min3A_148 : i32 to vector<16xi32>
      %min3A_150 = arith.minsi %add3A_147, %min3A_149 : vector<16xi32>
      %gather3A_151 = tpu.vector_load_idx %arg10[%min3A_150] : memref<16xi32, #tpu.memory_space<vmem>>[vector<16xi32>], vector<16xi32>,
      %ne3A_152 = arith.cmpi ne, %masked_sort3A_139, %gather3A_151 : vector<16xi32>
      %eq3A_153 = arith.constant 15 : i32
      %eq3A_154 = vector.broadcast %eq3A_153 : i32 to vector<16xi32>
      %eq3A_155 = arith.cmpi eq, %iota3A, %eq3A_154 : vector<16xi32>
      %or3A_156 = arith.ori %ne3A_152, %eq3A_155 : vector<16xi1>
      tpu.vector_store_idx %arg9[%masked_sort3A_139], %masked_cumsum3A_142 masked %or3A_156 {add = true} : memref<10240xf32, #tpu.memory_space<vmem>>[vector<16xi32>], vector<16xf32>, vector<16xi1>
      %neg3A_157 = arith.constant 0.000000e+00 : f32
      %neg3A_158 = vector.broadcast %neg3A_157 : f32 to vector<16xf32>
      %neg3A_159 = arith.subf %neg3A_158, %masked_cumsum3A_142 : vector<16xf32>
      %lt3A_160 = arith.constant 15 : i32
      %lt3A_161 = vector.broadcast %lt3A_160 : i32 to vector<16xi32>
      %lt3A_162 = arith.cmpi slt, %iota3A, %lt3A_161 : vector<16xi32>
      %and3A_163 = arith.andi %or3A_156, %lt3A_162 : vector<16xi1>
      tpu.vector_store_idx %arg9[%gather3A_151], %neg3A_159 masked %and3A_163 {add = true} : memref<10240xf32, #tpu.memory_space<vmem>>[vector<16xi32>], vector<16xf32>, vector<16xi1>
      %mul3A_164 = arith.constant 128 : i32
      %mul3A_165 = arith.muli %scan3A_10, %mul3A_164 : i32
      %add3A_166 = arith.constant 64 : i32
      %add3A_167 = arith.addi %mul3A_165, %add3A_166 : i32
      %multiple_of3A_168 = tpu.assume_multiple %add3A_167, 16 : i32
      %get3A_169 = arith.index_cast %multiple_of3A_168 : i32 to index
      %get3A_170 = tpu.vector_load %arg7[%get3A_169] {strides = array<i32>} : memref<20480xi32, #tpu.memory_space<vmem>>, vector<16xi32>,
      %get3A_171 = arith.index_cast %multiple_of3A_168 : i32 to index
      %get3A_172 = tpu.vector_load %arg6[%get3A_171] {strides = array<i32>} : memref<20480xi32, #tpu.memory_space<vmem>>, vector<16xi32>,
      %gather3A_173 = tpu.vector_load_idx %arg8[%get3A_170] : memref<10240xf32, #tpu.memory_space<vmem>>[vector<16xi32>], vector<16xf32>,
      %masked_sort3A_174 = arith.constant dense<true> : vector<16xi1>
      %masked_sort3A_175 = arith.constant -2147483648 : i32
      %masked_sort3A_176 = vector.broadcast %masked_sort3A_175 : i32 to vector<16xi32>
      %masked_sort3A_177 = arith.xori %get3A_172, %masked_sort3A_176 : vector<16xi32>
      %masked_sort3A_178, %masked_sort3A_179, %masked_sort3A_180 = tpu.sort %masked_sort3A_177, %gather3A_173 masked %masked_sort3A_174 : (vector<16xi32>, vector<16xf32>, vector<16xi1>) -> (vector<16xi1>, vector<16xi32>, vector<16xf32>)
      %masked_sort3A_181 = arith.xori %masked_sort3A_179, %masked_sort3A_176 : vector<16xi32>
      %broadcast_in_dim3A_182 = arith.constant true
      %broadcast_in_dim3A_183 = vector.broadcast %broadcast_in_dim3A_182 : i1 to vector<16xi1>
      %masked_cumsum3A_184 = tpu.scan <sum>, %masked_sort3A_180 masked %broadcast_in_dim3A_183 : vector<16xf32>, vector<16xi1> -> vector<16xf32>
      %swap3A_185 = arith.constant 0 : index
      %swap3A_186 = tpu.vector_load %arg10[%swap3A_185] {strides = array<i32>} : memref<16xi32, #tpu.memory_space<vmem>>, vector<16xi32>,
      tpu.vector_store %arg10[%swap3A_185], %masked_sort3A_181 {strides = array<i32>} : memref<16xi32, #tpu.memory_space<vmem>>, vector<16xi32>,
      %add3A_187 = arith.constant 1 : i32
      %add3A_188 = vector.broadcast %add3A_187 : i32 to vector<16xi32>
      %add3A_189 = arith.addi %iota3A, %add3A_188 : vector<16xi32>
      %min3A_190 = arith.constant 15 : i32
      %min3A_191 = vector.broadcast %min3A_190 : i32 to vector<16xi32>
      %min3A_192 = arith.minsi %add3A_189, %min3A_191 : vector<16xi32>
      %gather3A_193 = tpu.vector_load_idx %arg10[%min3A_192] : memref<16xi32, #tpu.memory_space<vmem>>[vector<16xi32>], vector<16xi32>,
      %ne3A_194 = arith.cmpi ne, %masked_sort3A_181, %gather3A_193 : vector<16xi32>
      %eq3A_195 = arith.constant 15 : i32
      %eq3A_196 = vector.broadcast %eq3A_195 : i32 to vector<16xi32>
      %eq3A_197 = arith.cmpi eq, %iota3A, %eq3A_196 : vector<16xi32>
      %or3A_198 = arith.ori %ne3A_194, %eq3A_197 : vector<16xi1>
      tpu.vector_store_idx %arg9[%masked_sort3A_181], %masked_cumsum3A_184 masked %or3A_198 {add = true} : memref<10240xf32, #tpu.memory_space<vmem>>[vector<16xi32>], vector<16xf32>, vector<16xi1>
      %neg3A_199 = arith.constant 0.000000e+00 : f32
      %neg3A_200 = vector.broadcast %neg3A_199 : f32 to vector<16xf32>
      %neg3A_201 = arith.subf %neg3A_200, %masked_cumsum3A_184 : vector<16xf32>
      %lt3A_202 = arith.constant 15 : i32
      %lt3A_203 = vector.broadcast %lt3A_202 : i32 to vector<16xi32>
      %lt3A_204 = arith.cmpi slt, %iota3A, %lt3A_203 : vector<16xi32>
      %and3A_205 = arith.andi %or3A_198, %lt3A_204 : vector<16xi1>
      tpu.vector_store_idx %arg9[%gather3A_193], %neg3A_201 masked %and3A_205 {add = true} : memref<10240xf32, #tpu.memory_space<vmem>>[vector<16xi32>], vector<16xf32>, vector<16xi1>
      %mul3A_206 = arith.constant 128 : i32
      %mul3A_207 = arith.muli %scan3A_10, %mul3A_206 : i32
      %add3A_208 = arith.constant 80 : i32
      %add3A_209 = arith.addi %mul3A_207, %add3A_208 : i32
      %multiple_of3A_210 = tpu.assume_multiple %add3A_209, 16 : i32
      %get3A_211 = arith.index_cast %multiple_of3A_210 : i32 to index
      %get3A_212 = tpu.vector_load %arg7[%get3A_211] {strides = array<i32>} : memref<20480xi32, #tpu.memory_space<vmem>>, vector<16xi32>,
      %get3A_213 = arith.index_cast %multiple_of3A_210 : i32 to index
      %get3A_214 = tpu.vector_load %arg6[%get3A_213] {strides = array<i32>} : memref<20480xi32, #tpu.memory_space<vmem>>, vector<16xi32>,
      %gather3A_215 = tpu.vector_load_idx %arg8[%get3A_212] : memref<10240xf32, #tpu.memory_space<vmem>>[vector<16xi32>], vector<16xf32>,
      %masked_sort3A_216 = arith.constant dense<true> : vector<16xi1>
      %masked_sort3A_217 = arith.constant -2147483648 : i32
      %masked_sort3A_218 = vector.broadcast %masked_sort3A_217 : i32 to vector<16xi32>
      %masked_sort3A_219 = arith.xori %get3A_214, %masked_sort3A_218 : vector<16xi32>
      %masked_sort3A_220, %masked_sort3A_221, %masked_sort3A_222 = tpu.sort %masked_sort3A_219, %gather3A_215 masked %masked_sort3A_216 : (vector<16xi32>, vector<16xf32>, vector<16xi1>) -> (vector<16xi1>, vector<16xi32>, vector<16xf32>)
      %masked_sort3A_223 = arith.xori %masked_sort3A_221, %masked_sort3A_218 : vector<16xi32>
      %broadcast_in_dim3A_224 = arith.constant true
      %broadcast_in_dim3A_225 = vector.broadcast %broadcast_in_dim3A_224 : i1 to vector<16xi1>
      %masked_cumsum3A_226 = tpu.scan <sum>, %masked_sort3A_222 masked %broadcast_in_dim3A_225 : vector<16xf32>, vector<16xi1> -> vector<16xf32>
      %swap3A_227 = arith.constant 0 : index
      %swap3A_228 = tpu.vector_load %arg10[%swap3A_227] {strides = array<i32>} : memref<16xi32, #tpu.memory_space<vmem>>, vector<16xi32>,
      tpu.vector_store %arg10[%swap3A_227], %masked_sort3A_223 {strides = array<i32>} : memref<16xi32, #tpu.memory_space<vmem>>, vector<16xi32>,
      %add3A_229 = arith.constant 1 : i32
      %add3A_230 = vector.broadcast %add3A_229 : i32 to vector<16xi32>
      %add3A_231 = arith.addi %iota3A, %add3A_230 : vector<16xi32>
      %min3A_232 = arith.constant 15 : i32
      %min3A_233 = vector.broadcast %min3A_232 : i32 to vector<16xi32>
      %min3A_234 = arith.minsi %add3A_231, %min3A_233 : vector<16xi32>
      %gather3A_235 = tpu.vector_load_idx %arg10[%min3A_234] : memref<16xi32, #tpu.memory_space<vmem>>[vector<16xi32>], vector<16xi32>,
      %ne3A_236 = arith.cmpi ne, %masked_sort3A_223, %gather3A_235 : vector<16xi32>
      %eq3A_237 = arith.constant 15 : i32
      %eq3A_238 = vector.broadcast %eq3A_237 : i32 to vector<16xi32>
      %eq3A_239 = arith.cmpi eq, %iota3A, %eq3A_238 : vector<16xi32>
      %or3A_240 = arith.ori %ne3A_236, %eq3A_239 : vector<16xi1>
      tpu.vector_store_idx %arg9[%masked_sort3A_223], %masked_cumsum3A_226 masked %or3A_240 {add = true} : memref<10240xf32, #tpu.memory_space<vmem>>[vector<16xi32>], vector<16xf32>, vector<16xi1>
      %neg3A_241 = arith.constant 0.000000e+00 : f32
      %neg3A_242 = vector.broadcast %neg3A_241 : f32 to vector<16xf32>
      %neg3A_243 = arith.subf %neg3A_242, %masked_cumsum3A_226 : vector<16xf32>
      %lt3A_244 = arith.constant 15 : i32
      %lt3A_245 = vector.broadcast %lt3A_244 : i32 to vector<16xi32>
      %lt3A_246 = arith.cmpi slt, %iota3A, %lt3A_245 : vector<16xi32>
      %and3A_247 = arith.andi %or3A_240, %lt3A_246 : vector<16xi1>
      tpu.vector_store_idx %arg9[%gather3A_235], %neg3A_243 masked %and3A_247 {add = true} : memref<10240xf32, #tpu.memory_space<vmem>>[vector<16xi32>], vector<16xf32>, vector<16xi1>
      %mul3A_248 = arith.constant 128 : i32
      %mul3A_249 = arith.muli %scan3A_10, %mul3A_248 : i32
      %add3A_250 = arith.constant 96 : i32
      %add3A_251 = arith.addi %mul3A_249, %add3A_250 : i32
      %multiple_of3A_252 = tpu.assume_multiple %add3A_251, 16 : i32
      %get3A_253 = arith.index_cast %multiple_of3A_252 : i32 to index
      %get3A_254 = tpu.vector_load %arg7[%get3A_253] {strides = array<i32>} : memref<20480xi32, #tpu.memory_space<vmem>>, vector<16xi32>,
      %get3A_255 = arith.index_cast %multiple_of3A_252 : i32 to index
      %get3A_256 = tpu.vector_load %arg6[%get3A_255] {strides = array<i32>} : memref<20480xi32, #tpu.memory_space<vmem>>, vector<16xi32>,
      %gather3A_257 = tpu.vector_load_idx %arg8[%get3A_254] : memref<10240xf32, #tpu.memory_space<vmem>>[vector<16xi32>], vector<16xf32>,
      %masked_sort3A_258 = arith.constant dense<true> : vector<16xi1>
      %masked_sort3A_259 = arith.constant -2147483648 : i32
      %masked_sort3A_260 = vector.broadcast %masked_sort3A_259 : i32 to vector<16xi32>
      %masked_sort3A_261 = arith.xori %get3A_256, %masked_sort3A_260 : vector<16xi32>
      %masked_sort3A_262, %masked_sort3A_263, %masked_sort3A_264 = tpu.sort %masked_sort3A_261, %gather3A_257 masked %masked_sort3A_258 : (vector<16xi32>, vector<16xf32>, vector<16xi1>) -> (vector<16xi1>, vector<16xi32>, vector<16xf32>)
      %masked_sort3A_265 = arith.xori %masked_sort3A_263, %masked_sort3A_260 : vector<16xi32>
      %broadcast_in_dim3A_266 = arith.constant true
      %broadcast_in_dim3A_267 = vector.broadcast %broadcast_in_dim3A_266 : i1 to vector<16xi1>
      %masked_cumsum3A_268 = tpu.scan <sum>, %masked_sort3A_264 masked %broadcast_in_dim3A_267 : vector<16xf32>, vector<16xi1> -> vector<16xf32>
      %swap3A_269 = arith.constant 0 : index
      %swap3A_270 = tpu.vector_load %arg10[%swap3A_269] {strides = array<i32>} : memref<16xi32, #tpu.memory_space<vmem>>, vector<16xi32>,
      tpu.vector_store %arg10[%swap3A_269], %masked_sort3A_265 {strides = array<i32>} : memref<16xi32, #tpu.memory_space<vmem>>, vector<16xi32>,
      %add3A_271 = arith.constant 1 : i32
      %add3A_272 = vector.broadcast %add3A_271 : i32 to vector<16xi32>
      %add3A_273 = arith.addi %iota3A, %add3A_272 : vector<16xi32>
      %min3A_274 = arith.constant 15 : i32
      %min3A_275 = vector.broadcast %min3A_274 : i32 to vector<16xi32>
      %min3A_276 = arith.minsi %add3A_273, %min3A_275 : vector<16xi32>
      %gather3A_277 = tpu.vector_load_idx %arg10[%min3A_276] : memref<16xi32, #tpu.memory_space<vmem>>[vector<16xi32>], vector<16xi32>,
      %ne3A_278 = arith.cmpi ne, %masked_sort3A_265, %gather3A_277 : vector<16xi32>
      %eq3A_279 = arith.constant 15 : i32
      %eq3A_280 = vector.broadcast %eq3A_279 : i32 to vector<16xi32>
      %eq3A_281 = arith.cmpi eq, %iota3A, %eq3A_280 : vector<16xi32>
      %or3A_282 = arith.ori %ne3A_278, %eq3A_281 : vector<16xi1>
      tpu.vector_store_idx %arg9[%masked_sort3A_265], %masked_cumsum3A_268 masked %or3A_282 {add = true} : memref<10240xf32, #tpu.memory_space<vmem>>[vector<16xi32>], vector<16xf32>, vector<16xi1>
      %neg3A_283 = arith.constant 0.000000e+00 : f32
      %neg3A_284 = vector.broadcast %neg3A_283 : f32 to vector<16xf32>
      %neg3A_285 = arith.subf %neg3A_284, %masked_cumsum3A_268 : vector<16xf32>
      %lt3A_286 = arith.constant 15 : i32
      %lt3A_287 = vector.broadcast %lt3A_286 : i32 to vector<16xi32>
      %lt3A_288 = arith.cmpi slt, %iota3A, %lt3A_287 : vector<16xi32>
      %and3A_289 = arith.andi %or3A_282, %lt3A_288 : vector<16xi1>
      tpu.vector_store_idx %arg9[%gather3A_277], %neg3A_285 masked %and3A_289 {add = true} : memref<10240xf32, #tpu.memory_space<vmem>>[vector<16xi32>], vector<16xf32>, vector<16xi1>
      %mul3A_290 = arith.constant 128 : i32
      %mul3A_291 = arith.muli %scan3A_10, %mul3A_290 : i32
      %add3A_292 = arith.constant 112 : i32
      %add3A_293 = arith.addi %mul3A_291, %add3A_292 : i32
      %multiple_of3A_294 = tpu.assume_multiple %add3A_293, 16 : i32
      %get3A_295 = arith.index_cast %multiple_of3A_294 : i32 to index
      %get3A_296 = tpu.vector_load %arg7[%get3A_295] {strides = array<i32>} : memref<20480xi32, #tpu.memory_space<vmem>>, vector<16xi32>,
      %get3A_297 = arith.index_cast %multiple_of3A_294 : i32 to index
      %get3A_298 = tpu.vector_load %arg6[%get3A_297] {strides = array<i32>} : memref<20480xi32, #tpu.memory_space<vmem>>, vector<16xi32>,
      %gather3A_299 = tpu.vector_load_idx %arg8[%get3A_296] : memref<10240xf32, #tpu.memory_space<vmem>>[vector<16xi32>], vector<16xf32>,
      %masked_sort3A_300 = arith.constant dense<true> : vector<16xi1>
      %masked_sort3A_301 = arith.constant -2147483648 : i32
      %masked_sort3A_302 = vector.broadcast %masked_sort3A_301 : i32 to vector<16xi32>
      %masked_sort3A_303 = arith.xori %get3A_298, %masked_sort3A_302 : vector<16xi32>
      %masked_sort3A_304, %masked_sort3A_305, %masked_sort3A_306 = tpu.sort %masked_sort3A_303, %gather3A_299 masked %masked_sort3A_300 : (vector<16xi32>, vector<16xf32>, vector<16xi1>) -> (vector<16xi1>, vector<16xi32>, vector<16xf32>)
      %masked_sort3A_307 = arith.xori %masked_sort3A_305, %masked_sort3A_302 : vector<16xi32>
      %broadcast_in_dim3A_308 = arith.constant true
      %broadcast_in_dim3A_309 = vector.broadcast %broadcast_in_dim3A_308 : i1 to vector<16xi1>
      %masked_cumsum3A_310 = tpu.scan <sum>, %masked_sort3A_306 masked %broadcast_in_dim3A_309 : vector<16xf32>, vector<16xi1> -> vector<16xf32>
      %swap3A_311 = arith.constant 0 : index
      %swap3A_312 = tpu.vector_load %arg10[%swap3A_311] {strides = array<i32>} : memref<16xi32, #tpu.memory_space<vmem>>, vector<16xi32>,
      tpu.vector_store %arg10[%swap3A_311], %masked_sort3A_307 {strides = array<i32>} : memref<16xi32, #tpu.memory_space<vmem>>, vector<16xi32>,
      %add3A_313 = arith.constant 1 : i32
      %add3A_314 = vector.broadcast %add3A_313 : i32 to vector<16xi32>
      %add3A_315 = arith.addi %iota3A, %add3A_314 : vector<16xi32>
      %min3A_316 = arith.constant 15 : i32
      %min3A_317 = vector.broadcast %min3A_316 : i32 to vector<16xi32>
      %min3A_318 = arith.minsi %add3A_315, %min3A_317 : vector<16xi32>
      %gather3A_319 = tpu.vector_load_idx %arg10[%min3A_318] : memref<16xi32, #tpu.memory_space<vmem>>[vector<16xi32>], vector<16xi32>,
      %ne3A_320 = arith.cmpi ne, %masked_sort3A_307, %gather3A_319 : vector<16xi32>
      %eq3A_321 = arith.constant 15 : i32
      %eq3A_322 = vector.broadcast %eq3A_321 : i32 to vector<16xi32>
      %eq3A_323 = arith.cmpi eq, %iota3A, %eq3A_322 : vector<16xi32>
      %or3A_324 = arith.ori %ne3A_320, %eq3A_323 : vector<16xi1>
      tpu.vector_store_idx %arg9[%masked_sort3A_307], %masked_cumsum3A_310 masked %or3A_324 {add = true} : memref<10240xf32, #tpu.memory_space<vmem>>[vector<16xi32>], vector<16xf32>, vector<16xi1>
      %neg3A_325 = arith.constant 0.000000e+00 : f32
      %neg3A_326 = vector.broadcast %neg3A_325 : f32 to vector<16xf32>
      %neg3A_327 = arith.subf %neg3A_326, %masked_cumsum3A_310 : vector<16xf32>
      %lt3A_328 = arith.constant 15 : i32
      %lt3A_329 = vector.broadcast %lt3A_328 : i32 to vector<16xi32>
      %lt3A_330 = arith.cmpi slt, %iota3A, %lt3A_329 : vector<16xi32>
      %and3A_331 = arith.andi %or3A_324, %lt3A_330 : vector<16xi1>
      tpu.vector_store_idx %arg9[%gather3A_319], %neg3A_327 masked %and3A_331 {add = true} : memref<10240xf32, #tpu.memory_space<vmem>>[vector<16xi32>], vector<16xf32>, vector<16xi1>
    }
    %scan3A_9 = arith.constant 160 : i32
    "tpu.region"() ({
      %run_scoped3A_10 = tpu.sem_alloc : memref<!tpu.dma_semaphore, #tpu.memory_space<semaphore_mem>>
      %dma_start3A = arith.constant 0 : i32
      %dma_start3A_11 = tpu.memref_slice %arg5[%arg1, %dma_start3A] : memref<16x10240xf32, #tpu.memory_space<hbm>> -> memref<1x10240xf32, #tpu.memory_space<hbm>>
      %dma_start3A_12 = tpu.memref_squeeze %dma_start3A_11 : memref<1x10240xf32, #tpu.memory_space<hbm>> -> memref<10240xf32, #tpu.memory_space<hbm>>
      %dma_start3A_13 = arith.constant 0 : i32
      %dma_start3A_14 = tpu.memref_slice %arg5[%arg1, %dma_start3A_13] : memref<16x10240xf32, #tpu.memory_space<hbm>> -> memref<1x10240xf32, #tpu.memory_space<hbm>>
      %dma_start3A_15 = tpu.memref_squeeze %dma_start3A_14 : memref<1x10240xf32, #tpu.memory_space<hbm>> -> memref<10240xf32, #tpu.memory_space<hbm>>
      tpu.enqueue_dma source(%arg9 : memref<10240xf32, #tpu.memory_space<vmem>>) target(%dma_start3A_15 : memref<10240xf32, #tpu.memory_space<hbm>>) target_semaphore(%run_scoped3A_10 : memref<!tpu.dma_semaphore, #tpu.memory_space<semaphore_mem>>)
      %dma_wait3A = arith.constant 0 : i32
      %dma_wait3A_16 = tpu.memref_slice %arg5[%arg1, %dma_wait3A] : memref<16x10240xf32, #tpu.memory_space<hbm>> -> memref<1x10240xf32, #tpu.memory_space<hbm>>
      %dma_wait3A_17 = tpu.memref_squeeze %dma_wait3A_16 : memref<1x10240xf32, #tpu.memory_space<hbm>> -> memref<10240xf32, #tpu.memory_space<hbm>>
      %dma_wait3A_18 = arith.constant 0 : i32
      %dma_wait3A_19 = tpu.memref_slice %arg5[%arg1, %dma_wait3A_18] : memref<16x10240xf32, #tpu.memory_space<hbm>> -> memref<1x10240xf32, #tpu.memory_space<hbm>>
      %dma_wait3A_20 = tpu.memref_squeeze %dma_wait3A_19 : memref<1x10240xf32, #tpu.memory_space<hbm>> -> memref<10240xf32, #tpu.memory_space<hbm>>
      tpu.wait_dma2 semaphore(%run_scoped3A_10 : memref<!tpu.dma_semaphore, #tpu.memory_space<semaphore_mem>>) src(%arg9 : memref<10240xf32, #tpu.memory_space<vmem>>) dst(%dma_wait3A_20 : memref<10240xf32, #tpu.memory_space<hbm>>)
      tpu.yield
    }) : () -> ()
    return
  }
}

#map = affine_map<(d0, d1) -> (0, 0)>
#map1 = affine_map<(d0, d1) -> (0, 0, 0)>
module attributes {stable_mosaic.version = 14 : i64} {
  func.func @_scatter_kernel(%arg0: i32, %arg1: i32, %arg2: memref<10240x128xf32, #tpu.memory_space<hbm>>, %arg3: memref<16x160x128xi32, #tpu.memory_space<hbm>>, %arg4: memref<16x160x128xi32, #tpu.memory_space<hbm>>, %arg5: memref<10240x128xf32, #tpu.memory_space<hbm>>, %arg6: memref<160x128xi32, #tpu.memory_space<vmem>>, %arg7: memref<160x128xi32, #tpu.memory_space<vmem>>, %arg8: memref<160x128xi32, #tpu.memory_space<vmem>>, %arg9: memref<128x128xf32, #tpu.memory_space<vmem>>, %arg10: memref<16x128xf32, #tpu.memory_space<vmem>>, %arg11: memref<5376x128xf32, #tpu.memory_space<vmem_shared>>) attributes {dimension_semantics = [#tpu.dimension_semantics<core_parallel>, #tpu.dimension_semantics<subcore_parallel>], iteration_bounds = array<i64: 1, 16>, scalar_prefetch = 0 : i64, scratch_operands = 6 : i64, tpu.core_type = #tpu.core_type<sc_vector_subcore>, window_params = [{transform_indices = #map}, {transform_indices = #map1}, {transform_indices = #map1}, {transform_indices = #map}]} {
    %broadcast_in_dim3A = arith.constant 0.000000e+00 : f32
    %broadcast_in_dim3A_0 = vector.broadcast %broadcast_in_dim3A : f32 to vector<16xf32>
    %swap3A = arith.constant 0 : i32
    %swap3A_1 = arith.index_cast %swap3A : i32 to index
    %swap3A_2 = arith.constant 0 : index
    %swap3A_3 = tpu.vector_load %arg10[%swap3A_1, %swap3A_2] {strides = array<i32>} : memref<16x128xf32, #tpu.memory_space<vmem>>, vector<1x16xf32>,
    %swap3A_4 = vector.shape_cast %swap3A_3 : vector<1x16xf32> to vector<16xf32>
    %swap3A_5 = vector.shape_cast %broadcast_in_dim3A_0 : vector<16xf32> to vector<1x16xf32>
    tpu.vector_store %arg10[%swap3A_1, %swap3A_2], %swap3A_5 {strides = array<i32>} : memref<16x128xf32, #tpu.memory_space<vmem>>, vector<1x16xf32>,
    %swap3A_6 = arith.constant 0 : i32
    %swap3A_7 = arith.index_cast %swap3A_6 : i32 to index
    %swap3A_8 = arith.constant 16 : index
    %swap3A_9 = tpu.vector_load %arg10[%swap3A_7, %swap3A_8] {strides = array<i32>} : memref<16x128xf32, #tpu.memory_space<vmem>>, vector<1x16xf32>,
    %swap3A_10 = vector.shape_cast %swap3A_9 : vector<1x16xf32> to vector<16xf32>
    %swap3A_11 = vector.shape_cast %broadcast_in_dim3A_0 : vector<16xf32> to vector<1x16xf32>
    tpu.vector_store %arg10[%swap3A_7, %swap3A_8], %swap3A_11 {strides = array<i32>} : memref<16x128xf32, #tpu.memory_space<vmem>>, vector<1x16xf32>,
    %swap3A_12 = arith.constant 0 : i32
    %swap3A_13 = arith.index_cast %swap3A_12 : i32 to index
    %swap3A_14 = arith.constant 32 : index
    %swap3A_15 = tpu.vector_load %arg10[%swap3A_13, %swap3A_14] {strides = array<i32>} : memref<16x128xf32, #tpu.memory_space<vmem>>, vector<1x16xf32>,
    %swap3A_16 = vector.shape_cast %swap3A_15 : vector<1x16xf32> to vector<16xf32>
    %swap3A_17 = vector.shape_cast %broadcast_in_dim3A_0 : vector<16xf32> to vector<1x16xf32>
    tpu.vector_store %arg10[%swap3A_13, %swap3A_14], %swap3A_17 {strides = array<i32>} : memref<16x128xf32, #tpu.memory_space<vmem>>, vector<1x16xf32>,
    %swap3A_18 = arith.constant 0 : i32
    %swap3A_19 = arith.index_cast %swap3A_18 : i32 to index
    %swap3A_20 = arith.constant 48 : index
    %swap3A_21 = tpu.vector_load %arg10[%swap3A_19, %swap3A_20] {strides = array<i32>} : memref<16x128xf32, #tpu.memory_space<vmem>>, vector<1x16xf32>,
    %swap3A_22 = vector.shape_cast %swap3A_21 : vector<1x16xf32> to vector<16xf32>
    %swap3A_23 = vector.shape_cast %broadcast_in_dim3A_0 : vector<16xf32> to vector<1x16xf32>
    tpu.vector_store %arg10[%swap3A_19, %swap3A_20], %swap3A_23 {strides = array<i32>} : memref<16x128xf32, #tpu.memory_space<vmem>>, vector<1x16xf32>,
    %swap3A_24 = arith.constant 0 : i32
    %swap3A_25 = arith.index_cast %swap3A_24 : i32 to index
    %swap3A_26 = arith.constant 64 : index
    %swap3A_27 = tpu.vector_load %arg10[%swap3A_25, %swap3A_26] {strides = array<i32>} : memref<16x128xf32, #tpu.memory_space<vmem>>, vector<1x16xf32>,
    %swap3A_28 = vector.shape_cast %swap3A_27 : vector<1x16xf32> to vector<16xf32>
    %swap3A_29 = vector.shape_cast %broadcast_in_dim3A_0 : vector<16xf32> to vector<1x16xf32>
    tpu.vector_store %arg10[%swap3A_25, %swap3A_26], %swap3A_29 {strides = array<i32>} : memref<16x128xf32, #tpu.memory_space<vmem>>, vector<1x16xf32>,
    %swap3A_30 = arith.constant 0 : i32
    %swap3A_31 = arith.index_cast %swap3A_30 : i32 to index
    %swap3A_32 = arith.constant 80 : index
    %swap3A_33 = tpu.vector_load %arg10[%swap3A_31, %swap3A_32] {strides = array<i32>} : memref<16x128xf32, #tpu.memory_space<vmem>>, vector<1x16xf32>,
    %swap3A_34 = vector.shape_cast %swap3A_33 : vector<1x16xf32> to vector<16xf32>
    %swap3A_35 = vector.shape_cast %broadcast_in_dim3A_0 : vector<16xf32> to vector<1x16xf32>
    tpu.vector_store %arg10[%swap3A_31, %swap3A_32], %swap3A_35 {strides = array<i32>} : memref<16x128xf32, #tpu.memory_space<vmem>>, vector<1x16xf32>,
    %swap3A_36 = arith.constant 0 : i32
    %swap3A_37 = arith.index_cast %swap3A_36 : i32 to index
    %swap3A_38 = arith.constant 96 : index
    %swap3A_39 = tpu.vector_load %arg10[%swap3A_37, %swap3A_38] {strides = array<i32>} : memref<16x128xf32, #tpu.memory_space<vmem>>, vector<1x16xf32>,
    %swap3A_40 = vector.shape_cast %swap3A_39 : vector<1x16xf32> to vector<16xf32>
    %swap3A_41 = vector.shape_cast %broadcast_in_dim3A_0 : vector<16xf32> to vector<1x16xf32>
    tpu.vector_store %arg10[%swap3A_37, %swap3A_38], %swap3A_41 {strides = array<i32>} : memref<16x128xf32, #tpu.memory_space<vmem>>, vector<1x16xf32>,
    %swap3A_42 = arith.constant 0 : i32
    %swap3A_43 = arith.index_cast %swap3A_42 : i32 to index
    %swap3A_44 = arith.constant 112 : index
    %swap3A_45 = tpu.vector_load %arg10[%swap3A_43, %swap3A_44] {strides = array<i32>} : memref<16x128xf32, #tpu.memory_space<vmem>>, vector<1x16xf32>,
    %swap3A_46 = vector.shape_cast %swap3A_45 : vector<1x16xf32> to vector<16xf32>
    %swap3A_47 = vector.shape_cast %broadcast_in_dim3A_0 : vector<16xf32> to vector<1x16xf32>
    tpu.vector_store %arg10[%swap3A_43, %swap3A_44], %swap3A_47 {strides = array<i32>} : memref<16x128xf32, #tpu.memory_space<vmem>>, vector<1x16xf32>,
    %swap3A_48 = arith.constant 1 : i32
    %swap3A_49 = arith.index_cast %swap3A_48 : i32 to index
    %swap3A_50 = arith.constant 0 : index
    %swap3A_51 = tpu.vector_load %arg10[%swap3A_49, %swap3A_50] {strides = array<i32>} : memref<16x128xf32, #tpu.memory_space<vmem>>, vector<1x16xf32>,
    %swap3A_52 = vector.shape_cast %swap3A_51 : vector<1x16xf32> to vector<16xf32>
    %swap3A_53 = vector.shape_cast %broadcast_in_dim3A_0 : vector<16xf32> to vector<1x16xf32>
    tpu.vector_store %arg10[%swap3A_49, %swap3A_50], %swap3A_53 {strides = array<i32>} : memref<16x128xf32, #tpu.memory_space<vmem>>, vector<1x16xf32>,
    %swap3A_54 = arith.constant 1 : i32
    %swap3A_55 = arith.index_cast %swap3A_54 : i32 to index
    %swap3A_56 = arith.constant 16 : index
    %swap3A_57 = tpu.vector_load %arg10[%swap3A_55, %swap3A_56] {strides = array<i32>} : memref<16x128xf32, #tpu.memory_space<vmem>>, vector<1x16xf32>,
    %swap3A_58 = vector.shape_cast %swap3A_57 : vector<1x16xf32> to vector<16xf32>
    %swap3A_59 = vector.shape_cast %broadcast_in_dim3A_0 : vector<16xf32> to vector<1x16xf32>
    tpu.vector_store %arg10[%swap3A_55, %swap3A_56], %swap3A_59 {strides = array<i32>} : memref<16x128xf32, #tpu.memory_space<vmem>>, vector<1x16xf32>,
    %swap3A_60 = arith.constant 1 : i32
    %swap3A_61 = arith.index_cast %swap3A_60 : i32 to index
    %swap3A_62 = arith.constant 32 : index
    %swap3A_63 = tpu.vector_load %arg10[%swap3A_61, %swap3A_62] {strides = array<i32>} : memref<16x128xf32, #tpu.memory_space<vmem>>, vector<1x16xf32>,
    %swap3A_64 = vector.shape_cast %swap3A_63 : vector<1x16xf32> to vector<16xf32>
    %swap3A_65 = vector.shape_cast %broadcast_in_dim3A_0 : vector<16xf32> to vector<1x16xf32>
    tpu.vector_store %arg10[%swap3A_61, %swap3A_62], %swap3A_65 {strides = array<i32>} : memref<16x128xf32, #tpu.memory_space<vmem>>, vector<1x16xf32>,
    %swap3A_66 = arith.constant 1 : i32
    %swap3A_67 = arith.index_cast %swap3A_66 : i32 to index
    %swap3A_68 = arith.constant 48 : index
    %swap3A_69 = tpu.vector_load %arg10[%swap3A_67, %swap3A_68] {strides = array<i32>} : memref<16x128xf32, #tpu.memory_space<vmem>>, vector<1x16xf32>,
    %swap3A_70 = vector.shape_cast %swap3A_69 : vector<1x16xf32> to vector<16xf32>
    %swap3A_71 = vector.shape_cast %broadcast_in_dim3A_0 : vector<16xf32> to vector<1x16xf32>
    tpu.vector_store %arg10[%swap3A_67, %swap3A_68], %swap3A_71 {strides = array<i32>} : memref<16x128xf32, #tpu.memory_space<vmem>>, vector<1x16xf32>,
    %swap3A_72 = arith.constant 1 : i32
    %swap3A_73 = arith.index_cast %swap3A_72 : i32 to index
    %swap3A_74 = arith.constant 64 : index
    %swap3A_75 = tpu.vector_load %arg10[%swap3A_73, %swap3A_74] {strides = array<i32>} : memref<16x128xf32, #tpu.memory_space<vmem>>, vector<1x16xf32>,
    %swap3A_76 = vector.shape_cast %swap3A_75 : vector<1x16xf32> to vector<16xf32>
    %swap3A_77 = vector.shape_cast %broadcast_in_dim3A_0 : vector<16xf32> to vector<1x16xf32>
    tpu.vector_store %arg10[%swap3A_73, %swap3A_74], %swap3A_77 {strides = array<i32>} : memref<16x128xf32, #tpu.memory_space<vmem>>, vector<1x16xf32>,
    %swap3A_78 = arith.constant 1 : i32
    %swap3A_79 = arith.index_cast %swap3A_78 : i32 to index
    %swap3A_80 = arith.constant 80 : index
    %swap3A_81 = tpu.vector_load %arg10[%swap3A_79, %swap3A_80] {strides = array<i32>} : memref<16x128xf32, #tpu.memory_space<vmem>>, vector<1x16xf32>,
    %swap3A_82 = vector.shape_cast %swap3A_81 : vector<1x16xf32> to vector<16xf32>
    %swap3A_83 = vector.shape_cast %broadcast_in_dim3A_0 : vector<16xf32> to vector<1x16xf32>
    tpu.vector_store %arg10[%swap3A_79, %swap3A_80], %swap3A_83 {strides = array<i32>} : memref<16x128xf32, #tpu.memory_space<vmem>>, vector<1x16xf32>,
    %swap3A_84 = arith.constant 1 : i32
    %swap3A_85 = arith.index_cast %swap3A_84 : i32 to index
    %swap3A_86 = arith.constant 96 : index
    %swap3A_87 = tpu.vector_load %arg10[%swap3A_85, %swap3A_86] {strides = array<i32>} : memref<16x128xf32, #tpu.memory_space<vmem>>, vector<1x16xf32>,
    %swap3A_88 = vector.shape_cast %swap3A_87 : vector<1x16xf32> to vector<16xf32>
    %swap3A_89 = vector.shape_cast %broadcast_in_dim3A_0 : vector<16xf32> to vector<1x16xf32>
    tpu.vector_store %arg10[%swap3A_85, %swap3A_86], %swap3A_89 {strides = array<i32>} : memref<16x128xf32, #tpu.memory_space<vmem>>, vector<1x16xf32>,
    %swap3A_90 = arith.constant 1 : i32
    %swap3A_91 = arith.index_cast %swap3A_90 : i32 to index
    %swap3A_92 = arith.constant 112 : index
    %swap3A_93 = tpu.vector_load %arg10[%swap3A_91, %swap3A_92] {strides = array<i32>} : memref<16x128xf32, #tpu.memory_space<vmem>>, vector<1x16xf32>,
    %swap3A_94 = vector.shape_cast %swap3A_93 : vector<1x16xf32> to vector<16xf32>
    %swap3A_95 = vector.shape_cast %broadcast_in_dim3A_0 : vector<16xf32> to vector<1x16xf32>
    tpu.vector_store %arg10[%swap3A_91, %swap3A_92], %swap3A_95 {strides = array<i32>} : memref<16x128xf32, #tpu.memory_space<vmem>>, vector<1x16xf32>,
    %swap3A_96 = arith.constant 2 : i32
    %swap3A_97 = arith.index_cast %swap3A_96 : i32 to index
    %swap3A_98 = arith.constant 0 : index
    %swap3A_99 = tpu.vector_load %arg10[%swap3A_97, %swap3A_98] {strides = array<i32>} : memref<16x128xf32, #tpu.memory_space<vmem>>, vector<1x16xf32>,
    %swap3A_100 = vector.shape_cast %swap3A_99 : vector<1x16xf32> to vector<16xf32>
    %swap3A_101 = vector.shape_cast %broadcast_in_dim3A_0 : vector<16xf32> to vector<1x16xf32>
    tpu.vector_store %arg10[%swap3A_97, %swap3A_98], %swap3A_101 {strides = array<i32>} : memref<16x128xf32, #tpu.memory_space<vmem>>, vector<1x16xf32>,
    %swap3A_102 = arith.constant 2 : i32
    %swap3A_103 = arith.index_cast %swap3A_102 : i32 to index
    %swap3A_104 = arith.constant 16 : index
    %swap3A_105 = tpu.vector_load %arg10[%swap3A_103, %swap3A_104] {strides = array<i32>} : memref<16x128xf32, #tpu.memory_space<vmem>>, vector<1x16xf32>,
    %swap3A_106 = vector.shape_cast %swap3A_105 : vector<1x16xf32> to vector<16xf32>
    %swap3A_107 = vector.shape_cast %broadcast_in_dim3A_0 : vector<16xf32> to vector<1x16xf32>
    tpu.vector_store %arg10[%swap3A_103, %swap3A_104], %swap3A_107 {strides = array<i32>} : memref<16x128xf32, #tpu.memory_space<vmem>>, vector<1x16xf32>,
    %swap3A_108 = arith.constant 2 : i32
    %swap3A_109 = arith.index_cast %swap3A_108 : i32 to index
    %swap3A_110 = arith.constant 32 : index
    %swap3A_111 = tpu.vector_load %arg10[%swap3A_109, %swap3A_110] {strides = array<i32>} : memref<16x128xf32, #tpu.memory_space<vmem>>, vector<1x16xf32>,
    %swap3A_112 = vector.shape_cast %swap3A_111 : vector<1x16xf32> to vector<16xf32>
    %swap3A_113 = vector.shape_cast %broadcast_in_dim3A_0 : vector<16xf32> to vector<1x16xf32>
    tpu.vector_store %arg10[%swap3A_109, %swap3A_110], %swap3A_113 {strides = array<i32>} : memref<16x128xf32, #tpu.memory_space<vmem>>, vector<1x16xf32>,
    %swap3A_114 = arith.constant 2 : i32
    %swap3A_115 = arith.index_cast %swap3A_114 : i32 to index
    %swap3A_116 = arith.constant 48 : index
    %swap3A_117 = tpu.vector_load %arg10[%swap3A_115, %swap3A_116] {strides = array<i32>} : memref<16x128xf32, #tpu.memory_space<vmem>>, vector<1x16xf32>,
    %swap3A_118 = vector.shape_cast %swap3A_117 : vector<1x16xf32> to vector<16xf32>
    %swap3A_119 = vector.shape_cast %broadcast_in_dim3A_0 : vector<16xf32> to vector<1x16xf32>
    tpu.vector_store %arg10[%swap3A_115, %swap3A_116], %swap3A_119 {strides = array<i32>} : memref<16x128xf32, #tpu.memory_space<vmem>>, vector<1x16xf32>,
    %swap3A_120 = arith.constant 2 : i32
    %swap3A_121 = arith.index_cast %swap3A_120 : i32 to index
    %swap3A_122 = arith.constant 64 : index
    %swap3A_123 = tpu.vector_load %arg10[%swap3A_121, %swap3A_122] {strides = array<i32>} : memref<16x128xf32, #tpu.memory_space<vmem>>, vector<1x16xf32>,
    %swap3A_124 = vector.shape_cast %swap3A_123 : vector<1x16xf32> to vector<16xf32>
    %swap3A_125 = vector.shape_cast %broadcast_in_dim3A_0 : vector<16xf32> to vector<1x16xf32>
    tpu.vector_store %arg10[%swap3A_121, %swap3A_122], %swap3A_125 {strides = array<i32>} : memref<16x128xf32, #tpu.memory_space<vmem>>, vector<1x16xf32>,
    %swap3A_126 = arith.constant 2 : i32
    %swap3A_127 = arith.index_cast %swap3A_126 : i32 to index
    %swap3A_128 = arith.constant 80 : index
    %swap3A_129 = tpu.vector_load %arg10[%swap3A_127, %swap3A_128] {strides = array<i32>} : memref<16x128xf32, #tpu.memory_space<vmem>>, vector<1x16xf32>,
    %swap3A_130 = vector.shape_cast %swap3A_129 : vector<1x16xf32> to vector<16xf32>
    %swap3A_131 = vector.shape_cast %broadcast_in_dim3A_0 : vector<16xf32> to vector<1x16xf32>
    tpu.vector_store %arg10[%swap3A_127, %swap3A_128], %swap3A_131 {strides = array<i32>} : memref<16x128xf32, #tpu.memory_space<vmem>>, vector<1x16xf32>,
    %swap3A_132 = arith.constant 2 : i32
    %swap3A_133 = arith.index_cast %swap3A_132 : i32 to index
    %swap3A_134 = arith.constant 96 : index
    %swap3A_135 = tpu.vector_load %arg10[%swap3A_133, %swap3A_134] {strides = array<i32>} : memref<16x128xf32, #tpu.memory_space<vmem>>, vector<1x16xf32>,
    %swap3A_136 = vector.shape_cast %swap3A_135 : vector<1x16xf32> to vector<16xf32>
    %swap3A_137 = vector.shape_cast %broadcast_in_dim3A_0 : vector<16xf32> to vector<1x16xf32>
    tpu.vector_store %arg10[%swap3A_133, %swap3A_134], %swap3A_137 {strides = array<i32>} : memref<16x128xf32, #tpu.memory_space<vmem>>, vector<1x16xf32>,
    %swap3A_138 = arith.constant 2 : i32
    %swap3A_139 = arith.index_cast %swap3A_138 : i32 to index
    %swap3A_140 = arith.constant 112 : index
    %swap3A_141 = tpu.vector_load %arg10[%swap3A_139, %swap3A_140] {strides = array<i32>} : memref<16x128xf32, #tpu.memory_space<vmem>>, vector<1x16xf32>,
    %swap3A_142 = vector.shape_cast %swap3A_141 : vector<1x16xf32> to vector<16xf32>
    %swap3A_143 = vector.shape_cast %broadcast_in_dim3A_0 : vector<16xf32> to vector<1x16xf32>
    tpu.vector_store %arg10[%swap3A_139, %swap3A_140], %swap3A_143 {strides = array<i32>} : memref<16x128xf32, #tpu.memory_space<vmem>>, vector<1x16xf32>,
    %swap3A_144 = arith.constant 3 : i32
    %swap3A_145 = arith.index_cast %swap3A_144 : i32 to index
    %swap3A_146 = arith.constant 0 : index
    %swap3A_147 = tpu.vector_load %arg10[%swap3A_145, %swap3A_146] {strides = array<i32>} : memref<16x128xf32, #tpu.memory_space<vmem>>, vector<1x16xf32>,
    %swap3A_148 = vector.shape_cast %swap3A_147 : vector<1x16xf32> to vector<16xf32>
    %swap3A_149 = vector.shape_cast %broadcast_in_dim3A_0 : vector<16xf32> to vector<1x16xf32>
    tpu.vector_store %arg10[%swap3A_145, %swap3A_146], %swap3A_149 {strides = array<i32>} : memref<16x128xf32, #tpu.memory_space<vmem>>, vector<1x16xf32>,
    %swap3A_150 = arith.constant 3 : i32
    %swap3A_151 = arith.index_cast %swap3A_150 : i32 to index
    %swap3A_152 = arith.constant 16 : index
    %swap3A_153 = tpu.vector_load %arg10[%swap3A_151, %swap3A_152] {strides = array<i32>} : memref<16x128xf32, #tpu.memory_space<vmem>>, vector<1x16xf32>,
    %swap3A_154 = vector.shape_cast %swap3A_153 : vector<1x16xf32> to vector<16xf32>
    %swap3A_155 = vector.shape_cast %broadcast_in_dim3A_0 : vector<16xf32> to vector<1x16xf32>
    tpu.vector_store %arg10[%swap3A_151, %swap3A_152], %swap3A_155 {strides = array<i32>} : memref<16x128xf32, #tpu.memory_space<vmem>>, vector<1x16xf32>,
    %swap3A_156 = arith.constant 3 : i32
    %swap3A_157 = arith.index_cast %swap3A_156 : i32 to index
    %swap3A_158 = arith.constant 32 : index
    %swap3A_159 = tpu.vector_load %arg10[%swap3A_157, %swap3A_158] {strides = array<i32>} : memref<16x128xf32, #tpu.memory_space<vmem>>, vector<1x16xf32>,
    %swap3A_160 = vector.shape_cast %swap3A_159 : vector<1x16xf32> to vector<16xf32>
    %swap3A_161 = vector.shape_cast %broadcast_in_dim3A_0 : vector<16xf32> to vector<1x16xf32>
    tpu.vector_store %arg10[%swap3A_157, %swap3A_158], %swap3A_161 {strides = array<i32>} : memref<16x128xf32, #tpu.memory_space<vmem>>, vector<1x16xf32>,
    %swap3A_162 = arith.constant 3 : i32
    %swap3A_163 = arith.index_cast %swap3A_162 : i32 to index
    %swap3A_164 = arith.constant 48 : index
    %swap3A_165 = tpu.vector_load %arg10[%swap3A_163, %swap3A_164] {strides = array<i32>} : memref<16x128xf32, #tpu.memory_space<vmem>>, vector<1x16xf32>,
    %swap3A_166 = vector.shape_cast %swap3A_165 : vector<1x16xf32> to vector<16xf32>
    %swap3A_167 = vector.shape_cast %broadcast_in_dim3A_0 : vector<16xf32> to vector<1x16xf32>
    tpu.vector_store %arg10[%swap3A_163, %swap3A_164], %swap3A_167 {strides = array<i32>} : memref<16x128xf32, #tpu.memory_space<vmem>>, vector<1x16xf32>,
    %swap3A_168 = arith.constant 3 : i32
    %swap3A_169 = arith.index_cast %swap3A_168 : i32 to index
    %swap3A_170 = arith.constant 64 : index
    %swap3A_171 = tpu.vector_load %arg10[%swap3A_169, %swap3A_170] {strides = array<i32>} : memref<16x128xf32, #tpu.memory_space<vmem>>, vector<1x16xf32>,
    %swap3A_172 = vector.shape_cast %swap3A_171 : vector<1x16xf32> to vector<16xf32>
    %swap3A_173 = vector.shape_cast %broadcast_in_dim3A_0 : vector<16xf32> to vector<1x16xf32>
    tpu.vector_store %arg10[%swap3A_169, %swap3A_170], %swap3A_173 {strides = array<i32>} : memref<16x128xf32, #tpu.memory_space<vmem>>, vector<1x16xf32>,
    %swap3A_174 = arith.constant 3 : i32
    %swap3A_175 = arith.index_cast %swap3A_174 : i32 to index
    %swap3A_176 = arith.constant 80 : index
    %swap3A_177 = tpu.vector_load %arg10[%swap3A_175, %swap3A_176] {strides = array<i32>} : memref<16x128xf32, #tpu.memory_space<vmem>>, vector<1x16xf32>,
    %swap3A_178 = vector.shape_cast %swap3A_177 : vector<1x16xf32> to vector<16xf32>
    %swap3A_179 = vector.shape_cast %broadcast_in_dim3A_0 : vector<16xf32> to vector<1x16xf32>
    tpu.vector_store %arg10[%swap3A_175, %swap3A_176], %swap3A_179 {strides = array<i32>} : memref<16x128xf32, #tpu.memory_space<vmem>>, vector<1x16xf32>,
    %swap3A_180 = arith.constant 3 : i32
    %swap3A_181 = arith.index_cast %swap3A_180 : i32 to index
    %swap3A_182 = arith.constant 96 : index
    %swap3A_183 = tpu.vector_load %arg10[%swap3A_181, %swap3A_182] {strides = array<i32>} : memref<16x128xf32, #tpu.memory_space<vmem>>, vector<1x16xf32>,
    %swap3A_184 = vector.shape_cast %swap3A_183 : vector<1x16xf32> to vector<16xf32>
    %swap3A_185 = vector.shape_cast %broadcast_in_dim3A_0 : vector<16xf32> to vector<1x16xf32>
    tpu.vector_store %arg10[%swap3A_181, %swap3A_182], %swap3A_185 {strides = array<i32>} : memref<16x128xf32, #tpu.memory_space<vmem>>, vector<1x16xf32>,
    %swap3A_186 = arith.constant 3 : i32
    %swap3A_187 = arith.index_cast %swap3A_186 : i32 to index
    %swap3A_188 = arith.constant 112 : index
    %swap3A_189 = tpu.vector_load %arg10[%swap3A_187, %swap3A_188] {strides = array<i32>} : memref<16x128xf32, #tpu.memory_space<vmem>>, vector<1x16xf32>,
    %swap3A_190 = vector.shape_cast %swap3A_189 : vector<1x16xf32> to vector<16xf32>
    %swap3A_191 = vector.shape_cast %broadcast_in_dim3A_0 : vector<16xf32> to vector<1x16xf32>
    tpu.vector_store %arg10[%swap3A_187, %swap3A_188], %swap3A_191 {strides = array<i32>} : memref<16x128xf32, #tpu.memory_space<vmem>>, vector<1x16xf32>,
    %swap3A_192 = arith.constant 4 : i32
    %swap3A_193 = arith.index_cast %swap3A_192 : i32 to index
    %swap3A_194 = arith.constant 0 : index
    %swap3A_195 = tpu.vector_load %arg10[%swap3A_193, %swap3A_194] {strides = array<i32>} : memref<16x128xf32, #tpu.memory_space<vmem>>, vector<1x16xf32>,
    %swap3A_196 = vector.shape_cast %swap3A_195 : vector<1x16xf32> to vector<16xf32>
    %swap3A_197 = vector.shape_cast %broadcast_in_dim3A_0 : vector<16xf32> to vector<1x16xf32>
    tpu.vector_store %arg10[%swap3A_193, %swap3A_194], %swap3A_197 {strides = array<i32>} : memref<16x128xf32, #tpu.memory_space<vmem>>, vector<1x16xf32>,
    %swap3A_198 = arith.constant 4 : i32
    %swap3A_199 = arith.index_cast %swap3A_198 : i32 to index
    %swap3A_200 = arith.constant 16 : index
    %swap3A_201 = tpu.vector_load %arg10[%swap3A_199, %swap3A_200] {strides = array<i32>} : memref<16x128xf32, #tpu.memory_space<vmem>>, vector<1x16xf32>,
    %swap3A_202 = vector.shape_cast %swap3A_201 : vector<1x16xf32> to vector<16xf32>
    %swap3A_203 = vector.shape_cast %broadcast_in_dim3A_0 : vector<16xf32> to vector<1x16xf32>
    tpu.vector_store %arg10[%swap3A_199, %swap3A_200], %swap3A_203 {strides = array<i32>} : memref<16x128xf32, #tpu.memory_space<vmem>>, vector<1x16xf32>,
    %swap3A_204 = arith.constant 4 : i32
    %swap3A_205 = arith.index_cast %swap3A_204 : i32 to index
    %swap3A_206 = arith.constant 32 : index
    %swap3A_207 = tpu.vector_load %arg10[%swap3A_205, %swap3A_206] {strides = array<i32>} : memref<16x128xf32, #tpu.memory_space<vmem>>, vector<1x16xf32>,
    %swap3A_208 = vector.shape_cast %swap3A_207 : vector<1x16xf32> to vector<16xf32>
    %swap3A_209 = vector.shape_cast %broadcast_in_dim3A_0 : vector<16xf32> to vector<1x16xf32>
    tpu.vector_store %arg10[%swap3A_205, %swap3A_206], %swap3A_209 {strides = array<i32>} : memref<16x128xf32, #tpu.memory_space<vmem>>, vector<1x16xf32>,
    %swap3A_210 = arith.constant 4 : i32
    %swap3A_211 = arith.index_cast %swap3A_210 : i32 to index
    %swap3A_212 = arith.constant 48 : index
    %swap3A_213 = tpu.vector_load %arg10[%swap3A_211, %swap3A_212] {strides = array<i32>} : memref<16x128xf32, #tpu.memory_space<vmem>>, vector<1x16xf32>,
    %swap3A_214 = vector.shape_cast %swap3A_213 : vector<1x16xf32> to vector<16xf32>
    %swap3A_215 = vector.shape_cast %broadcast_in_dim3A_0 : vector<16xf32> to vector<1x16xf32>
    tpu.vector_store %arg10[%swap3A_211, %swap3A_212], %swap3A_215 {strides = array<i32>} : memref<16x128xf32, #tpu.memory_space<vmem>>, vector<1x16xf32>,
    %swap3A_216 = arith.constant 4 : i32
    %swap3A_217 = arith.index_cast %swap3A_216 : i32 to index
    %swap3A_218 = arith.constant 64 : index
    %swap3A_219 = tpu.vector_load %arg10[%swap3A_217, %swap3A_218] {strides = array<i32>} : memref<16x128xf32, #tpu.memory_space<vmem>>, vector<1x16xf32>,
    %swap3A_220 = vector.shape_cast %swap3A_219 : vector<1x16xf32> to vector<16xf32>
    %swap3A_221 = vector.shape_cast %broadcast_in_dim3A_0 : vector<16xf32> to vector<1x16xf32>
    tpu.vector_store %arg10[%swap3A_217, %swap3A_218], %swap3A_221 {strides = array<i32>} : memref<16x128xf32, #tpu.memory_space<vmem>>, vector<1x16xf32>,
    %swap3A_222 = arith.constant 4 : i32
    %swap3A_223 = arith.index_cast %swap3A_222 : i32 to index
    %swap3A_224 = arith.constant 80 : index
    %swap3A_225 = tpu.vector_load %arg10[%swap3A_223, %swap3A_224] {strides = array<i32>} : memref<16x128xf32, #tpu.memory_space<vmem>>, vector<1x16xf32>,
    %swap3A_226 = vector.shape_cast %swap3A_225 : vector<1x16xf32> to vector<16xf32>
    %swap3A_227 = vector.shape_cast %broadcast_in_dim3A_0 : vector<16xf32> to vector<1x16xf32>
    tpu.vector_store %arg10[%swap3A_223, %swap3A_224], %swap3A_227 {strides = array<i32>} : memref<16x128xf32, #tpu.memory_space<vmem>>, vector<1x16xf32>,
    %swap3A_228 = arith.constant 4 : i32
    %swap3A_229 = arith.index_cast %swap3A_228 : i32 to index
    %swap3A_230 = arith.constant 96 : index
    %swap3A_231 = tpu.vector_load %arg10[%swap3A_229, %swap3A_230] {strides = array<i32>} : memref<16x128xf32, #tpu.memory_space<vmem>>, vector<1x16xf32>,
    %swap3A_232 = vector.shape_cast %swap3A_231 : vector<1x16xf32> to vector<16xf32>
    %swap3A_233 = vector.shape_cast %broadcast_in_dim3A_0 : vector<16xf32> to vector<1x16xf32>
    tpu.vector_store %arg10[%swap3A_229, %swap3A_230], %swap3A_233 {strides = array<i32>} : memref<16x128xf32, #tpu.memory_space<vmem>>, vector<1x16xf32>,
    %swap3A_234 = arith.constant 4 : i32
    %swap3A_235 = arith.index_cast %swap3A_234 : i32 to index
    %swap3A_236 = arith.constant 112 : index
    %swap3A_237 = tpu.vector_load %arg10[%swap3A_235, %swap3A_236] {strides = array<i32>} : memref<16x128xf32, #tpu.memory_space<vmem>>, vector<1x16xf32>,
    %swap3A_238 = vector.shape_cast %swap3A_237 : vector<1x16xf32> to vector<16xf32>
    %swap3A_239 = vector.shape_cast %broadcast_in_dim3A_0 : vector<16xf32> to vector<1x16xf32>
    tpu.vector_store %arg10[%swap3A_235, %swap3A_236], %swap3A_239 {strides = array<i32>} : memref<16x128xf32, #tpu.memory_space<vmem>>, vector<1x16xf32>,
    %swap3A_240 = arith.constant 5 : i32
    %swap3A_241 = arith.index_cast %swap3A_240 : i32 to index
    %swap3A_242 = arith.constant 0 : index
    %swap3A_243 = tpu.vector_load %arg10[%swap3A_241, %swap3A_242] {strides = array<i32>} : memref<16x128xf32, #tpu.memory_space<vmem>>, vector<1x16xf32>,
    %swap3A_244 = vector.shape_cast %swap3A_243 : vector<1x16xf32> to vector<16xf32>
    %swap3A_245 = vector.shape_cast %broadcast_in_dim3A_0 : vector<16xf32> to vector<1x16xf32>
    tpu.vector_store %arg10[%swap3A_241, %swap3A_242], %swap3A_245 {strides = array<i32>} : memref<16x128xf32, #tpu.memory_space<vmem>>, vector<1x16xf32>,
    %swap3A_246 = arith.constant 5 : i32
    %swap3A_247 = arith.index_cast %swap3A_246 : i32 to index
    %swap3A_248 = arith.constant 16 : index
    %swap3A_249 = tpu.vector_load %arg10[%swap3A_247, %swap3A_248] {strides = array<i32>} : memref<16x128xf32, #tpu.memory_space<vmem>>, vector<1x16xf32>,
    %swap3A_250 = vector.shape_cast %swap3A_249 : vector<1x16xf32> to vector<16xf32>
    %swap3A_251 = vector.shape_cast %broadcast_in_dim3A_0 : vector<16xf32> to vector<1x16xf32>
    tpu.vector_store %arg10[%swap3A_247, %swap3A_248], %swap3A_251 {strides = array<i32>} : memref<16x128xf32, #tpu.memory_space<vmem>>, vector<1x16xf32>,
    %swap3A_252 = arith.constant 5 : i32
    %swap3A_253 = arith.index_cast %swap3A_252 : i32 to index
    %swap3A_254 = arith.constant 32 : index
    %swap3A_255 = tpu.vector_load %arg10[%swap3A_253, %swap3A_254] {strides = array<i32>} : memref<16x128xf32, #tpu.memory_space<vmem>>, vector<1x16xf32>,
    %swap3A_256 = vector.shape_cast %swap3A_255 : vector<1x16xf32> to vector<16xf32>
    %swap3A_257 = vector.shape_cast %broadcast_in_dim3A_0 : vector<16xf32> to vector<1x16xf32>
    tpu.vector_store %arg10[%swap3A_253, %swap3A_254], %swap3A_257 {strides = array<i32>} : memref<16x128xf32, #tpu.memory_space<vmem>>, vector<1x16xf32>,
    %swap3A_258 = arith.constant 5 : i32
    %swap3A_259 = arith.index_cast %swap3A_258 : i32 to index
    %swap3A_260 = arith.constant 48 : index
    %swap3A_261 = tpu.vector_load %arg10[%swap3A_259, %swap3A_260] {strides = array<i32>} : memref<16x128xf32, #tpu.memory_space<vmem>>, vector<1x16xf32>,
    %swap3A_262 = vector.shape_cast %swap3A_261 : vector<1x16xf32> to vector<16xf32>
    %swap3A_263 = vector.shape_cast %broadcast_in_dim3A_0 : vector<16xf32> to vector<1x16xf32>
    tpu.vector_store %arg10[%swap3A_259, %swap3A_260], %swap3A_263 {strides = array<i32>} : memref<16x128xf32, #tpu.memory_space<vmem>>, vector<1x16xf32>,
    %swap3A_264 = arith.constant 5 : i32
    %swap3A_265 = arith.index_cast %swap3A_264 : i32 to index
    %swap3A_266 = arith.constant 64 : index
    %swap3A_267 = tpu.vector_load %arg10[%swap3A_265, %swap3A_266] {strides = array<i32>} : memref<16x128xf32, #tpu.memory_space<vmem>>, vector<1x16xf32>,
    %swap3A_268 = vector.shape_cast %swap3A_267 : vector<1x16xf32> to vector<16xf32>
    %swap3A_269 = vector.shape_cast %broadcast_in_dim3A_0 : vector<16xf32> to vector<1x16xf32>
    tpu.vector_store %arg10[%swap3A_265, %swap3A_266], %swap3A_269 {strides = array<i32>} : memref<16x128xf32, #tpu.memory_space<vmem>>, vector<1x16xf32>,
    %swap3A_270 = arith.constant 5 : i32
    %swap3A_271 = arith.index_cast %swap3A_270 : i32 to index
    %swap3A_272 = arith.constant 80 : index
    %swap3A_273 = tpu.vector_load %arg10[%swap3A_271, %swap3A_272] {strides = array<i32>} : memref<16x128xf32, #tpu.memory_space<vmem>>, vector<1x16xf32>,
    %swap3A_274 = vector.shape_cast %swap3A_273 : vector<1x16xf32> to vector<16xf32>
    %swap3A_275 = vector.shape_cast %broadcast_in_dim3A_0 : vector<16xf32> to vector<1x16xf32>
    tpu.vector_store %arg10[%swap3A_271, %swap3A_272], %swap3A_275 {strides = array<i32>} : memref<16x128xf32, #tpu.memory_space<vmem>>, vector<1x16xf32>,
    %swap3A_276 = arith.constant 5 : i32
    %swap3A_277 = arith.index_cast %swap3A_276 : i32 to index
    %swap3A_278 = arith.constant 96 : index
    %swap3A_279 = tpu.vector_load %arg10[%swap3A_277, %swap3A_278] {strides = array<i32>} : memref<16x128xf32, #tpu.memory_space<vmem>>, vector<1x16xf32>,
    %swap3A_280 = vector.shape_cast %swap3A_279 : vector<1x16xf32> to vector<16xf32>
    %swap3A_281 = vector.shape_cast %broadcast_in_dim3A_0 : vector<16xf32> to vector<1x16xf32>
    tpu.vector_store %arg10[%swap3A_277, %swap3A_278], %swap3A_281 {strides = array<i32>} : memref<16x128xf32, #tpu.memory_space<vmem>>, vector<1x16xf32>,
    %swap3A_282 = arith.constant 5 : i32
    %swap3A_283 = arith.index_cast %swap3A_282 : i32 to index
    %swap3A_284 = arith.constant 112 : index
    %swap3A_285 = tpu.vector_load %arg10[%swap3A_283, %swap3A_284] {strides = array<i32>} : memref<16x128xf32, #tpu.memory_space<vmem>>, vector<1x16xf32>,
    %swap3A_286 = vector.shape_cast %swap3A_285 : vector<1x16xf32> to vector<16xf32>
    %swap3A_287 = vector.shape_cast %broadcast_in_dim3A_0 : vector<16xf32> to vector<1x16xf32>
    tpu.vector_store %arg10[%swap3A_283, %swap3A_284], %swap3A_287 {strides = array<i32>} : memref<16x128xf32, #tpu.memory_space<vmem>>, vector<1x16xf32>,
    %swap3A_288 = arith.constant 6 : i32
    %swap3A_289 = arith.index_cast %swap3A_288 : i32 to index
    %swap3A_290 = arith.constant 0 : index
    %swap3A_291 = tpu.vector_load %arg10[%swap3A_289, %swap3A_290] {strides = array<i32>} : memref<16x128xf32, #tpu.memory_space<vmem>>, vector<1x16xf32>,
    %swap3A_292 = vector.shape_cast %swap3A_291 : vector<1x16xf32> to vector<16xf32>
    %swap3A_293 = vector.shape_cast %broadcast_in_dim3A_0 : vector<16xf32> to vector<1x16xf32>
    tpu.vector_store %arg10[%swap3A_289, %swap3A_290], %swap3A_293 {strides = array<i32>} : memref<16x128xf32, #tpu.memory_space<vmem>>, vector<1x16xf32>,
    %swap3A_294 = arith.constant 6 : i32
    %swap3A_295 = arith.index_cast %swap3A_294 : i32 to index
    %swap3A_296 = arith.constant 16 : index
    %swap3A_297 = tpu.vector_load %arg10[%swap3A_295, %swap3A_296] {strides = array<i32>} : memref<16x128xf32, #tpu.memory_space<vmem>>, vector<1x16xf32>,
    %swap3A_298 = vector.shape_cast %swap3A_297 : vector<1x16xf32> to vector<16xf32>
    %swap3A_299 = vector.shape_cast %broadcast_in_dim3A_0 : vector<16xf32> to vector<1x16xf32>
    tpu.vector_store %arg10[%swap3A_295, %swap3A_296], %swap3A_299 {strides = array<i32>} : memref<16x128xf32, #tpu.memory_space<vmem>>, vector<1x16xf32>,
    %swap3A_300 = arith.constant 6 : i32
    %swap3A_301 = arith.index_cast %swap3A_300 : i32 to index
    %swap3A_302 = arith.constant 32 : index
    %swap3A_303 = tpu.vector_load %arg10[%swap3A_301, %swap3A_302] {strides = array<i32>} : memref<16x128xf32, #tpu.memory_space<vmem>>, vector<1x16xf32>,
    %swap3A_304 = vector.shape_cast %swap3A_303 : vector<1x16xf32> to vector<16xf32>
    %swap3A_305 = vector.shape_cast %broadcast_in_dim3A_0 : vector<16xf32> to vector<1x16xf32>
    tpu.vector_store %arg10[%swap3A_301, %swap3A_302], %swap3A_305 {strides = array<i32>} : memref<16x128xf32, #tpu.memory_space<vmem>>, vector<1x16xf32>,
    %swap3A_306 = arith.constant 6 : i32
    %swap3A_307 = arith.index_cast %swap3A_306 : i32 to index
    %swap3A_308 = arith.constant 48 : index
    %swap3A_309 = tpu.vector_load %arg10[%swap3A_307, %swap3A_308] {strides = array<i32>} : memref<16x128xf32, #tpu.memory_space<vmem>>, vector<1x16xf32>,
    %swap3A_310 = vector.shape_cast %swap3A_309 : vector<1x16xf32> to vector<16xf32>
    %swap3A_311 = vector.shape_cast %broadcast_in_dim3A_0 : vector<16xf32> to vector<1x16xf32>
    tpu.vector_store %arg10[%swap3A_307, %swap3A_308], %swap3A_311 {strides = array<i32>} : memref<16x128xf32, #tpu.memory_space<vmem>>, vector<1x16xf32>,
    %swap3A_312 = arith.constant 6 : i32
    %swap3A_313 = arith.index_cast %swap3A_312 : i32 to index
    %swap3A_314 = arith.constant 64 : index
    %swap3A_315 = tpu.vector_load %arg10[%swap3A_313, %swap3A_314] {strides = array<i32>} : memref<16x128xf32, #tpu.memory_space<vmem>>, vector<1x16xf32>,
    %swap3A_316 = vector.shape_cast %swap3A_315 : vector<1x16xf32> to vector<16xf32>
    %swap3A_317 = vector.shape_cast %broadcast_in_dim3A_0 : vector<16xf32> to vector<1x16xf32>
    tpu.vector_store %arg10[%swap3A_313, %swap3A_314], %swap3A_317 {strides = array<i32>} : memref<16x128xf32, #tpu.memory_space<vmem>>, vector<1x16xf32>,
    %swap3A_318 = arith.constant 6 : i32
    %swap3A_319 = arith.index_cast %swap3A_318 : i32 to index
    %swap3A_320 = arith.constant 80 : index
    %swap3A_321 = tpu.vector_load %arg10[%swap3A_319, %swap3A_320] {strides = array<i32>} : memref<16x128xf32, #tpu.memory_space<vmem>>, vector<1x16xf32>,
    %swap3A_322 = vector.shape_cast %swap3A_321 : vector<1x16xf32> to vector<16xf32>
    %swap3A_323 = vector.shape_cast %broadcast_in_dim3A_0 : vector<16xf32> to vector<1x16xf32>
    tpu.vector_store %arg10[%swap3A_319, %swap3A_320], %swap3A_323 {strides = array<i32>} : memref<16x128xf32, #tpu.memory_space<vmem>>, vector<1x16xf32>,
    %swap3A_324 = arith.constant 6 : i32
    %swap3A_325 = arith.index_cast %swap3A_324 : i32 to index
    %swap3A_326 = arith.constant 96 : index
    %swap3A_327 = tpu.vector_load %arg10[%swap3A_325, %swap3A_326] {strides = array<i32>} : memref<16x128xf32, #tpu.memory_space<vmem>>, vector<1x16xf32>,
    %swap3A_328 = vector.shape_cast %swap3A_327 : vector<1x16xf32> to vector<16xf32>
    %swap3A_329 = vector.shape_cast %broadcast_in_dim3A_0 : vector<16xf32> to vector<1x16xf32>
    tpu.vector_store %arg10[%swap3A_325, %swap3A_326], %swap3A_329 {strides = array<i32>} : memref<16x128xf32, #tpu.memory_space<vmem>>, vector<1x16xf32>,
    %swap3A_330 = arith.constant 6 : i32
    %swap3A_331 = arith.index_cast %swap3A_330 : i32 to index
    %swap3A_332 = arith.constant 112 : index
    %swap3A_333 = tpu.vector_load %arg10[%swap3A_331, %swap3A_332] {strides = array<i32>} : memref<16x128xf32, #tpu.memory_space<vmem>>, vector<1x16xf32>,
    %swap3A_334 = vector.shape_cast %swap3A_333 : vector<1x16xf32> to vector<16xf32>
    %swap3A_335 = vector.shape_cast %broadcast_in_dim3A_0 : vector<16xf32> to vector<1x16xf32>
    tpu.vector_store %arg10[%swap3A_331, %swap3A_332], %swap3A_335 {strides = array<i32>} : memref<16x128xf32, #tpu.memory_space<vmem>>, vector<1x16xf32>,
    %swap3A_336 = arith.constant 7 : i32
    %swap3A_337 = arith.index_cast %swap3A_336 : i32 to index
    %swap3A_338 = arith.constant 0 : index
    %swap3A_339 = tpu.vector_load %arg10[%swap3A_337, %swap3A_338] {strides = array<i32>} : memref<16x128xf32, #tpu.memory_space<vmem>>, vector<1x16xf32>,
    %swap3A_340 = vector.shape_cast %swap3A_339 : vector<1x16xf32> to vector<16xf32>
    %swap3A_341 = vector.shape_cast %broadcast_in_dim3A_0 : vector<16xf32> to vector<1x16xf32>
    tpu.vector_store %arg10[%swap3A_337, %swap3A_338], %swap3A_341 {strides = array<i32>} : memref<16x128xf32, #tpu.memory_space<vmem>>, vector<1x16xf32>,
    %swap3A_342 = arith.constant 7 : i32
    %swap3A_343 = arith.index_cast %swap3A_342 : i32 to index
    %swap3A_344 = arith.constant 16 : index
    %swap3A_345 = tpu.vector_load %arg10[%swap3A_343, %swap3A_344] {strides = array<i32>} : memref<16x128xf32, #tpu.memory_space<vmem>>, vector<1x16xf32>,
    %swap3A_346 = vector.shape_cast %swap3A_345 : vector<1x16xf32> to vector<16xf32>
    %swap3A_347 = vector.shape_cast %broadcast_in_dim3A_0 : vector<16xf32> to vector<1x16xf32>
    tpu.vector_store %arg10[%swap3A_343, %swap3A_344], %swap3A_347 {strides = array<i32>} : memref<16x128xf32, #tpu.memory_space<vmem>>, vector<1x16xf32>,
    %swap3A_348 = arith.constant 7 : i32
    %swap3A_349 = arith.index_cast %swap3A_348 : i32 to index
    %swap3A_350 = arith.constant 32 : index
    %swap3A_351 = tpu.vector_load %arg10[%swap3A_349, %swap3A_350] {strides = array<i32>} : memref<16x128xf32, #tpu.memory_space<vmem>>, vector<1x16xf32>,
    %swap3A_352 = vector.shape_cast %swap3A_351 : vector<1x16xf32> to vector<16xf32>
    %swap3A_353 = vector.shape_cast %broadcast_in_dim3A_0 : vector<16xf32> to vector<1x16xf32>
    tpu.vector_store %arg10[%swap3A_349, %swap3A_350], %swap3A_353 {strides = array<i32>} : memref<16x128xf32, #tpu.memory_space<vmem>>, vector<1x16xf32>,
    %swap3A_354 = arith.constant 7 : i32
    %swap3A_355 = arith.index_cast %swap3A_354 : i32 to index
    %swap3A_356 = arith.constant 48 : index
    %swap3A_357 = tpu.vector_load %arg10[%swap3A_355, %swap3A_356] {strides = array<i32>} : memref<16x128xf32, #tpu.memory_space<vmem>>, vector<1x16xf32>,
    %swap3A_358 = vector.shape_cast %swap3A_357 : vector<1x16xf32> to vector<16xf32>
    %swap3A_359 = vector.shape_cast %broadcast_in_dim3A_0 : vector<16xf32> to vector<1x16xf32>
    tpu.vector_store %arg10[%swap3A_355, %swap3A_356], %swap3A_359 {strides = array<i32>} : memref<16x128xf32, #tpu.memory_space<vmem>>, vector<1x16xf32>,
    %swap3A_360 = arith.constant 7 : i32
    %swap3A_361 = arith.index_cast %swap3A_360 : i32 to index
    %swap3A_362 = arith.constant 64 : index
    %swap3A_363 = tpu.vector_load %arg10[%swap3A_361, %swap3A_362] {strides = array<i32>} : memref<16x128xf32, #tpu.memory_space<vmem>>, vector<1x16xf32>,
    %swap3A_364 = vector.shape_cast %swap3A_363 : vector<1x16xf32> to vector<16xf32>
    %swap3A_365 = vector.shape_cast %broadcast_in_dim3A_0 : vector<16xf32> to vector<1x16xf32>
    tpu.vector_store %arg10[%swap3A_361, %swap3A_362], %swap3A_365 {strides = array<i32>} : memref<16x128xf32, #tpu.memory_space<vmem>>, vector<1x16xf32>,
    %swap3A_366 = arith.constant 7 : i32
    %swap3A_367 = arith.index_cast %swap3A_366 : i32 to index
    %swap3A_368 = arith.constant 80 : index
    %swap3A_369 = tpu.vector_load %arg10[%swap3A_367, %swap3A_368] {strides = array<i32>} : memref<16x128xf32, #tpu.memory_space<vmem>>, vector<1x16xf32>,
    %swap3A_370 = vector.shape_cast %swap3A_369 : vector<1x16xf32> to vector<16xf32>
    %swap3A_371 = vector.shape_cast %broadcast_in_dim3A_0 : vector<16xf32> to vector<1x16xf32>
    tpu.vector_store %arg10[%swap3A_367, %swap3A_368], %swap3A_371 {strides = array<i32>} : memref<16x128xf32, #tpu.memory_space<vmem>>, vector<1x16xf32>,
    %swap3A_372 = arith.constant 7 : i32
    %swap3A_373 = arith.index_cast %swap3A_372 : i32 to index
    %swap3A_374 = arith.constant 96 : index
    %swap3A_375 = tpu.vector_load %arg10[%swap3A_373, %swap3A_374] {strides = array<i32>} : memref<16x128xf32, #tpu.memory_space<vmem>>, vector<1x16xf32>,
    %swap3A_376 = vector.shape_cast %swap3A_375 : vector<1x16xf32> to vector<16xf32>
    %swap3A_377 = vector.shape_cast %broadcast_in_dim3A_0 : vector<16xf32> to vector<1x16xf32>
    tpu.vector_store %arg10[%swap3A_373, %swap3A_374], %swap3A_377 {strides = array<i32>} : memref<16x128xf32, #tpu.memory_space<vmem>>, vector<1x16xf32>,
    %swap3A_378 = arith.constant 7 : i32
    %swap3A_379 = arith.index_cast %swap3A_378 : i32 to index
    %swap3A_380 = arith.constant 112 : index
    %swap3A_381 = tpu.vector_load %arg10[%swap3A_379, %swap3A_380] {strides = array<i32>} : memref<16x128xf32, #tpu.memory_space<vmem>>, vector<1x16xf32>,
    %swap3A_382 = vector.shape_cast %swap3A_381 : vector<1x16xf32> to vector<16xf32>
    %swap3A_383 = vector.shape_cast %broadcast_in_dim3A_0 : vector<16xf32> to vector<1x16xf32>
    tpu.vector_store %arg10[%swap3A_379, %swap3A_380], %swap3A_383 {strides = array<i32>} : memref<16x128xf32, #tpu.memory_space<vmem>>, vector<1x16xf32>,
    %swap3A_384 = arith.constant 8 : i32
    %swap3A_385 = arith.index_cast %swap3A_384 : i32 to index
    %swap3A_386 = arith.constant 0 : index
    %swap3A_387 = tpu.vector_load %arg10[%swap3A_385, %swap3A_386] {strides = array<i32>} : memref<16x128xf32, #tpu.memory_space<vmem>>, vector<1x16xf32>,
    %swap3A_388 = vector.shape_cast %swap3A_387 : vector<1x16xf32> to vector<16xf32>
    %swap3A_389 = vector.shape_cast %broadcast_in_dim3A_0 : vector<16xf32> to vector<1x16xf32>
    tpu.vector_store %arg10[%swap3A_385, %swap3A_386], %swap3A_389 {strides = array<i32>} : memref<16x128xf32, #tpu.memory_space<vmem>>, vector<1x16xf32>,
    %swap3A_390 = arith.constant 8 : i32
    %swap3A_391 = arith.index_cast %swap3A_390 : i32 to index
    %swap3A_392 = arith.constant 16 : index
    %swap3A_393 = tpu.vector_load %arg10[%swap3A_391, %swap3A_392] {strides = array<i32>} : memref<16x128xf32, #tpu.memory_space<vmem>>, vector<1x16xf32>,
    %swap3A_394 = vector.shape_cast %swap3A_393 : vector<1x16xf32> to vector<16xf32>
    %swap3A_395 = vector.shape_cast %broadcast_in_dim3A_0 : vector<16xf32> to vector<1x16xf32>
    tpu.vector_store %arg10[%swap3A_391, %swap3A_392], %swap3A_395 {strides = array<i32>} : memref<16x128xf32, #tpu.memory_space<vmem>>, vector<1x16xf32>,
    %swap3A_396 = arith.constant 8 : i32
    %swap3A_397 = arith.index_cast %swap3A_396 : i32 to index
    %swap3A_398 = arith.constant 32 : index
    %swap3A_399 = tpu.vector_load %arg10[%swap3A_397, %swap3A_398] {strides = array<i32>} : memref<16x128xf32, #tpu.memory_space<vmem>>, vector<1x16xf32>,
    %swap3A_400 = vector.shape_cast %swap3A_399 : vector<1x16xf32> to vector<16xf32>
    %swap3A_401 = vector.shape_cast %broadcast_in_dim3A_0 : vector<16xf32> to vector<1x16xf32>
    tpu.vector_store %arg10[%swap3A_397, %swap3A_398], %swap3A_401 {strides = array<i32>} : memref<16x128xf32, #tpu.memory_space<vmem>>, vector<1x16xf32>,
    %swap3A_402 = arith.constant 8 : i32
    %swap3A_403 = arith.index_cast %swap3A_402 : i32 to index
    %swap3A_404 = arith.constant 48 : index
    %swap3A_405 = tpu.vector_load %arg10[%swap3A_403, %swap3A_404] {strides = array<i32>} : memref<16x128xf32, #tpu.memory_space<vmem>>, vector<1x16xf32>,
    %swap3A_406 = vector.shape_cast %swap3A_405 : vector<1x16xf32> to vector<16xf32>
    %swap3A_407 = vector.shape_cast %broadcast_in_dim3A_0 : vector<16xf32> to vector<1x16xf32>
    tpu.vector_store %arg10[%swap3A_403, %swap3A_404], %swap3A_407 {strides = array<i32>} : memref<16x128xf32, #tpu.memory_space<vmem>>, vector<1x16xf32>,
    %swap3A_408 = arith.constant 8 : i32
    %swap3A_409 = arith.index_cast %swap3A_408 : i32 to index
    %swap3A_410 = arith.constant 64 : index
    %swap3A_411 = tpu.vector_load %arg10[%swap3A_409, %swap3A_410] {strides = array<i32>} : memref<16x128xf32, #tpu.memory_space<vmem>>, vector<1x16xf32>,
    %swap3A_412 = vector.shape_cast %swap3A_411 : vector<1x16xf32> to vector<16xf32>
    %swap3A_413 = vector.shape_cast %broadcast_in_dim3A_0 : vector<16xf32> to vector<1x16xf32>
    tpu.vector_store %arg10[%swap3A_409, %swap3A_410], %swap3A_413 {strides = array<i32>} : memref<16x128xf32, #tpu.memory_space<vmem>>, vector<1x16xf32>,
    %swap3A_414 = arith.constant 8 : i32
    %swap3A_415 = arith.index_cast %swap3A_414 : i32 to index
    %swap3A_416 = arith.constant 80 : index
    %swap3A_417 = tpu.vector_load %arg10[%swap3A_415, %swap3A_416] {strides = array<i32>} : memref<16x128xf32, #tpu.memory_space<vmem>>, vector<1x16xf32>,
    %swap3A_418 = vector.shape_cast %swap3A_417 : vector<1x16xf32> to vector<16xf32>
    %swap3A_419 = vector.shape_cast %broadcast_in_dim3A_0 : vector<16xf32> to vector<1x16xf32>
    tpu.vector_store %arg10[%swap3A_415, %swap3A_416], %swap3A_419 {strides = array<i32>} : memref<16x128xf32, #tpu.memory_space<vmem>>, vector<1x16xf32>,
    %swap3A_420 = arith.constant 8 : i32
    %swap3A_421 = arith.index_cast %swap3A_420 : i32 to index
    %swap3A_422 = arith.constant 96 : index
    %swap3A_423 = tpu.vector_load %arg10[%swap3A_421, %swap3A_422] {strides = array<i32>} : memref<16x128xf32, #tpu.memory_space<vmem>>, vector<1x16xf32>,
    %swap3A_424 = vector.shape_cast %swap3A_423 : vector<1x16xf32> to vector<16xf32>
    %swap3A_425 = vector.shape_cast %broadcast_in_dim3A_0 : vector<16xf32> to vector<1x16xf32>
    tpu.vector_store %arg10[%swap3A_421, %swap3A_422], %swap3A_425 {strides = array<i32>} : memref<16x128xf32, #tpu.memory_space<vmem>>, vector<1x16xf32>,
    %swap3A_426 = arith.constant 8 : i32
    %swap3A_427 = arith.index_cast %swap3A_426 : i32 to index
    %swap3A_428 = arith.constant 112 : index
    %swap3A_429 = tpu.vector_load %arg10[%swap3A_427, %swap3A_428] {strides = array<i32>} : memref<16x128xf32, #tpu.memory_space<vmem>>, vector<1x16xf32>,
    %swap3A_430 = vector.shape_cast %swap3A_429 : vector<1x16xf32> to vector<16xf32>
    %swap3A_431 = vector.shape_cast %broadcast_in_dim3A_0 : vector<16xf32> to vector<1x16xf32>
    tpu.vector_store %arg10[%swap3A_427, %swap3A_428], %swap3A_431 {strides = array<i32>} : memref<16x128xf32, #tpu.memory_space<vmem>>, vector<1x16xf32>,
    %swap3A_432 = arith.constant 9 : i32
    %swap3A_433 = arith.index_cast %swap3A_432 : i32 to index
    %swap3A_434 = arith.constant 0 : index
    %swap3A_435 = tpu.vector_load %arg10[%swap3A_433, %swap3A_434] {strides = array<i32>} : memref<16x128xf32, #tpu.memory_space<vmem>>, vector<1x16xf32>,
    %swap3A_436 = vector.shape_cast %swap3A_435 : vector<1x16xf32> to vector<16xf32>
    %swap3A_437 = vector.shape_cast %broadcast_in_dim3A_0 : vector<16xf32> to vector<1x16xf32>
    tpu.vector_store %arg10[%swap3A_433, %swap3A_434], %swap3A_437 {strides = array<i32>} : memref<16x128xf32, #tpu.memory_space<vmem>>, vector<1x16xf32>,
    %swap3A_438 = arith.constant 9 : i32
    %swap3A_439 = arith.index_cast %swap3A_438 : i32 to index
    %swap3A_440 = arith.constant 16 : index
    %swap3A_441 = tpu.vector_load %arg10[%swap3A_439, %swap3A_440] {strides = array<i32>} : memref<16x128xf32, #tpu.memory_space<vmem>>, vector<1x16xf32>,
    %swap3A_442 = vector.shape_cast %swap3A_441 : vector<1x16xf32> to vector<16xf32>
    %swap3A_443 = vector.shape_cast %broadcast_in_dim3A_0 : vector<16xf32> to vector<1x16xf32>
    tpu.vector_store %arg10[%swap3A_439, %swap3A_440], %swap3A_443 {strides = array<i32>} : memref<16x128xf32, #tpu.memory_space<vmem>>, vector<1x16xf32>,
    %swap3A_444 = arith.constant 9 : i32
    %swap3A_445 = arith.index_cast %swap3A_444 : i32 to index
    %swap3A_446 = arith.constant 32 : index
    %swap3A_447 = tpu.vector_load %arg10[%swap3A_445, %swap3A_446] {strides = array<i32>} : memref<16x128xf32, #tpu.memory_space<vmem>>, vector<1x16xf32>,
    %swap3A_448 = vector.shape_cast %swap3A_447 : vector<1x16xf32> to vector<16xf32>
    %swap3A_449 = vector.shape_cast %broadcast_in_dim3A_0 : vector<16xf32> to vector<1x16xf32>
    tpu.vector_store %arg10[%swap3A_445, %swap3A_446], %swap3A_449 {strides = array<i32>} : memref<16x128xf32, #tpu.memory_space<vmem>>, vector<1x16xf32>,
    %swap3A_450 = arith.constant 9 : i32
    %swap3A_451 = arith.index_cast %swap3A_450 : i32 to index
    %swap3A_452 = arith.constant 48 : index
    %swap3A_453 = tpu.vector_load %arg10[%swap3A_451, %swap3A_452] {strides = array<i32>} : memref<16x128xf32, #tpu.memory_space<vmem>>, vector<1x16xf32>,
    %swap3A_454 = vector.shape_cast %swap3A_453 : vector<1x16xf32> to vector<16xf32>
    %swap3A_455 = vector.shape_cast %broadcast_in_dim3A_0 : vector<16xf32> to vector<1x16xf32>
    tpu.vector_store %arg10[%swap3A_451, %swap3A_452], %swap3A_455 {strides = array<i32>} : memref<16x128xf32, #tpu.memory_space<vmem>>, vector<1x16xf32>,
    %swap3A_456 = arith.constant 9 : i32
    %swap3A_457 = arith.index_cast %swap3A_456 : i32 to index
    %swap3A_458 = arith.constant 64 : index
    %swap3A_459 = tpu.vector_load %arg10[%swap3A_457, %swap3A_458] {strides = array<i32>} : memref<16x128xf32, #tpu.memory_space<vmem>>, vector<1x16xf32>,
    %swap3A_460 = vector.shape_cast %swap3A_459 : vector<1x16xf32> to vector<16xf32>
    %swap3A_461 = vector.shape_cast %broadcast_in_dim3A_0 : vector<16xf32> to vector<1x16xf32>
    tpu.vector_store %arg10[%swap3A_457, %swap3A_458], %swap3A_461 {strides = array<i32>} : memref<16x128xf32, #tpu.memory_space<vmem>>, vector<1x16xf32>,
    %swap3A_462 = arith.constant 9 : i32
    %swap3A_463 = arith.index_cast %swap3A_462 : i32 to index
    %swap3A_464 = arith.constant 80 : index
    %swap3A_465 = tpu.vector_load %arg10[%swap3A_463, %swap3A_464] {strides = array<i32>} : memref<16x128xf32, #tpu.memory_space<vmem>>, vector<1x16xf32>,
    %swap3A_466 = vector.shape_cast %swap3A_465 : vector<1x16xf32> to vector<16xf32>
    %swap3A_467 = vector.shape_cast %broadcast_in_dim3A_0 : vector<16xf32> to vector<1x16xf32>
    tpu.vector_store %arg10[%swap3A_463, %swap3A_464], %swap3A_467 {strides = array<i32>} : memref<16x128xf32, #tpu.memory_space<vmem>>, vector<1x16xf32>,
    %swap3A_468 = arith.constant 9 : i32
    %swap3A_469 = arith.index_cast %swap3A_468 : i32 to index
    %swap3A_470 = arith.constant 96 : index
    %swap3A_471 = tpu.vector_load %arg10[%swap3A_469, %swap3A_470] {strides = array<i32>} : memref<16x128xf32, #tpu.memory_space<vmem>>, vector<1x16xf32>,
    %swap3A_472 = vector.shape_cast %swap3A_471 : vector<1x16xf32> to vector<16xf32>
    %swap3A_473 = vector.shape_cast %broadcast_in_dim3A_0 : vector<16xf32> to vector<1x16xf32>
    tpu.vector_store %arg10[%swap3A_469, %swap3A_470], %swap3A_473 {strides = array<i32>} : memref<16x128xf32, #tpu.memory_space<vmem>>, vector<1x16xf32>,
    %swap3A_474 = arith.constant 9 : i32
    %swap3A_475 = arith.index_cast %swap3A_474 : i32 to index
    %swap3A_476 = arith.constant 112 : index
    %swap3A_477 = tpu.vector_load %arg10[%swap3A_475, %swap3A_476] {strides = array<i32>} : memref<16x128xf32, #tpu.memory_space<vmem>>, vector<1x16xf32>,
    %swap3A_478 = vector.shape_cast %swap3A_477 : vector<1x16xf32> to vector<16xf32>
    %swap3A_479 = vector.shape_cast %broadcast_in_dim3A_0 : vector<16xf32> to vector<1x16xf32>
    tpu.vector_store %arg10[%swap3A_475, %swap3A_476], %swap3A_479 {strides = array<i32>} : memref<16x128xf32, #tpu.memory_space<vmem>>, vector<1x16xf32>,
    %swap3A_480 = arith.constant 10 : i32
    %swap3A_481 = arith.index_cast %swap3A_480 : i32 to index
    %swap3A_482 = arith.constant 0 : index
    %swap3A_483 = tpu.vector_load %arg10[%swap3A_481, %swap3A_482] {strides = array<i32>} : memref<16x128xf32, #tpu.memory_space<vmem>>, vector<1x16xf32>,
    %swap3A_484 = vector.shape_cast %swap3A_483 : vector<1x16xf32> to vector<16xf32>
    %swap3A_485 = vector.shape_cast %broadcast_in_dim3A_0 : vector<16xf32> to vector<1x16xf32>
    tpu.vector_store %arg10[%swap3A_481, %swap3A_482], %swap3A_485 {strides = array<i32>} : memref<16x128xf32, #tpu.memory_space<vmem>>, vector<1x16xf32>,
    %swap3A_486 = arith.constant 10 : i32
    %swap3A_487 = arith.index_cast %swap3A_486 : i32 to index
    %swap3A_488 = arith.constant 16 : index
    %swap3A_489 = tpu.vector_load %arg10[%swap3A_487, %swap3A_488] {strides = array<i32>} : memref<16x128xf32, #tpu.memory_space<vmem>>, vector<1x16xf32>,
    %swap3A_490 = vector.shape_cast %swap3A_489 : vector<1x16xf32> to vector<16xf32>
    %swap3A_491 = vector.shape_cast %broadcast_in_dim3A_0 : vector<16xf32> to vector<1x16xf32>
    tpu.vector_store %arg10[%swap3A_487, %swap3A_488], %swap3A_491 {strides = array<i32>} : memref<16x128xf32, #tpu.memory_space<vmem>>, vector<1x16xf32>,
    %swap3A_492 = arith.constant 10 : i32
    %swap3A_493 = arith.index_cast %swap3A_492 : i32 to index
    %swap3A_494 = arith.constant 32 : index
    %swap3A_495 = tpu.vector_load %arg10[%swap3A_493, %swap3A_494] {strides = array<i32>} : memref<16x128xf32, #tpu.memory_space<vmem>>, vector<1x16xf32>,
    %swap3A_496 = vector.shape_cast %swap3A_495 : vector<1x16xf32> to vector<16xf32>
    %swap3A_497 = vector.shape_cast %broadcast_in_dim3A_0 : vector<16xf32> to vector<1x16xf32>
    tpu.vector_store %arg10[%swap3A_493, %swap3A_494], %swap3A_497 {strides = array<i32>} : memref<16x128xf32, #tpu.memory_space<vmem>>, vector<1x16xf32>,
    %swap3A_498 = arith.constant 10 : i32
    %swap3A_499 = arith.index_cast %swap3A_498 : i32 to index
    %swap3A_500 = arith.constant 48 : index
    %swap3A_501 = tpu.vector_load %arg10[%swap3A_499, %swap3A_500] {strides = array<i32>} : memref<16x128xf32, #tpu.memory_space<vmem>>, vector<1x16xf32>,
    %swap3A_502 = vector.shape_cast %swap3A_501 : vector<1x16xf32> to vector<16xf32>
    %swap3A_503 = vector.shape_cast %broadcast_in_dim3A_0 : vector<16xf32> to vector<1x16xf32>
    tpu.vector_store %arg10[%swap3A_499, %swap3A_500], %swap3A_503 {strides = array<i32>} : memref<16x128xf32, #tpu.memory_space<vmem>>, vector<1x16xf32>,
    %swap3A_504 = arith.constant 10 : i32
    %swap3A_505 = arith.index_cast %swap3A_504 : i32 to index
    %swap3A_506 = arith.constant 64 : index
    %swap3A_507 = tpu.vector_load %arg10[%swap3A_505, %swap3A_506] {strides = array<i32>} : memref<16x128xf32, #tpu.memory_space<vmem>>, vector<1x16xf32>,
    %swap3A_508 = vector.shape_cast %swap3A_507 : vector<1x16xf32> to vector<16xf32>
    %swap3A_509 = vector.shape_cast %broadcast_in_dim3A_0 : vector<16xf32> to vector<1x16xf32>
    tpu.vector_store %arg10[%swap3A_505, %swap3A_506], %swap3A_509 {strides = array<i32>} : memref<16x128xf32, #tpu.memory_space<vmem>>, vector<1x16xf32>,
    %swap3A_510 = arith.constant 10 : i32
    %swap3A_511 = arith.index_cast %swap3A_510 : i32 to index
    %swap3A_512 = arith.constant 80 : index
    %swap3A_513 = tpu.vector_load %arg10[%swap3A_511, %swap3A_512] {strides = array<i32>} : memref<16x128xf32, #tpu.memory_space<vmem>>, vector<1x16xf32>,
    %swap3A_514 = vector.shape_cast %swap3A_513 : vector<1x16xf32> to vector<16xf32>
    %swap3A_515 = vector.shape_cast %broadcast_in_dim3A_0 : vector<16xf32> to vector<1x16xf32>
    tpu.vector_store %arg10[%swap3A_511, %swap3A_512], %swap3A_515 {strides = array<i32>} : memref<16x128xf32, #tpu.memory_space<vmem>>, vector<1x16xf32>,
    %swap3A_516 = arith.constant 10 : i32
    %swap3A_517 = arith.index_cast %swap3A_516 : i32 to index
    %swap3A_518 = arith.constant 96 : index
    %swap3A_519 = tpu.vector_load %arg10[%swap3A_517, %swap3A_518] {strides = array<i32>} : memref<16x128xf32, #tpu.memory_space<vmem>>, vector<1x16xf32>,
    %swap3A_520 = vector.shape_cast %swap3A_519 : vector<1x16xf32> to vector<16xf32>
    %swap3A_521 = vector.shape_cast %broadcast_in_dim3A_0 : vector<16xf32> to vector<1x16xf32>
    tpu.vector_store %arg10[%swap3A_517, %swap3A_518], %swap3A_521 {strides = array<i32>} : memref<16x128xf32, #tpu.memory_space<vmem>>, vector<1x16xf32>,
    %swap3A_522 = arith.constant 10 : i32
    %swap3A_523 = arith.index_cast %swap3A_522 : i32 to index
    %swap3A_524 = arith.constant 112 : index
    %swap3A_525 = tpu.vector_load %arg10[%swap3A_523, %swap3A_524] {strides = array<i32>} : memref<16x128xf32, #tpu.memory_space<vmem>>, vector<1x16xf32>,
    %swap3A_526 = vector.shape_cast %swap3A_525 : vector<1x16xf32> to vector<16xf32>
    %swap3A_527 = vector.shape_cast %broadcast_in_dim3A_0 : vector<16xf32> to vector<1x16xf32>
    tpu.vector_store %arg10[%swap3A_523, %swap3A_524], %swap3A_527 {strides = array<i32>} : memref<16x128xf32, #tpu.memory_space<vmem>>, vector<1x16xf32>,
    %swap3A_528 = arith.constant 11 : i32
    %swap3A_529 = arith.index_cast %swap3A_528 : i32 to index
    %swap3A_530 = arith.constant 0 : index
    %swap3A_531 = tpu.vector_load %arg10[%swap3A_529, %swap3A_530] {strides = array<i32>} : memref<16x128xf32, #tpu.memory_space<vmem>>, vector<1x16xf32>,
    %swap3A_532 = vector.shape_cast %swap3A_531 : vector<1x16xf32> to vector<16xf32>
    %swap3A_533 = vector.shape_cast %broadcast_in_dim3A_0 : vector<16xf32> to vector<1x16xf32>
    tpu.vector_store %arg10[%swap3A_529, %swap3A_530], %swap3A_533 {strides = array<i32>} : memref<16x128xf32, #tpu.memory_space<vmem>>, vector<1x16xf32>,
    %swap3A_534 = arith.constant 11 : i32
    %swap3A_535 = arith.index_cast %swap3A_534 : i32 to index
    %swap3A_536 = arith.constant 16 : index
    %swap3A_537 = tpu.vector_load %arg10[%swap3A_535, %swap3A_536] {strides = array<i32>} : memref<16x128xf32, #tpu.memory_space<vmem>>, vector<1x16xf32>,
    %swap3A_538 = vector.shape_cast %swap3A_537 : vector<1x16xf32> to vector<16xf32>
    %swap3A_539 = vector.shape_cast %broadcast_in_dim3A_0 : vector<16xf32> to vector<1x16xf32>
    tpu.vector_store %arg10[%swap3A_535, %swap3A_536], %swap3A_539 {strides = array<i32>} : memref<16x128xf32, #tpu.memory_space<vmem>>, vector<1x16xf32>,
    %swap3A_540 = arith.constant 11 : i32
    %swap3A_541 = arith.index_cast %swap3A_540 : i32 to index
    %swap3A_542 = arith.constant 32 : index
    %swap3A_543 = tpu.vector_load %arg10[%swap3A_541, %swap3A_542] {strides = array<i32>} : memref<16x128xf32, #tpu.memory_space<vmem>>, vector<1x16xf32>,
    %swap3A_544 = vector.shape_cast %swap3A_543 : vector<1x16xf32> to vector<16xf32>
    %swap3A_545 = vector.shape_cast %broadcast_in_dim3A_0 : vector<16xf32> to vector<1x16xf32>
    tpu.vector_store %arg10[%swap3A_541, %swap3A_542], %swap3A_545 {strides = array<i32>} : memref<16x128xf32, #tpu.memory_space<vmem>>, vector<1x16xf32>,
    %swap3A_546 = arith.constant 11 : i32
    %swap3A_547 = arith.index_cast %swap3A_546 : i32 to index
    %swap3A_548 = arith.constant 48 : index
    %swap3A_549 = tpu.vector_load %arg10[%swap3A_547, %swap3A_548] {strides = array<i32>} : memref<16x128xf32, #tpu.memory_space<vmem>>, vector<1x16xf32>,
    %swap3A_550 = vector.shape_cast %swap3A_549 : vector<1x16xf32> to vector<16xf32>
    %swap3A_551 = vector.shape_cast %broadcast_in_dim3A_0 : vector<16xf32> to vector<1x16xf32>
    tpu.vector_store %arg10[%swap3A_547, %swap3A_548], %swap3A_551 {strides = array<i32>} : memref<16x128xf32, #tpu.memory_space<vmem>>, vector<1x16xf32>,
    %swap3A_552 = arith.constant 11 : i32
    %swap3A_553 = arith.index_cast %swap3A_552 : i32 to index
    %swap3A_554 = arith.constant 64 : index
    %swap3A_555 = tpu.vector_load %arg10[%swap3A_553, %swap3A_554] {strides = array<i32>} : memref<16x128xf32, #tpu.memory_space<vmem>>, vector<1x16xf32>,
    %swap3A_556 = vector.shape_cast %swap3A_555 : vector<1x16xf32> to vector<16xf32>
    %swap3A_557 = vector.shape_cast %broadcast_in_dim3A_0 : vector<16xf32> to vector<1x16xf32>
    tpu.vector_store %arg10[%swap3A_553, %swap3A_554], %swap3A_557 {strides = array<i32>} : memref<16x128xf32, #tpu.memory_space<vmem>>, vector<1x16xf32>,
    %swap3A_558 = arith.constant 11 : i32
    %swap3A_559 = arith.index_cast %swap3A_558 : i32 to index
    %swap3A_560 = arith.constant 80 : index
    %swap3A_561 = tpu.vector_load %arg10[%swap3A_559, %swap3A_560] {strides = array<i32>} : memref<16x128xf32, #tpu.memory_space<vmem>>, vector<1x16xf32>,
    %swap3A_562 = vector.shape_cast %swap3A_561 : vector<1x16xf32> to vector<16xf32>
    %swap3A_563 = vector.shape_cast %broadcast_in_dim3A_0 : vector<16xf32> to vector<1x16xf32>
    tpu.vector_store %arg10[%swap3A_559, %swap3A_560], %swap3A_563 {strides = array<i32>} : memref<16x128xf32, #tpu.memory_space<vmem>>, vector<1x16xf32>,
    %swap3A_564 = arith.constant 11 : i32
    %swap3A_565 = arith.index_cast %swap3A_564 : i32 to index
    %swap3A_566 = arith.constant 96 : index
    %swap3A_567 = tpu.vector_load %arg10[%swap3A_565, %swap3A_566] {strides = array<i32>} : memref<16x128xf32, #tpu.memory_space<vmem>>, vector<1x16xf32>,
    %swap3A_568 = vector.shape_cast %swap3A_567 : vector<1x16xf32> to vector<16xf32>
    %swap3A_569 = vector.shape_cast %broadcast_in_dim3A_0 : vector<16xf32> to vector<1x16xf32>
    tpu.vector_store %arg10[%swap3A_565, %swap3A_566], %swap3A_569 {strides = array<i32>} : memref<16x128xf32, #tpu.memory_space<vmem>>, vector<1x16xf32>,
    %swap3A_570 = arith.constant 11 : i32
    %swap3A_571 = arith.index_cast %swap3A_570 : i32 to index
    %swap3A_572 = arith.constant 112 : index
    %swap3A_573 = tpu.vector_load %arg10[%swap3A_571, %swap3A_572] {strides = array<i32>} : memref<16x128xf32, #tpu.memory_space<vmem>>, vector<1x16xf32>,
    %swap3A_574 = vector.shape_cast %swap3A_573 : vector<1x16xf32> to vector<16xf32>
    %swap3A_575 = vector.shape_cast %broadcast_in_dim3A_0 : vector<16xf32> to vector<1x16xf32>
    tpu.vector_store %arg10[%swap3A_571, %swap3A_572], %swap3A_575 {strides = array<i32>} : memref<16x128xf32, #tpu.memory_space<vmem>>, vector<1x16xf32>,
    %swap3A_576 = arith.constant 12 : i32
    %swap3A_577 = arith.index_cast %swap3A_576 : i32 to index
    %swap3A_578 = arith.constant 0 : index
    %swap3A_579 = tpu.vector_load %arg10[%swap3A_577, %swap3A_578] {strides = array<i32>} : memref<16x128xf32, #tpu.memory_space<vmem>>, vector<1x16xf32>,
    %swap3A_580 = vector.shape_cast %swap3A_579 : vector<1x16xf32> to vector<16xf32>
    %swap3A_581 = vector.shape_cast %broadcast_in_dim3A_0 : vector<16xf32> to vector<1x16xf32>
    tpu.vector_store %arg10[%swap3A_577, %swap3A_578], %swap3A_581 {strides = array<i32>} : memref<16x128xf32, #tpu.memory_space<vmem>>, vector<1x16xf32>,
    %swap3A_582 = arith.constant 12 : i32
    %swap3A_583 = arith.index_cast %swap3A_582 : i32 to index
    %swap3A_584 = arith.constant 16 : index
    %swap3A_585 = tpu.vector_load %arg10[%swap3A_583, %swap3A_584] {strides = array<i32>} : memref<16x128xf32, #tpu.memory_space<vmem>>, vector<1x16xf32>,
    %swap3A_586 = vector.shape_cast %swap3A_585 : vector<1x16xf32> to vector<16xf32>
    %swap3A_587 = vector.shape_cast %broadcast_in_dim3A_0 : vector<16xf32> to vector<1x16xf32>
    tpu.vector_store %arg10[%swap3A_583, %swap3A_584], %swap3A_587 {strides = array<i32>} : memref<16x128xf32, #tpu.memory_space<vmem>>, vector<1x16xf32>,
    %swap3A_588 = arith.constant 12 : i32
    %swap3A_589 = arith.index_cast %swap3A_588 : i32 to index
    %swap3A_590 = arith.constant 32 : index
    %swap3A_591 = tpu.vector_load %arg10[%swap3A_589, %swap3A_590] {strides = array<i32>} : memref<16x128xf32, #tpu.memory_space<vmem>>, vector<1x16xf32>,
    %swap3A_592 = vector.shape_cast %swap3A_591 : vector<1x16xf32> to vector<16xf32>
    %swap3A_593 = vector.shape_cast %broadcast_in_dim3A_0 : vector<16xf32> to vector<1x16xf32>
    tpu.vector_store %arg10[%swap3A_589, %swap3A_590], %swap3A_593 {strides = array<i32>} : memref<16x128xf32, #tpu.memory_space<vmem>>, vector<1x16xf32>,
    %swap3A_594 = arith.constant 12 : i32
    %swap3A_595 = arith.index_cast %swap3A_594 : i32 to index
    %swap3A_596 = arith.constant 48 : index
    %swap3A_597 = tpu.vector_load %arg10[%swap3A_595, %swap3A_596] {strides = array<i32>} : memref<16x128xf32, #tpu.memory_space<vmem>>, vector<1x16xf32>,
    %swap3A_598 = vector.shape_cast %swap3A_597 : vector<1x16xf32> to vector<16xf32>
    %swap3A_599 = vector.shape_cast %broadcast_in_dim3A_0 : vector<16xf32> to vector<1x16xf32>
    tpu.vector_store %arg10[%swap3A_595, %swap3A_596], %swap3A_599 {strides = array<i32>} : memref<16x128xf32, #tpu.memory_space<vmem>>, vector<1x16xf32>,
    %swap3A_600 = arith.constant 12 : i32
    %swap3A_601 = arith.index_cast %swap3A_600 : i32 to index
    %swap3A_602 = arith.constant 64 : index
    %swap3A_603 = tpu.vector_load %arg10[%swap3A_601, %swap3A_602] {strides = array<i32>} : memref<16x128xf32, #tpu.memory_space<vmem>>, vector<1x16xf32>,
    %swap3A_604 = vector.shape_cast %swap3A_603 : vector<1x16xf32> to vector<16xf32>
    %swap3A_605 = vector.shape_cast %broadcast_in_dim3A_0 : vector<16xf32> to vector<1x16xf32>
    tpu.vector_store %arg10[%swap3A_601, %swap3A_602], %swap3A_605 {strides = array<i32>} : memref<16x128xf32, #tpu.memory_space<vmem>>, vector<1x16xf32>,
    %swap3A_606 = arith.constant 12 : i32
    %swap3A_607 = arith.index_cast %swap3A_606 : i32 to index
    %swap3A_608 = arith.constant 80 : index
    %swap3A_609 = tpu.vector_load %arg10[%swap3A_607, %swap3A_608] {strides = array<i32>} : memref<16x128xf32, #tpu.memory_space<vmem>>, vector<1x16xf32>,
    %swap3A_610 = vector.shape_cast %swap3A_609 : vector<1x16xf32> to vector<16xf32>
    %swap3A_611 = vector.shape_cast %broadcast_in_dim3A_0 : vector<16xf32> to vector<1x16xf32>
    tpu.vector_store %arg10[%swap3A_607, %swap3A_608], %swap3A_611 {strides = array<i32>} : memref<16x128xf32, #tpu.memory_space<vmem>>, vector<1x16xf32>,
    %swap3A_612 = arith.constant 12 : i32
    %swap3A_613 = arith.index_cast %swap3A_612 : i32 to index
    %swap3A_614 = arith.constant 96 : index
    %swap3A_615 = tpu.vector_load %arg10[%swap3A_613, %swap3A_614] {strides = array<i32>} : memref<16x128xf32, #tpu.memory_space<vmem>>, vector<1x16xf32>,
    %swap3A_616 = vector.shape_cast %swap3A_615 : vector<1x16xf32> to vector<16xf32>
    %swap3A_617 = vector.shape_cast %broadcast_in_dim3A_0 : vector<16xf32> to vector<1x16xf32>
    tpu.vector_store %arg10[%swap3A_613, %swap3A_614], %swap3A_617 {strides = array<i32>} : memref<16x128xf32, #tpu.memory_space<vmem>>, vector<1x16xf32>,
    %swap3A_618 = arith.constant 12 : i32
    %swap3A_619 = arith.index_cast %swap3A_618 : i32 to index
    %swap3A_620 = arith.constant 112 : index
    %swap3A_621 = tpu.vector_load %arg10[%swap3A_619, %swap3A_620] {strides = array<i32>} : memref<16x128xf32, #tpu.memory_space<vmem>>, vector<1x16xf32>,
    %swap3A_622 = vector.shape_cast %swap3A_621 : vector<1x16xf32> to vector<16xf32>
    %swap3A_623 = vector.shape_cast %broadcast_in_dim3A_0 : vector<16xf32> to vector<1x16xf32>
    tpu.vector_store %arg10[%swap3A_619, %swap3A_620], %swap3A_623 {strides = array<i32>} : memref<16x128xf32, #tpu.memory_space<vmem>>, vector<1x16xf32>,
    %swap3A_624 = arith.constant 13 : i32
    %swap3A_625 = arith.index_cast %swap3A_624 : i32 to index
    %swap3A_626 = arith.constant 0 : index
    %swap3A_627 = tpu.vector_load %arg10[%swap3A_625, %swap3A_626] {strides = array<i32>} : memref<16x128xf32, #tpu.memory_space<vmem>>, vector<1x16xf32>,
    %swap3A_628 = vector.shape_cast %swap3A_627 : vector<1x16xf32> to vector<16xf32>
    %swap3A_629 = vector.shape_cast %broadcast_in_dim3A_0 : vector<16xf32> to vector<1x16xf32>
    tpu.vector_store %arg10[%swap3A_625, %swap3A_626], %swap3A_629 {strides = array<i32>} : memref<16x128xf32, #tpu.memory_space<vmem>>, vector<1x16xf32>,
    %swap3A_630 = arith.constant 13 : i32
    %swap3A_631 = arith.index_cast %swap3A_630 : i32 to index
    %swap3A_632 = arith.constant 16 : index
    %swap3A_633 = tpu.vector_load %arg10[%swap3A_631, %swap3A_632] {strides = array<i32>} : memref<16x128xf32, #tpu.memory_space<vmem>>, vector<1x16xf32>,
    %swap3A_634 = vector.shape_cast %swap3A_633 : vector<1x16xf32> to vector<16xf32>
    %swap3A_635 = vector.shape_cast %broadcast_in_dim3A_0 : vector<16xf32> to vector<1x16xf32>
    tpu.vector_store %arg10[%swap3A_631, %swap3A_632], %swap3A_635 {strides = array<i32>} : memref<16x128xf32, #tpu.memory_space<vmem>>, vector<1x16xf32>,
    %swap3A_636 = arith.constant 13 : i32
    %swap3A_637 = arith.index_cast %swap3A_636 : i32 to index
    %swap3A_638 = arith.constant 32 : index
    %swap3A_639 = tpu.vector_load %arg10[%swap3A_637, %swap3A_638] {strides = array<i32>} : memref<16x128xf32, #tpu.memory_space<vmem>>, vector<1x16xf32>,
    %swap3A_640 = vector.shape_cast %swap3A_639 : vector<1x16xf32> to vector<16xf32>
    %swap3A_641 = vector.shape_cast %broadcast_in_dim3A_0 : vector<16xf32> to vector<1x16xf32>
    tpu.vector_store %arg10[%swap3A_637, %swap3A_638], %swap3A_641 {strides = array<i32>} : memref<16x128xf32, #tpu.memory_space<vmem>>, vector<1x16xf32>,
    %swap3A_642 = arith.constant 13 : i32
    %swap3A_643 = arith.index_cast %swap3A_642 : i32 to index
    %swap3A_644 = arith.constant 48 : index
    %swap3A_645 = tpu.vector_load %arg10[%swap3A_643, %swap3A_644] {strides = array<i32>} : memref<16x128xf32, #tpu.memory_space<vmem>>, vector<1x16xf32>,
    %swap3A_646 = vector.shape_cast %swap3A_645 : vector<1x16xf32> to vector<16xf32>
    %swap3A_647 = vector.shape_cast %broadcast_in_dim3A_0 : vector<16xf32> to vector<1x16xf32>
    tpu.vector_store %arg10[%swap3A_643, %swap3A_644], %swap3A_647 {strides = array<i32>} : memref<16x128xf32, #tpu.memory_space<vmem>>, vector<1x16xf32>,
    %swap3A_648 = arith.constant 13 : i32
    %swap3A_649 = arith.index_cast %swap3A_648 : i32 to index
    %swap3A_650 = arith.constant 64 : index
    %swap3A_651 = tpu.vector_load %arg10[%swap3A_649, %swap3A_650] {strides = array<i32>} : memref<16x128xf32, #tpu.memory_space<vmem>>, vector<1x16xf32>,
    %swap3A_652 = vector.shape_cast %swap3A_651 : vector<1x16xf32> to vector<16xf32>
    %swap3A_653 = vector.shape_cast %broadcast_in_dim3A_0 : vector<16xf32> to vector<1x16xf32>
    tpu.vector_store %arg10[%swap3A_649, %swap3A_650], %swap3A_653 {strides = array<i32>} : memref<16x128xf32, #tpu.memory_space<vmem>>, vector<1x16xf32>,
    %swap3A_654 = arith.constant 13 : i32
    %swap3A_655 = arith.index_cast %swap3A_654 : i32 to index
    %swap3A_656 = arith.constant 80 : index
    %swap3A_657 = tpu.vector_load %arg10[%swap3A_655, %swap3A_656] {strides = array<i32>} : memref<16x128xf32, #tpu.memory_space<vmem>>, vector<1x16xf32>,
    %swap3A_658 = vector.shape_cast %swap3A_657 : vector<1x16xf32> to vector<16xf32>
    %swap3A_659 = vector.shape_cast %broadcast_in_dim3A_0 : vector<16xf32> to vector<1x16xf32>
    tpu.vector_store %arg10[%swap3A_655, %swap3A_656], %swap3A_659 {strides = array<i32>} : memref<16x128xf32, #tpu.memory_space<vmem>>, vector<1x16xf32>,
    %swap3A_660 = arith.constant 13 : i32
    %swap3A_661 = arith.index_cast %swap3A_660 : i32 to index
    %swap3A_662 = arith.constant 96 : index
    %swap3A_663 = tpu.vector_load %arg10[%swap3A_661, %swap3A_662] {strides = array<i32>} : memref<16x128xf32, #tpu.memory_space<vmem>>, vector<1x16xf32>,
    %swap3A_664 = vector.shape_cast %swap3A_663 : vector<1x16xf32> to vector<16xf32>
    %swap3A_665 = vector.shape_cast %broadcast_in_dim3A_0 : vector<16xf32> to vector<1x16xf32>
    tpu.vector_store %arg10[%swap3A_661, %swap3A_662], %swap3A_665 {strides = array<i32>} : memref<16x128xf32, #tpu.memory_space<vmem>>, vector<1x16xf32>,
    %swap3A_666 = arith.constant 13 : i32
    %swap3A_667 = arith.index_cast %swap3A_666 : i32 to index
    %swap3A_668 = arith.constant 112 : index
    %swap3A_669 = tpu.vector_load %arg10[%swap3A_667, %swap3A_668] {strides = array<i32>} : memref<16x128xf32, #tpu.memory_space<vmem>>, vector<1x16xf32>,
    %swap3A_670 = vector.shape_cast %swap3A_669 : vector<1x16xf32> to vector<16xf32>
    %swap3A_671 = vector.shape_cast %broadcast_in_dim3A_0 : vector<16xf32> to vector<1x16xf32>
    tpu.vector_store %arg10[%swap3A_667, %swap3A_668], %swap3A_671 {strides = array<i32>} : memref<16x128xf32, #tpu.memory_space<vmem>>, vector<1x16xf32>,
    %swap3A_672 = arith.constant 14 : i32
    %swap3A_673 = arith.index_cast %swap3A_672 : i32 to index
    %swap3A_674 = arith.constant 0 : index
    %swap3A_675 = tpu.vector_load %arg10[%swap3A_673, %swap3A_674] {strides = array<i32>} : memref<16x128xf32, #tpu.memory_space<vmem>>, vector<1x16xf32>,
    %swap3A_676 = vector.shape_cast %swap3A_675 : vector<1x16xf32> to vector<16xf32>
    %swap3A_677 = vector.shape_cast %broadcast_in_dim3A_0 : vector<16xf32> to vector<1x16xf32>
    tpu.vector_store %arg10[%swap3A_673, %swap3A_674], %swap3A_677 {strides = array<i32>} : memref<16x128xf32, #tpu.memory_space<vmem>>, vector<1x16xf32>,
    %swap3A_678 = arith.constant 14 : i32
    %swap3A_679 = arith.index_cast %swap3A_678 : i32 to index
    %swap3A_680 = arith.constant 16 : index
    %swap3A_681 = tpu.vector_load %arg10[%swap3A_679, %swap3A_680] {strides = array<i32>} : memref<16x128xf32, #tpu.memory_space<vmem>>, vector<1x16xf32>,
    %swap3A_682 = vector.shape_cast %swap3A_681 : vector<1x16xf32> to vector<16xf32>
    %swap3A_683 = vector.shape_cast %broadcast_in_dim3A_0 : vector<16xf32> to vector<1x16xf32>
    tpu.vector_store %arg10[%swap3A_679, %swap3A_680], %swap3A_683 {strides = array<i32>} : memref<16x128xf32, #tpu.memory_space<vmem>>, vector<1x16xf32>,
    %swap3A_684 = arith.constant 14 : i32
    %swap3A_685 = arith.index_cast %swap3A_684 : i32 to index
    %swap3A_686 = arith.constant 32 : index
    %swap3A_687 = tpu.vector_load %arg10[%swap3A_685, %swap3A_686] {strides = array<i32>} : memref<16x128xf32, #tpu.memory_space<vmem>>, vector<1x16xf32>,
    %swap3A_688 = vector.shape_cast %swap3A_687 : vector<1x16xf32> to vector<16xf32>
    %swap3A_689 = vector.shape_cast %broadcast_in_dim3A_0 : vector<16xf32> to vector<1x16xf32>
    tpu.vector_store %arg10[%swap3A_685, %swap3A_686], %swap3A_689 {strides = array<i32>} : memref<16x128xf32, #tpu.memory_space<vmem>>, vector<1x16xf32>,
    %swap3A_690 = arith.constant 14 : i32
    %swap3A_691 = arith.index_cast %swap3A_690 : i32 to index
    %swap3A_692 = arith.constant 48 : index
    %swap3A_693 = tpu.vector_load %arg10[%swap3A_691, %swap3A_692] {strides = array<i32>} : memref<16x128xf32, #tpu.memory_space<vmem>>, vector<1x16xf32>,
    %swap3A_694 = vector.shape_cast %swap3A_693 : vector<1x16xf32> to vector<16xf32>
    %swap3A_695 = vector.shape_cast %broadcast_in_dim3A_0 : vector<16xf32> to vector<1x16xf32>
    tpu.vector_store %arg10[%swap3A_691, %swap3A_692], %swap3A_695 {strides = array<i32>} : memref<16x128xf32, #tpu.memory_space<vmem>>, vector<1x16xf32>,
    %swap3A_696 = arith.constant 14 : i32
    %swap3A_697 = arith.index_cast %swap3A_696 : i32 to index
    %swap3A_698 = arith.constant 64 : index
    %swap3A_699 = tpu.vector_load %arg10[%swap3A_697, %swap3A_698] {strides = array<i32>} : memref<16x128xf32, #tpu.memory_space<vmem>>, vector<1x16xf32>,
    %swap3A_700 = vector.shape_cast %swap3A_699 : vector<1x16xf32> to vector<16xf32>
    %swap3A_701 = vector.shape_cast %broadcast_in_dim3A_0 : vector<16xf32> to vector<1x16xf32>
    tpu.vector_store %arg10[%swap3A_697, %swap3A_698], %swap3A_701 {strides = array<i32>} : memref<16x128xf32, #tpu.memory_space<vmem>>, vector<1x16xf32>,
    %swap3A_702 = arith.constant 14 : i32
    %swap3A_703 = arith.index_cast %swap3A_702 : i32 to index
    %swap3A_704 = arith.constant 80 : index
    %swap3A_705 = tpu.vector_load %arg10[%swap3A_703, %swap3A_704] {strides = array<i32>} : memref<16x128xf32, #tpu.memory_space<vmem>>, vector<1x16xf32>,
    %swap3A_706 = vector.shape_cast %swap3A_705 : vector<1x16xf32> to vector<16xf32>
    %swap3A_707 = vector.shape_cast %broadcast_in_dim3A_0 : vector<16xf32> to vector<1x16xf32>
    tpu.vector_store %arg10[%swap3A_703, %swap3A_704], %swap3A_707 {strides = array<i32>} : memref<16x128xf32, #tpu.memory_space<vmem>>, vector<1x16xf32>,
    %swap3A_708 = arith.constant 14 : i32
    %swap3A_709 = arith.index_cast %swap3A_708 : i32 to index
    %swap3A_710 = arith.constant 96 : index
    %swap3A_711 = tpu.vector_load %arg10[%swap3A_709, %swap3A_710] {strides = array<i32>} : memref<16x128xf32, #tpu.memory_space<vmem>>, vector<1x16xf32>,
    %swap3A_712 = vector.shape_cast %swap3A_711 : vector<1x16xf32> to vector<16xf32>
    %swap3A_713 = vector.shape_cast %broadcast_in_dim3A_0 : vector<16xf32> to vector<1x16xf32>
    tpu.vector_store %arg10[%swap3A_709, %swap3A_710], %swap3A_713 {strides = array<i32>} : memref<16x128xf32, #tpu.memory_space<vmem>>, vector<1x16xf32>,
    %swap3A_714 = arith.constant 14 : i32
    %swap3A_715 = arith.index_cast %swap3A_714 : i32 to index
    %swap3A_716 = arith.constant 112 : index
    %swap3A_717 = tpu.vector_load %arg10[%swap3A_715, %swap3A_716] {strides = array<i32>} : memref<16x128xf32, #tpu.memory_space<vmem>>, vector<1x16xf32>,
    %swap3A_718 = vector.shape_cast %swap3A_717 : vector<1x16xf32> to vector<16xf32>
    %swap3A_719 = vector.shape_cast %broadcast_in_dim3A_0 : vector<16xf32> to vector<1x16xf32>
    tpu.vector_store %arg10[%swap3A_715, %swap3A_716], %swap3A_719 {strides = array<i32>} : memref<16x128xf32, #tpu.memory_space<vmem>>, vector<1x16xf32>,
    %swap3A_720 = arith.constant 15 : i32
    %swap3A_721 = arith.index_cast %swap3A_720 : i32 to index
    %swap3A_722 = arith.constant 0 : index
    %swap3A_723 = tpu.vector_load %arg10[%swap3A_721, %swap3A_722] {strides = array<i32>} : memref<16x128xf32, #tpu.memory_space<vmem>>, vector<1x16xf32>,
    %swap3A_724 = vector.shape_cast %swap3A_723 : vector<1x16xf32> to vector<16xf32>
    %swap3A_725 = vector.shape_cast %broadcast_in_dim3A_0 : vector<16xf32> to vector<1x16xf32>
    tpu.vector_store %arg10[%swap3A_721, %swap3A_722], %swap3A_725 {strides = array<i32>} : memref<16x128xf32, #tpu.memory_space<vmem>>, vector<1x16xf32>,
    %swap3A_726 = arith.constant 15 : i32
    %swap3A_727 = arith.index_cast %swap3A_726 : i32 to index
    %swap3A_728 = arith.constant 16 : index
    %swap3A_729 = tpu.vector_load %arg10[%swap3A_727, %swap3A_728] {strides = array<i32>} : memref<16x128xf32, #tpu.memory_space<vmem>>, vector<1x16xf32>,
    %swap3A_730 = vector.shape_cast %swap3A_729 : vector<1x16xf32> to vector<16xf32>
    %swap3A_731 = vector.shape_cast %broadcast_in_dim3A_0 : vector<16xf32> to vector<1x16xf32>
    tpu.vector_store %arg10[%swap3A_727, %swap3A_728], %swap3A_731 {strides = array<i32>} : memref<16x128xf32, #tpu.memory_space<vmem>>, vector<1x16xf32>,
    %swap3A_732 = arith.constant 15 : i32
    %swap3A_733 = arith.index_cast %swap3A_732 : i32 to index
    %swap3A_734 = arith.constant 32 : index
    %swap3A_735 = tpu.vector_load %arg10[%swap3A_733, %swap3A_734] {strides = array<i32>} : memref<16x128xf32, #tpu.memory_space<vmem>>, vector<1x16xf32>,
    %swap3A_736 = vector.shape_cast %swap3A_735 : vector<1x16xf32> to vector<16xf32>
    %swap3A_737 = vector.shape_cast %broadcast_in_dim3A_0 : vector<16xf32> to vector<1x16xf32>
    tpu.vector_store %arg10[%swap3A_733, %swap3A_734], %swap3A_737 {strides = array<i32>} : memref<16x128xf32, #tpu.memory_space<vmem>>, vector<1x16xf32>,
    %swap3A_738 = arith.constant 15 : i32
    %swap3A_739 = arith.index_cast %swap3A_738 : i32 to index
    %swap3A_740 = arith.constant 48 : index
    %swap3A_741 = tpu.vector_load %arg10[%swap3A_739, %swap3A_740] {strides = array<i32>} : memref<16x128xf32, #tpu.memory_space<vmem>>, vector<1x16xf32>,
    %swap3A_742 = vector.shape_cast %swap3A_741 : vector<1x16xf32> to vector<16xf32>
    %swap3A_743 = vector.shape_cast %broadcast_in_dim3A_0 : vector<16xf32> to vector<1x16xf32>
    tpu.vector_store %arg10[%swap3A_739, %swap3A_740], %swap3A_743 {strides = array<i32>} : memref<16x128xf32, #tpu.memory_space<vmem>>, vector<1x16xf32>,
    %swap3A_744 = arith.constant 15 : i32
    %swap3A_745 = arith.index_cast %swap3A_744 : i32 to index
    %swap3A_746 = arith.constant 64 : index
    %swap3A_747 = tpu.vector_load %arg10[%swap3A_745, %swap3A_746] {strides = array<i32>} : memref<16x128xf32, #tpu.memory_space<vmem>>, vector<1x16xf32>,
    %swap3A_748 = vector.shape_cast %swap3A_747 : vector<1x16xf32> to vector<16xf32>
    %swap3A_749 = vector.shape_cast %broadcast_in_dim3A_0 : vector<16xf32> to vector<1x16xf32>
    tpu.vector_store %arg10[%swap3A_745, %swap3A_746], %swap3A_749 {strides = array<i32>} : memref<16x128xf32, #tpu.memory_space<vmem>>, vector<1x16xf32>,
    %swap3A_750 = arith.constant 15 : i32
    %swap3A_751 = arith.index_cast %swap3A_750 : i32 to index
    %swap3A_752 = arith.constant 80 : index
    %swap3A_753 = tpu.vector_load %arg10[%swap3A_751, %swap3A_752] {strides = array<i32>} : memref<16x128xf32, #tpu.memory_space<vmem>>, vector<1x16xf32>,
    %swap3A_754 = vector.shape_cast %swap3A_753 : vector<1x16xf32> to vector<16xf32>
    %swap3A_755 = vector.shape_cast %broadcast_in_dim3A_0 : vector<16xf32> to vector<1x16xf32>
    tpu.vector_store %arg10[%swap3A_751, %swap3A_752], %swap3A_755 {strides = array<i32>} : memref<16x128xf32, #tpu.memory_space<vmem>>, vector<1x16xf32>,
    %swap3A_756 = arith.constant 15 : i32
    %swap3A_757 = arith.index_cast %swap3A_756 : i32 to index
    %swap3A_758 = arith.constant 96 : index
    %swap3A_759 = tpu.vector_load %arg10[%swap3A_757, %swap3A_758] {strides = array<i32>} : memref<16x128xf32, #tpu.memory_space<vmem>>, vector<1x16xf32>,
    %swap3A_760 = vector.shape_cast %swap3A_759 : vector<1x16xf32> to vector<16xf32>
    %swap3A_761 = vector.shape_cast %broadcast_in_dim3A_0 : vector<16xf32> to vector<1x16xf32>
    tpu.vector_store %arg10[%swap3A_757, %swap3A_758], %swap3A_761 {strides = array<i32>} : memref<16x128xf32, #tpu.memory_space<vmem>>, vector<1x16xf32>,
    %swap3A_762 = arith.constant 15 : i32
    %swap3A_763 = arith.index_cast %swap3A_762 : i32 to index
    %swap3A_764 = arith.constant 112 : index
    %swap3A_765 = tpu.vector_load %arg10[%swap3A_763, %swap3A_764] {strides = array<i32>} : memref<16x128xf32, #tpu.memory_space<vmem>>, vector<1x16xf32>,
    %swap3A_766 = vector.shape_cast %swap3A_765 : vector<1x16xf32> to vector<16xf32>
    %swap3A_767 = vector.shape_cast %broadcast_in_dim3A_0 : vector<16xf32> to vector<1x16xf32>
    tpu.vector_store %arg10[%swap3A_763, %swap3A_764], %swap3A_767 {strides = array<i32>} : memref<16x128xf32, #tpu.memory_space<vmem>>, vector<1x16xf32>,
    "tpu.region"() ({
      %run_scoped3A = tpu.sem_alloc : memref<!tpu.dma_semaphore, #tpu.memory_space<semaphore_mem>>
      %dma_start3A = arith.constant 0 : i32
      %dma_start3A_970 = arith.constant 0 : i32
      %dma_start3A_971 = tpu.memref_slice %arg3[%arg1, %dma_start3A, %dma_start3A_970] : memref<16x160x128xi32, #tpu.memory_space<hbm>> -> memref<1x160x128xi32, #tpu.memory_space<hbm>>
      %dma_start3A_972 = tpu.memref_squeeze %dma_start3A_971 : memref<1x160x128xi32, #tpu.memory_space<hbm>> -> memref<160x128xi32, #tpu.memory_space<hbm>>
      %dma_start3A_973 = arith.constant 0 : i32
      %dma_start3A_974 = arith.constant 0 : i32
      %dma_start3A_975 = tpu.memref_slice %arg3[%arg1, %dma_start3A_973, %dma_start3A_974] : memref<16x160x128xi32, #tpu.memory_space<hbm>> -> memref<1x160x128xi32, #tpu.memory_space<hbm>>
      %dma_start3A_976 = tpu.memref_squeeze %dma_start3A_975 : memref<1x160x128xi32, #tpu.memory_space<hbm>> -> memref<160x128xi32, #tpu.memory_space<hbm>>
      tpu.enqueue_dma source(%dma_start3A_976 : memref<160x128xi32, #tpu.memory_space<hbm>>) target(%arg6 : memref<160x128xi32, #tpu.memory_space<vmem>>) target_semaphore(%run_scoped3A : memref<!tpu.dma_semaphore, #tpu.memory_space<semaphore_mem>>)
      %dma_wait3A = arith.constant 0 : i32
      %dma_wait3A_977 = arith.constant 0 : i32
      %dma_wait3A_978 = tpu.memref_slice %arg3[%arg1, %dma_wait3A, %dma_wait3A_977] : memref<16x160x128xi32, #tpu.memory_space<hbm>> -> memref<1x160x128xi32, #tpu.memory_space<hbm>>
      %dma_wait3A_979 = tpu.memref_squeeze %dma_wait3A_978 : memref<1x160x128xi32, #tpu.memory_space<hbm>> -> memref<160x128xi32, #tpu.memory_space<hbm>>
      %dma_wait3A_980 = arith.constant 0 : i32
      %dma_wait3A_981 = arith.constant 0 : i32
      %dma_wait3A_982 = tpu.memref_slice %arg3[%arg1, %dma_wait3A_980, %dma_wait3A_981] : memref<16x160x128xi32, #tpu.memory_space<hbm>> -> memref<1x160x128xi32, #tpu.memory_space<hbm>>
      %dma_wait3A_983 = tpu.memref_squeeze %dma_wait3A_982 : memref<1x160x128xi32, #tpu.memory_space<hbm>> -> memref<160x128xi32, #tpu.memory_space<hbm>>
      tpu.wait_dma2 semaphore(%run_scoped3A : memref<!tpu.dma_semaphore, #tpu.memory_space<semaphore_mem>>) src(%dma_wait3A_983 : memref<160x128xi32, #tpu.memory_space<hbm>>) dst(%arg6 : memref<160x128xi32, #tpu.memory_space<vmem>>)
      tpu.yield
    }) : () -> ()
    "tpu.region"() ({
      %run_scoped3A = tpu.sem_alloc : memref<!tpu.dma_semaphore, #tpu.memory_space<semaphore_mem>>
      %dma_start3A = arith.constant 0 : i32
      %dma_start3A_970 = arith.constant 0 : i32
      %dma_start3A_971 = tpu.memref_slice %arg4[%arg1, %dma_start3A, %dma_start3A_970] : memref<16x160x128xi32, #tpu.memory_space<hbm>> -> memref<1x160x128xi32, #tpu.memory_space<hbm>>
      %dma_start3A_972 = tpu.memref_squeeze %dma_start3A_971 : memref<1x160x128xi32, #tpu.memory_space<hbm>> -> memref<160x128xi32, #tpu.memory_space<hbm>>
      %dma_start3A_973 = arith.constant 0 : i32
      %dma_start3A_974 = arith.constant 0 : i32
      %dma_start3A_975 = tpu.memref_slice %arg4[%arg1, %dma_start3A_973, %dma_start3A_974] : memref<16x160x128xi32, #tpu.memory_space<hbm>> -> memref<1x160x128xi32, #tpu.memory_space<hbm>>
      %dma_start3A_976 = tpu.memref_squeeze %dma_start3A_975 : memref<1x160x128xi32, #tpu.memory_space<hbm>> -> memref<160x128xi32, #tpu.memory_space<hbm>>
      tpu.enqueue_dma source(%dma_start3A_976 : memref<160x128xi32, #tpu.memory_space<hbm>>) target(%arg7 : memref<160x128xi32, #tpu.memory_space<vmem>>) target_semaphore(%run_scoped3A : memref<!tpu.dma_semaphore, #tpu.memory_space<semaphore_mem>>)
      %dma_wait3A = arith.constant 0 : i32
      %dma_wait3A_977 = arith.constant 0 : i32
      %dma_wait3A_978 = tpu.memref_slice %arg4[%arg1, %dma_wait3A, %dma_wait3A_977] : memref<16x160x128xi32, #tpu.memory_space<hbm>> -> memref<1x160x128xi32, #tpu.memory_space<hbm>>
      %dma_wait3A_979 = tpu.memref_squeeze %dma_wait3A_978 : memref<1x160x128xi32, #tpu.memory_space<hbm>> -> memref<160x128xi32, #tpu.memory_space<hbm>>
      %dma_wait3A_980 = arith.constant 0 : i32
      %dma_wait3A_981 = arith.constant 0 : i32
      %dma_wait3A_982 = tpu.memref_slice %arg4[%arg1, %dma_wait3A_980, %dma_wait3A_981] : memref<16x160x128xi32, #tpu.memory_space<hbm>> -> memref<1x160x128xi32, #tpu.memory_space<hbm>>
      %dma_wait3A_983 = tpu.memref_squeeze %dma_wait3A_982 : memref<1x160x128xi32, #tpu.memory_space<hbm>> -> memref<160x128xi32, #tpu.memory_space<hbm>>
      tpu.wait_dma2 semaphore(%run_scoped3A : memref<!tpu.dma_semaphore, #tpu.memory_space<semaphore_mem>>) src(%dma_wait3A_983 : memref<160x128xi32, #tpu.memory_space<hbm>>) dst(%arg7 : memref<160x128xi32, #tpu.memory_space<vmem>>)
      tpu.yield
    }) : () -> ()
    %mul3A = arith.constant 336 : i32
    %mul3A_768 = arith.muli %arg1, %mul3A : i32
    %add3A = arith.constant 0 : i32
    %add3A_769 = arith.addi %mul3A_768, %add3A : i32
    "tpu.region"() ({
      %run_scoped3A = tpu.sem_alloc : memref<!tpu.dma_semaphore, #tpu.memory_space<semaphore_mem>>
      %dma_start3A = arith.constant 0 : i32
      %dma_start3A_970 = tpu.memref_slice %arg11[%add3A_769, %dma_start3A] : memref<5376x128xf32, #tpu.memory_space<vmem_shared>> -> memref<16x128xf32, #tpu.memory_space<vmem_shared>>
      %dma_start3A_971 = arith.constant 0 : i32
      %dma_start3A_972 = tpu.memref_slice %arg11[%add3A_769, %dma_start3A_971] : memref<5376x128xf32, #tpu.memory_space<vmem_shared>> -> memref<16x128xf32, #tpu.memory_space<vmem_shared>>
      tpu.enqueue_dma source(%arg10 : memref<16x128xf32, #tpu.memory_space<vmem>>) target(%dma_start3A_972 : memref<16x128xf32, #tpu.memory_space<vmem_shared>>) target_semaphore(%run_scoped3A : memref<!tpu.dma_semaphore, #tpu.memory_space<semaphore_mem>>)
      %dma_wait3A = arith.constant 0 : i32
      %dma_wait3A_973 = tpu.memref_slice %arg11[%add3A_769, %dma_wait3A] : memref<5376x128xf32, #tpu.memory_space<vmem_shared>> -> memref<16x128xf32, #tpu.memory_space<vmem_shared>>
      %dma_wait3A_974 = arith.constant 0 : i32
      %dma_wait3A_975 = tpu.memref_slice %arg11[%add3A_769, %dma_wait3A_974] : memref<5376x128xf32, #tpu.memory_space<vmem_shared>> -> memref<16x128xf32, #tpu.memory_space<vmem_shared>>
      tpu.wait_dma2 semaphore(%run_scoped3A : memref<!tpu.dma_semaphore, #tpu.memory_space<semaphore_mem>>) src(%arg10 : memref<16x128xf32, #tpu.memory_space<vmem>>) dst(%dma_wait3A_975 : memref<16x128xf32, #tpu.memory_space<vmem_shared>>)
      tpu.yield
    }) : () -> ()
    %mul3A_770 = arith.constant 336 : i32
    %mul3A_771 = arith.muli %arg1, %mul3A_770 : i32
    %add3A_772 = arith.constant 16 : i32
    %add3A_773 = arith.addi %mul3A_771, %add3A_772 : i32
    "tpu.region"() ({
      %run_scoped3A = tpu.sem_alloc : memref<!tpu.dma_semaphore, #tpu.memory_space<semaphore_mem>>
      %dma_start3A = arith.constant 0 : i32
      %dma_start3A_970 = tpu.memref_slice %arg11[%add3A_773, %dma_start3A] : memref<5376x128xf32, #tpu.memory_space<vmem_shared>> -> memref<16x128xf32, #tpu.memory_space<vmem_shared>>
      %dma_start3A_971 = arith.constant 0 : i32
      %dma_start3A_972 = tpu.memref_slice %arg11[%add3A_773, %dma_start3A_971] : memref<5376x128xf32, #tpu.memory_space<vmem_shared>> -> memref<16x128xf32, #tpu.memory_space<vmem_shared>>
      tpu.enqueue_dma source(%arg10 : memref<16x128xf32, #tpu.memory_space<vmem>>) target(%dma_start3A_972 : memref<16x128xf32, #tpu.memory_space<vmem_shared>>) target_semaphore(%run_scoped3A : memref<!tpu.dma_semaphore, #tpu.memory_space<semaphore_mem>>)
      %dma_wait3A = arith.constant 0 : i32
      %dma_wait3A_973 = tpu.memref_slice %arg11[%add3A_773, %dma_wait3A] : memref<5376x128xf32, #tpu.memory_space<vmem_shared>> -> memref<16x128xf32, #tpu.memory_space<vmem_shared>>
      %dma_wait3A_974 = arith.constant 0 : i32
      %dma_wait3A_975 = tpu.memref_slice %arg11[%add3A_773, %dma_wait3A_974] : memref<5376x128xf32, #tpu.memory_space<vmem_shared>> -> memref<16x128xf32, #tpu.memory_space<vmem_shared>>
      tpu.wait_dma2 semaphore(%run_scoped3A : memref<!tpu.dma_semaphore, #tpu.memory_space<semaphore_mem>>) src(%arg10 : memref<16x128xf32, #tpu.memory_space<vmem>>) dst(%dma_wait3A_975 : memref<16x128xf32, #tpu.memory_space<vmem_shared>>)
      tpu.yield
    }) : () -> ()
    %mul3A_774 = arith.constant 336 : i32
    %mul3A_775 = arith.muli %arg1, %mul3A_774 : i32
    %add3A_776 = arith.constant 32 : i32
    %add3A_777 = arith.addi %mul3A_775, %add3A_776 : i32
    "tpu.region"() ({
      %run_scoped3A = tpu.sem_alloc : memref<!tpu.dma_semaphore, #tpu.memory_space<semaphore_mem>>
      %dma_start3A = arith.constant 0 : i32
      %dma_start3A_970 = tpu.memref_slice %arg11[%add3A_777, %dma_start3A] : memref<5376x128xf32, #tpu.memory_space<vmem_shared>> -> memref<16x128xf32, #tpu.memory_space<vmem_shared>>
      %dma_start3A_971 = arith.constant 0 : i32
      %dma_start3A_972 = tpu.memref_slice %arg11[%add3A_777, %dma_start3A_971] : memref<5376x128xf32, #tpu.memory_space<vmem_shared>> -> memref<16x128xf32, #tpu.memory_space<vmem_shared>>
      tpu.enqueue_dma source(%arg10 : memref<16x128xf32, #tpu.memory_space<vmem>>) target(%dma_start3A_972 : memref<16x128xf32, #tpu.memory_space<vmem_shared>>) target_semaphore(%run_scoped3A : memref<!tpu.dma_semaphore, #tpu.memory_space<semaphore_mem>>)
      %dma_wait3A = arith.constant 0 : i32
      %dma_wait3A_973 = tpu.memref_slice %arg11[%add3A_777, %dma_wait3A] : memref<5376x128xf32, #tpu.memory_space<vmem_shared>> -> memref<16x128xf32, #tpu.memory_space<vmem_shared>>
      %dma_wait3A_974 = arith.constant 0 : i32
      %dma_wait3A_975 = tpu.memref_slice %arg11[%add3A_777, %dma_wait3A_974] : memref<5376x128xf32, #tpu.memory_space<vmem_shared>> -> memref<16x128xf32, #tpu.memory_space<vmem_shared>>
      tpu.wait_dma2 semaphore(%run_scoped3A : memref<!tpu.dma_semaphore, #tpu.memory_space<semaphore_mem>>) src(%arg10 : memref<16x128xf32, #tpu.memory_space<vmem>>) dst(%dma_wait3A_975 : memref<16x128xf32, #tpu.memory_space<vmem_shared>>)
      tpu.yield
    }) : () -> ()
    %mul3A_778 = arith.constant 336 : i32
    %mul3A_779 = arith.muli %arg1, %mul3A_778 : i32
    %add3A_780 = arith.constant 48 : i32
    %add3A_781 = arith.addi %mul3A_779, %add3A_780 : i32
    "tpu.region"() ({
      %run_scoped3A = tpu.sem_alloc : memref<!tpu.dma_semaphore, #tpu.memory_space<semaphore_mem>>
      %dma_start3A = arith.constant 0 : i32
      %dma_start3A_970 = tpu.memref_slice %arg11[%add3A_781, %dma_start3A] : memref<5376x128xf32, #tpu.memory_space<vmem_shared>> -> memref<16x128xf32, #tpu.memory_space<vmem_shared>>
      %dma_start3A_971 = arith.constant 0 : i32
      %dma_start3A_972 = tpu.memref_slice %arg11[%add3A_781, %dma_start3A_971] : memref<5376x128xf32, #tpu.memory_space<vmem_shared>> -> memref<16x128xf32, #tpu.memory_space<vmem_shared>>
      tpu.enqueue_dma source(%arg10 : memref<16x128xf32, #tpu.memory_space<vmem>>) target(%dma_start3A_972 : memref<16x128xf32, #tpu.memory_space<vmem_shared>>) target_semaphore(%run_scoped3A : memref<!tpu.dma_semaphore, #tpu.memory_space<semaphore_mem>>)
      %dma_wait3A = arith.constant 0 : i32
      %dma_wait3A_973 = tpu.memref_slice %arg11[%add3A_781, %dma_wait3A] : memref<5376x128xf32, #tpu.memory_space<vmem_shared>> -> memref<16x128xf32, #tpu.memory_space<vmem_shared>>
      %dma_wait3A_974 = arith.constant 0 : i32
      %dma_wait3A_975 = tpu.memref_slice %arg11[%add3A_781, %dma_wait3A_974] : memref<5376x128xf32, #tpu.memory_space<vmem_shared>> -> memref<16x128xf32, #tpu.memory_space<vmem_shared>>
      tpu.wait_dma2 semaphore(%run_scoped3A : memref<!tpu.dma_semaphore, #tpu.memory_space<semaphore_mem>>) src(%arg10 : memref<16x128xf32, #tpu.memory_space<vmem>>) dst(%dma_wait3A_975 : memref<16x128xf32, #tpu.memory_space<vmem_shared>>)
      tpu.yield
    }) : () -> ()
    %mul3A_782 = arith.constant 336 : i32
    %mul3A_783 = arith.muli %arg1, %mul3A_782 : i32
    %add3A_784 = arith.constant 64 : i32
    %add3A_785 = arith.addi %mul3A_783, %add3A_784 : i32
    "tpu.region"() ({
      %run_scoped3A = tpu.sem_alloc : memref<!tpu.dma_semaphore, #tpu.memory_space<semaphore_mem>>
      %dma_start3A = arith.constant 0 : i32
      %dma_start3A_970 = tpu.memref_slice %arg11[%add3A_785, %dma_start3A] : memref<5376x128xf32, #tpu.memory_space<vmem_shared>> -> memref<16x128xf32, #tpu.memory_space<vmem_shared>>
      %dma_start3A_971 = arith.constant 0 : i32
      %dma_start3A_972 = tpu.memref_slice %arg11[%add3A_785, %dma_start3A_971] : memref<5376x128xf32, #tpu.memory_space<vmem_shared>> -> memref<16x128xf32, #tpu.memory_space<vmem_shared>>
      tpu.enqueue_dma source(%arg10 : memref<16x128xf32, #tpu.memory_space<vmem>>) target(%dma_start3A_972 : memref<16x128xf32, #tpu.memory_space<vmem_shared>>) target_semaphore(%run_scoped3A : memref<!tpu.dma_semaphore, #tpu.memory_space<semaphore_mem>>)
      %dma_wait3A = arith.constant 0 : i32
      %dma_wait3A_973 = tpu.memref_slice %arg11[%add3A_785, %dma_wait3A] : memref<5376x128xf32, #tpu.memory_space<vmem_shared>> -> memref<16x128xf32, #tpu.memory_space<vmem_shared>>
      %dma_wait3A_974 = arith.constant 0 : i32
      %dma_wait3A_975 = tpu.memref_slice %arg11[%add3A_785, %dma_wait3A_974] : memref<5376x128xf32, #tpu.memory_space<vmem_shared>> -> memref<16x128xf32, #tpu.memory_space<vmem_shared>>
      tpu.wait_dma2 semaphore(%run_scoped3A : memref<!tpu.dma_semaphore, #tpu.memory_space<semaphore_mem>>) src(%arg10 : memref<16x128xf32, #tpu.memory_space<vmem>>) dst(%dma_wait3A_975 : memref<16x128xf32, #tpu.memory_space<vmem_shared>>)
      tpu.yield
    }) : () -> ()
    %mul3A_786 = arith.constant 336 : i32
    %mul3A_787 = arith.muli %arg1, %mul3A_786 : i32
    %add3A_788 = arith.constant 80 : i32
    %add3A_789 = arith.addi %mul3A_787, %add3A_788 : i32
    "tpu.region"() ({
      %run_scoped3A = tpu.sem_alloc : memref<!tpu.dma_semaphore, #tpu.memory_space<semaphore_mem>>
      %dma_start3A = arith.constant 0 : i32
      %dma_start3A_970 = tpu.memref_slice %arg11[%add3A_789, %dma_start3A] : memref<5376x128xf32, #tpu.memory_space<vmem_shared>> -> memref<16x128xf32, #tpu.memory_space<vmem_shared>>
      %dma_start3A_971 = arith.constant 0 : i32
      %dma_start3A_972 = tpu.memref_slice %arg11[%add3A_789, %dma_start3A_971] : memref<5376x128xf32, #tpu.memory_space<vmem_shared>> -> memref<16x128xf32, #tpu.memory_space<vmem_shared>>
      tpu.enqueue_dma source(%arg10 : memref<16x128xf32, #tpu.memory_space<vmem>>) target(%dma_start3A_972 : memref<16x128xf32, #tpu.memory_space<vmem_shared>>) target_semaphore(%run_scoped3A : memref<!tpu.dma_semaphore, #tpu.memory_space<semaphore_mem>>)
      %dma_wait3A = arith.constant 0 : i32
      %dma_wait3A_973 = tpu.memref_slice %arg11[%add3A_789, %dma_wait3A] : memref<5376x128xf32, #tpu.memory_space<vmem_shared>> -> memref<16x128xf32, #tpu.memory_space<vmem_shared>>
      %dma_wait3A_974 = arith.constant 0 : i32
      %dma_wait3A_975 = tpu.memref_slice %arg11[%add3A_789, %dma_wait3A_974] : memref<5376x128xf32, #tpu.memory_space<vmem_shared>> -> memref<16x128xf32, #tpu.memory_space<vmem_shared>>
      tpu.wait_dma2 semaphore(%run_scoped3A : memref<!tpu.dma_semaphore, #tpu.memory_space<semaphore_mem>>) src(%arg10 : memref<16x128xf32, #tpu.memory_space<vmem>>) dst(%dma_wait3A_975 : memref<16x128xf32, #tpu.memory_space<vmem_shared>>)
      tpu.yield
    }) : () -> ()
    %mul3A_790 = arith.constant 336 : i32
    %mul3A_791 = arith.muli %arg1, %mul3A_790 : i32
    %add3A_792 = arith.constant 96 : i32
    %add3A_793 = arith.addi %mul3A_791, %add3A_792 : i32
    "tpu.region"() ({
      %run_scoped3A = tpu.sem_alloc : memref<!tpu.dma_semaphore, #tpu.memory_space<semaphore_mem>>
      %dma_start3A = arith.constant 0 : i32
      %dma_start3A_970 = tpu.memref_slice %arg11[%add3A_793, %dma_start3A] : memref<5376x128xf32, #tpu.memory_space<vmem_shared>> -> memref<16x128xf32, #tpu.memory_space<vmem_shared>>
      %dma_start3A_971 = arith.constant 0 : i32
      %dma_start3A_972 = tpu.memref_slice %arg11[%add3A_793, %dma_start3A_971] : memref<5376x128xf32, #tpu.memory_space<vmem_shared>> -> memref<16x128xf32, #tpu.memory_space<vmem_shared>>
      tpu.enqueue_dma source(%arg10 : memref<16x128xf32, #tpu.memory_space<vmem>>) target(%dma_start3A_972 : memref<16x128xf32, #tpu.memory_space<vmem_shared>>) target_semaphore(%run_scoped3A : memref<!tpu.dma_semaphore, #tpu.memory_space<semaphore_mem>>)
      %dma_wait3A = arith.constant 0 : i32
      %dma_wait3A_973 = tpu.memref_slice %arg11[%add3A_793, %dma_wait3A] : memref<5376x128xf32, #tpu.memory_space<vmem_shared>> -> memref<16x128xf32, #tpu.memory_space<vmem_shared>>
      %dma_wait3A_974 = arith.constant 0 : i32
      %dma_wait3A_975 = tpu.memref_slice %arg11[%add3A_793, %dma_wait3A_974] : memref<5376x128xf32, #tpu.memory_space<vmem_shared>> -> memref<16x128xf32, #tpu.memory_space<vmem_shared>>
      tpu.wait_dma2 semaphore(%run_scoped3A : memref<!tpu.dma_semaphore, #tpu.memory_space<semaphore_mem>>) src(%arg10 : memref<16x128xf32, #tpu.memory_space<vmem>>) dst(%dma_wait3A_975 : memref<16x128xf32, #tpu.memory_space<vmem_shared>>)
      tpu.yield
    }) : () -> ()
    %mul3A_794 = arith.constant 336 : i32
    %mul3A_795 = arith.muli %arg1, %mul3A_794 : i32
    %add3A_796 = arith.constant 112 : i32
    %add3A_797 = arith.addi %mul3A_795, %add3A_796 : i32
    "tpu.region"() ({
      %run_scoped3A = tpu.sem_alloc : memref<!tpu.dma_semaphore, #tpu.memory_space<semaphore_mem>>
      %dma_start3A = arith.constant 0 : i32
      %dma_start3A_970 = tpu.memref_slice %arg11[%add3A_797, %dma_start3A] : memref<5376x128xf32, #tpu.memory_space<vmem_shared>> -> memref<16x128xf32, #tpu.memory_space<vmem_shared>>
      %dma_start3A_971 = arith.constant 0 : i32
      %dma_start3A_972 = tpu.memref_slice %arg11[%add3A_797, %dma_start3A_971] : memref<5376x128xf32, #tpu.memory_space<vmem_shared>> -> memref<16x128xf32, #tpu.memory_space<vmem_shared>>
      tpu.enqueue_dma source(%arg10 : memref<16x128xf32, #tpu.memory_space<vmem>>) target(%dma_start3A_972 : memref<16x128xf32, #tpu.memory_space<vmem_shared>>) target_semaphore(%run_scoped3A : memref<!tpu.dma_semaphore, #tpu.memory_space<semaphore_mem>>)
      %dma_wait3A = arith.constant 0 : i32
      %dma_wait3A_973 = tpu.memref_slice %arg11[%add3A_797, %dma_wait3A] : memref<5376x128xf32, #tpu.memory_space<vmem_shared>> -> memref<16x128xf32, #tpu.memory_space<vmem_shared>>
      %dma_wait3A_974 = arith.constant 0 : i32
      %dma_wait3A_975 = tpu.memref_slice %arg11[%add3A_797, %dma_wait3A_974] : memref<5376x128xf32, #tpu.memory_space<vmem_shared>> -> memref<16x128xf32, #tpu.memory_space<vmem_shared>>
      tpu.wait_dma2 semaphore(%run_scoped3A : memref<!tpu.dma_semaphore, #tpu.memory_space<semaphore_mem>>) src(%arg10 : memref<16x128xf32, #tpu.memory_space<vmem>>) dst(%dma_wait3A_975 : memref<16x128xf32, #tpu.memory_space<vmem_shared>>)
      tpu.yield
    }) : () -> ()
    %mul3A_798 = arith.constant 336 : i32
    %mul3A_799 = arith.muli %arg1, %mul3A_798 : i32
    %add3A_800 = arith.constant 128 : i32
    %add3A_801 = arith.addi %mul3A_799, %add3A_800 : i32
    "tpu.region"() ({
      %run_scoped3A = tpu.sem_alloc : memref<!tpu.dma_semaphore, #tpu.memory_space<semaphore_mem>>
      %dma_start3A = arith.constant 0 : i32
      %dma_start3A_970 = tpu.memref_slice %arg11[%add3A_801, %dma_start3A] : memref<5376x128xf32, #tpu.memory_space<vmem_shared>> -> memref<16x128xf32, #tpu.memory_space<vmem_shared>>
      %dma_start3A_971 = arith.constant 0 : i32
      %dma_start3A_972 = tpu.memref_slice %arg11[%add3A_801, %dma_start3A_971] : memref<5376x128xf32, #tpu.memory_space<vmem_shared>> -> memref<16x128xf32, #tpu.memory_space<vmem_shared>>
      tpu.enqueue_dma source(%arg10 : memref<16x128xf32, #tpu.memory_space<vmem>>) target(%dma_start3A_972 : memref<16x128xf32, #tpu.memory_space<vmem_shared>>) target_semaphore(%run_scoped3A : memref<!tpu.dma_semaphore, #tpu.memory_space<semaphore_mem>>)
      %dma_wait3A = arith.constant 0 : i32
      %dma_wait3A_973 = tpu.memref_slice %arg11[%add3A_801, %dma_wait3A] : memref<5376x128xf32, #tpu.memory_space<vmem_shared>> -> memref<16x128xf32, #tpu.memory_space<vmem_shared>>
      %dma_wait3A_974 = arith.constant 0 : i32
      %dma_wait3A_975 = tpu.memref_slice %arg11[%add3A_801, %dma_wait3A_974] : memref<5376x128xf32, #tpu.memory_space<vmem_shared>> -> memref<16x128xf32, #tpu.memory_space<vmem_shared>>
      tpu.wait_dma2 semaphore(%run_scoped3A : memref<!tpu.dma_semaphore, #tpu.memory_space<semaphore_mem>>) src(%arg10 : memref<16x128xf32, #tpu.memory_space<vmem>>) dst(%dma_wait3A_975 : memref<16x128xf32, #tpu.memory_space<vmem_shared>>)
      tpu.yield
    }) : () -> ()
    %mul3A_802 = arith.constant 336 : i32
    %mul3A_803 = arith.muli %arg1, %mul3A_802 : i32
    %add3A_804 = arith.constant 144 : i32
    %add3A_805 = arith.addi %mul3A_803, %add3A_804 : i32
    "tpu.region"() ({
      %run_scoped3A = tpu.sem_alloc : memref<!tpu.dma_semaphore, #tpu.memory_space<semaphore_mem>>
      %dma_start3A = arith.constant 0 : i32
      %dma_start3A_970 = tpu.memref_slice %arg11[%add3A_805, %dma_start3A] : memref<5376x128xf32, #tpu.memory_space<vmem_shared>> -> memref<16x128xf32, #tpu.memory_space<vmem_shared>>
      %dma_start3A_971 = arith.constant 0 : i32
      %dma_start3A_972 = tpu.memref_slice %arg11[%add3A_805, %dma_start3A_971] : memref<5376x128xf32, #tpu.memory_space<vmem_shared>> -> memref<16x128xf32, #tpu.memory_space<vmem_shared>>
      tpu.enqueue_dma source(%arg10 : memref<16x128xf32, #tpu.memory_space<vmem>>) target(%dma_start3A_972 : memref<16x128xf32, #tpu.memory_space<vmem_shared>>) target_semaphore(%run_scoped3A : memref<!tpu.dma_semaphore, #tpu.memory_space<semaphore_mem>>)
      %dma_wait3A = arith.constant 0 : i32
      %dma_wait3A_973 = tpu.memref_slice %arg11[%add3A_805, %dma_wait3A] : memref<5376x128xf32, #tpu.memory_space<vmem_shared>> -> memref<16x128xf32, #tpu.memory_space<vmem_shared>>
      %dma_wait3A_974 = arith.constant 0 : i32
      %dma_wait3A_975 = tpu.memref_slice %arg11[%add3A_805, %dma_wait3A_974] : memref<5376x128xf32, #tpu.memory_space<vmem_shared>> -> memref<16x128xf32, #tpu.memory_space<vmem_shared>>
      tpu.wait_dma2 semaphore(%run_scoped3A : memref<!tpu.dma_semaphore, #tpu.memory_space<semaphore_mem>>) src(%arg10 : memref<16x128xf32, #tpu.memory_space<vmem>>) dst(%dma_wait3A_975 : memref<16x128xf32, #tpu.memory_space<vmem_shared>>)
      tpu.yield
    }) : () -> ()
    %mul3A_806 = arith.constant 336 : i32
    %mul3A_807 = arith.muli %arg1, %mul3A_806 : i32
    %add3A_808 = arith.constant 160 : i32
    %add3A_809 = arith.addi %mul3A_807, %add3A_808 : i32
    "tpu.region"() ({
      %run_scoped3A = tpu.sem_alloc : memref<!tpu.dma_semaphore, #tpu.memory_space<semaphore_mem>>
      %dma_start3A = arith.constant 0 : i32
      %dma_start3A_970 = tpu.memref_slice %arg11[%add3A_809, %dma_start3A] : memref<5376x128xf32, #tpu.memory_space<vmem_shared>> -> memref<16x128xf32, #tpu.memory_space<vmem_shared>>
      %dma_start3A_971 = arith.constant 0 : i32
      %dma_start3A_972 = tpu.memref_slice %arg11[%add3A_809, %dma_start3A_971] : memref<5376x128xf32, #tpu.memory_space<vmem_shared>> -> memref<16x128xf32, #tpu.memory_space<vmem_shared>>
      tpu.enqueue_dma source(%arg10 : memref<16x128xf32, #tpu.memory_space<vmem>>) target(%dma_start3A_972 : memref<16x128xf32, #tpu.memory_space<vmem_shared>>) target_semaphore(%run_scoped3A : memref<!tpu.dma_semaphore, #tpu.memory_space<semaphore_mem>>)
      %dma_wait3A = arith.constant 0 : i32
      %dma_wait3A_973 = tpu.memref_slice %arg11[%add3A_809, %dma_wait3A] : memref<5376x128xf32, #tpu.memory_space<vmem_shared>> -> memref<16x128xf32, #tpu.memory_space<vmem_shared>>
      %dma_wait3A_974 = arith.constant 0 : i32
      %dma_wait3A_975 = tpu.memref_slice %arg11[%add3A_809, %dma_wait3A_974] : memref<5376x128xf32, #tpu.memory_space<vmem_shared>> -> memref<16x128xf32, #tpu.memory_space<vmem_shared>>
      tpu.wait_dma2 semaphore(%run_scoped3A : memref<!tpu.dma_semaphore, #tpu.memory_space<semaphore_mem>>) src(%arg10 : memref<16x128xf32, #tpu.memory_space<vmem>>) dst(%dma_wait3A_975 : memref<16x128xf32, #tpu.memory_space<vmem_shared>>)
      tpu.yield
    }) : () -> ()
    %mul3A_810 = arith.constant 336 : i32
    %mul3A_811 = arith.muli %arg1, %mul3A_810 : i32
    %add3A_812 = arith.constant 176 : i32
    %add3A_813 = arith.addi %mul3A_811, %add3A_812 : i32
    "tpu.region"() ({
      %run_scoped3A = tpu.sem_alloc : memref<!tpu.dma_semaphore, #tpu.memory_space<semaphore_mem>>
      %dma_start3A = arith.constant 0 : i32
      %dma_start3A_970 = tpu.memref_slice %arg11[%add3A_813, %dma_start3A] : memref<5376x128xf32, #tpu.memory_space<vmem_shared>> -> memref<16x128xf32, #tpu.memory_space<vmem_shared>>
      %dma_start3A_971 = arith.constant 0 : i32
      %dma_start3A_972 = tpu.memref_slice %arg11[%add3A_813, %dma_start3A_971] : memref<5376x128xf32, #tpu.memory_space<vmem_shared>> -> memref<16x128xf32, #tpu.memory_space<vmem_shared>>
      tpu.enqueue_dma source(%arg10 : memref<16x128xf32, #tpu.memory_space<vmem>>) target(%dma_start3A_972 : memref<16x128xf32, #tpu.memory_space<vmem_shared>>) target_semaphore(%run_scoped3A : memref<!tpu.dma_semaphore, #tpu.memory_space<semaphore_mem>>)
      %dma_wait3A = arith.constant 0 : i32
      %dma_wait3A_973 = tpu.memref_slice %arg11[%add3A_813, %dma_wait3A] : memref<5376x128xf32, #tpu.memory_space<vmem_shared>> -> memref<16x128xf32, #tpu.memory_space<vmem_shared>>
      %dma_wait3A_974 = arith.constant 0 : i32
      %dma_wait3A_975 = tpu.memref_slice %arg11[%add3A_813, %dma_wait3A_974] : memref<5376x128xf32, #tpu.memory_space<vmem_shared>> -> memref<16x128xf32, #tpu.memory_space<vmem_shared>>
      tpu.wait_dma2 semaphore(%run_scoped3A : memref<!tpu.dma_semaphore, #tpu.memory_space<semaphore_mem>>) src(%arg10 : memref<16x128xf32, #tpu.memory_space<vmem>>) dst(%dma_wait3A_975 : memref<16x128xf32, #tpu.memory_space<vmem_shared>>)
      tpu.yield
    }) : () -> ()
    %mul3A_814 = arith.constant 336 : i32
    %mul3A_815 = arith.muli %arg1, %mul3A_814 : i32
    %add3A_816 = arith.constant 192 : i32
    %add3A_817 = arith.addi %mul3A_815, %add3A_816 : i32
    "tpu.region"() ({
      %run_scoped3A = tpu.sem_alloc : memref<!tpu.dma_semaphore, #tpu.memory_space<semaphore_mem>>
      %dma_start3A = arith.constant 0 : i32
      %dma_start3A_970 = tpu.memref_slice %arg11[%add3A_817, %dma_start3A] : memref<5376x128xf32, #tpu.memory_space<vmem_shared>> -> memref<16x128xf32, #tpu.memory_space<vmem_shared>>
      %dma_start3A_971 = arith.constant 0 : i32
      %dma_start3A_972 = tpu.memref_slice %arg11[%add3A_817, %dma_start3A_971] : memref<5376x128xf32, #tpu.memory_space<vmem_shared>> -> memref<16x128xf32, #tpu.memory_space<vmem_shared>>
      tpu.enqueue_dma source(%arg10 : memref<16x128xf32, #tpu.memory_space<vmem>>) target(%dma_start3A_972 : memref<16x128xf32, #tpu.memory_space<vmem_shared>>) target_semaphore(%run_scoped3A : memref<!tpu.dma_semaphore, #tpu.memory_space<semaphore_mem>>)
      %dma_wait3A = arith.constant 0 : i32
      %dma_wait3A_973 = tpu.memref_slice %arg11[%add3A_817, %dma_wait3A] : memref<5376x128xf32, #tpu.memory_space<vmem_shared>> -> memref<16x128xf32, #tpu.memory_space<vmem_shared>>
      %dma_wait3A_974 = arith.constant 0 : i32
      %dma_wait3A_975 = tpu.memref_slice %arg11[%add3A_817, %dma_wait3A_974] : memref<5376x128xf32, #tpu.memory_space<vmem_shared>> -> memref<16x128xf32, #tpu.memory_space<vmem_shared>>
      tpu.wait_dma2 semaphore(%run_scoped3A : memref<!tpu.dma_semaphore, #tpu.memory_space<semaphore_mem>>) src(%arg10 : memref<16x128xf32, #tpu.memory_space<vmem>>) dst(%dma_wait3A_975 : memref<16x128xf32, #tpu.memory_space<vmem_shared>>)
      tpu.yield
    }) : () -> ()
    %mul3A_818 = arith.constant 336 : i32
    %mul3A_819 = arith.muli %arg1, %mul3A_818 : i32
    %add3A_820 = arith.constant 208 : i32
    %add3A_821 = arith.addi %mul3A_819, %add3A_820 : i32
    "tpu.region"() ({
      %run_scoped3A = tpu.sem_alloc : memref<!tpu.dma_semaphore, #tpu.memory_space<semaphore_mem>>
      %dma_start3A = arith.constant 0 : i32
      %dma_start3A_970 = tpu.memref_slice %arg11[%add3A_821, %dma_start3A] : memref<5376x128xf32, #tpu.memory_space<vmem_shared>> -> memref<16x128xf32, #tpu.memory_space<vmem_shared>>
      %dma_start3A_971 = arith.constant 0 : i32
      %dma_start3A_972 = tpu.memref_slice %arg11[%add3A_821, %dma_start3A_971] : memref<5376x128xf32, #tpu.memory_space<vmem_shared>> -> memref<16x128xf32, #tpu.memory_space<vmem_shared>>
      tpu.enqueue_dma source(%arg10 : memref<16x128xf32, #tpu.memory_space<vmem>>) target(%dma_start3A_972 : memref<16x128xf32, #tpu.memory_space<vmem_shared>>) target_semaphore(%run_scoped3A : memref<!tpu.dma_semaphore, #tpu.memory_space<semaphore_mem>>)
      %dma_wait3A = arith.constant 0 : i32
      %dma_wait3A_973 = tpu.memref_slice %arg11[%add3A_821, %dma_wait3A] : memref<5376x128xf32, #tpu.memory_space<vmem_shared>> -> memref<16x128xf32, #tpu.memory_space<vmem_shared>>
      %dma_wait3A_974 = arith.constant 0 : i32
      %dma_wait3A_975 = tpu.memref_slice %arg11[%add3A_821, %dma_wait3A_974] : memref<5376x128xf32, #tpu.memory_space<vmem_shared>> -> memref<16x128xf32, #tpu.memory_space<vmem_shared>>
      tpu.wait_dma2 semaphore(%run_scoped3A : memref<!tpu.dma_semaphore, #tpu.memory_space<semaphore_mem>>) src(%arg10 : memref<16x128xf32, #tpu.memory_space<vmem>>) dst(%dma_wait3A_975 : memref<16x128xf32, #tpu.memory_space<vmem_shared>>)
      tpu.yield
    }) : () -> ()
    %mul3A_822 = arith.constant 336 : i32
    %mul3A_823 = arith.muli %arg1, %mul3A_822 : i32
    %add3A_824 = arith.constant 224 : i32
    %add3A_825 = arith.addi %mul3A_823, %add3A_824 : i32
    "tpu.region"() ({
      %run_scoped3A = tpu.sem_alloc : memref<!tpu.dma_semaphore, #tpu.memory_space<semaphore_mem>>
      %dma_start3A = arith.constant 0 : i32
      %dma_start3A_970 = tpu.memref_slice %arg11[%add3A_825, %dma_start3A] : memref<5376x128xf32, #tpu.memory_space<vmem_shared>> -> memref<16x128xf32, #tpu.memory_space<vmem_shared>>
      %dma_start3A_971 = arith.constant 0 : i32
      %dma_start3A_972 = tpu.memref_slice %arg11[%add3A_825, %dma_start3A_971] : memref<5376x128xf32, #tpu.memory_space<vmem_shared>> -> memref<16x128xf32, #tpu.memory_space<vmem_shared>>
      tpu.enqueue_dma source(%arg10 : memref<16x128xf32, #tpu.memory_space<vmem>>) target(%dma_start3A_972 : memref<16x128xf32, #tpu.memory_space<vmem_shared>>) target_semaphore(%run_scoped3A : memref<!tpu.dma_semaphore, #tpu.memory_space<semaphore_mem>>)
      %dma_wait3A = arith.constant 0 : i32
      %dma_wait3A_973 = tpu.memref_slice %arg11[%add3A_825, %dma_wait3A] : memref<5376x128xf32, #tpu.memory_space<vmem_shared>> -> memref<16x128xf32, #tpu.memory_space<vmem_shared>>
      %dma_wait3A_974 = arith.constant 0 : i32
      %dma_wait3A_975 = tpu.memref_slice %arg11[%add3A_825, %dma_wait3A_974] : memref<5376x128xf32, #tpu.memory_space<vmem_shared>> -> memref<16x128xf32, #tpu.memory_space<vmem_shared>>
      tpu.wait_dma2 semaphore(%run_scoped3A : memref<!tpu.dma_semaphore, #tpu.memory_space<semaphore_mem>>) src(%arg10 : memref<16x128xf32, #tpu.memory_space<vmem>>) dst(%dma_wait3A_975 : memref<16x128xf32, #tpu.memory_space<vmem_shared>>)
      tpu.yield
    }) : () -> ()
    %mul3A_826 = arith.constant 336 : i32
    %mul3A_827 = arith.muli %arg1, %mul3A_826 : i32
    %add3A_828 = arith.constant 240 : i32
    %add3A_829 = arith.addi %mul3A_827, %add3A_828 : i32
    "tpu.region"() ({
      %run_scoped3A = tpu.sem_alloc : memref<!tpu.dma_semaphore, #tpu.memory_space<semaphore_mem>>
      %dma_start3A = arith.constant 0 : i32
      %dma_start3A_970 = tpu.memref_slice %arg11[%add3A_829, %dma_start3A] : memref<5376x128xf32, #tpu.memory_space<vmem_shared>> -> memref<16x128xf32, #tpu.memory_space<vmem_shared>>
      %dma_start3A_971 = arith.constant 0 : i32
      %dma_start3A_972 = tpu.memref_slice %arg11[%add3A_829, %dma_start3A_971] : memref<5376x128xf32, #tpu.memory_space<vmem_shared>> -> memref<16x128xf32, #tpu.memory_space<vmem_shared>>
      tpu.enqueue_dma source(%arg10 : memref<16x128xf32, #tpu.memory_space<vmem>>) target(%dma_start3A_972 : memref<16x128xf32, #tpu.memory_space<vmem_shared>>) target_semaphore(%run_scoped3A : memref<!tpu.dma_semaphore, #tpu.memory_space<semaphore_mem>>)
      %dma_wait3A = arith.constant 0 : i32
      %dma_wait3A_973 = tpu.memref_slice %arg11[%add3A_829, %dma_wait3A] : memref<5376x128xf32, #tpu.memory_space<vmem_shared>> -> memref<16x128xf32, #tpu.memory_space<vmem_shared>>
      %dma_wait3A_974 = arith.constant 0 : i32
      %dma_wait3A_975 = tpu.memref_slice %arg11[%add3A_829, %dma_wait3A_974] : memref<5376x128xf32, #tpu.memory_space<vmem_shared>> -> memref<16x128xf32, #tpu.memory_space<vmem_shared>>
      tpu.wait_dma2 semaphore(%run_scoped3A : memref<!tpu.dma_semaphore, #tpu.memory_space<semaphore_mem>>) src(%arg10 : memref<16x128xf32, #tpu.memory_space<vmem>>) dst(%dma_wait3A_975 : memref<16x128xf32, #tpu.memory_space<vmem_shared>>)
      tpu.yield
    }) : () -> ()
    %mul3A_830 = arith.constant 336 : i32
    %mul3A_831 = arith.muli %arg1, %mul3A_830 : i32
    %add3A_832 = arith.constant 256 : i32
    %add3A_833 = arith.addi %mul3A_831, %add3A_832 : i32
    "tpu.region"() ({
      %run_scoped3A = tpu.sem_alloc : memref<!tpu.dma_semaphore, #tpu.memory_space<semaphore_mem>>
      %dma_start3A = arith.constant 0 : i32
      %dma_start3A_970 = tpu.memref_slice %arg11[%add3A_833, %dma_start3A] : memref<5376x128xf32, #tpu.memory_space<vmem_shared>> -> memref<16x128xf32, #tpu.memory_space<vmem_shared>>
      %dma_start3A_971 = arith.constant 0 : i32
      %dma_start3A_972 = tpu.memref_slice %arg11[%add3A_833, %dma_start3A_971] : memref<5376x128xf32, #tpu.memory_space<vmem_shared>> -> memref<16x128xf32, #tpu.memory_space<vmem_shared>>
      tpu.enqueue_dma source(%arg10 : memref<16x128xf32, #tpu.memory_space<vmem>>) target(%dma_start3A_972 : memref<16x128xf32, #tpu.memory_space<vmem_shared>>) target_semaphore(%run_scoped3A : memref<!tpu.dma_semaphore, #tpu.memory_space<semaphore_mem>>)
      %dma_wait3A = arith.constant 0 : i32
      %dma_wait3A_973 = tpu.memref_slice %arg11[%add3A_833, %dma_wait3A] : memref<5376x128xf32, #tpu.memory_space<vmem_shared>> -> memref<16x128xf32, #tpu.memory_space<vmem_shared>>
      %dma_wait3A_974 = arith.constant 0 : i32
      %dma_wait3A_975 = tpu.memref_slice %arg11[%add3A_833, %dma_wait3A_974] : memref<5376x128xf32, #tpu.memory_space<vmem_shared>> -> memref<16x128xf32, #tpu.memory_space<vmem_shared>>
      tpu.wait_dma2 semaphore(%run_scoped3A : memref<!tpu.dma_semaphore, #tpu.memory_space<semaphore_mem>>) src(%arg10 : memref<16x128xf32, #tpu.memory_space<vmem>>) dst(%dma_wait3A_975 : memref<16x128xf32, #tpu.memory_space<vmem_shared>>)
      tpu.yield
    }) : () -> ()
    %mul3A_834 = arith.constant 336 : i32
    %mul3A_835 = arith.muli %arg1, %mul3A_834 : i32
    %add3A_836 = arith.constant 272 : i32
    %add3A_837 = arith.addi %mul3A_835, %add3A_836 : i32
    "tpu.region"() ({
      %run_scoped3A = tpu.sem_alloc : memref<!tpu.dma_semaphore, #tpu.memory_space<semaphore_mem>>
      %dma_start3A = arith.constant 0 : i32
      %dma_start3A_970 = tpu.memref_slice %arg11[%add3A_837, %dma_start3A] : memref<5376x128xf32, #tpu.memory_space<vmem_shared>> -> memref<16x128xf32, #tpu.memory_space<vmem_shared>>
      %dma_start3A_971 = arith.constant 0 : i32
      %dma_start3A_972 = tpu.memref_slice %arg11[%add3A_837, %dma_start3A_971] : memref<5376x128xf32, #tpu.memory_space<vmem_shared>> -> memref<16x128xf32, #tpu.memory_space<vmem_shared>>
      tpu.enqueue_dma source(%arg10 : memref<16x128xf32, #tpu.memory_space<vmem>>) target(%dma_start3A_972 : memref<16x128xf32, #tpu.memory_space<vmem_shared>>) target_semaphore(%run_scoped3A : memref<!tpu.dma_semaphore, #tpu.memory_space<semaphore_mem>>)
      %dma_wait3A = arith.constant 0 : i32
      %dma_wait3A_973 = tpu.memref_slice %arg11[%add3A_837, %dma_wait3A] : memref<5376x128xf32, #tpu.memory_space<vmem_shared>> -> memref<16x128xf32, #tpu.memory_space<vmem_shared>>
      %dma_wait3A_974 = arith.constant 0 : i32
      %dma_wait3A_975 = tpu.memref_slice %arg11[%add3A_837, %dma_wait3A_974] : memref<5376x128xf32, #tpu.memory_space<vmem_shared>> -> memref<16x128xf32, #tpu.memory_space<vmem_shared>>
      tpu.wait_dma2 semaphore(%run_scoped3A : memref<!tpu.dma_semaphore, #tpu.memory_space<semaphore_mem>>) src(%arg10 : memref<16x128xf32, #tpu.memory_space<vmem>>) dst(%dma_wait3A_975 : memref<16x128xf32, #tpu.memory_space<vmem_shared>>)
      tpu.yield
    }) : () -> ()
    %mul3A_838 = arith.constant 336 : i32
    %mul3A_839 = arith.muli %arg1, %mul3A_838 : i32
    %add3A_840 = arith.constant 288 : i32
    %add3A_841 = arith.addi %mul3A_839, %add3A_840 : i32
    "tpu.region"() ({
      %run_scoped3A = tpu.sem_alloc : memref<!tpu.dma_semaphore, #tpu.memory_space<semaphore_mem>>
      %dma_start3A = arith.constant 0 : i32
      %dma_start3A_970 = tpu.memref_slice %arg11[%add3A_841, %dma_start3A] : memref<5376x128xf32, #tpu.memory_space<vmem_shared>> -> memref<16x128xf32, #tpu.memory_space<vmem_shared>>
      %dma_start3A_971 = arith.constant 0 : i32
      %dma_start3A_972 = tpu.memref_slice %arg11[%add3A_841, %dma_start3A_971] : memref<5376x128xf32, #tpu.memory_space<vmem_shared>> -> memref<16x128xf32, #tpu.memory_space<vmem_shared>>
      tpu.enqueue_dma source(%arg10 : memref<16x128xf32, #tpu.memory_space<vmem>>) target(%dma_start3A_972 : memref<16x128xf32, #tpu.memory_space<vmem_shared>>) target_semaphore(%run_scoped3A : memref<!tpu.dma_semaphore, #tpu.memory_space<semaphore_mem>>)
      %dma_wait3A = arith.constant 0 : i32
      %dma_wait3A_973 = tpu.memref_slice %arg11[%add3A_841, %dma_wait3A] : memref<5376x128xf32, #tpu.memory_space<vmem_shared>> -> memref<16x128xf32, #tpu.memory_space<vmem_shared>>
      %dma_wait3A_974 = arith.constant 0 : i32
      %dma_wait3A_975 = tpu.memref_slice %arg11[%add3A_841, %dma_wait3A_974] : memref<5376x128xf32, #tpu.memory_space<vmem_shared>> -> memref<16x128xf32, #tpu.memory_space<vmem_shared>>
      tpu.wait_dma2 semaphore(%run_scoped3A : memref<!tpu.dma_semaphore, #tpu.memory_space<semaphore_mem>>) src(%arg10 : memref<16x128xf32, #tpu.memory_space<vmem>>) dst(%dma_wait3A_975 : memref<16x128xf32, #tpu.memory_space<vmem_shared>>)
      tpu.yield
    }) : () -> ()
    %mul3A_842 = arith.constant 336 : i32
    %mul3A_843 = arith.muli %arg1, %mul3A_842 : i32
    %add3A_844 = arith.constant 304 : i32
    %add3A_845 = arith.addi %mul3A_843, %add3A_844 : i32
    "tpu.region"() ({
      %run_scoped3A = tpu.sem_alloc : memref<!tpu.dma_semaphore, #tpu.memory_space<semaphore_mem>>
      %dma_start3A = arith.constant 0 : i32
      %dma_start3A_970 = tpu.memref_slice %arg11[%add3A_845, %dma_start3A] : memref<5376x128xf32, #tpu.memory_space<vmem_shared>> -> memref<16x128xf32, #tpu.memory_space<vmem_shared>>
      %dma_start3A_971 = arith.constant 0 : i32
      %dma_start3A_972 = tpu.memref_slice %arg11[%add3A_845, %dma_start3A_971] : memref<5376x128xf32, #tpu.memory_space<vmem_shared>> -> memref<16x128xf32, #tpu.memory_space<vmem_shared>>
      tpu.enqueue_dma source(%arg10 : memref<16x128xf32, #tpu.memory_space<vmem>>) target(%dma_start3A_972 : memref<16x128xf32, #tpu.memory_space<vmem_shared>>) target_semaphore(%run_scoped3A : memref<!tpu.dma_semaphore, #tpu.memory_space<semaphore_mem>>)
      %dma_wait3A = arith.constant 0 : i32
      %dma_wait3A_973 = tpu.memref_slice %arg11[%add3A_845, %dma_wait3A] : memref<5376x128xf32, #tpu.memory_space<vmem_shared>> -> memref<16x128xf32, #tpu.memory_space<vmem_shared>>
      %dma_wait3A_974 = arith.constant 0 : i32
      %dma_wait3A_975 = tpu.memref_slice %arg11[%add3A_845, %dma_wait3A_974] : memref<5376x128xf32, #tpu.memory_space<vmem_shared>> -> memref<16x128xf32, #tpu.memory_space<vmem_shared>>
      tpu.wait_dma2 semaphore(%run_scoped3A : memref<!tpu.dma_semaphore, #tpu.memory_space<semaphore_mem>>) src(%arg10 : memref<16x128xf32, #tpu.memory_space<vmem>>) dst(%dma_wait3A_975 : memref<16x128xf32, #tpu.memory_space<vmem_shared>>)
      tpu.yield
    }) : () -> ()
    %mul3A_846 = arith.constant 336 : i32
    %mul3A_847 = arith.muli %arg1, %mul3A_846 : i32
    %add3A_848 = arith.constant 320 : i32
    %add3A_849 = arith.addi %mul3A_847, %add3A_848 : i32
    "tpu.region"() ({
      %run_scoped3A = tpu.sem_alloc : memref<!tpu.dma_semaphore, #tpu.memory_space<semaphore_mem>>
      %dma_start3A = arith.constant 0 : i32
      %dma_start3A_970 = tpu.memref_slice %arg11[%add3A_849, %dma_start3A] : memref<5376x128xf32, #tpu.memory_space<vmem_shared>> -> memref<16x128xf32, #tpu.memory_space<vmem_shared>>
      %dma_start3A_971 = arith.constant 0 : i32
      %dma_start3A_972 = tpu.memref_slice %arg11[%add3A_849, %dma_start3A_971] : memref<5376x128xf32, #tpu.memory_space<vmem_shared>> -> memref<16x128xf32, #tpu.memory_space<vmem_shared>>
      tpu.enqueue_dma source(%arg10 : memref<16x128xf32, #tpu.memory_space<vmem>>) target(%dma_start3A_972 : memref<16x128xf32, #tpu.memory_space<vmem_shared>>) target_semaphore(%run_scoped3A : memref<!tpu.dma_semaphore, #tpu.memory_space<semaphore_mem>>)
      %dma_wait3A = arith.constant 0 : i32
      %dma_wait3A_973 = tpu.memref_slice %arg11[%add3A_849, %dma_wait3A] : memref<5376x128xf32, #tpu.memory_space<vmem_shared>> -> memref<16x128xf32, #tpu.memory_space<vmem_shared>>
      %dma_wait3A_974 = arith.constant 0 : i32
      %dma_wait3A_975 = tpu.memref_slice %arg11[%add3A_849, %dma_wait3A_974] : memref<5376x128xf32, #tpu.memory_space<vmem_shared>> -> memref<16x128xf32, #tpu.memory_space<vmem_shared>>
      tpu.wait_dma2 semaphore(%run_scoped3A : memref<!tpu.dma_semaphore, #tpu.memory_space<semaphore_mem>>) src(%arg10 : memref<16x128xf32, #tpu.memory_space<vmem>>) dst(%dma_wait3A_975 : memref<16x128xf32, #tpu.memory_space<vmem_shared>>)
      tpu.yield
    }) : () -> ()
    %scan3A = arith.constant 0 : i32
    %scan3A_850 = arith.constant 160 : i32
    %scan3A_851 = arith.addi %scan3A, %scan3A_850 : i32
    %scan3A_852 = arith.constant 1 : i32
    scf.for %scan3A_970 = %scan3A to %scan3A_851 step %scan3A_852  : i32 {
      %get3A = arith.index_cast %scan3A_970 : i32 to index
      %get3A_971 = arith.constant 0 : index
      %get3A_972 = tpu.vector_load %arg7[%get3A, %get3A_971] {strides = array<i32>} : memref<160x128xi32, #tpu.memory_space<vmem>>, vector<1x16xi32>,
      %get3A_973 = vector.shape_cast %get3A_972 : vector<1x16xi32> to vector<16xi32>
      %sub3A = arith.constant 0 : i32
      %sub3A_974 = vector.broadcast %sub3A : i32 to vector<16xi32>
      %sub3A_975 = arith.subi %get3A_973, %sub3A_974 : vector<16xi32>
      %ge3A = arith.constant 0 : i32
      %ge3A_976 = vector.broadcast %ge3A : i32 to vector<16xi32>
      %ge3A_977 = arith.cmpi sge, %sub3A_975, %ge3A_976 : vector<16xi32>
      %lt3A = arith.constant 5120 : i32
      %lt3A_978 = vector.broadcast %lt3A : i32 to vector<16xi32>
      %lt3A_979 = arith.cmpi slt, %sub3A_975, %lt3A_978 : vector<16xi32>
      %and3A = arith.andi %ge3A_977, %lt3A_979 : vector<16xi1>
      %and3A_980 = arith.constant 63 : i32
      %and3A_981 = vector.broadcast %and3A_980 : i32 to vector<16xi32>
      %and3A_982 = arith.andi %get3A_973, %and3A_981 : vector<16xi32>
      %add3A_983 = arith.constant 5120 : i32
      %add3A_984 = vector.broadcast %add3A_983 : i32 to vector<16xi32>
      %add3A_985 = arith.addi %add3A_984, %and3A_982 : vector<16xi32>
      %select_n3A = arith.select %and3A, %sub3A_975, %add3A_985 : vector<16xi1>, vector<16xi32>
      %swap3A_986 = arith.index_cast %scan3A_970 : i32 to index
      %swap3A_987 = arith.constant 0 : index
      %swap3A_988 = tpu.vector_load %arg8[%swap3A_986, %swap3A_987] {strides = array<i32>} : memref<160x128xi32, #tpu.memory_space<vmem>>, vector<1x16xi32>,
      %swap3A_989 = vector.shape_cast %swap3A_988 : vector<1x16xi32> to vector<16xi32>
      %swap3A_990 = vector.shape_cast %select_n3A : vector<16xi32> to vector<1x16xi32>
      tpu.vector_store %arg8[%swap3A_986, %swap3A_987], %swap3A_990 {strides = array<i32>} : memref<160x128xi32, #tpu.memory_space<vmem>>, vector<1x16xi32>,
      %get3A_991 = arith.index_cast %scan3A_970 : i32 to index
      %get3A_992 = arith.constant 16 : index
      %get3A_993 = tpu.vector_load %arg7[%get3A_991, %get3A_992] {strides = array<i32>} : memref<160x128xi32, #tpu.memory_space<vmem>>, vector<1x16xi32>,
      %get3A_994 = vector.shape_cast %get3A_993 : vector<1x16xi32> to vector<16xi32>
      %sub3A_995 = arith.constant 0 : i32
      %sub3A_996 = vector.broadcast %sub3A_995 : i32 to vector<16xi32>
      %sub3A_997 = arith.subi %get3A_994, %sub3A_996 : vector<16xi32>
      %ge3A_998 = arith.constant 0 : i32
      %ge3A_999 = vector.broadcast %ge3A_998 : i32 to vector<16xi32>
      %ge3A_1000 = arith.cmpi sge, %sub3A_997, %ge3A_999 : vector<16xi32>
      %lt3A_1001 = arith.constant 5120 : i32
      %lt3A_1002 = vector.broadcast %lt3A_1001 : i32 to vector<16xi32>
      %lt3A_1003 = arith.cmpi slt, %sub3A_997, %lt3A_1002 : vector<16xi32>
      %and3A_1004 = arith.andi %ge3A_1000, %lt3A_1003 : vector<16xi1>
      %and3A_1005 = arith.constant 63 : i32
      %and3A_1006 = vector.broadcast %and3A_1005 : i32 to vector<16xi32>
      %and3A_1007 = arith.andi %get3A_994, %and3A_1006 : vector<16xi32>
      %add3A_1008 = arith.constant 5120 : i32
      %add3A_1009 = vector.broadcast %add3A_1008 : i32 to vector<16xi32>
      %add3A_1010 = arith.addi %add3A_1009, %and3A_1007 : vector<16xi32>
      %select_n3A_1011 = arith.select %and3A_1004, %sub3A_997, %add3A_1010 : vector<16xi1>, vector<16xi32>
      %swap3A_1012 = arith.index_cast %scan3A_970 : i32 to index
      %swap3A_1013 = arith.constant 16 : index
      %swap3A_1014 = tpu.vector_load %arg8[%swap3A_1012, %swap3A_1013] {strides = array<i32>} : memref<160x128xi32, #tpu.memory_space<vmem>>, vector<1x16xi32>,
      %swap3A_1015 = vector.shape_cast %swap3A_1014 : vector<1x16xi32> to vector<16xi32>
      %swap3A_1016 = vector.shape_cast %select_n3A_1011 : vector<16xi32> to vector<1x16xi32>
      tpu.vector_store %arg8[%swap3A_1012, %swap3A_1013], %swap3A_1016 {strides = array<i32>} : memref<160x128xi32, #tpu.memory_space<vmem>>, vector<1x16xi32>,
      %get3A_1017 = arith.index_cast %scan3A_970 : i32 to index
      %get3A_1018 = arith.constant 32 : index
      %get3A_1019 = tpu.vector_load %arg7[%get3A_1017, %get3A_1018] {strides = array<i32>} : memref<160x128xi32, #tpu.memory_space<vmem>>, vector<1x16xi32>,
      %get3A_1020 = vector.shape_cast %get3A_1019 : vector<1x16xi32> to vector<16xi32>
      %sub3A_1021 = arith.constant 0 : i32
      %sub3A_1022 = vector.broadcast %sub3A_1021 : i32 to vector<16xi32>
      %sub3A_1023 = arith.subi %get3A_1020, %sub3A_1022 : vector<16xi32>
      %ge3A_1024 = arith.constant 0 : i32
      %ge3A_1025 = vector.broadcast %ge3A_1024 : i32 to vector<16xi32>
      %ge3A_1026 = arith.cmpi sge, %sub3A_1023, %ge3A_1025 : vector<16xi32>
      %lt3A_1027 = arith.constant 5120 : i32
      %lt3A_1028 = vector.broadcast %lt3A_1027 : i32 to vector<16xi32>
      %lt3A_1029 = arith.cmpi slt, %sub3A_1023, %lt3A_1028 : vector<16xi32>
      %and3A_1030 = arith.andi %ge3A_1026, %lt3A_1029 : vector<16xi1>
      %and3A_1031 = arith.constant 63 : i32
      %and3A_1032 = vector.broadcast %and3A_1031 : i32 to vector<16xi32>
      %and3A_1033 = arith.andi %get3A_1020, %and3A_1032 : vector<16xi32>
      %add3A_1034 = arith.constant 5120 : i32
      %add3A_1035 = vector.broadcast %add3A_1034 : i32 to vector<16xi32>
      %add3A_1036 = arith.addi %add3A_1035, %and3A_1033 : vector<16xi32>
      %select_n3A_1037 = arith.select %and3A_1030, %sub3A_1023, %add3A_1036 : vector<16xi1>, vector<16xi32>
      %swap3A_1038 = arith.index_cast %scan3A_970 : i32 to index
      %swap3A_1039 = arith.constant 32 : index
      %swap3A_1040 = tpu.vector_load %arg8[%swap3A_1038, %swap3A_1039] {strides = array<i32>} : memref<160x128xi32, #tpu.memory_space<vmem>>, vector<1x16xi32>,
      %swap3A_1041 = vector.shape_cast %swap3A_1040 : vector<1x16xi32> to vector<16xi32>
      %swap3A_1042 = vector.shape_cast %select_n3A_1037 : vector<16xi32> to vector<1x16xi32>
      tpu.vector_store %arg8[%swap3A_1038, %swap3A_1039], %swap3A_1042 {strides = array<i32>} : memref<160x128xi32, #tpu.memory_space<vmem>>, vector<1x16xi32>,
      %get3A_1043 = arith.index_cast %scan3A_970 : i32 to index
      %get3A_1044 = arith.constant 48 : index
      %get3A_1045 = tpu.vector_load %arg7[%get3A_1043, %get3A_1044] {strides = array<i32>} : memref<160x128xi32, #tpu.memory_space<vmem>>, vector<1x16xi32>,
      %get3A_1046 = vector.shape_cast %get3A_1045 : vector<1x16xi32> to vector<16xi32>
      %sub3A_1047 = arith.constant 0 : i32
      %sub3A_1048 = vector.broadcast %sub3A_1047 : i32 to vector<16xi32>
      %sub3A_1049 = arith.subi %get3A_1046, %sub3A_1048 : vector<16xi32>
      %ge3A_1050 = arith.constant 0 : i32
      %ge3A_1051 = vector.broadcast %ge3A_1050 : i32 to vector<16xi32>
      %ge3A_1052 = arith.cmpi sge, %sub3A_1049, %ge3A_1051 : vector<16xi32>
      %lt3A_1053 = arith.constant 5120 : i32
      %lt3A_1054 = vector.broadcast %lt3A_1053 : i32 to vector<16xi32>
      %lt3A_1055 = arith.cmpi slt, %sub3A_1049, %lt3A_1054 : vector<16xi32>
      %and3A_1056 = arith.andi %ge3A_1052, %lt3A_1055 : vector<16xi1>
      %and3A_1057 = arith.constant 63 : i32
      %and3A_1058 = vector.broadcast %and3A_1057 : i32 to vector<16xi32>
      %and3A_1059 = arith.andi %get3A_1046, %and3A_1058 : vector<16xi32>
      %add3A_1060 = arith.constant 5120 : i32
      %add3A_1061 = vector.broadcast %add3A_1060 : i32 to vector<16xi32>
      %add3A_1062 = arith.addi %add3A_1061, %and3A_1059 : vector<16xi32>
      %select_n3A_1063 = arith.select %and3A_1056, %sub3A_1049, %add3A_1062 : vector<16xi1>, vector<16xi32>
      %swap3A_1064 = arith.index_cast %scan3A_970 : i32 to index
      %swap3A_1065 = arith.constant 48 : index
      %swap3A_1066 = tpu.vector_load %arg8[%swap3A_1064, %swap3A_1065] {strides = array<i32>} : memref<160x128xi32, #tpu.memory_space<vmem>>, vector<1x16xi32>,
      %swap3A_1067 = vector.shape_cast %swap3A_1066 : vector<1x16xi32> to vector<16xi32>
      %swap3A_1068 = vector.shape_cast %select_n3A_1063 : vector<16xi32> to vector<1x16xi32>
      tpu.vector_store %arg8[%swap3A_1064, %swap3A_1065], %swap3A_1068 {strides = array<i32>} : memref<160x128xi32, #tpu.memory_space<vmem>>, vector<1x16xi32>,
      %get3A_1069 = arith.index_cast %scan3A_970 : i32 to index
      %get3A_1070 = arith.constant 64 : index
      %get3A_1071 = tpu.vector_load %arg7[%get3A_1069, %get3A_1070] {strides = array<i32>} : memref<160x128xi32, #tpu.memory_space<vmem>>, vector<1x16xi32>,
      %get3A_1072 = vector.shape_cast %get3A_1071 : vector<1x16xi32> to vector<16xi32>
      %sub3A_1073 = arith.constant 0 : i32
      %sub3A_1074 = vector.broadcast %sub3A_1073 : i32 to vector<16xi32>
      %sub3A_1075 = arith.subi %get3A_1072, %sub3A_1074 : vector<16xi32>
      %ge3A_1076 = arith.constant 0 : i32
      %ge3A_1077 = vector.broadcast %ge3A_1076 : i32 to vector<16xi32>
      %ge3A_1078 = arith.cmpi sge, %sub3A_1075, %ge3A_1077 : vector<16xi32>
      %lt3A_1079 = arith.constant 5120 : i32
      %lt3A_1080 = vector.broadcast %lt3A_1079 : i32 to vector<16xi32>
      %lt3A_1081 = arith.cmpi slt, %sub3A_1075, %lt3A_1080 : vector<16xi32>
      %and3A_1082 = arith.andi %ge3A_1078, %lt3A_1081 : vector<16xi1>
      %and3A_1083 = arith.constant 63 : i32
      %and3A_1084 = vector.broadcast %and3A_1083 : i32 to vector<16xi32>
      %and3A_1085 = arith.andi %get3A_1072, %and3A_1084 : vector<16xi32>
      %add3A_1086 = arith.constant 5120 : i32
      %add3A_1087 = vector.broadcast %add3A_1086 : i32 to vector<16xi32>
      %add3A_1088 = arith.addi %add3A_1087, %and3A_1085 : vector<16xi32>
      %select_n3A_1089 = arith.select %and3A_1082, %sub3A_1075, %add3A_1088 : vector<16xi1>, vector<16xi32>
      %swap3A_1090 = arith.index_cast %scan3A_970 : i32 to index
      %swap3A_1091 = arith.constant 64 : index
      %swap3A_1092 = tpu.vector_load %arg8[%swap3A_1090, %swap3A_1091] {strides = array<i32>} : memref<160x128xi32, #tpu.memory_space<vmem>>, vector<1x16xi32>,
      %swap3A_1093 = vector.shape_cast %swap3A_1092 : vector<1x16xi32> to vector<16xi32>
      %swap3A_1094 = vector.shape_cast %select_n3A_1089 : vector<16xi32> to vector<1x16xi32>
      tpu.vector_store %arg8[%swap3A_1090, %swap3A_1091], %swap3A_1094 {strides = array<i32>} : memref<160x128xi32, #tpu.memory_space<vmem>>, vector<1x16xi32>,
      %get3A_1095 = arith.index_cast %scan3A_970 : i32 to index
      %get3A_1096 = arith.constant 80 : index
      %get3A_1097 = tpu.vector_load %arg7[%get3A_1095, %get3A_1096] {strides = array<i32>} : memref<160x128xi32, #tpu.memory_space<vmem>>, vector<1x16xi32>,
      %get3A_1098 = vector.shape_cast %get3A_1097 : vector<1x16xi32> to vector<16xi32>
      %sub3A_1099 = arith.constant 0 : i32
      %sub3A_1100 = vector.broadcast %sub3A_1099 : i32 to vector<16xi32>
      %sub3A_1101 = arith.subi %get3A_1098, %sub3A_1100 : vector<16xi32>
      %ge3A_1102 = arith.constant 0 : i32
      %ge3A_1103 = vector.broadcast %ge3A_1102 : i32 to vector<16xi32>
      %ge3A_1104 = arith.cmpi sge, %sub3A_1101, %ge3A_1103 : vector<16xi32>
      %lt3A_1105 = arith.constant 5120 : i32
      %lt3A_1106 = vector.broadcast %lt3A_1105 : i32 to vector<16xi32>
      %lt3A_1107 = arith.cmpi slt, %sub3A_1101, %lt3A_1106 : vector<16xi32>
      %and3A_1108 = arith.andi %ge3A_1104, %lt3A_1107 : vector<16xi1>
      %and3A_1109 = arith.constant 63 : i32
      %and3A_1110 = vector.broadcast %and3A_1109 : i32 to vector<16xi32>
      %and3A_1111 = arith.andi %get3A_1098, %and3A_1110 : vector<16xi32>
      %add3A_1112 = arith.constant 5120 : i32
      %add3A_1113 = vector.broadcast %add3A_1112 : i32 to vector<16xi32>
      %add3A_1114 = arith.addi %add3A_1113, %and3A_1111 : vector<16xi32>
      %select_n3A_1115 = arith.select %and3A_1108, %sub3A_1101, %add3A_1114 : vector<16xi1>, vector<16xi32>
      %swap3A_1116 = arith.index_cast %scan3A_970 : i32 to index
      %swap3A_1117 = arith.constant 80 : index
      %swap3A_1118 = tpu.vector_load %arg8[%swap3A_1116, %swap3A_1117] {strides = array<i32>} : memref<160x128xi32, #tpu.memory_space<vmem>>, vector<1x16xi32>,
      %swap3A_1119 = vector.shape_cast %swap3A_1118 : vector<1x16xi32> to vector<16xi32>
      %swap3A_1120 = vector.shape_cast %select_n3A_1115 : vector<16xi32> to vector<1x16xi32>
      tpu.vector_store %arg8[%swap3A_1116, %swap3A_1117], %swap3A_1120 {strides = array<i32>} : memref<160x128xi32, #tpu.memory_space<vmem>>, vector<1x16xi32>,
      %get3A_1121 = arith.index_cast %scan3A_970 : i32 to index
      %get3A_1122 = arith.constant 96 : index
      %get3A_1123 = tpu.vector_load %arg7[%get3A_1121, %get3A_1122] {strides = array<i32>} : memref<160x128xi32, #tpu.memory_space<vmem>>, vector<1x16xi32>,
      %get3A_1124 = vector.shape_cast %get3A_1123 : vector<1x16xi32> to vector<16xi32>
      %sub3A_1125 = arith.constant 0 : i32
      %sub3A_1126 = vector.broadcast %sub3A_1125 : i32 to vector<16xi32>
      %sub3A_1127 = arith.subi %get3A_1124, %sub3A_1126 : vector<16xi32>
      %ge3A_1128 = arith.constant 0 : i32
      %ge3A_1129 = vector.broadcast %ge3A_1128 : i32 to vector<16xi32>
      %ge3A_1130 = arith.cmpi sge, %sub3A_1127, %ge3A_1129 : vector<16xi32>
      %lt3A_1131 = arith.constant 5120 : i32
      %lt3A_1132 = vector.broadcast %lt3A_1131 : i32 to vector<16xi32>
      %lt3A_1133 = arith.cmpi slt, %sub3A_1127, %lt3A_1132 : vector<16xi32>
      %and3A_1134 = arith.andi %ge3A_1130, %lt3A_1133 : vector<16xi1>
      %and3A_1135 = arith.constant 63 : i32
      %and3A_1136 = vector.broadcast %and3A_1135 : i32 to vector<16xi32>
      %and3A_1137 = arith.andi %get3A_1124, %and3A_1136 : vector<16xi32>
      %add3A_1138 = arith.constant 5120 : i32
      %add3A_1139 = vector.broadcast %add3A_1138 : i32 to vector<16xi32>
      %add3A_1140 = arith.addi %add3A_1139, %and3A_1137 : vector<16xi32>
      %select_n3A_1141 = arith.select %and3A_1134, %sub3A_1127, %add3A_1140 : vector<16xi1>, vector<16xi32>
      %swap3A_1142 = arith.index_cast %scan3A_970 : i32 to index
      %swap3A_1143 = arith.constant 96 : index
      %swap3A_1144 = tpu.vector_load %arg8[%swap3A_1142, %swap3A_1143] {strides = array<i32>} : memref<160x128xi32, #tpu.memory_space<vmem>>, vector<1x16xi32>,
      %swap3A_1145 = vector.shape_cast %swap3A_1144 : vector<1x16xi32> to vector<16xi32>
      %swap3A_1146 = vector.shape_cast %select_n3A_1141 : vector<16xi32> to vector<1x16xi32>
      tpu.vector_store %arg8[%swap3A_1142, %swap3A_1143], %swap3A_1146 {strides = array<i32>} : memref<160x128xi32, #tpu.memory_space<vmem>>, vector<1x16xi32>,
      %get3A_1147 = arith.index_cast %scan3A_970 : i32 to index
      %get3A_1148 = arith.constant 112 : index
      %get3A_1149 = tpu.vector_load %arg7[%get3A_1147, %get3A_1148] {strides = array<i32>} : memref<160x128xi32, #tpu.memory_space<vmem>>, vector<1x16xi32>,
      %get3A_1150 = vector.shape_cast %get3A_1149 : vector<1x16xi32> to vector<16xi32>
      %sub3A_1151 = arith.constant 0 : i32
      %sub3A_1152 = vector.broadcast %sub3A_1151 : i32 to vector<16xi32>
      %sub3A_1153 = arith.subi %get3A_1150, %sub3A_1152 : vector<16xi32>
      %ge3A_1154 = arith.constant 0 : i32
      %ge3A_1155 = vector.broadcast %ge3A_1154 : i32 to vector<16xi32>
      %ge3A_1156 = arith.cmpi sge, %sub3A_1153, %ge3A_1155 : vector<16xi32>
      %lt3A_1157 = arith.constant 5120 : i32
      %lt3A_1158 = vector.broadcast %lt3A_1157 : i32 to vector<16xi32>
      %lt3A_1159 = arith.cmpi slt, %sub3A_1153, %lt3A_1158 : vector<16xi32>
      %and3A_1160 = arith.andi %ge3A_1156, %lt3A_1159 : vector<16xi1>
      %and3A_1161 = arith.constant 63 : i32
      %and3A_1162 = vector.broadcast %and3A_1161 : i32 to vector<16xi32>
      %and3A_1163 = arith.andi %get3A_1150, %and3A_1162 : vector<16xi32>
      %add3A_1164 = arith.constant 5120 : i32
      %add3A_1165 = vector.broadcast %add3A_1164 : i32 to vector<16xi32>
      %add3A_1166 = arith.addi %add3A_1165, %and3A_1163 : vector<16xi32>
      %select_n3A_1167 = arith.select %and3A_1160, %sub3A_1153, %add3A_1166 : vector<16xi1>, vector<16xi32>
      %swap3A_1168 = arith.index_cast %scan3A_970 : i32 to index
      %swap3A_1169 = arith.constant 112 : index
      %swap3A_1170 = tpu.vector_load %arg8[%swap3A_1168, %swap3A_1169] {strides = array<i32>} : memref<160x128xi32, #tpu.memory_space<vmem>>, vector<1x16xi32>,
      %swap3A_1171 = vector.shape_cast %swap3A_1170 : vector<1x16xi32> to vector<16xi32>
      %swap3A_1172 = vector.shape_cast %select_n3A_1167 : vector<16xi32> to vector<1x16xi32>
      tpu.vector_store %arg8[%swap3A_1168, %swap3A_1169], %swap3A_1172 {strides = array<i32>} : memref<160x128xi32, #tpu.memory_space<vmem>>, vector<1x16xi32>,
    }
    %scan3A_853 = arith.constant 160 : i32
    %barrier3A = arith.constant 0 : index
    tpu.barrier barrier_id(%barrier3A)
    %scan3A_854 = arith.constant 0 : i32
    %scan3A_855 = arith.constant 160 : i32
    %scan3A_856 = arith.addi %scan3A_854, %scan3A_855 : i32
    %scan3A_857 = arith.constant 1 : i32
    scf.for %scan3A_970 = %scan3A_854 to %scan3A_856 step %scan3A_857  : i32 {
      "tpu.region"() ({
        %run_scoped3A = tpu.sem_alloc : memref<!tpu.dma_semaphore, #tpu.memory_space<semaphore_mem>>
        %dma_start3A = arith.constant 0 : i32
        %dma_start3A_971 = tpu.memref_slice %arg6[%scan3A_970, %dma_start3A] : memref<160x128xi32, #tpu.memory_space<vmem>> -> memref<1x128xi32, #tpu.memory_space<vmem>>
        %dma_start3A_972 = tpu.memref_squeeze %dma_start3A_971 : memref<1x128xi32, #tpu.memory_space<vmem>> -> memref<128xi32, #tpu.memory_space<vmem>>
        %dma_start3A_973 = arith.constant 0 : i32
        %dma_start3A_974 = arith.constant 0 : i32
        %dma_start3A_975 = tpu.memref_slice %arg2[%dma_start3A_973, %dma_start3A_974] : memref<10240x128xf32, #tpu.memory_space<hbm>> -> memref<10240x128xf32, #tpu.memory_space<hbm>>
        tpu.enqueue_indirect_dma source(%dma_start3A_975 : memref<10240x128xf32, #tpu.memory_space<hbm>>) target(%arg9 : memref<128x128xf32, #tpu.memory_space<vmem>>) offsets(%dma_start3A_972 : memref<128xi32, #tpu.memory_space<vmem>>) semaphore(%run_scoped3A : memref<!tpu.dma_semaphore, #tpu.memory_space<semaphore_mem>>)
        %dma_wait3A = arith.constant 0 : i32
        %dma_wait3A_976 = tpu.memref_slice %arg6[%scan3A_970, %dma_wait3A] : memref<160x128xi32, #tpu.memory_space<vmem>> -> memref<1x128xi32, #tpu.memory_space<vmem>>
        %dma_wait3A_977 = tpu.memref_squeeze %dma_wait3A_976 : memref<1x128xi32, #tpu.memory_space<vmem>> -> memref<128xi32, #tpu.memory_space<vmem>>
        %dma_wait3A_978 = arith.constant 0 : i32
        %dma_wait3A_979 = arith.constant 0 : i32
        %dma_wait3A_980 = tpu.memref_slice %arg2[%dma_wait3A_978, %dma_wait3A_979] : memref<10240x128xf32, #tpu.memory_space<hbm>> -> memref<10240x128xf32, #tpu.memory_space<hbm>>
        tpu.wait_indirect_dma semaphore(%run_scoped3A : memref<!tpu.dma_semaphore, #tpu.memory_space<semaphore_mem>>) src(%dma_wait3A_980 : memref<10240x128xf32, #tpu.memory_space<hbm>>) dst(%arg9 : memref<128x128xf32, #tpu.memory_space<vmem>>)
        tpu.yield
      }) : () -> ()
      "tpu.region"() ({
        %run_scoped3A = tpu.sem_alloc : memref<!tpu.dma_semaphore, #tpu.memory_space<semaphore_mem>>
        %dma_start3A = arith.constant 0 : i32
        %dma_start3A_971 = tpu.memref_slice %arg8[%scan3A_970, %dma_start3A] : memref<160x128xi32, #tpu.memory_space<vmem>> -> memref<1x128xi32, #tpu.memory_space<vmem>>
        %dma_start3A_972 = tpu.memref_squeeze %dma_start3A_971 : memref<1x128xi32, #tpu.memory_space<vmem>> -> memref<128xi32, #tpu.memory_space<vmem>>
        %dma_start3A_973 = arith.constant 0 : i32
        %dma_start3A_974 = arith.constant 0 : i32
        %dma_start3A_975 = tpu.memref_slice %arg11[%dma_start3A_973, %dma_start3A_974] : memref<5376x128xf32, #tpu.memory_space<vmem_shared>> -> memref<5376x128xf32, #tpu.memory_space<vmem_shared>>
        tpu.enqueue_indirect_dma source(%arg9 : memref<128x128xf32, #tpu.memory_space<vmem>>) target(%dma_start3A_975 : memref<5376x128xf32, #tpu.memory_space<vmem_shared>>) offsets(%dma_start3A_972 : memref<128xi32, #tpu.memory_space<vmem>>) semaphore(%run_scoped3A : memref<!tpu.dma_semaphore, #tpu.memory_space<semaphore_mem>>) {add = true}
        %dma_wait3A = arith.constant 0 : i32
        %dma_wait3A_976 = tpu.memref_slice %arg8[%scan3A_970, %dma_wait3A] : memref<160x128xi32, #tpu.memory_space<vmem>> -> memref<1x128xi32, #tpu.memory_space<vmem>>
        %dma_wait3A_977 = tpu.memref_squeeze %dma_wait3A_976 : memref<1x128xi32, #tpu.memory_space<vmem>> -> memref<128xi32, #tpu.memory_space<vmem>>
        %dma_wait3A_978 = arith.constant 0 : i32
        %dma_wait3A_979 = arith.constant 0 : i32
        %dma_wait3A_980 = tpu.memref_slice %arg11[%dma_wait3A_978, %dma_wait3A_979] : memref<5376x128xf32, #tpu.memory_space<vmem_shared>> -> memref<5376x128xf32, #tpu.memory_space<vmem_shared>>
        tpu.wait_indirect_dma semaphore(%run_scoped3A : memref<!tpu.dma_semaphore, #tpu.memory_space<semaphore_mem>>) src(%arg9 : memref<128x128xf32, #tpu.memory_space<vmem>>) dst(%dma_wait3A_980 : memref<5376x128xf32, #tpu.memory_space<vmem_shared>>)
        tpu.yield
      }) : () -> ()
    }
    %scan3A_858 = arith.constant 160 : i32
    %barrier3A_859 = arith.constant 0 : index
    tpu.barrier barrier_id(%barrier3A_859)
    %mul3A_860 = arith.constant 320 : i32
    %mul3A_861 = arith.muli %arg1, %mul3A_860 : i32
    %mul3A_862 = arith.constant 320 : i32
    %mul3A_863 = arith.muli %arg1, %mul3A_862 : i32
    %add3A_864 = arith.constant 0 : i32
    %add3A_865 = arith.addi %add3A_864, %mul3A_863 : i32
    "tpu.region"() ({
      %run_scoped3A = tpu.sem_alloc : memref<!tpu.dma_semaphore, #tpu.memory_space<semaphore_mem>>
      %dma_start3A = arith.constant 0 : i32
      %dma_start3A_970 = tpu.memref_slice %arg5[%add3A_865, %dma_start3A] : memref<10240x128xf32, #tpu.memory_space<hbm>> -> memref<320x128xf32, #tpu.memory_space<hbm>>
      %dma_start3A_971 = arith.constant 0 : i32
      %dma_start3A_972 = tpu.memref_slice %arg11[%mul3A_861, %dma_start3A_971] : memref<5376x128xf32, #tpu.memory_space<vmem_shared>> -> memref<320x128xf32, #tpu.memory_space<vmem_shared>>
      tpu.enqueue_dma source(%dma_start3A_972 : memref<320x128xf32, #tpu.memory_space<vmem_shared>>) target(%dma_start3A_970 : memref<320x128xf32, #tpu.memory_space<hbm>>) target_semaphore(%run_scoped3A : memref<!tpu.dma_semaphore, #tpu.memory_space<semaphore_mem>>)
      %dma_wait3A = arith.constant 0 : i32
      %dma_wait3A_973 = tpu.memref_slice %arg5[%add3A_865, %dma_wait3A] : memref<10240x128xf32, #tpu.memory_space<hbm>> -> memref<320x128xf32, #tpu.memory_space<hbm>>
      %dma_wait3A_974 = arith.constant 0 : i32
      %dma_wait3A_975 = tpu.memref_slice %arg11[%mul3A_861, %dma_wait3A_974] : memref<5376x128xf32, #tpu.memory_space<vmem_shared>> -> memref<320x128xf32, #tpu.memory_space<vmem_shared>>
      tpu.wait_dma2 semaphore(%run_scoped3A : memref<!tpu.dma_semaphore, #tpu.memory_space<semaphore_mem>>) src(%dma_wait3A_975 : memref<320x128xf32, #tpu.memory_space<vmem_shared>>) dst(%dma_wait3A_973 : memref<320x128xf32, #tpu.memory_space<hbm>>)
      tpu.yield
    }) : () -> ()
    %barrier3A_866 = arith.constant 0 : index
    tpu.barrier barrier_id(%barrier3A_866)
    %mul3A_867 = arith.constant 336 : i32
    %mul3A_868 = arith.muli %arg1, %mul3A_867 : i32
    %add3A_869 = arith.constant 0 : i32
    %add3A_870 = arith.addi %mul3A_868, %add3A_869 : i32
    "tpu.region"() ({
      %run_scoped3A = tpu.sem_alloc : memref<!tpu.dma_semaphore, #tpu.memory_space<semaphore_mem>>
      %dma_start3A = arith.constant 0 : i32
      %dma_start3A_970 = tpu.memref_slice %arg11[%add3A_870, %dma_start3A] : memref<5376x128xf32, #tpu.memory_space<vmem_shared>> -> memref<16x128xf32, #tpu.memory_space<vmem_shared>>
      %dma_start3A_971 = arith.constant 0 : i32
      %dma_start3A_972 = tpu.memref_slice %arg11[%add3A_870, %dma_start3A_971] : memref<5376x128xf32, #tpu.memory_space<vmem_shared>> -> memref<16x128xf32, #tpu.memory_space<vmem_shared>>
      tpu.enqueue_dma source(%arg10 : memref<16x128xf32, #tpu.memory_space<vmem>>) target(%dma_start3A_972 : memref<16x128xf32, #tpu.memory_space<vmem_shared>>) target_semaphore(%run_scoped3A : memref<!tpu.dma_semaphore, #tpu.memory_space<semaphore_mem>>)
      %dma_wait3A = arith.constant 0 : i32
      %dma_wait3A_973 = tpu.memref_slice %arg11[%add3A_870, %dma_wait3A] : memref<5376x128xf32, #tpu.memory_space<vmem_shared>> -> memref<16x128xf32, #tpu.memory_space<vmem_shared>>
      %dma_wait3A_974 = arith.constant 0 : i32
      %dma_wait3A_975 = tpu.memref_slice %arg11[%add3A_870, %dma_wait3A_974] : memref<5376x128xf32, #tpu.memory_space<vmem_shared>> -> memref<16x128xf32, #tpu.memory_space<vmem_shared>>
      tpu.wait_dma2 semaphore(%run_scoped3A : memref<!tpu.dma_semaphore, #tpu.memory_space<semaphore_mem>>) src(%arg10 : memref<16x128xf32, #tpu.memory_space<vmem>>) dst(%dma_wait3A_975 : memref<16x128xf32, #tpu.memory_space<vmem_shared>>)
      tpu.yield
    }) : () -> ()
    %mul3A_871 = arith.constant 336 : i32
    %mul3A_872 = arith.muli %arg1, %mul3A_871 : i32
    %add3A_873 = arith.constant 16 : i32
    %add3A_874 = arith.addi %mul3A_872, %add3A_873 : i32
    "tpu.region"() ({
      %run_scoped3A = tpu.sem_alloc : memref<!tpu.dma_semaphore, #tpu.memory_space<semaphore_mem>>
      %dma_start3A = arith.constant 0 : i32
      %dma_start3A_970 = tpu.memref_slice %arg11[%add3A_874, %dma_start3A] : memref<5376x128xf32, #tpu.memory_space<vmem_shared>> -> memref<16x128xf32, #tpu.memory_space<vmem_shared>>
      %dma_start3A_971 = arith.constant 0 : i32
      %dma_start3A_972 = tpu.memref_slice %arg11[%add3A_874, %dma_start3A_971] : memref<5376x128xf32, #tpu.memory_space<vmem_shared>> -> memref<16x128xf32, #tpu.memory_space<vmem_shared>>
      tpu.enqueue_dma source(%arg10 : memref<16x128xf32, #tpu.memory_space<vmem>>) target(%dma_start3A_972 : memref<16x128xf32, #tpu.memory_space<vmem_shared>>) target_semaphore(%run_scoped3A : memref<!tpu.dma_semaphore, #tpu.memory_space<semaphore_mem>>)
      %dma_wait3A = arith.constant 0 : i32
      %dma_wait3A_973 = tpu.memref_slice %arg11[%add3A_874, %dma_wait3A] : memref<5376x128xf32, #tpu.memory_space<vmem_shared>> -> memref<16x128xf32, #tpu.memory_space<vmem_shared>>
      %dma_wait3A_974 = arith.constant 0 : i32
      %dma_wait3A_975 = tpu.memref_slice %arg11[%add3A_874, %dma_wait3A_974] : memref<5376x128xf32, #tpu.memory_space<vmem_shared>> -> memref<16x128xf32, #tpu.memory_space<vmem_shared>>
      tpu.wait_dma2 semaphore(%run_scoped3A : memref<!tpu.dma_semaphore, #tpu.memory_space<semaphore_mem>>) src(%arg10 : memref<16x128xf32, #tpu.memory_space<vmem>>) dst(%dma_wait3A_975 : memref<16x128xf32, #tpu.memory_space<vmem_shared>>)
      tpu.yield
    }) : () -> ()
    %mul3A_875 = arith.constant 336 : i32
    %mul3A_876 = arith.muli %arg1, %mul3A_875 : i32
    %add3A_877 = arith.constant 32 : i32
    %add3A_878 = arith.addi %mul3A_876, %add3A_877 : i32
    "tpu.region"() ({
      %run_scoped3A = tpu.sem_alloc : memref<!tpu.dma_semaphore, #tpu.memory_space<semaphore_mem>>
      %dma_start3A = arith.constant 0 : i32
      %dma_start3A_970 = tpu.memref_slice %arg11[%add3A_878, %dma_start3A] : memref<5376x128xf32, #tpu.memory_space<vmem_shared>> -> memref<16x128xf32, #tpu.memory_space<vmem_shared>>
      %dma_start3A_971 = arith.constant 0 : i32
      %dma_start3A_972 = tpu.memref_slice %arg11[%add3A_878, %dma_start3A_971] : memref<5376x128xf32, #tpu.memory_space<vmem_shared>> -> memref<16x128xf32, #tpu.memory_space<vmem_shared>>
      tpu.enqueue_dma source(%arg10 : memref<16x128xf32, #tpu.memory_space<vmem>>) target(%dma_start3A_972 : memref<16x128xf32, #tpu.memory_space<vmem_shared>>) target_semaphore(%run_scoped3A : memref<!tpu.dma_semaphore, #tpu.memory_space<semaphore_mem>>)
      %dma_wait3A = arith.constant 0 : i32
      %dma_wait3A_973 = tpu.memref_slice %arg11[%add3A_878, %dma_wait3A] : memref<5376x128xf32, #tpu.memory_space<vmem_shared>> -> memref<16x128xf32, #tpu.memory_space<vmem_shared>>
      %dma_wait3A_974 = arith.constant 0 : i32
      %dma_wait3A_975 = tpu.memref_slice %arg11[%add3A_878, %dma_wait3A_974] : memref<5376x128xf32, #tpu.memory_space<vmem_shared>> -> memref<16x128xf32, #tpu.memory_space<vmem_shared>>
      tpu.wait_dma2 semaphore(%run_scoped3A : memref<!tpu.dma_semaphore, #tpu.memory_space<semaphore_mem>>) src(%arg10 : memref<16x128xf32, #tpu.memory_space<vmem>>) dst(%dma_wait3A_975 : memref<16x128xf32, #tpu.memory_space<vmem_shared>>)
      tpu.yield
    }) : () -> ()
    %mul3A_879 = arith.constant 336 : i32
    %mul3A_880 = arith.muli %arg1, %mul3A_879 : i32
    %add3A_881 = arith.constant 48 : i32
    %add3A_882 = arith.addi %mul3A_880, %add3A_881 : i32
    "tpu.region"() ({
      %run_scoped3A = tpu.sem_alloc : memref<!tpu.dma_semaphore, #tpu.memory_space<semaphore_mem>>
      %dma_start3A = arith.constant 0 : i32
      %dma_start3A_970 = tpu.memref_slice %arg11[%add3A_882, %dma_start3A] : memref<5376x128xf32, #tpu.memory_space<vmem_shared>> -> memref<16x128xf32, #tpu.memory_space<vmem_shared>>
      %dma_start3A_971 = arith.constant 0 : i32
      %dma_start3A_972 = tpu.memref_slice %arg11[%add3A_882, %dma_start3A_971] : memref<5376x128xf32, #tpu.memory_space<vmem_shared>> -> memref<16x128xf32, #tpu.memory_space<vmem_shared>>
      tpu.enqueue_dma source(%arg10 : memref<16x128xf32, #tpu.memory_space<vmem>>) target(%dma_start3A_972 : memref<16x128xf32, #tpu.memory_space<vmem_shared>>) target_semaphore(%run_scoped3A : memref<!tpu.dma_semaphore, #tpu.memory_space<semaphore_mem>>)
      %dma_wait3A = arith.constant 0 : i32
      %dma_wait3A_973 = tpu.memref_slice %arg11[%add3A_882, %dma_wait3A] : memref<5376x128xf32, #tpu.memory_space<vmem_shared>> -> memref<16x128xf32, #tpu.memory_space<vmem_shared>>
      %dma_wait3A_974 = arith.constant 0 : i32
      %dma_wait3A_975 = tpu.memref_slice %arg11[%add3A_882, %dma_wait3A_974] : memref<5376x128xf32, #tpu.memory_space<vmem_shared>> -> memref<16x128xf32, #tpu.memory_space<vmem_shared>>
      tpu.wait_dma2 semaphore(%run_scoped3A : memref<!tpu.dma_semaphore, #tpu.memory_space<semaphore_mem>>) src(%arg10 : memref<16x128xf32, #tpu.memory_space<vmem>>) dst(%dma_wait3A_975 : memref<16x128xf32, #tpu.memory_space<vmem_shared>>)
      tpu.yield
    }) : () -> ()
    %mul3A_883 = arith.constant 336 : i32
    %mul3A_884 = arith.muli %arg1, %mul3A_883 : i32
    %add3A_885 = arith.constant 64 : i32
    %add3A_886 = arith.addi %mul3A_884, %add3A_885 : i32
    "tpu.region"() ({
      %run_scoped3A = tpu.sem_alloc : memref<!tpu.dma_semaphore, #tpu.memory_space<semaphore_mem>>
      %dma_start3A = arith.constant 0 : i32
      %dma_start3A_970 = tpu.memref_slice %arg11[%add3A_886, %dma_start3A] : memref<5376x128xf32, #tpu.memory_space<vmem_shared>> -> memref<16x128xf32, #tpu.memory_space<vmem_shared>>
      %dma_start3A_971 = arith.constant 0 : i32
      %dma_start3A_972 = tpu.memref_slice %arg11[%add3A_886, %dma_start3A_971] : memref<5376x128xf32, #tpu.memory_space<vmem_shared>> -> memref<16x128xf32, #tpu.memory_space<vmem_shared>>
      tpu.enqueue_dma source(%arg10 : memref<16x128xf32, #tpu.memory_space<vmem>>) target(%dma_start3A_972 : memref<16x128xf32, #tpu.memory_space<vmem_shared>>) target_semaphore(%run_scoped3A : memref<!tpu.dma_semaphore, #tpu.memory_space<semaphore_mem>>)
      %dma_wait3A = arith.constant 0 : i32
      %dma_wait3A_973 = tpu.memref_slice %arg11[%add3A_886, %dma_wait3A] : memref<5376x128xf32, #tpu.memory_space<vmem_shared>> -> memref<16x128xf32, #tpu.memory_space<vmem_shared>>
      %dma_wait3A_974 = arith.constant 0 : i32
      %dma_wait3A_975 = tpu.memref_slice %arg11[%add3A_886, %dma_wait3A_974] : memref<5376x128xf32, #tpu.memory_space<vmem_shared>> -> memref<16x128xf32, #tpu.memory_space<vmem_shared>>
      tpu.wait_dma2 semaphore(%run_scoped3A : memref<!tpu.dma_semaphore, #tpu.memory_space<semaphore_mem>>) src(%arg10 : memref<16x128xf32, #tpu.memory_space<vmem>>) dst(%dma_wait3A_975 : memref<16x128xf32, #tpu.memory_space<vmem_shared>>)
      tpu.yield
    }) : () -> ()
    %mul3A_887 = arith.constant 336 : i32
    %mul3A_888 = arith.muli %arg1, %mul3A_887 : i32
    %add3A_889 = arith.constant 80 : i32
    %add3A_890 = arith.addi %mul3A_888, %add3A_889 : i32
    "tpu.region"() ({
      %run_scoped3A = tpu.sem_alloc : memref<!tpu.dma_semaphore, #tpu.memory_space<semaphore_mem>>
      %dma_start3A = arith.constant 0 : i32
      %dma_start3A_970 = tpu.memref_slice %arg11[%add3A_890, %dma_start3A] : memref<5376x128xf32, #tpu.memory_space<vmem_shared>> -> memref<16x128xf32, #tpu.memory_space<vmem_shared>>
      %dma_start3A_971 = arith.constant 0 : i32
      %dma_start3A_972 = tpu.memref_slice %arg11[%add3A_890, %dma_start3A_971] : memref<5376x128xf32, #tpu.memory_space<vmem_shared>> -> memref<16x128xf32, #tpu.memory_space<vmem_shared>>
      tpu.enqueue_dma source(%arg10 : memref<16x128xf32, #tpu.memory_space<vmem>>) target(%dma_start3A_972 : memref<16x128xf32, #tpu.memory_space<vmem_shared>>) target_semaphore(%run_scoped3A : memref<!tpu.dma_semaphore, #tpu.memory_space<semaphore_mem>>)
      %dma_wait3A = arith.constant 0 : i32
      %dma_wait3A_973 = tpu.memref_slice %arg11[%add3A_890, %dma_wait3A] : memref<5376x128xf32, #tpu.memory_space<vmem_shared>> -> memref<16x128xf32, #tpu.memory_space<vmem_shared>>
      %dma_wait3A_974 = arith.constant 0 : i32
      %dma_wait3A_975 = tpu.memref_slice %arg11[%add3A_890, %dma_wait3A_974] : memref<5376x128xf32, #tpu.memory_space<vmem_shared>> -> memref<16x128xf32, #tpu.memory_space<vmem_shared>>
      tpu.wait_dma2 semaphore(%run_scoped3A : memref<!tpu.dma_semaphore, #tpu.memory_space<semaphore_mem>>) src(%arg10 : memref<16x128xf32, #tpu.memory_space<vmem>>) dst(%dma_wait3A_975 : memref<16x128xf32, #tpu.memory_space<vmem_shared>>)
      tpu.yield
    }) : () -> ()
    %mul3A_891 = arith.constant 336 : i32
    %mul3A_892 = arith.muli %arg1, %mul3A_891 : i32
    %add3A_893 = arith.constant 96 : i32
    %add3A_894 = arith.addi %mul3A_892, %add3A_893 : i32
    "tpu.region"() ({
      %run_scoped3A = tpu.sem_alloc : memref<!tpu.dma_semaphore, #tpu.memory_space<semaphore_mem>>
      %dma_start3A = arith.constant 0 : i32
      %dma_start3A_970 = tpu.memref_slice %arg11[%add3A_894, %dma_start3A] : memref<5376x128xf32, #tpu.memory_space<vmem_shared>> -> memref<16x128xf32, #tpu.memory_space<vmem_shared>>
      %dma_start3A_971 = arith.constant 0 : i32
      %dma_start3A_972 = tpu.memref_slice %arg11[%add3A_894, %dma_start3A_971] : memref<5376x128xf32, #tpu.memory_space<vmem_shared>> -> memref<16x128xf32, #tpu.memory_space<vmem_shared>>
      tpu.enqueue_dma source(%arg10 : memref<16x128xf32, #tpu.memory_space<vmem>>) target(%dma_start3A_972 : memref<16x128xf32, #tpu.memory_space<vmem_shared>>) target_semaphore(%run_scoped3A : memref<!tpu.dma_semaphore, #tpu.memory_space<semaphore_mem>>)
      %dma_wait3A = arith.constant 0 : i32
      %dma_wait3A_973 = tpu.memref_slice %arg11[%add3A_894, %dma_wait3A] : memref<5376x128xf32, #tpu.memory_space<vmem_shared>> -> memref<16x128xf32, #tpu.memory_space<vmem_shared>>
      %dma_wait3A_974 = arith.constant 0 : i32
      %dma_wait3A_975 = tpu.memref_slice %arg11[%add3A_894, %dma_wait3A_974] : memref<5376x128xf32, #tpu.memory_space<vmem_shared>> -> memref<16x128xf32, #tpu.memory_space<vmem_shared>>
      tpu.wait_dma2 semaphore(%run_scoped3A : memref<!tpu.dma_semaphore, #tpu.memory_space<semaphore_mem>>) src(%arg10 : memref<16x128xf32, #tpu.memory_space<vmem>>) dst(%dma_wait3A_975 : memref<16x128xf32, #tpu.memory_space<vmem_shared>>)
      tpu.yield
    }) : () -> ()
    %mul3A_895 = arith.constant 336 : i32
    %mul3A_896 = arith.muli %arg1, %mul3A_895 : i32
    %add3A_897 = arith.constant 112 : i32
    %add3A_898 = arith.addi %mul3A_896, %add3A_897 : i32
    "tpu.region"() ({
      %run_scoped3A = tpu.sem_alloc : memref<!tpu.dma_semaphore, #tpu.memory_space<semaphore_mem>>
      %dma_start3A = arith.constant 0 : i32
      %dma_start3A_970 = tpu.memref_slice %arg11[%add3A_898, %dma_start3A] : memref<5376x128xf32, #tpu.memory_space<vmem_shared>> -> memref<16x128xf32, #tpu.memory_space<vmem_shared>>
      %dma_start3A_971 = arith.constant 0 : i32
      %dma_start3A_972 = tpu.memref_slice %arg11[%add3A_898, %dma_start3A_971] : memref<5376x128xf32, #tpu.memory_space<vmem_shared>> -> memref<16x128xf32, #tpu.memory_space<vmem_shared>>
      tpu.enqueue_dma source(%arg10 : memref<16x128xf32, #tpu.memory_space<vmem>>) target(%dma_start3A_972 : memref<16x128xf32, #tpu.memory_space<vmem_shared>>) target_semaphore(%run_scoped3A : memref<!tpu.dma_semaphore, #tpu.memory_space<semaphore_mem>>)
      %dma_wait3A = arith.constant 0 : i32
      %dma_wait3A_973 = tpu.memref_slice %arg11[%add3A_898, %dma_wait3A] : memref<5376x128xf32, #tpu.memory_space<vmem_shared>> -> memref<16x128xf32, #tpu.memory_space<vmem_shared>>
      %dma_wait3A_974 = arith.constant 0 : i32
      %dma_wait3A_975 = tpu.memref_slice %arg11[%add3A_898, %dma_wait3A_974] : memref<5376x128xf32, #tpu.memory_space<vmem_shared>> -> memref<16x128xf32, #tpu.memory_space<vmem_shared>>
      tpu.wait_dma2 semaphore(%run_scoped3A : memref<!tpu.dma_semaphore, #tpu.memory_space<semaphore_mem>>) src(%arg10 : memref<16x128xf32, #tpu.memory_space<vmem>>) dst(%dma_wait3A_975 : memref<16x128xf32, #tpu.memory_space<vmem_shared>>)
      tpu.yield
    }) : () -> ()
    %mul3A_899 = arith.constant 336 : i32
    %mul3A_900 = arith.muli %arg1, %mul3A_899 : i32
    %add3A_901 = arith.constant 128 : i32
    %add3A_902 = arith.addi %mul3A_900, %add3A_901 : i32
    "tpu.region"() ({
      %run_scoped3A = tpu.sem_alloc : memref<!tpu.dma_semaphore, #tpu.memory_space<semaphore_mem>>
      %dma_start3A = arith.constant 0 : i32
      %dma_start3A_970 = tpu.memref_slice %arg11[%add3A_902, %dma_start3A] : memref<5376x128xf32, #tpu.memory_space<vmem_shared>> -> memref<16x128xf32, #tpu.memory_space<vmem_shared>>
      %dma_start3A_971 = arith.constant 0 : i32
      %dma_start3A_972 = tpu.memref_slice %arg11[%add3A_902, %dma_start3A_971] : memref<5376x128xf32, #tpu.memory_space<vmem_shared>> -> memref<16x128xf32, #tpu.memory_space<vmem_shared>>
      tpu.enqueue_dma source(%arg10 : memref<16x128xf32, #tpu.memory_space<vmem>>) target(%dma_start3A_972 : memref<16x128xf32, #tpu.memory_space<vmem_shared>>) target_semaphore(%run_scoped3A : memref<!tpu.dma_semaphore, #tpu.memory_space<semaphore_mem>>)
      %dma_wait3A = arith.constant 0 : i32
      %dma_wait3A_973 = tpu.memref_slice %arg11[%add3A_902, %dma_wait3A] : memref<5376x128xf32, #tpu.memory_space<vmem_shared>> -> memref<16x128xf32, #tpu.memory_space<vmem_shared>>
      %dma_wait3A_974 = arith.constant 0 : i32
      %dma_wait3A_975 = tpu.memref_slice %arg11[%add3A_902, %dma_wait3A_974] : memref<5376x128xf32, #tpu.memory_space<vmem_shared>> -> memref<16x128xf32, #tpu.memory_space<vmem_shared>>
      tpu.wait_dma2 semaphore(%run_scoped3A : memref<!tpu.dma_semaphore, #tpu.memory_space<semaphore_mem>>) src(%arg10 : memref<16x128xf32, #tpu.memory_space<vmem>>) dst(%dma_wait3A_975 : memref<16x128xf32, #tpu.memory_space<vmem_shared>>)
      tpu.yield
    }) : () -> ()
    %mul3A_903 = arith.constant 336 : i32
    %mul3A_904 = arith.muli %arg1, %mul3A_903 : i32
    %add3A_905 = arith.constant 144 : i32
    %add3A_906 = arith.addi %mul3A_904, %add3A_905 : i32
    "tpu.region"() ({
      %run_scoped3A = tpu.sem_alloc : memref<!tpu.dma_semaphore, #tpu.memory_space<semaphore_mem>>
      %dma_start3A = arith.constant 0 : i32
      %dma_start3A_970 = tpu.memref_slice %arg11[%add3A_906, %dma_start3A] : memref<5376x128xf32, #tpu.memory_space<vmem_shared>> -> memref<16x128xf32, #tpu.memory_space<vmem_shared>>
      %dma_start3A_971 = arith.constant 0 : i32
      %dma_start3A_972 = tpu.memref_slice %arg11[%add3A_906, %dma_start3A_971] : memref<5376x128xf32, #tpu.memory_space<vmem_shared>> -> memref<16x128xf32, #tpu.memory_space<vmem_shared>>
      tpu.enqueue_dma source(%arg10 : memref<16x128xf32, #tpu.memory_space<vmem>>) target(%dma_start3A_972 : memref<16x128xf32, #tpu.memory_space<vmem_shared>>) target_semaphore(%run_scoped3A : memref<!tpu.dma_semaphore, #tpu.memory_space<semaphore_mem>>)
      %dma_wait3A = arith.constant 0 : i32
      %dma_wait3A_973 = tpu.memref_slice %arg11[%add3A_906, %dma_wait3A] : memref<5376x128xf32, #tpu.memory_space<vmem_shared>> -> memref<16x128xf32, #tpu.memory_space<vmem_shared>>
      %dma_wait3A_974 = arith.constant 0 : i32
      %dma_wait3A_975 = tpu.memref_slice %arg11[%add3A_906, %dma_wait3A_974] : memref<5376x128xf32, #tpu.memory_space<vmem_shared>> -> memref<16x128xf32, #tpu.memory_space<vmem_shared>>
      tpu.wait_dma2 semaphore(%run_scoped3A : memref<!tpu.dma_semaphore, #tpu.memory_space<semaphore_mem>>) src(%arg10 : memref<16x128xf32, #tpu.memory_space<vmem>>) dst(%dma_wait3A_975 : memref<16x128xf32, #tpu.memory_space<vmem_shared>>)
      tpu.yield
    }) : () -> ()
    %mul3A_907 = arith.constant 336 : i32
    %mul3A_908 = arith.muli %arg1, %mul3A_907 : i32
    %add3A_909 = arith.constant 160 : i32
    %add3A_910 = arith.addi %mul3A_908, %add3A_909 : i32
    "tpu.region"() ({
      %run_scoped3A = tpu.sem_alloc : memref<!tpu.dma_semaphore, #tpu.memory_space<semaphore_mem>>
      %dma_start3A = arith.constant 0 : i32
      %dma_start3A_970 = tpu.memref_slice %arg11[%add3A_910, %dma_start3A] : memref<5376x128xf32, #tpu.memory_space<vmem_shared>> -> memref<16x128xf32, #tpu.memory_space<vmem_shared>>
      %dma_start3A_971 = arith.constant 0 : i32
      %dma_start3A_972 = tpu.memref_slice %arg11[%add3A_910, %dma_start3A_971] : memref<5376x128xf32, #tpu.memory_space<vmem_shared>> -> memref<16x128xf32, #tpu.memory_space<vmem_shared>>
      tpu.enqueue_dma source(%arg10 : memref<16x128xf32, #tpu.memory_space<vmem>>) target(%dma_start3A_972 : memref<16x128xf32, #tpu.memory_space<vmem_shared>>) target_semaphore(%run_scoped3A : memref<!tpu.dma_semaphore, #tpu.memory_space<semaphore_mem>>)
      %dma_wait3A = arith.constant 0 : i32
      %dma_wait3A_973 = tpu.memref_slice %arg11[%add3A_910, %dma_wait3A] : memref<5376x128xf32, #tpu.memory_space<vmem_shared>> -> memref<16x128xf32, #tpu.memory_space<vmem_shared>>
      %dma_wait3A_974 = arith.constant 0 : i32
      %dma_wait3A_975 = tpu.memref_slice %arg11[%add3A_910, %dma_wait3A_974] : memref<5376x128xf32, #tpu.memory_space<vmem_shared>> -> memref<16x128xf32, #tpu.memory_space<vmem_shared>>
      tpu.wait_dma2 semaphore(%run_scoped3A : memref<!tpu.dma_semaphore, #tpu.memory_space<semaphore_mem>>) src(%arg10 : memref<16x128xf32, #tpu.memory_space<vmem>>) dst(%dma_wait3A_975 : memref<16x128xf32, #tpu.memory_space<vmem_shared>>)
      tpu.yield
    }) : () -> ()
    %mul3A_911 = arith.constant 336 : i32
    %mul3A_912 = arith.muli %arg1, %mul3A_911 : i32
    %add3A_913 = arith.constant 176 : i32
    %add3A_914 = arith.addi %mul3A_912, %add3A_913 : i32
    "tpu.region"() ({
      %run_scoped3A = tpu.sem_alloc : memref<!tpu.dma_semaphore, #tpu.memory_space<semaphore_mem>>
      %dma_start3A = arith.constant 0 : i32
      %dma_start3A_970 = tpu.memref_slice %arg11[%add3A_914, %dma_start3A] : memref<5376x128xf32, #tpu.memory_space<vmem_shared>> -> memref<16x128xf32, #tpu.memory_space<vmem_shared>>
      %dma_start3A_971 = arith.constant 0 : i32
      %dma_start3A_972 = tpu.memref_slice %arg11[%add3A_914, %dma_start3A_971] : memref<5376x128xf32, #tpu.memory_space<vmem_shared>> -> memref<16x128xf32, #tpu.memory_space<vmem_shared>>
      tpu.enqueue_dma source(%arg10 : memref<16x128xf32, #tpu.memory_space<vmem>>) target(%dma_start3A_972 : memref<16x128xf32, #tpu.memory_space<vmem_shared>>) target_semaphore(%run_scoped3A : memref<!tpu.dma_semaphore, #tpu.memory_space<semaphore_mem>>)
      %dma_wait3A = arith.constant 0 : i32
      %dma_wait3A_973 = tpu.memref_slice %arg11[%add3A_914, %dma_wait3A] : memref<5376x128xf32, #tpu.memory_space<vmem_shared>> -> memref<16x128xf32, #tpu.memory_space<vmem_shared>>
      %dma_wait3A_974 = arith.constant 0 : i32
      %dma_wait3A_975 = tpu.memref_slice %arg11[%add3A_914, %dma_wait3A_974] : memref<5376x128xf32, #tpu.memory_space<vmem_shared>> -> memref<16x128xf32, #tpu.memory_space<vmem_shared>>
      tpu.wait_dma2 semaphore(%run_scoped3A : memref<!tpu.dma_semaphore, #tpu.memory_space<semaphore_mem>>) src(%arg10 : memref<16x128xf32, #tpu.memory_space<vmem>>) dst(%dma_wait3A_975 : memref<16x128xf32, #tpu.memory_space<vmem_shared>>)
      tpu.yield
    }) : () -> ()
    %mul3A_915 = arith.constant 336 : i32
    %mul3A_916 = arith.muli %arg1, %mul3A_915 : i32
    %add3A_917 = arith.constant 192 : i32
    %add3A_918 = arith.addi %mul3A_916, %add3A_917 : i32
    "tpu.region"() ({
      %run_scoped3A = tpu.sem_alloc : memref<!tpu.dma_semaphore, #tpu.memory_space<semaphore_mem>>
      %dma_start3A = arith.constant 0 : i32
      %dma_start3A_970 = tpu.memref_slice %arg11[%add3A_918, %dma_start3A] : memref<5376x128xf32, #tpu.memory_space<vmem_shared>> -> memref<16x128xf32, #tpu.memory_space<vmem_shared>>
      %dma_start3A_971 = arith.constant 0 : i32
      %dma_start3A_972 = tpu.memref_slice %arg11[%add3A_918, %dma_start3A_971] : memref<5376x128xf32, #tpu.memory_space<vmem_shared>> -> memref<16x128xf32, #tpu.memory_space<vmem_shared>>
      tpu.enqueue_dma source(%arg10 : memref<16x128xf32, #tpu.memory_space<vmem>>) target(%dma_start3A_972 : memref<16x128xf32, #tpu.memory_space<vmem_shared>>) target_semaphore(%run_scoped3A : memref<!tpu.dma_semaphore, #tpu.memory_space<semaphore_mem>>)
      %dma_wait3A = arith.constant 0 : i32
      %dma_wait3A_973 = tpu.memref_slice %arg11[%add3A_918, %dma_wait3A] : memref<5376x128xf32, #tpu.memory_space<vmem_shared>> -> memref<16x128xf32, #tpu.memory_space<vmem_shared>>
      %dma_wait3A_974 = arith.constant 0 : i32
      %dma_wait3A_975 = tpu.memref_slice %arg11[%add3A_918, %dma_wait3A_974] : memref<5376x128xf32, #tpu.memory_space<vmem_shared>> -> memref<16x128xf32, #tpu.memory_space<vmem_shared>>
      tpu.wait_dma2 semaphore(%run_scoped3A : memref<!tpu.dma_semaphore, #tpu.memory_space<semaphore_mem>>) src(%arg10 : memref<16x128xf32, #tpu.memory_space<vmem>>) dst(%dma_wait3A_975 : memref<16x128xf32, #tpu.memory_space<vmem_shared>>)
      tpu.yield
    }) : () -> ()
    %mul3A_919 = arith.constant 336 : i32
    %mul3A_920 = arith.muli %arg1, %mul3A_919 : i32
    %add3A_921 = arith.constant 208 : i32
    %add3A_922 = arith.addi %mul3A_920, %add3A_921 : i32
    "tpu.region"() ({
      %run_scoped3A = tpu.sem_alloc : memref<!tpu.dma_semaphore, #tpu.memory_space<semaphore_mem>>
      %dma_start3A = arith.constant 0 : i32
      %dma_start3A_970 = tpu.memref_slice %arg11[%add3A_922, %dma_start3A] : memref<5376x128xf32, #tpu.memory_space<vmem_shared>> -> memref<16x128xf32, #tpu.memory_space<vmem_shared>>
      %dma_start3A_971 = arith.constant 0 : i32
      %dma_start3A_972 = tpu.memref_slice %arg11[%add3A_922, %dma_start3A_971] : memref<5376x128xf32, #tpu.memory_space<vmem_shared>> -> memref<16x128xf32, #tpu.memory_space<vmem_shared>>
      tpu.enqueue_dma source(%arg10 : memref<16x128xf32, #tpu.memory_space<vmem>>) target(%dma_start3A_972 : memref<16x128xf32, #tpu.memory_space<vmem_shared>>) target_semaphore(%run_scoped3A : memref<!tpu.dma_semaphore, #tpu.memory_space<semaphore_mem>>)
      %dma_wait3A = arith.constant 0 : i32
      %dma_wait3A_973 = tpu.memref_slice %arg11[%add3A_922, %dma_wait3A] : memref<5376x128xf32, #tpu.memory_space<vmem_shared>> -> memref<16x128xf32, #tpu.memory_space<vmem_shared>>
      %dma_wait3A_974 = arith.constant 0 : i32
      %dma_wait3A_975 = tpu.memref_slice %arg11[%add3A_922, %dma_wait3A_974] : memref<5376x128xf32, #tpu.memory_space<vmem_shared>> -> memref<16x128xf32, #tpu.memory_space<vmem_shared>>
      tpu.wait_dma2 semaphore(%run_scoped3A : memref<!tpu.dma_semaphore, #tpu.memory_space<semaphore_mem>>) src(%arg10 : memref<16x128xf32, #tpu.memory_space<vmem>>) dst(%dma_wait3A_975 : memref<16x128xf32, #tpu.memory_space<vmem_shared>>)
      tpu.yield
    }) : () -> ()
    %mul3A_923 = arith.constant 336 : i32
    %mul3A_924 = arith.muli %arg1, %mul3A_923 : i32
    %add3A_925 = arith.constant 224 : i32
    %add3A_926 = arith.addi %mul3A_924, %add3A_925 : i32
    "tpu.region"() ({
      %run_scoped3A = tpu.sem_alloc : memref<!tpu.dma_semaphore, #tpu.memory_space<semaphore_mem>>
      %dma_start3A = arith.constant 0 : i32
      %dma_start3A_970 = tpu.memref_slice %arg11[%add3A_926, %dma_start3A] : memref<5376x128xf32, #tpu.memory_space<vmem_shared>> -> memref<16x128xf32, #tpu.memory_space<vmem_shared>>
      %dma_start3A_971 = arith.constant 0 : i32
      %dma_start3A_972 = tpu.memref_slice %arg11[%add3A_926, %dma_start3A_971] : memref<5376x128xf32, #tpu.memory_space<vmem_shared>> -> memref<16x128xf32, #tpu.memory_space<vmem_shared>>
      tpu.enqueue_dma source(%arg10 : memref<16x128xf32, #tpu.memory_space<vmem>>) target(%dma_start3A_972 : memref<16x128xf32, #tpu.memory_space<vmem_shared>>) target_semaphore(%run_scoped3A : memref<!tpu.dma_semaphore, #tpu.memory_space<semaphore_mem>>)
      %dma_wait3A = arith.constant 0 : i32
      %dma_wait3A_973 = tpu.memref_slice %arg11[%add3A_926, %dma_wait3A] : memref<5376x128xf32, #tpu.memory_space<vmem_shared>> -> memref<16x128xf32, #tpu.memory_space<vmem_shared>>
      %dma_wait3A_974 = arith.constant 0 : i32
      %dma_wait3A_975 = tpu.memref_slice %arg11[%add3A_926, %dma_wait3A_974] : memref<5376x128xf32, #tpu.memory_space<vmem_shared>> -> memref<16x128xf32, #tpu.memory_space<vmem_shared>>
      tpu.wait_dma2 semaphore(%run_scoped3A : memref<!tpu.dma_semaphore, #tpu.memory_space<semaphore_mem>>) src(%arg10 : memref<16x128xf32, #tpu.memory_space<vmem>>) dst(%dma_wait3A_975 : memref<16x128xf32, #tpu.memory_space<vmem_shared>>)
      tpu.yield
    }) : () -> ()
    %mul3A_927 = arith.constant 336 : i32
    %mul3A_928 = arith.muli %arg1, %mul3A_927 : i32
    %add3A_929 = arith.constant 240 : i32
    %add3A_930 = arith.addi %mul3A_928, %add3A_929 : i32
    "tpu.region"() ({
      %run_scoped3A = tpu.sem_alloc : memref<!tpu.dma_semaphore, #tpu.memory_space<semaphore_mem>>
      %dma_start3A = arith.constant 0 : i32
      %dma_start3A_970 = tpu.memref_slice %arg11[%add3A_930, %dma_start3A] : memref<5376x128xf32, #tpu.memory_space<vmem_shared>> -> memref<16x128xf32, #tpu.memory_space<vmem_shared>>
      %dma_start3A_971 = arith.constant 0 : i32
      %dma_start3A_972 = tpu.memref_slice %arg11[%add3A_930, %dma_start3A_971] : memref<5376x128xf32, #tpu.memory_space<vmem_shared>> -> memref<16x128xf32, #tpu.memory_space<vmem_shared>>
      tpu.enqueue_dma source(%arg10 : memref<16x128xf32, #tpu.memory_space<vmem>>) target(%dma_start3A_972 : memref<16x128xf32, #tpu.memory_space<vmem_shared>>) target_semaphore(%run_scoped3A : memref<!tpu.dma_semaphore, #tpu.memory_space<semaphore_mem>>)
      %dma_wait3A = arith.constant 0 : i32
      %dma_wait3A_973 = tpu.memref_slice %arg11[%add3A_930, %dma_wait3A] : memref<5376x128xf32, #tpu.memory_space<vmem_shared>> -> memref<16x128xf32, #tpu.memory_space<vmem_shared>>
      %dma_wait3A_974 = arith.constant 0 : i32
      %dma_wait3A_975 = tpu.memref_slice %arg11[%add3A_930, %dma_wait3A_974] : memref<5376x128xf32, #tpu.memory_space<vmem_shared>> -> memref<16x128xf32, #tpu.memory_space<vmem_shared>>
      tpu.wait_dma2 semaphore(%run_scoped3A : memref<!tpu.dma_semaphore, #tpu.memory_space<semaphore_mem>>) src(%arg10 : memref<16x128xf32, #tpu.memory_space<vmem>>) dst(%dma_wait3A_975 : memref<16x128xf32, #tpu.memory_space<vmem_shared>>)
      tpu.yield
    }) : () -> ()
    %mul3A_931 = arith.constant 336 : i32
    %mul3A_932 = arith.muli %arg1, %mul3A_931 : i32
    %add3A_933 = arith.constant 256 : i32
    %add3A_934 = arith.addi %mul3A_932, %add3A_933 : i32
    "tpu.region"() ({
      %run_scoped3A = tpu.sem_alloc : memref<!tpu.dma_semaphore, #tpu.memory_space<semaphore_mem>>
      %dma_start3A = arith.constant 0 : i32
      %dma_start3A_970 = tpu.memref_slice %arg11[%add3A_934, %dma_start3A] : memref<5376x128xf32, #tpu.memory_space<vmem_shared>> -> memref<16x128xf32, #tpu.memory_space<vmem_shared>>
      %dma_start3A_971 = arith.constant 0 : i32
      %dma_start3A_972 = tpu.memref_slice %arg11[%add3A_934, %dma_start3A_971] : memref<5376x128xf32, #tpu.memory_space<vmem_shared>> -> memref<16x128xf32, #tpu.memory_space<vmem_shared>>
      tpu.enqueue_dma source(%arg10 : memref<16x128xf32, #tpu.memory_space<vmem>>) target(%dma_start3A_972 : memref<16x128xf32, #tpu.memory_space<vmem_shared>>) target_semaphore(%run_scoped3A : memref<!tpu.dma_semaphore, #tpu.memory_space<semaphore_mem>>)
      %dma_wait3A = arith.constant 0 : i32
      %dma_wait3A_973 = tpu.memref_slice %arg11[%add3A_934, %dma_wait3A] : memref<5376x128xf32, #tpu.memory_space<vmem_shared>> -> memref<16x128xf32, #tpu.memory_space<vmem_shared>>
      %dma_wait3A_974 = arith.constant 0 : i32
      %dma_wait3A_975 = tpu.memref_slice %arg11[%add3A_934, %dma_wait3A_974] : memref<5376x128xf32, #tpu.memory_space<vmem_shared>> -> memref<16x128xf32, #tpu.memory_space<vmem_shared>>
      tpu.wait_dma2 semaphore(%run_scoped3A : memref<!tpu.dma_semaphore, #tpu.memory_space<semaphore_mem>>) src(%arg10 : memref<16x128xf32, #tpu.memory_space<vmem>>) dst(%dma_wait3A_975 : memref<16x128xf32, #tpu.memory_space<vmem_shared>>)
      tpu.yield
    }) : () -> ()
    %mul3A_935 = arith.constant 336 : i32
    %mul3A_936 = arith.muli %arg1, %mul3A_935 : i32
    %add3A_937 = arith.constant 272 : i32
    %add3A_938 = arith.addi %mul3A_936, %add3A_937 : i32
    "tpu.region"() ({
      %run_scoped3A = tpu.sem_alloc : memref<!tpu.dma_semaphore, #tpu.memory_space<semaphore_mem>>
      %dma_start3A = arith.constant 0 : i32
      %dma_start3A_970 = tpu.memref_slice %arg11[%add3A_938, %dma_start3A] : memref<5376x128xf32, #tpu.memory_space<vmem_shared>> -> memref<16x128xf32, #tpu.memory_space<vmem_shared>>
      %dma_start3A_971 = arith.constant 0 : i32
      %dma_start3A_972 = tpu.memref_slice %arg11[%add3A_938, %dma_start3A_971] : memref<5376x128xf32, #tpu.memory_space<vmem_shared>> -> memref<16x128xf32, #tpu.memory_space<vmem_shared>>
      tpu.enqueue_dma source(%arg10 : memref<16x128xf32, #tpu.memory_space<vmem>>) target(%dma_start3A_972 : memref<16x128xf32, #tpu.memory_space<vmem_shared>>) target_semaphore(%run_scoped3A : memref<!tpu.dma_semaphore, #tpu.memory_space<semaphore_mem>>)
      %dma_wait3A = arith.constant 0 : i32
      %dma_wait3A_973 = tpu.memref_slice %arg11[%add3A_938, %dma_wait3A] : memref<5376x128xf32, #tpu.memory_space<vmem_shared>> -> memref<16x128xf32, #tpu.memory_space<vmem_shared>>
      %dma_wait3A_974 = arith.constant 0 : i32
      %dma_wait3A_975 = tpu.memref_slice %arg11[%add3A_938, %dma_wait3A_974] : memref<5376x128xf32, #tpu.memory_space<vmem_shared>> -> memref<16x128xf32, #tpu.memory_space<vmem_shared>>
      tpu.wait_dma2 semaphore(%run_scoped3A : memref<!tpu.dma_semaphore, #tpu.memory_space<semaphore_mem>>) src(%arg10 : memref<16x128xf32, #tpu.memory_space<vmem>>) dst(%dma_wait3A_975 : memref<16x128xf32, #tpu.memory_space<vmem_shared>>)
      tpu.yield
    }) : () -> ()
    %mul3A_939 = arith.constant 336 : i32
    %mul3A_940 = arith.muli %arg1, %mul3A_939 : i32
    %add3A_941 = arith.constant 288 : i32
    %add3A_942 = arith.addi %mul3A_940, %add3A_941 : i32
    "tpu.region"() ({
      %run_scoped3A = tpu.sem_alloc : memref<!tpu.dma_semaphore, #tpu.memory_space<semaphore_mem>>
      %dma_start3A = arith.constant 0 : i32
      %dma_start3A_970 = tpu.memref_slice %arg11[%add3A_942, %dma_start3A] : memref<5376x128xf32, #tpu.memory_space<vmem_shared>> -> memref<16x128xf32, #tpu.memory_space<vmem_shared>>
      %dma_start3A_971 = arith.constant 0 : i32
      %dma_start3A_972 = tpu.memref_slice %arg11[%add3A_942, %dma_start3A_971] : memref<5376x128xf32, #tpu.memory_space<vmem_shared>> -> memref<16x128xf32, #tpu.memory_space<vmem_shared>>
      tpu.enqueue_dma source(%arg10 : memref<16x128xf32, #tpu.memory_space<vmem>>) target(%dma_start3A_972 : memref<16x128xf32, #tpu.memory_space<vmem_shared>>) target_semaphore(%run_scoped3A : memref<!tpu.dma_semaphore, #tpu.memory_space<semaphore_mem>>)
      %dma_wait3A = arith.constant 0 : i32
      %dma_wait3A_973 = tpu.memref_slice %arg11[%add3A_942, %dma_wait3A] : memref<5376x128xf32, #tpu.memory_space<vmem_shared>> -> memref<16x128xf32, #tpu.memory_space<vmem_shared>>
      %dma_wait3A_974 = arith.constant 0 : i32
      %dma_wait3A_975 = tpu.memref_slice %arg11[%add3A_942, %dma_wait3A_974] : memref<5376x128xf32, #tpu.memory_space<vmem_shared>> -> memref<16x128xf32, #tpu.memory_space<vmem_shared>>
      tpu.wait_dma2 semaphore(%run_scoped3A : memref<!tpu.dma_semaphore, #tpu.memory_space<semaphore_mem>>) src(%arg10 : memref<16x128xf32, #tpu.memory_space<vmem>>) dst(%dma_wait3A_975 : memref<16x128xf32, #tpu.memory_space<vmem_shared>>)
      tpu.yield
    }) : () -> ()
    %mul3A_943 = arith.constant 336 : i32
    %mul3A_944 = arith.muli %arg1, %mul3A_943 : i32
    %add3A_945 = arith.constant 304 : i32
    %add3A_946 = arith.addi %mul3A_944, %add3A_945 : i32
    "tpu.region"() ({
      %run_scoped3A = tpu.sem_alloc : memref<!tpu.dma_semaphore, #tpu.memory_space<semaphore_mem>>
      %dma_start3A = arith.constant 0 : i32
      %dma_start3A_970 = tpu.memref_slice %arg11[%add3A_946, %dma_start3A] : memref<5376x128xf32, #tpu.memory_space<vmem_shared>> -> memref<16x128xf32, #tpu.memory_space<vmem_shared>>
      %dma_start3A_971 = arith.constant 0 : i32
      %dma_start3A_972 = tpu.memref_slice %arg11[%add3A_946, %dma_start3A_971] : memref<5376x128xf32, #tpu.memory_space<vmem_shared>> -> memref<16x128xf32, #tpu.memory_space<vmem_shared>>
      tpu.enqueue_dma source(%arg10 : memref<16x128xf32, #tpu.memory_space<vmem>>) target(%dma_start3A_972 : memref<16x128xf32, #tpu.memory_space<vmem_shared>>) target_semaphore(%run_scoped3A : memref<!tpu.dma_semaphore, #tpu.memory_space<semaphore_mem>>)
      %dma_wait3A = arith.constant 0 : i32
      %dma_wait3A_973 = tpu.memref_slice %arg11[%add3A_946, %dma_wait3A] : memref<5376x128xf32, #tpu.memory_space<vmem_shared>> -> memref<16x128xf32, #tpu.memory_space<vmem_shared>>
      %dma_wait3A_974 = arith.constant 0 : i32
      %dma_wait3A_975 = tpu.memref_slice %arg11[%add3A_946, %dma_wait3A_974] : memref<5376x128xf32, #tpu.memory_space<vmem_shared>> -> memref<16x128xf32, #tpu.memory_space<vmem_shared>>
      tpu.wait_dma2 semaphore(%run_scoped3A : memref<!tpu.dma_semaphore, #tpu.memory_space<semaphore_mem>>) src(%arg10 : memref<16x128xf32, #tpu.memory_space<vmem>>) dst(%dma_wait3A_975 : memref<16x128xf32, #tpu.memory_space<vmem_shared>>)
      tpu.yield
    }) : () -> ()
    %mul3A_947 = arith.constant 336 : i32
    %mul3A_948 = arith.muli %arg1, %mul3A_947 : i32
    %add3A_949 = arith.constant 320 : i32
    %add3A_950 = arith.addi %mul3A_948, %add3A_949 : i32
    "tpu.region"() ({
      %run_scoped3A = tpu.sem_alloc : memref<!tpu.dma_semaphore, #tpu.memory_space<semaphore_mem>>
      %dma_start3A = arith.constant 0 : i32
      %dma_start3A_970 = tpu.memref_slice %arg11[%add3A_950, %dma_start3A] : memref<5376x128xf32, #tpu.memory_space<vmem_shared>> -> memref<16x128xf32, #tpu.memory_space<vmem_shared>>
      %dma_start3A_971 = arith.constant 0 : i32
      %dma_start3A_972 = tpu.memref_slice %arg11[%add3A_950, %dma_start3A_971] : memref<5376x128xf32, #tpu.memory_space<vmem_shared>> -> memref<16x128xf32, #tpu.memory_space<vmem_shared>>
      tpu.enqueue_dma source(%arg10 : memref<16x128xf32, #tpu.memory_space<vmem>>) target(%dma_start3A_972 : memref<16x128xf32, #tpu.memory_space<vmem_shared>>) target_semaphore(%run_scoped3A : memref<!tpu.dma_semaphore, #tpu.memory_space<semaphore_mem>>)
      %dma_wait3A = arith.constant 0 : i32
      %dma_wait3A_973 = tpu.memref_slice %arg11[%add3A_950, %dma_wait3A] : memref<5376x128xf32, #tpu.memory_space<vmem_shared>> -> memref<16x128xf32, #tpu.memory_space<vmem_shared>>
      %dma_wait3A_974 = arith.constant 0 : i32
      %dma_wait3A_975 = tpu.memref_slice %arg11[%add3A_950, %dma_wait3A_974] : memref<5376x128xf32, #tpu.memory_space<vmem_shared>> -> memref<16x128xf32, #tpu.memory_space<vmem_shared>>
      tpu.wait_dma2 semaphore(%run_scoped3A : memref<!tpu.dma_semaphore, #tpu.memory_space<semaphore_mem>>) src(%arg10 : memref<16x128xf32, #tpu.memory_space<vmem>>) dst(%dma_wait3A_975 : memref<16x128xf32, #tpu.memory_space<vmem_shared>>)
      tpu.yield
    }) : () -> ()
    %scan3A_951 = arith.constant 0 : i32
    %scan3A_952 = arith.constant 160 : i32
    %scan3A_953 = arith.addi %scan3A_951, %scan3A_952 : i32
    %scan3A_954 = arith.constant 1 : i32
    scf.for %scan3A_970 = %scan3A_951 to %scan3A_953 step %scan3A_954  : i32 {
      %get3A = arith.index_cast %scan3A_970 : i32 to index
      %get3A_971 = arith.constant 0 : index
      %get3A_972 = tpu.vector_load %arg7[%get3A, %get3A_971] {strides = array<i32>} : memref<160x128xi32, #tpu.memory_space<vmem>>, vector<1x16xi32>,
      %get3A_973 = vector.shape_cast %get3A_972 : vector<1x16xi32> to vector<16xi32>
      %sub3A = arith.constant 5120 : i32
      %sub3A_974 = vector.broadcast %sub3A : i32 to vector<16xi32>
      %sub3A_975 = arith.subi %get3A_973, %sub3A_974 : vector<16xi32>
      %ge3A = arith.constant 0 : i32
      %ge3A_976 = vector.broadcast %ge3A : i32 to vector<16xi32>
      %ge3A_977 = arith.cmpi sge, %sub3A_975, %ge3A_976 : vector<16xi32>
      %lt3A = arith.constant 5120 : i32
      %lt3A_978 = vector.broadcast %lt3A : i32 to vector<16xi32>
      %lt3A_979 = arith.cmpi slt, %sub3A_975, %lt3A_978 : vector<16xi32>
      %and3A = arith.andi %ge3A_977, %lt3A_979 : vector<16xi1>
      %and3A_980 = arith.constant 63 : i32
      %and3A_981 = vector.broadcast %and3A_980 : i32 to vector<16xi32>
      %and3A_982 = arith.andi %get3A_973, %and3A_981 : vector<16xi32>
      %add3A_983 = arith.constant 5120 : i32
      %add3A_984 = vector.broadcast %add3A_983 : i32 to vector<16xi32>
      %add3A_985 = arith.addi %add3A_984, %and3A_982 : vector<16xi32>
      %select_n3A = arith.select %and3A, %sub3A_975, %add3A_985 : vector<16xi1>, vector<16xi32>
      %swap3A_986 = arith.index_cast %scan3A_970 : i32 to index
      %swap3A_987 = arith.constant 0 : index
      %swap3A_988 = tpu.vector_load %arg8[%swap3A_986, %swap3A_987] {strides = array<i32>} : memref<160x128xi32, #tpu.memory_space<vmem>>, vector<1x16xi32>,
      %swap3A_989 = vector.shape_cast %swap3A_988 : vector<1x16xi32> to vector<16xi32>
      %swap3A_990 = vector.shape_cast %select_n3A : vector<16xi32> to vector<1x16xi32>
      tpu.vector_store %arg8[%swap3A_986, %swap3A_987], %swap3A_990 {strides = array<i32>} : memref<160x128xi32, #tpu.memory_space<vmem>>, vector<1x16xi32>,
      %get3A_991 = arith.index_cast %scan3A_970 : i32 to index
      %get3A_992 = arith.constant 16 : index
      %get3A_993 = tpu.vector_load %arg7[%get3A_991, %get3A_992] {strides = array<i32>} : memref<160x128xi32, #tpu.memory_space<vmem>>, vector<1x16xi32>,
      %get3A_994 = vector.shape_cast %get3A_993 : vector<1x16xi32> to vector<16xi32>
      %sub3A_995 = arith.constant 5120 : i32
      %sub3A_996 = vector.broadcast %sub3A_995 : i32 to vector<16xi32>
      %sub3A_997 = arith.subi %get3A_994, %sub3A_996 : vector<16xi32>
      %ge3A_998 = arith.constant 0 : i32
      %ge3A_999 = vector.broadcast %ge3A_998 : i32 to vector<16xi32>
      %ge3A_1000 = arith.cmpi sge, %sub3A_997, %ge3A_999 : vector<16xi32>
      %lt3A_1001 = arith.constant 5120 : i32
      %lt3A_1002 = vector.broadcast %lt3A_1001 : i32 to vector<16xi32>
      %lt3A_1003 = arith.cmpi slt, %sub3A_997, %lt3A_1002 : vector<16xi32>
      %and3A_1004 = arith.andi %ge3A_1000, %lt3A_1003 : vector<16xi1>
      %and3A_1005 = arith.constant 63 : i32
      %and3A_1006 = vector.broadcast %and3A_1005 : i32 to vector<16xi32>
      %and3A_1007 = arith.andi %get3A_994, %and3A_1006 : vector<16xi32>
      %add3A_1008 = arith.constant 5120 : i32
      %add3A_1009 = vector.broadcast %add3A_1008 : i32 to vector<16xi32>
      %add3A_1010 = arith.addi %add3A_1009, %and3A_1007 : vector<16xi32>
      %select_n3A_1011 = arith.select %and3A_1004, %sub3A_997, %add3A_1010 : vector<16xi1>, vector<16xi32>
      %swap3A_1012 = arith.index_cast %scan3A_970 : i32 to index
      %swap3A_1013 = arith.constant 16 : index
      %swap3A_1014 = tpu.vector_load %arg8[%swap3A_1012, %swap3A_1013] {strides = array<i32>} : memref<160x128xi32, #tpu.memory_space<vmem>>, vector<1x16xi32>,
      %swap3A_1015 = vector.shape_cast %swap3A_1014 : vector<1x16xi32> to vector<16xi32>
      %swap3A_1016 = vector.shape_cast %select_n3A_1011 : vector<16xi32> to vector<1x16xi32>
      tpu.vector_store %arg8[%swap3A_1012, %swap3A_1013], %swap3A_1016 {strides = array<i32>} : memref<160x128xi32, #tpu.memory_space<vmem>>, vector<1x16xi32>,
      %get3A_1017 = arith.index_cast %scan3A_970 : i32 to index
      %get3A_1018 = arith.constant 32 : index
      %get3A_1019 = tpu.vector_load %arg7[%get3A_1017, %get3A_1018] {strides = array<i32>} : memref<160x128xi32, #tpu.memory_space<vmem>>, vector<1x16xi32>,
      %get3A_1020 = vector.shape_cast %get3A_1019 : vector<1x16xi32> to vector<16xi32>
      %sub3A_1021 = arith.constant 5120 : i32
      %sub3A_1022 = vector.broadcast %sub3A_1021 : i32 to vector<16xi32>
      %sub3A_1023 = arith.subi %get3A_1020, %sub3A_1022 : vector<16xi32>
      %ge3A_1024 = arith.constant 0 : i32
      %ge3A_1025 = vector.broadcast %ge3A_1024 : i32 to vector<16xi32>
      %ge3A_1026 = arith.cmpi sge, %sub3A_1023, %ge3A_1025 : vector<16xi32>
      %lt3A_1027 = arith.constant 5120 : i32
      %lt3A_1028 = vector.broadcast %lt3A_1027 : i32 to vector<16xi32>
      %lt3A_1029 = arith.cmpi slt, %sub3A_1023, %lt3A_1028 : vector<16xi32>
      %and3A_1030 = arith.andi %ge3A_1026, %lt3A_1029 : vector<16xi1>
      %and3A_1031 = arith.constant 63 : i32
      %and3A_1032 = vector.broadcast %and3A_1031 : i32 to vector<16xi32>
      %and3A_1033 = arith.andi %get3A_1020, %and3A_1032 : vector<16xi32>
      %add3A_1034 = arith.constant 5120 : i32
      %add3A_1035 = vector.broadcast %add3A_1034 : i32 to vector<16xi32>
      %add3A_1036 = arith.addi %add3A_1035, %and3A_1033 : vector<16xi32>
      %select_n3A_1037 = arith.select %and3A_1030, %sub3A_1023, %add3A_1036 : vector<16xi1>, vector<16xi32>
      %swap3A_1038 = arith.index_cast %scan3A_970 : i32 to index
      %swap3A_1039 = arith.constant 32 : index
      %swap3A_1040 = tpu.vector_load %arg8[%swap3A_1038, %swap3A_1039] {strides = array<i32>} : memref<160x128xi32, #tpu.memory_space<vmem>>, vector<1x16xi32>,
      %swap3A_1041 = vector.shape_cast %swap3A_1040 : vector<1x16xi32> to vector<16xi32>
      %swap3A_1042 = vector.shape_cast %select_n3A_1037 : vector<16xi32> to vector<1x16xi32>
      tpu.vector_store %arg8[%swap3A_1038, %swap3A_1039], %swap3A_1042 {strides = array<i32>} : memref<160x128xi32, #tpu.memory_space<vmem>>, vector<1x16xi32>,
      %get3A_1043 = arith.index_cast %scan3A_970 : i32 to index
      %get3A_1044 = arith.constant 48 : index
      %get3A_1045 = tpu.vector_load %arg7[%get3A_1043, %get3A_1044] {strides = array<i32>} : memref<160x128xi32, #tpu.memory_space<vmem>>, vector<1x16xi32>,
      %get3A_1046 = vector.shape_cast %get3A_1045 : vector<1x16xi32> to vector<16xi32>
      %sub3A_1047 = arith.constant 5120 : i32
      %sub3A_1048 = vector.broadcast %sub3A_1047 : i32 to vector<16xi32>
      %sub3A_1049 = arith.subi %get3A_1046, %sub3A_1048 : vector<16xi32>
      %ge3A_1050 = arith.constant 0 : i32
      %ge3A_1051 = vector.broadcast %ge3A_1050 : i32 to vector<16xi32>
      %ge3A_1052 = arith.cmpi sge, %sub3A_1049, %ge3A_1051 : vector<16xi32>
      %lt3A_1053 = arith.constant 5120 : i32
      %lt3A_1054 = vector.broadcast %lt3A_1053 : i32 to vector<16xi32>
      %lt3A_1055 = arith.cmpi slt, %sub3A_1049, %lt3A_1054 : vector<16xi32>
      %and3A_1056 = arith.andi %ge3A_1052, %lt3A_1055 : vector<16xi1>
      %and3A_1057 = arith.constant 63 : i32
      %and3A_1058 = vector.broadcast %and3A_1057 : i32 to vector<16xi32>
      %and3A_1059 = arith.andi %get3A_1046, %and3A_1058 : vector<16xi32>
      %add3A_1060 = arith.constant 5120 : i32
      %add3A_1061 = vector.broadcast %add3A_1060 : i32 to vector<16xi32>
      %add3A_1062 = arith.addi %add3A_1061, %and3A_1059 : vector<16xi32>
      %select_n3A_1063 = arith.select %and3A_1056, %sub3A_1049, %add3A_1062 : vector<16xi1>, vector<16xi32>
      %swap3A_1064 = arith.index_cast %scan3A_970 : i32 to index
      %swap3A_1065 = arith.constant 48 : index
      %swap3A_1066 = tpu.vector_load %arg8[%swap3A_1064, %swap3A_1065] {strides = array<i32>} : memref<160x128xi32, #tpu.memory_space<vmem>>, vector<1x16xi32>,
      %swap3A_1067 = vector.shape_cast %swap3A_1066 : vector<1x16xi32> to vector<16xi32>
      %swap3A_1068 = vector.shape_cast %select_n3A_1063 : vector<16xi32> to vector<1x16xi32>
      tpu.vector_store %arg8[%swap3A_1064, %swap3A_1065], %swap3A_1068 {strides = array<i32>} : memref<160x128xi32, #tpu.memory_space<vmem>>, vector<1x16xi32>,
      %get3A_1069 = arith.index_cast %scan3A_970 : i32 to index
      %get3A_1070 = arith.constant 64 : index
      %get3A_1071 = tpu.vector_load %arg7[%get3A_1069, %get3A_1070] {strides = array<i32>} : memref<160x128xi32, #tpu.memory_space<vmem>>, vector<1x16xi32>,
      %get3A_1072 = vector.shape_cast %get3A_1071 : vector<1x16xi32> to vector<16xi32>
      %sub3A_1073 = arith.constant 5120 : i32
      %sub3A_1074 = vector.broadcast %sub3A_1073 : i32 to vector<16xi32>
      %sub3A_1075 = arith.subi %get3A_1072, %sub3A_1074 : vector<16xi32>
      %ge3A_1076 = arith.constant 0 : i32
      %ge3A_1077 = vector.broadcast %ge3A_1076 : i32 to vector<16xi32>
      %ge3A_1078 = arith.cmpi sge, %sub3A_1075, %ge3A_1077 : vector<16xi32>
      %lt3A_1079 = arith.constant 5120 : i32
      %lt3A_1080 = vector.broadcast %lt3A_1079 : i32 to vector<16xi32>
      %lt3A_1081 = arith.cmpi slt, %sub3A_1075, %lt3A_1080 : vector<16xi32>
      %and3A_1082 = arith.andi %ge3A_1078, %lt3A_1081 : vector<16xi1>
      %and3A_1083 = arith.constant 63 : i32
      %and3A_1084 = vector.broadcast %and3A_1083 : i32 to vector<16xi32>
      %and3A_1085 = arith.andi %get3A_1072, %and3A_1084 : vector<16xi32>
      %add3A_1086 = arith.constant 5120 : i32
      %add3A_1087 = vector.broadcast %add3A_1086 : i32 to vector<16xi32>
      %add3A_1088 = arith.addi %add3A_1087, %and3A_1085 : vector<16xi32>
      %select_n3A_1089 = arith.select %and3A_1082, %sub3A_1075, %add3A_1088 : vector<16xi1>, vector<16xi32>
      %swap3A_1090 = arith.index_cast %scan3A_970 : i32 to index
      %swap3A_1091 = arith.constant 64 : index
      %swap3A_1092 = tpu.vector_load %arg8[%swap3A_1090, %swap3A_1091] {strides = array<i32>} : memref<160x128xi32, #tpu.memory_space<vmem>>, vector<1x16xi32>,
      %swap3A_1093 = vector.shape_cast %swap3A_1092 : vector<1x16xi32> to vector<16xi32>
      %swap3A_1094 = vector.shape_cast %select_n3A_1089 : vector<16xi32> to vector<1x16xi32>
      tpu.vector_store %arg8[%swap3A_1090, %swap3A_1091], %swap3A_1094 {strides = array<i32>} : memref<160x128xi32, #tpu.memory_space<vmem>>, vector<1x16xi32>,
      %get3A_1095 = arith.index_cast %scan3A_970 : i32 to index
      %get3A_1096 = arith.constant 80 : index
      %get3A_1097 = tpu.vector_load %arg7[%get3A_1095, %get3A_1096] {strides = array<i32>} : memref<160x128xi32, #tpu.memory_space<vmem>>, vector<1x16xi32>,
      %get3A_1098 = vector.shape_cast %get3A_1097 : vector<1x16xi32> to vector<16xi32>
      %sub3A_1099 = arith.constant 5120 : i32
      %sub3A_1100 = vector.broadcast %sub3A_1099 : i32 to vector<16xi32>
      %sub3A_1101 = arith.subi %get3A_1098, %sub3A_1100 : vector<16xi32>
      %ge3A_1102 = arith.constant 0 : i32
      %ge3A_1103 = vector.broadcast %ge3A_1102 : i32 to vector<16xi32>
      %ge3A_1104 = arith.cmpi sge, %sub3A_1101, %ge3A_1103 : vector<16xi32>
      %lt3A_1105 = arith.constant 5120 : i32
      %lt3A_1106 = vector.broadcast %lt3A_1105 : i32 to vector<16xi32>
      %lt3A_1107 = arith.cmpi slt, %sub3A_1101, %lt3A_1106 : vector<16xi32>
      %and3A_1108 = arith.andi %ge3A_1104, %lt3A_1107 : vector<16xi1>
      %and3A_1109 = arith.constant 63 : i32
      %and3A_1110 = vector.broadcast %and3A_1109 : i32 to vector<16xi32>
      %and3A_1111 = arith.andi %get3A_1098, %and3A_1110 : vector<16xi32>
      %add3A_1112 = arith.constant 5120 : i32
      %add3A_1113 = vector.broadcast %add3A_1112 : i32 to vector<16xi32>
      %add3A_1114 = arith.addi %add3A_1113, %and3A_1111 : vector<16xi32>
      %select_n3A_1115 = arith.select %and3A_1108, %sub3A_1101, %add3A_1114 : vector<16xi1>, vector<16xi32>
      %swap3A_1116 = arith.index_cast %scan3A_970 : i32 to index
      %swap3A_1117 = arith.constant 80 : index
      %swap3A_1118 = tpu.vector_load %arg8[%swap3A_1116, %swap3A_1117] {strides = array<i32>} : memref<160x128xi32, #tpu.memory_space<vmem>>, vector<1x16xi32>,
      %swap3A_1119 = vector.shape_cast %swap3A_1118 : vector<1x16xi32> to vector<16xi32>
      %swap3A_1120 = vector.shape_cast %select_n3A_1115 : vector<16xi32> to vector<1x16xi32>
      tpu.vector_store %arg8[%swap3A_1116, %swap3A_1117], %swap3A_1120 {strides = array<i32>} : memref<160x128xi32, #tpu.memory_space<vmem>>, vector<1x16xi32>,
      %get3A_1121 = arith.index_cast %scan3A_970 : i32 to index
      %get3A_1122 = arith.constant 96 : index
      %get3A_1123 = tpu.vector_load %arg7[%get3A_1121, %get3A_1122] {strides = array<i32>} : memref<160x128xi32, #tpu.memory_space<vmem>>, vector<1x16xi32>,
      %get3A_1124 = vector.shape_cast %get3A_1123 : vector<1x16xi32> to vector<16xi32>
      %sub3A_1125 = arith.constant 5120 : i32
      %sub3A_1126 = vector.broadcast %sub3A_1125 : i32 to vector<16xi32>
      %sub3A_1127 = arith.subi %get3A_1124, %sub3A_1126 : vector<16xi32>
      %ge3A_1128 = arith.constant 0 : i32
      %ge3A_1129 = vector.broadcast %ge3A_1128 : i32 to vector<16xi32>
      %ge3A_1130 = arith.cmpi sge, %sub3A_1127, %ge3A_1129 : vector<16xi32>
      %lt3A_1131 = arith.constant 5120 : i32
      %lt3A_1132 = vector.broadcast %lt3A_1131 : i32 to vector<16xi32>
      %lt3A_1133 = arith.cmpi slt, %sub3A_1127, %lt3A_1132 : vector<16xi32>
      %and3A_1134 = arith.andi %ge3A_1130, %lt3A_1133 : vector<16xi1>
      %and3A_1135 = arith.constant 63 : i32
      %and3A_1136 = vector.broadcast %and3A_1135 : i32 to vector<16xi32>
      %and3A_1137 = arith.andi %get3A_1124, %and3A_1136 : vector<16xi32>
      %add3A_1138 = arith.constant 5120 : i32
      %add3A_1139 = vector.broadcast %add3A_1138 : i32 to vector<16xi32>
      %add3A_1140 = arith.addi %add3A_1139, %and3A_1137 : vector<16xi32>
      %select_n3A_1141 = arith.select %and3A_1134, %sub3A_1127, %add3A_1140 : vector<16xi1>, vector<16xi32>
      %swap3A_1142 = arith.index_cast %scan3A_970 : i32 to index
      %swap3A_1143 = arith.constant 96 : index
      %swap3A_1144 = tpu.vector_load %arg8[%swap3A_1142, %swap3A_1143] {strides = array<i32>} : memref<160x128xi32, #tpu.memory_space<vmem>>, vector<1x16xi32>,
      %swap3A_1145 = vector.shape_cast %swap3A_1144 : vector<1x16xi32> to vector<16xi32>
      %swap3A_1146 = vector.shape_cast %select_n3A_1141 : vector<16xi32> to vector<1x16xi32>
      tpu.vector_store %arg8[%swap3A_1142, %swap3A_1143], %swap3A_1146 {strides = array<i32>} : memref<160x128xi32, #tpu.memory_space<vmem>>, vector<1x16xi32>,
      %get3A_1147 = arith.index_cast %scan3A_970 : i32 to index
      %get3A_1148 = arith.constant 112 : index
      %get3A_1149 = tpu.vector_load %arg7[%get3A_1147, %get3A_1148] {strides = array<i32>} : memref<160x128xi32, #tpu.memory_space<vmem>>, vector<1x16xi32>,
      %get3A_1150 = vector.shape_cast %get3A_1149 : vector<1x16xi32> to vector<16xi32>
      %sub3A_1151 = arith.constant 5120 : i32
      %sub3A_1152 = vector.broadcast %sub3A_1151 : i32 to vector<16xi32>
      %sub3A_1153 = arith.subi %get3A_1150, %sub3A_1152 : vector<16xi32>
      %ge3A_1154 = arith.constant 0 : i32
      %ge3A_1155 = vector.broadcast %ge3A_1154 : i32 to vector<16xi32>
      %ge3A_1156 = arith.cmpi sge, %sub3A_1153, %ge3A_1155 : vector<16xi32>
      %lt3A_1157 = arith.constant 5120 : i32
      %lt3A_1158 = vector.broadcast %lt3A_1157 : i32 to vector<16xi32>
      %lt3A_1159 = arith.cmpi slt, %sub3A_1153, %lt3A_1158 : vector<16xi32>
      %and3A_1160 = arith.andi %ge3A_1156, %lt3A_1159 : vector<16xi1>
      %and3A_1161 = arith.constant 63 : i32
      %and3A_1162 = vector.broadcast %and3A_1161 : i32 to vector<16xi32>
      %and3A_1163 = arith.andi %get3A_1150, %and3A_1162 : vector<16xi32>
      %add3A_1164 = arith.constant 5120 : i32
      %add3A_1165 = vector.broadcast %add3A_1164 : i32 to vector<16xi32>
      %add3A_1166 = arith.addi %add3A_1165, %and3A_1163 : vector<16xi32>
      %select_n3A_1167 = arith.select %and3A_1160, %sub3A_1153, %add3A_1166 : vector<16xi1>, vector<16xi32>
      %swap3A_1168 = arith.index_cast %scan3A_970 : i32 to index
      %swap3A_1169 = arith.constant 112 : index
      %swap3A_1170 = tpu.vector_load %arg8[%swap3A_1168, %swap3A_1169] {strides = array<i32>} : memref<160x128xi32, #tpu.memory_space<vmem>>, vector<1x16xi32>,
      %swap3A_1171 = vector.shape_cast %swap3A_1170 : vector<1x16xi32> to vector<16xi32>
      %swap3A_1172 = vector.shape_cast %select_n3A_1167 : vector<16xi32> to vector<1x16xi32>
      tpu.vector_store %arg8[%swap3A_1168, %swap3A_1169], %swap3A_1172 {strides = array<i32>} : memref<160x128xi32, #tpu.memory_space<vmem>>, vector<1x16xi32>,
    }
    %scan3A_955 = arith.constant 160 : i32
    %barrier3A_956 = arith.constant 0 : index
    tpu.barrier barrier_id(%barrier3A_956)
    %scan3A_957 = arith.constant 0 : i32
    %scan3A_958 = arith.constant 160 : i32
    %scan3A_959 = arith.addi %scan3A_957, %scan3A_958 : i32
    %scan3A_960 = arith.constant 1 : i32
    scf.for %scan3A_970 = %scan3A_957 to %scan3A_959 step %scan3A_960  : i32 {
      "tpu.region"() ({
        %run_scoped3A = tpu.sem_alloc : memref<!tpu.dma_semaphore, #tpu.memory_space<semaphore_mem>>
        %dma_start3A = arith.constant 0 : i32
        %dma_start3A_971 = tpu.memref_slice %arg6[%scan3A_970, %dma_start3A] : memref<160x128xi32, #tpu.memory_space<vmem>> -> memref<1x128xi32, #tpu.memory_space<vmem>>
        %dma_start3A_972 = tpu.memref_squeeze %dma_start3A_971 : memref<1x128xi32, #tpu.memory_space<vmem>> -> memref<128xi32, #tpu.memory_space<vmem>>
        %dma_start3A_973 = arith.constant 0 : i32
        %dma_start3A_974 = arith.constant 0 : i32
        %dma_start3A_975 = tpu.memref_slice %arg2[%dma_start3A_973, %dma_start3A_974] : memref<10240x128xf32, #tpu.memory_space<hbm>> -> memref<10240x128xf32, #tpu.memory_space<hbm>>
        tpu.enqueue_indirect_dma source(%dma_start3A_975 : memref<10240x128xf32, #tpu.memory_space<hbm>>) target(%arg9 : memref<128x128xf32, #tpu.memory_space<vmem>>) offsets(%dma_start3A_972 : memref<128xi32, #tpu.memory_space<vmem>>) semaphore(%run_scoped3A : memref<!tpu.dma_semaphore, #tpu.memory_space<semaphore_mem>>)
        %dma_wait3A = arith.constant 0 : i32
        %dma_wait3A_976 = tpu.memref_slice %arg6[%scan3A_970, %dma_wait3A] : memref<160x128xi32, #tpu.memory_space<vmem>> -> memref<1x128xi32, #tpu.memory_space<vmem>>
        %dma_wait3A_977 = tpu.memref_squeeze %dma_wait3A_976 : memref<1x128xi32, #tpu.memory_space<vmem>> -> memref<128xi32, #tpu.memory_space<vmem>>
        %dma_wait3A_978 = arith.constant 0 : i32
        %dma_wait3A_979 = arith.constant 0 : i32
        %dma_wait3A_980 = tpu.memref_slice %arg2[%dma_wait3A_978, %dma_wait3A_979] : memref<10240x128xf32, #tpu.memory_space<hbm>> -> memref<10240x128xf32, #tpu.memory_space<hbm>>
        tpu.wait_indirect_dma semaphore(%run_scoped3A : memref<!tpu.dma_semaphore, #tpu.memory_space<semaphore_mem>>) src(%dma_wait3A_980 : memref<10240x128xf32, #tpu.memory_space<hbm>>) dst(%arg9 : memref<128x128xf32, #tpu.memory_space<vmem>>)
        tpu.yield
      }) : () -> ()
      "tpu.region"() ({
        %run_scoped3A = tpu.sem_alloc : memref<!tpu.dma_semaphore, #tpu.memory_space<semaphore_mem>>
        %dma_start3A = arith.constant 0 : i32
        %dma_start3A_971 = tpu.memref_slice %arg8[%scan3A_970, %dma_start3A] : memref<160x128xi32, #tpu.memory_space<vmem>> -> memref<1x128xi32, #tpu.memory_space<vmem>>
        %dma_start3A_972 = tpu.memref_squeeze %dma_start3A_971 : memref<1x128xi32, #tpu.memory_space<vmem>> -> memref<128xi32, #tpu.memory_space<vmem>>
        %dma_start3A_973 = arith.constant 0 : i32
        %dma_start3A_974 = arith.constant 0 : i32
        %dma_start3A_975 = tpu.memref_slice %arg11[%dma_start3A_973, %dma_start3A_974] : memref<5376x128xf32, #tpu.memory_space<vmem_shared>> -> memref<5376x128xf32, #tpu.memory_space<vmem_shared>>
        tpu.enqueue_indirect_dma source(%arg9 : memref<128x128xf32, #tpu.memory_space<vmem>>) target(%dma_start3A_975 : memref<5376x128xf32, #tpu.memory_space<vmem_shared>>) offsets(%dma_start3A_972 : memref<128xi32, #tpu.memory_space<vmem>>) semaphore(%run_scoped3A : memref<!tpu.dma_semaphore, #tpu.memory_space<semaphore_mem>>) {add = true}
        %dma_wait3A = arith.constant 0 : i32
        %dma_wait3A_976 = tpu.memref_slice %arg8[%scan3A_970, %dma_wait3A] : memref<160x128xi32, #tpu.memory_space<vmem>> -> memref<1x128xi32, #tpu.memory_space<vmem>>
        %dma_wait3A_977 = tpu.memref_squeeze %dma_wait3A_976 : memref<1x128xi32, #tpu.memory_space<vmem>> -> memref<128xi32, #tpu.memory_space<vmem>>
        %dma_wait3A_978 = arith.constant 0 : i32
        %dma_wait3A_979 = arith.constant 0 : i32
        %dma_wait3A_980 = tpu.memref_slice %arg11[%dma_wait3A_978, %dma_wait3A_979] : memref<5376x128xf32, #tpu.memory_space<vmem_shared>> -> memref<5376x128xf32, #tpu.memory_space<vmem_shared>>
        tpu.wait_indirect_dma semaphore(%run_scoped3A : memref<!tpu.dma_semaphore, #tpu.memory_space<semaphore_mem>>) src(%arg9 : memref<128x128xf32, #tpu.memory_space<vmem>>) dst(%dma_wait3A_980 : memref<5376x128xf32, #tpu.memory_space<vmem_shared>>)
        tpu.yield
      }) : () -> ()
    }
    %scan3A_961 = arith.constant 160 : i32
    %barrier3A_962 = arith.constant 0 : index
    tpu.barrier barrier_id(%barrier3A_962)
    %mul3A_963 = arith.constant 320 : i32
    %mul3A_964 = arith.muli %arg1, %mul3A_963 : i32
    %mul3A_965 = arith.constant 320 : i32
    %mul3A_966 = arith.muli %arg1, %mul3A_965 : i32
    %add3A_967 = arith.constant 5120 : i32
    %add3A_968 = arith.addi %add3A_967, %mul3A_966 : i32
    "tpu.region"() ({
      %run_scoped3A = tpu.sem_alloc : memref<!tpu.dma_semaphore, #tpu.memory_space<semaphore_mem>>
      %dma_start3A = arith.constant 0 : i32
      %dma_start3A_970 = tpu.memref_slice %arg5[%add3A_968, %dma_start3A] : memref<10240x128xf32, #tpu.memory_space<hbm>> -> memref<320x128xf32, #tpu.memory_space<hbm>>
      %dma_start3A_971 = arith.constant 0 : i32
      %dma_start3A_972 = tpu.memref_slice %arg11[%mul3A_964, %dma_start3A_971] : memref<5376x128xf32, #tpu.memory_space<vmem_shared>> -> memref<320x128xf32, #tpu.memory_space<vmem_shared>>
      tpu.enqueue_dma source(%dma_start3A_972 : memref<320x128xf32, #tpu.memory_space<vmem_shared>>) target(%dma_start3A_970 : memref<320x128xf32, #tpu.memory_space<hbm>>) target_semaphore(%run_scoped3A : memref<!tpu.dma_semaphore, #tpu.memory_space<semaphore_mem>>)
      %dma_wait3A = arith.constant 0 : i32
      %dma_wait3A_973 = tpu.memref_slice %arg5[%add3A_968, %dma_wait3A] : memref<10240x128xf32, #tpu.memory_space<hbm>> -> memref<320x128xf32, #tpu.memory_space<hbm>>
      %dma_wait3A_974 = arith.constant 0 : i32
      %dma_wait3A_975 = tpu.memref_slice %arg11[%mul3A_964, %dma_wait3A_974] : memref<5376x128xf32, #tpu.memory_space<vmem_shared>> -> memref<320x128xf32, #tpu.memory_space<vmem_shared>>
      tpu.wait_dma2 semaphore(%run_scoped3A : memref<!tpu.dma_semaphore, #tpu.memory_space<semaphore_mem>>) src(%dma_wait3A_975 : memref<320x128xf32, #tpu.memory_space<vmem_shared>>) dst(%dma_wait3A_973 : memref<320x128xf32, #tpu.memory_space<hbm>>)
      tpu.yield
    }) : () -> ()
    %barrier3A_969 = arith.constant 0 : index
    tpu.barrier barrier_id(%barrier3A_969)
    return
  }
}

module attributes {stable_mosaic.version = 14 : i64} {
  func.func @_scale_body(%arg0: memref<10240x128xf32, #tpu.memory_space<vmem>>, %arg1: memref<16x10240xf32, #tpu.memory_space<vmem>>, %arg2: memref<10240x128xf32, #tpu.memory_space<vmem>>, %arg3: memref<1x10240xf32, #tpu.memory_space<vmem>>) attributes {dimension_semantics = [], scalar_prefetch = 0 : i64, scratch_operands = 0 : i64, tpu.core_type = #tpu.core_type<tc>} {
    %get3A = arith.constant 0 : index
    %get3A_0 = arith.constant 0 : index
    %get3A_1 = vector.load %arg1[%get3A, %get3A_0] : memref<16x10240xf32, #tpu.memory_space<vmem>>, vector<16x10240xf32>
    %reduce_sum3A = arith.constant dense<0.000000e+00> : vector<10240xf32>
    %reduce_sum3A_2 = vector.multi_reduction <add>, %get3A_1, %reduce_sum3A [0] : vector<16x10240xf32> to vector<10240xf32>
    %add3A = arith.constant 1.000000e+00 : f32
    %add3A_3 = vector.broadcast %add3A : f32 to vector<10240xf32>
    %add3A_4 = arith.addf %reduce_sum3A_2, %add3A_3 : vector<10240xf32>
    %rsqrt3A = math.rsqrt %add3A_4 : vector<10240xf32>
    %broadcast_in_dim3A = vector.shape_cast %rsqrt3A : vector<10240xf32> to vector<1x10240xf32>
    %swap3A = arith.constant 0 : index
    %swap3A_5 = arith.constant 0 : index
    %swap3A_6 = vector.load %arg3[%swap3A, %swap3A_5] : memref<1x10240xf32, #tpu.memory_space<vmem>>, vector<1x10240xf32>
    tpu.vector_store %arg3[%swap3A, %swap3A_5], %broadcast_in_dim3A {strides = array<i32>} : memref<1x10240xf32, #tpu.memory_space<vmem>>, vector<1x10240xf32>,
    %get3A_7 = arith.constant 0 : index
    %get3A_8 = arith.constant 0 : index
    %get3A_9 = vector.load %arg0[%get3A_7, %get3A_8] : memref<10240x128xf32, #tpu.memory_space<vmem>>, vector<10240x128xf32>
    %broadcast_in_dim3A_10 = vector.shape_cast %rsqrt3A : vector<10240xf32> to vector<10240x1xf32>
    %mul3A = vector.broadcast %broadcast_in_dim3A_10 : vector<10240x1xf32> to vector<10240x128xf32>
    %mul3A_11 = arith.mulf %get3A_9, %mul3A : vector<10240x128xf32>
    %swap3A_12 = arith.constant 0 : index
    %swap3A_13 = arith.constant 0 : index
    %swap3A_14 = vector.load %arg2[%swap3A_12, %swap3A_13] : memref<10240x128xf32, #tpu.memory_space<vmem>>, vector<10240x128xf32>
    tpu.vector_store %arg2[%swap3A_12, %swap3A_13], %mul3A_11 {strides = array<i32>} : memref<10240x128xf32, #tpu.memory_space<vmem>>, vector<10240x128xf32>,
    return
  }
}

module attributes {stable_mosaic.version = 14 : i64} {
  func.func @_final_body(%arg0: memref<10240x128xf32, #tpu.memory_space<vmem>>, %arg1: memref<10240x128xf32, #tpu.memory_space<vmem>>, %arg2: memref<1x10240xf32, #tpu.memory_space<vmem>>, %arg3: memref<16x10240xf32, #tpu.memory_space<vmem>>, %arg4: memref<128x256xf32, #tpu.memory_space<vmem>>, %arg5: memref<1x256xf32, #tpu.memory_space<vmem>>, %arg6: memref<256x128xf32, #tpu.memory_space<vmem>>, %arg7: memref<1x128xf32, #tpu.memory_space<vmem>>, %arg8: memref<1x128xf32, #tpu.memory_space<vmem>>) attributes {dimension_semantics = [], scalar_prefetch = 0 : i64, scratch_operands = 0 : i64, tpu.core_type = #tpu.core_type<tc>} {
    %get3A = arith.constant 0 : index
    %get3A_0 = arith.constant 0 : index
    %get3A_1 = vector.load %arg2[%get3A, %get3A_0] : memref<1x10240xf32, #tpu.memory_space<vmem>>, vector<1x10240xf32>
    %get3A_2 = vector.shape_cast %get3A_1 : vector<1x10240xf32> to vector<10240xf32>
    %broadcast_in_dim3A = vector.shape_cast %get3A_2 : vector<10240xf32> to vector<10240x1xf32>
    %get3A_3 = arith.constant 0 : index
    %get3A_4 = arith.constant 0 : index
    %get3A_5 = vector.load %arg0[%get3A_3, %get3A_4] : memref<10240x128xf32, #tpu.memory_space<vmem>>, vector<10240x128xf32>
    %mul3A = vector.broadcast %broadcast_in_dim3A : vector<10240x1xf32> to vector<10240x128xf32>
    %mul3A_6 = arith.mulf %mul3A, %get3A_5 : vector<10240x128xf32>
    %mul3A_7 = arith.mulf %broadcast_in_dim3A, %broadcast_in_dim3A : vector<10240x1xf32>
    %get3A_8 = arith.constant 0 : index
    %get3A_9 = arith.constant 0 : index
    %get3A_10 = vector.load %arg1[%get3A_8, %get3A_9] : memref<10240x128xf32, #tpu.memory_space<vmem>>, vector<10240x128xf32>
    %mul3A_11 = vector.broadcast %mul3A_7 : vector<10240x1xf32> to vector<10240x128xf32>
    %mul3A_12 = arith.mulf %mul3A_11, %get3A_10 : vector<10240x128xf32>
    %add3A = arith.addf %mul3A_6, %mul3A_12 : vector<10240x128xf32>
    %get3A_13 = arith.constant 0 : index
    %get3A_14 = arith.constant 0 : index
    %get3A_15 = vector.load %arg4[%get3A_13, %get3A_14] : memref<128x256xf32, #tpu.memory_space<vmem>>, vector<128x256xf32>
    %dot_general3A = arith.constant dense<0.000000e+00> : vector<10240x256xf32>
    %dot_general3A_16 = tpu.matmul %add3A, %get3A_15, %dot_general3A {dimension_numbers = #tpu.dot_dimension_numbers<[1], [0], [0], [1], [0, 0, 1, 1], [], []>, transpose_lhs_hint = false} : vector<10240x128xf32>, vector<128x256xf32>, vector<10240x256xf32> -> vector<10240x256xf32>
    %get3A_17 = arith.constant 0 : index
    %get3A_18 = arith.constant 0 : index
    %get3A_19 = vector.load %arg5[%get3A_17, %get3A_18] : memref<1x256xf32, #tpu.memory_space<vmem>>, vector<1x256xf32>
    %add3A_20 = vector.broadcast %get3A_19 : vector<1x256xf32> to vector<10240x256xf32>
    %add3A_21 = arith.addf %dot_general3A_16, %add3A_20 : vector<10240x256xf32>
    %max3A = arith.constant 0.000000e+00 : f32
    %max3A_22 = vector.broadcast %max3A : f32 to vector<10240x256xf32>
    %max3A_23 = arith.maximumf %add3A_21, %max3A_22 : vector<10240x256xf32>
    %get3A_24 = arith.constant 0 : index
    %get3A_25 = arith.constant 0 : index
    %get3A_26 = vector.load %arg3[%get3A_24, %get3A_25] : memref<16x10240xf32, #tpu.memory_space<vmem>>, vector<16x10240xf32>
    %reduce_sum3A = arith.constant dense<0.000000e+00> : vector<10240xf32>
    %reduce_sum3A_27 = vector.multi_reduction <add>, %get3A_26, %reduce_sum3A [0] : vector<16x10240xf32> to vector<10240xf32>
    %mul3A_28 = arith.mulf %get3A_2, %reduce_sum3A_27 : vector<10240xf32>
    %mul3A_29 = arith.mulf %get3A_2, %get3A_2 : vector<10240xf32>
    %add3A_30 = arith.addf %mul3A_28, %mul3A_29 : vector<10240xf32>
    %iota3A = tpu.iota {dimensions = array<i32: 0>} : vector<10240x1xi32>
    %lt3A = arith.constant 10000 : i32
    %lt3A_31 = vector.broadcast %lt3A : i32 to vector<10240x1xi32>
    %lt3A_32 = arith.cmpi slt, %iota3A, %lt3A_31 : vector<10240x1xi32>
    %broadcast_in_dim3A_33 = vector.shape_cast %add3A_30 : vector<10240xf32> to vector<10240x1xf32>
    %jit3A = arith.constant 0.000000e+00 : f32
    %broadcast_in_dim3A_34 = vector.broadcast %jit3A : f32 to vector<10240x1xf32>
    %select_n3A = arith.select %lt3A_32, %broadcast_in_dim3A_33, %broadcast_in_dim3A_34 : vector<10240x1xi1>, vector<10240x1xf32>
    %mul3A_35 = vector.broadcast %select_n3A : vector<10240x1xf32> to vector<10240x256xf32>
    %mul3A_36 = arith.mulf %max3A_23, %mul3A_35 : vector<10240x256xf32>
    %reduce_sum3A_37 = arith.constant dense<0.000000e+00> : vector<256xf32>
    %reduce_sum3A_38 = vector.multi_reduction <add>, %mul3A_36, %reduce_sum3A_37 [0] : vector<10240x256xf32> to vector<256xf32>
    %broadcast_in_dim3A_39 = vector.shape_cast %reduce_sum3A_38 : vector<256xf32> to vector<1x256xf32>
    %mul3A_40 = arith.constant 9.99999974E-5 : f32
    %mul3A_41 = vector.broadcast %mul3A_40 : f32 to vector<1x256xf32>
    %mul3A_42 = arith.mulf %broadcast_in_dim3A_39, %mul3A_41 : vector<1x256xf32>
    %get3A_43 = arith.constant 0 : index
    %get3A_44 = arith.constant 0 : index
    %get3A_45 = vector.load %arg6[%get3A_43, %get3A_44] : memref<256x128xf32, #tpu.memory_space<vmem>>, vector<256x128xf32>
    %dot_general3A_46 = arith.constant dense<0.000000e+00> : vector<1x128xf32>
    %dot_general3A_47 = tpu.matmul %mul3A_42, %get3A_45, %dot_general3A_46 {dimension_numbers = #tpu.dot_dimension_numbers<[1], [0], [0], [1], [0, 0, 1, 1], [], []>, transpose_lhs_hint = false} : vector<1x256xf32>, vector<256x128xf32>, vector<1x128xf32> -> vector<1x128xf32>
    %get3A_48 = arith.constant 0 : index
    %get3A_49 = arith.constant 0 : index
    %get3A_50 = vector.load %arg7[%get3A_48, %get3A_49] : memref<1x128xf32, #tpu.memory_space<vmem>>, vector<1x128xf32>
    %add3A_51 = arith.addf %dot_general3A_47, %get3A_50 : vector<1x128xf32>
    %swap3A = arith.constant 0 : index
    %swap3A_52 = arith.constant 0 : index
    %swap3A_53 = vector.load %arg8[%swap3A, %swap3A_52] : memref<1x128xf32, #tpu.memory_space<vmem>>, vector<1x128xf32>
    tpu.vector_store %arg8[%swap3A, %swap3A_52], %add3A_51 {strides = array<i32>} : memref<1x128xf32, #tpu.memory_space<vmem>>, vector<1x128xf32>,
    return
  }
}

</mosaic_0001>

<sc_bundles>
// kernel: kernel.10.cloned.1.call-start
scs
__scs_entry_jumppad:
0x0: {  	(pc) =	sbr.rel $0x88, $3  }
0x1: {  	(tag) =	ssettag $0x0;
	lr =	simm.s32 $0x1  }
0x2: {  	[smem:$0x3F9B] =	sst lr;
	_ =	strace $0xD0000000  }
0x3: {  	_ = 	snop  }
0x4: {  	_ = 	snop  }
0x5: {  	_ = 	snop  }
0x6: {  	_ = 	snop  }
0x7: {  	_ = 	snop  }
__scs_overlays_trampoline_lowered:
0x8: {  	[smem:$0x3FAA] =	sst s0  }
0x9: {  	[smem:$0x3FAB] =	sst s1  }
0xa: {  	[smem:$0x3FAC] =	sst s2  }
0xb: {  	[smem:$0x3FAD] =	sst s3  }
0xc: {  	[smem:$0x3FAE] =	sst s4  }
0xd: {  	[smem:$0x3FAF] =	sst s5  }
0xe: {  	[smem:$0x3FB0] =	sst s6  }
0xf: {  	[smem:$0x3FB1] =	sst s7  }
0x10: {  	[smem:$0x3FB2] =	sst s8  }
0x11: {  	[smem:$0x3FB3] =	sst s9;
	s0 =	simm.s32 @!p0 $0x0  }
0x12: {  	s1 =	sld [smem:$0x3F99];
	s0 =	simm.s32 @p0 $0x1  }
0x13: {  	[smem:$0x3FB4] =	sst s0;
	s0 =	simm.s32 @!p1 $0x0  }
0x14: {  	s2 =	sld [smem:$0x3F98];
	s0 =	simm.s32 @p1 $0x1  }
0x15: {  	[smem:$0x3FB5] =	sst s0;
	s0 =	simm.s32 @!p2 $0x0  }
0x16: {  	s3 =	sld [smem:$0x3FDB];
	s0 =	simm.s32 @p2 $0x1  }
0x17: {  	s4 =	simm.s32 $0x1BF5;
	[smem:$0x3FB7] =	sst s0  }
0x18: {  	s0 =	sld [smem:$0x3F9A];
	_ =	swait.ge [sflag:s4], $0x0  }
0x19: {  	s7 =	sld [smem:$0x3F9B]  }
0x1a: {  	s8 =	sadd.s32 $0xFFFFE003, lr  }
0x1b: {  	s9 =	sadd.s32 $0xFFFFFEF7, lr;
	s5 =	simm.s32 $0xFFFFFFFF;
	p2 =	slt.u32 s8, $0xFFFFF086  }
0x1c: {  	p1 =	slt.u32 s9, $0xF7A;
	s5 =	simm.s32 @!p2 $0x0  }
0x1d: {  	s5 =	simm.s32 @p1 $0x1;
	p0 =	seq.s32 s7, s2  }
0x1e: {  	s7 =	smul.u32 @!p0 $0xF7A, s2;
	p2 =	seq.s32 @!p0 s5, $0x0  }
0x1f: {  	s9 =	smul.u32 $0xF7A, s1;
	s8 =	simm.s32 @!p0 $0x1BF5;
	p2 =	por !p2, p0  }
0x20: {  	[sflag:s8] =	ssyncset.s32 @!p0 $0xFFFFF086;
	s6 =	sadd.s32 @!p0 s3, s7;
	s7 =	simm.s32 @!p0 $0x108  }
0x21: {  	s3 =	sadd.s32 s3, s9;
	s6 =	sadd.s32 @!p0 $0x88, s6;
	s7 =	simm.s32 @p2 $0x1082  }
0x22: {  	[simem:s7], [sflag:s8] =	dma.local @!p0 [hbm:s6], $0xF7A  }
0x23: {  	s9 =	sor.u32 $0xD0000000, s2;
	s6 =	simm.s32 $0x108;
	_ =	swait.ge @!p0 [sflag:s8], $0x0  }
0x24: {  	s3 =	sadd.s32 $0x88, s3;
	s6 =	simm.s32 @!p1 $0x1082;
	[sflag:s4] =	ssyncset.s32 $0xFFFFF086  }
0x25: {  	[simem:s6], [sflag:s4] =	dma.local [hbm:s3], $0xF7A  }
0x26: {  	[smem:$0x3F9B] =	sst s1;
	(tag) =	ssettag s2;
	_ =	strace s9  }
0x27: {  	s1 =	sld [smem:$0x3FAB]  }
0x28: {  	s2 =	sld [smem:$0x3FAC]  }
0x29: {  	s4 =	sld [smem:$0x3FAE]  }
0x2a: {  	p0 =	seq.s32 s5, $0x0;
	s5 =	sld [smem:$0x3FAF]  }
0x2b: {  	s6 =	sld [smem:$0x3FB0]  }
0x2c: {  	s7 =	sld [smem:$0x3FB1]  }
0x2d: {  	s3 =	simm.s32 $0x108;
	s8 =	sld [smem:$0x3FB2]  }
0x2e: {  	s3 =	simm.s32 @!p0 $0x1082;
	s9 =	sld [smem:$0x3FB3]  }
0x2f: {  	lr =	sadd.s32 s0, s3;
	s0 =	sld [smem:$0x3FAA]  }
0x30: {  	s3 =	sld [smem:$0x3FAD]  }
0x31: {  	[smem:$0x3FB6] =	sst s10  }
0x32: {  	s10 =	sld [smem:$0x3FB4];
	_ =	sdelay $0x3  }
0x33: {  	p0 =	seq.s32 s10, $0x1;
	s10 =	sld [smem:$0x3FB6];
	_ =	sdelay $0x3  }
0x34: {  	[smem:$0x3FB6] =	sst s10  }
0x35: {  	s10 =	sld [smem:$0x3FB5];
	_ =	sdelay $0x3  }
0x36: {  	p1 =	seq.s32 s10, $0x1;
	s10 =	sld [smem:$0x3FB6];
	_ =	sdelay $0x3  }
0x37: {  	[smem:$0x3FB6] =	sst s10  }
0x38: {  	s10 =	sld [smem:$0x3FB7]  }
0x39: {  	_ = 	snop;
	(pc) =	sbr.ind lr, $3  }
0x3a: {  	_ = 	snop  }
0x3b: {  	_ = 	snop  }
0x3c: {  	p2 =	seq.s32 s10, $0x1;
	s10 =	sld [smem:$0x3FB6]  }
0x3d: {  	_ =	shalt  }
0x3e: {  	_ =	shalt  }
0x3f: {  	_ =	shalt  }
0x40: {  	_ =	shalt  }
0x41: {  	_ =	shalt  }
0x42: {  	_ =	shalt  }
0x43: {  	_ =	shalt  }
0x44: {  	_ =	shalt  }
0x45: {  	_ =	shalt  }
0x46: {  	_ =	shalt  }
0x47: {  	_ =	shalt  }
0x48: {  	_ =	shalt  }
0x49: {  	_ =	shalt  }
0x4a: {  	_ =	shalt  }
0x4b: {  	_ =	shalt  }
0x4c: {  	_ =	shalt  }
0x4d: {  	_ =	shalt  }
0x4e: {  	_ =	shalt  }
0x4f: {  	_ =	shalt  }
0x50: {  	_ =	shalt  }
0x51: {  	_ =	shalt  }
0x52: {  	_ =	shalt  }
0x53: {  	_ =	shalt  }
0x54: {  	_ =	shalt  }
0x55: {  	_ =	shalt  }
0x56: {  	_ =	shalt  }
0x57: {  	_ =	shalt  }
0x58: {  	_ =	shalt  }
0x59: {  	_ =	shalt  }
0x5a: {  	_ =	shalt  }
0x5b: {  	_ =	shalt  }
0x5c: {  	_ =	shalt  }
0x5d: {  	_ =	shalt  }
0x5e: {  	_ =	shalt  }
0x5f: {  	_ =	shalt  }
0x60: {  	_ =	shalt  }
0x61: {  	_ =	shalt  }
0x62: {  	_ =	shalt  }
0x63: {  	_ =	shalt  }
0x64: {  	_ =	shalt  }
0x65: {  	_ =	shalt  }
0x66: {  	_ =	shalt  }
0x67: {  	_ =	shalt  }
0x68: {  	_ =	shalt  }
0x69: {  	_ =	shalt  }
0x6a: {  	_ =	shalt  }
0x6b: {  	_ =	shalt  }
0x6c: {  	_ =	shalt  }
0x6d: {  	_ =	shalt  }
0x6e: {  	_ =	shalt  }
0x6f: {  	_ =	shalt  }
0x70: {  	_ =	shalt  }
0x71: {  	_ =	shalt  }
0x72: {  	_ =	shalt  }
0x73: {  	_ =	shalt  }
0x74: {  	_ =	shalt  }
0x75: {  	_ =	shalt  }
0x76: {  	_ =	shalt  }
0x77: {  	_ =	shalt  }
0x78: {  	_ =	shalt  }
0x79: {  	_ =	shalt  }
0x7a: {  	_ =	shalt  }
0x7b: {  	_ =	shalt  }
0x7c: {  	_ =	shalt  }
0x7d: {  	_ =	shalt  }
0x7e: {  	_ =	shalt  }
0x7f: {  	_ =	shalt  }
0x80: {  	_ =	shalt  }
0x81: {  	_ =	shalt  }
0x82: {  	_ =	shalt  }
0x83: {  	_ =	shalt  }
0x84: {  	_ =	shalt  }
0x85: {  	_ =	shalt  }
0x86: {  	_ =	shalt  }
0x87: {  	_ =	shalt  }
.Lfunc_end0:
.L_simem_size_0:
called_computation.1_lowered:
.L_overlay_start_0:
0x88: {  	s0 =	sld [smem:$0x3FD9]  }
0x89: {  	s1 =	sld [smem:$0x3FFE];
	_ =	sdelay $0x3  }
0x8a: {  	s0 =	sadd.s32 s1, s0  }
0x8b: {  	[smem:$0x3FC2] =	sst s0  }
0x8c: {  	_ = 	snop  }
0x8d: {  	(tm) =	ssettm $0x1  }
0x8e: {  	s15 =	sld [smem:$0x3FFB];
	_ =	sdelay $0x3  }
0x8f: {  	_ =	strace s15  }
0x90: {  	s0 =	sld [smem:$0x3FFC];
	_ =	sdelay $0x3  }
0x91: {  	_ =	strace s0  }
0x92: {  	s0 =	sld [smem:$0x3FFD];
	_ =	sdelay $0x3  }
0x93: {  	_ =	strace s0  }
0x94: {  	_ =	strace $0x8FFFFFFF  }
0x95: {  	s16 =	sld [smem:$0x3FDB];
	_ =	sdelay $0x1  }
0x96: {  	s17 =	simm.s32 $_scs_section_size  }
0x97: {  	s2 =	simm.s32 $_size__tile_overlayer_lowered;
	s3 =	simm.s32 $_tile_overlayer_lowered  }
0x98: {  	s20 =	simm.s32 $0x1BFF;
	s19 =	sshll.u32 s3, $0x1;
	s0 =	sadd.s32 s17, s16  }
0x99: {  	s4 =	simm.s32 $0x0;
	s18 =	sshll.u32 s2, $0x1;
	s2 =	sadd.s32 s19, s0  }
0x9a: {  	[timem:s4], [sflag:s20] =	dma.local [hbm:s2], s18  }
0x9b: {  	_ =	swait.ge [sflag:s20], s18  }
0x9c: {  	s1 =	ssub.s32 $0x0, s18;
	[sflag:s20] =	ssyncset.done $0x0  }
0x9d: {  	[sflag:s20] =	ssyncadd.s32 s1;
	_ =	sdelay $0x1  }
0x9e: {  	s21 =	simm.s32 $0x1B8B  }
0x9f: {  	_ =	swait.ge [sflag:s21], $0x1  }
0xa0: {  	[sflag:s21] =	ssyncset.done $0x0  }
0xa1: {  	s23 =	simm.s32 $0x1B8E;
	s22 =	sld [smem:$0x3FFE];
	[sflag:s21] =	ssyncadd.s32 $0xFFFFFFFF  }
0xa2: {  	s24 =	simm.s32 $execute0_lowered;
	[smem:$0x3FD2] =	sst s23  }
0xa3: {  	s2 =	sshll.u32 s24, $0x1;
	_ =	strace $0x8000004C;
	[dreg:$0x1] =	wrdreg $0xFFFFFFFF  }
0xa4: {  	s25 =	simm.s32 $_size_execute0_lowered;
	s0 =	sadd.s32 s0, s2;
	[dreg:$0x0] =	wrdreg $0x0  }
0xa5: {  	s2 =	sshll.u32 s25, $0x1;
	[dreg:$0x2] =	wrdreg s0  }
0xa6: {  	[dreg:$0x3] =	wrdreg s2  }
0xa7: {  	[dreg:$0x4] =	wrdreg $0xC0  }
0xa8: {  	_ =	task [dreg:s4], $0x5FFFF  }
0xa9: {  	[dreg:$0x1] =	wrdreg $0xFFFFFFFF  }
0xaa: {  	[dreg:$0x0] =	wrdreg $0x60  }
0xab: {  	[dreg:$0x2] =	wrdreg s22  }
0xac: {  	[dreg:$0x3] =	wrdreg $0x138000  }
0xad: {  	[dreg:$0x4] =	wrdreg $0x9  }
0xae: {  	_ =	task.clear_ibuf [dreg:s4], $0x5FFFF;
	_ =	strace $0x9000004C  }
0xaf: {  	s26 =	simm.s32 $0x9;
	_ =	strace $0x8000004E  }
0xb0: {  	_ =	swait.ge [sflag:s26], $0x1  }
0xb1: {  	[sflag:s26] =	ssyncadd.s32 $0xFFFFFFFF  }
0xb2: {  	_ =	strace $0x9000004E  }
0xb3: {  	_ =	sfence  }
0xb4: {  	s28 =	sld [smem:$0x0];
	_ =	sdelay $0x1  }
0xb5: {  	s29 =	srdreg.scid  }
0xb6: {  	s30 =	sshll.u32 s29, $0xD;
	s31 =	sshrl.u32 s29, $0x2  }
0xb7: {  	s1 =	sand.u32 $0x1, s29;
	s2 =	sand.u32 $0x4000, s30;
	s0 =	sadd.s32 s31, s28  }
0xb8: {  	s1 =	sor.u32 s2, s1;
	s0 =	sshll.u32 s0, $0x11  }
0xb9: {  	s0 =	sor.u32 s0, s1  }
0xba: {  	s0 =	sadd.s32 $0x8F2B, s0  }
0xbb: {  	[sflag:s0] =	ssyncadd.remote.s32 $0x1  }
0xbc: {  	_ =	sfence.sel $0xFFFF  }
0xbd: {  	[dreg:$0x0] =	wrdreg $0xFFFFFFFF;
	(pc) =	sbr.abs _section_cstart, $3  }
0xbe: {  	[dreg:$0x1] =	wrdreg $0xFFFFFFFF  }
0xbf: {  	_ =	task.clear_ibuf [dreg:s4], $0x2FFFF;
	_ =	strace $0x9FFFFFFF  }
0xc0: {  	(tm) =	ssettm $0x7FFFFFFF  }
0xc1: {  	_ =	shalt  }
tec
execute0_lowered:
.L_overlay_start_1:
0x0: {  	(tag) =	ssettag $0x1  }
0x1: {  	s3 =	rddreg [dreg:$0x0];
	s4 =	simm.s32 $0x0  }
0x2: {  	v0 =	vimm.f32 $0.0e+00;
	[smem:$0x7FF] =	sst s4  }
0x3: {  	s1 =	rddreg [dreg:$0x1];
	_ =	strace $0x8000004D;
	[tilespmem:$0x13000] =	vst v0  }
0x4: {  	[tilespmem:$0x13010] =	vst v0  }
0x5: {  	[tilespmem:$0x13020] =	vst v0  }
0x6: {  	[tilespmem:$0x13030] =	vst v0  }
0x7: {  	[tilespmem:$0x13040] =	vst v0  }
0x8: {  	[tilespmem:$0x13050] =	vst v0  }
0x9: {  	[tilespmem:$0x13060] =	vst v0  }
0xa: {  	[tilespmem:$0x13070] =	vst v0  }
0xb: {  	[tilespmem:$0x13080] =	vst v0  }
0xc: {  	[tilespmem:$0x13090] =	vst v0  }
0xd: {  	[tilespmem:$0x130A0] =	vst v0  }
0xe: {  	[tilespmem:$0x130B0] =	vst v0  }
0xf: {  	[tilespmem:$0x130C0] =	vst v0  }
0x10: {  	[tilespmem:$0x130D0] =	vst v0  }
0x11: {  	[tilespmem:$0x130E0] =	vst v0  }
0x12: {  	[tilespmem:$0x130F0] =	vst v0  }
0x13: {  	[tilespmem:$0x13100] =	vst v0  }
0x14: {  	[tilespmem:$0x13110] =	vst v0  }
0x15: {  	[tilespmem:$0x13120] =	vst v0  }
0x16: {  	[tilespmem:$0x13130] =	vst v0  }
0x17: {  	[tilespmem:$0x13140] =	vst v0  }
0x18: {  	[tilespmem:$0x13150] =	vst v0  }
0x19: {  	[tilespmem:$0x13160] =	vst v0  }
0x1a: {  	[tilespmem:$0x13170] =	vst v0  }
0x1b: {  	[tilespmem:$0x13180] =	vst v0  }
0x1c: {  	[tilespmem:$0x13190] =	vst v0  }
0x1d: {  	[tilespmem:$0x131A0] =	vst v0  }
0x1e: {  	[tilespmem:$0x131B0] =	vst v0  }
0x1f: {  	[tilespmem:$0x131C0] =	vst v0  }
0x20: {  	[tilespmem:$0x131D0] =	vst v0  }
0x21: {  	[tilespmem:$0x131E0] =	vst v0  }
0x22: {  	[tilespmem:$0x131F0] =	vst v0  }
0x23: {  	[tilespmem:$0x13200] =	vst v0  }
0x24: {  	[tilespmem:$0x13210] =	vst v0  }
0x25: {  	[tilespmem:$0x13220] =	vst v0  }
0x26: {  	[tilespmem:$0x13230] =	vst v0  }
0x27: {  	[tilespmem:$0x13240] =	vst v0  }
0x28: {  	[tilespmem:$0x13250] =	vst v0  }
0x29: {  	[tilespmem:$0x13260] =	vst v0  }
0x2a: {  	[tilespmem:$0x13270] =	vst v0  }
0x2b: {  	[tilespmem:$0x13280] =	vst v0  }
0x2c: {  	[tilespmem:$0x13290] =	vst v0  }
0x2d: {  	[tilespmem:$0x132A0] =	vst v0  }
0x2e: {  	[tilespmem:$0x132B0] =	vst v0  }
0x2f: {  	[tilespmem:$0x132C0] =	vst v0  }
0x30: {  	[tilespmem:$0x132D0] =	vst v0  }
0x31: {  	[tilespmem:$0x132E0] =	vst v0  }
0x32: {  	[tilespmem:$0x132F0] =	vst v0  }
0x33: {  	[tilespmem:$0x13300] =	vst v0  }
0x34: {  	[tilespmem:$0x13310] =	vst v0  }
0x35: {  	[tilespmem:$0x13320] =	vst v0  }
0x36: {  	[tilespmem:$0x13330] =	vst v0  }
0x37: {  	[tilespmem:$0x13340] =	vst v0  }
0x38: {  	[tilespmem:$0x13350] =	vst v0  }
0x39: {  	[tilespmem:$0x13360] =	vst v0  }
0x3a: {  	[tilespmem:$0x13370] =	vst v0  }
0x3b: {  	[tilespmem:$0x13380] =	vst v0  }
0x3c: {  	[tilespmem:$0x13390] =	vst v0  }
0x3d: {  	[tilespmem:$0x133A0] =	vst v0  }
0x3e: {  	[tilespmem:$0x133B0] =	vst v0  }
0x3f: {  	[tilespmem:$0x133C0] =	vst v0  }
0x40: {  	[tilespmem:$0x133D0] =	vst v0  }
0x41: {  	[tilespmem:$0x133E0] =	vst v0  }
0x42: {  	[tilespmem:$0x133F0] =	vst v0  }
0x43: {  	[tilespmem:$0x13400] =	vst v0  }
0x44: {  	[tilespmem:$0x13410] =	vst v0  }
0x45: {  	[tilespmem:$0x13420] =	vst v0  }
0x46: {  	[tilespmem:$0x13430] =	vst v0  }
0x47: {  	[tilespmem:$0x13440] =	vst v0  }
0x48: {  	[tilespmem:$0x13450] =	vst v0  }
0x49: {  	[tilespmem:$0x13460] =	vst v0  }
0x4a: {  	[tilespmem:$0x13470] =	vst v0  }
0x4b: {  	[tilespmem:$0x13480] =	vst v0  }
0x4c: {  	[tilespmem:$0x13490] =	vst v0  }
0x4d: {  	[tilespmem:$0x134A0] =	vst v0  }
0x4e: {  	[tilespmem:$0x134B0] =	vst v0  }
0x4f: {  	[tilespmem:$0x134C0] =	vst v0  }
0x50: {  	[tilespmem:$0x134D0] =	vst v0  }
0x51: {  	[tilespmem:$0x134E0] =	vst v0  }
0x52: {  	[tilespmem:$0x134F0] =	vst v0  }
0x53: {  	[tilespmem:$0x13500] =	vst v0  }
0x54: {  	[tilespmem:$0x13510] =	vst v0  }
0x55: {  	[tilespmem:$0x13520] =	vst v0  }
0x56: {  	[tilespmem:$0x13530] =	vst v0  }
0x57: {  	[tilespmem:$0x13540] =	vst v0  }
0x58: {  	[tilespmem:$0x13550] =	vst v0  }
0x59: {  	[tilespmem:$0x13560] =	vst v0  }
0x5a: {  	[tilespmem:$0x13570] =	vst v0  }
0x5b: {  	[tilespmem:$0x13580] =	vst v0  }
0x5c: {  	[tilespmem:$0x13590] =	vst v0  }
0x5d: {  	[tilespmem:$0x135A0] =	vst v0  }
0x5e: {  	[tilespmem:$0x135B0] =	vst v0  }
0x5f: {  	[tilespmem:$0x135C0] =	vst v0  }
0x60: {  	[tilespmem:$0x135D0] =	vst v0  }
0x61: {  	[tilespmem:$0x135E0] =	vst v0  }
0x62: {  	[tilespmem:$0x135F0] =	vst v0  }
0x63: {  	[tilespmem:$0x13600] =	vst v0  }
0x64: {  	[tilespmem:$0x13610] =	vst v0  }
0x65: {  	[tilespmem:$0x13620] =	vst v0  }
0x66: {  	[tilespmem:$0x13630] =	vst v0  }
0x67: {  	[tilespmem:$0x13640] =	vst v0  }
0x68: {  	[tilespmem:$0x13650] =	vst v0  }
0x69: {  	[tilespmem:$0x13660] =	vst v0  }
0x6a: {  	[tilespmem:$0x13670] =	vst v0  }
0x6b: {  	[tilespmem:$0x13680] =	vst v0  }
0x6c: {  	[tilespmem:$0x13690] =	vst v0  }
0x6d: {  	[tilespmem:$0x136A0] =	vst v0  }
0x6e: {  	[tilespmem:$0x136B0] =	vst v0  }
0x6f: {  	[tilespmem:$0x136C0] =	vst v0  }
0x70: {  	[tilespmem:$0x136D0] =	vst v0  }
0x71: {  	[tilespmem:$0x136E0] =	vst v0  }
0x72: {  	[tilespmem:$0x136F0] =	vst v0  }
0x73: {  	[tilespmem:$0x13700] =	vst v0  }
0x74: {  	[tilespmem:$0x13710] =	vst v0  }
0x75: {  	[tilespmem:$0x13720] =	vst v0  }
0x76: {  	[tilespmem:$0x13730] =	vst v0  }
0x77: {  	[tilespmem:$0x13740] =	vst v0  }
0x78: {  	[tilespmem:$0x13750] =	vst v0  }
0x79: {  	[tilespmem:$0x13760] =	vst v0  }
0x7a: {  	[tilespmem:$0x13770] =	vst v0  }
0x7b: {  	[tilespmem:$0x13780] =	vst v0  }
0x7c: {  	[tilespmem:$0x13790] =	vst v0  }
0x7d: {  	[tilespmem:$0x137A0] =	vst v0  }
0x7e: {  	s0 =	stileid.u32;
	[tilespmem:$0x137B0] =	vst v0  }
0x7f: {  	s5 =	smul.u32 $0xA00, s0;
	[tilespmem:$0x137C0] =	vst v0  }
0x80: {  	[tilespmem:$0x137D0] =	vst v0  }
0x81: {  	[tilespmem:$0x137E0] =	vst v0;
	s5 =	sadd.s32 s5, s3  }
0x82: {  	s26 =	simm.s32 $0x1;
	[tilespmem:$0x137F0] =	vst v0;
	s6 =	sadd.s32 $0xC200, s5  }
0x83: {  	[tilespmem:s4], [sflag:$0x1] =	stream.linear.gather [hbm4b:s6+s4], $0x5000, $0x38;
	[tilespmem:$0x1E000] =	vst v63  }
0x84: {  	_ =	swait.ge [sflag:s26], $0x5000  }
0x85: {  	s7 =	simm.s32 $0x5000;
	[sflag:s26] =	ssyncset.done $0x0  }
0x86: {  	s24 =	smul.u32 $0x2A000, s0;
	s5 =	sadd.s32 $0x2200, s5;
	[sflag:s26] =	ssyncadd.s32 $0xFFFFB000  }
0x87: {  	[tilespmem:s7], [sflag:$0x1] =	stream.linear.gather [hbm4b:s5+s4], $0x5000, $0x38;
	[tilespmem:$0x1E000] =	vst v63  }
0x88: {  	_ =	swait.ge [sflag:s26], $0x5000  }
0x89: {  	s25 =	sshrl.u32 s24, $0x2;
	[sflag:s26] =	ssyncset.done $0x0  }
0x8a: {  	s31 =	simm.s32 $0x13000;
	s5 =	sadd.s32 s25, s1;
	[sflag:s26] =	ssyncadd.s32 $0xFFFFB000  }
0x8b: {  	[spmem:s5] =	stream.linear.scatter [tilespmem:s31], [sflag:$0x1], $0x800, $0x38;
	[tilespmem:$0x1E000] =	vst v63  }
0x8c: {  	_ =	swait.ge [sflag:s26], $0x800  }
0x8d: {  	[sflag:s26] =	ssyncset.done $0x0  }
0x8e: {  	s6 =	sadd.s32 $0x800, s5;
	[sflag:s26] =	ssyncadd.s32 $0xFFFFF800  }
0x8f: {  	[spmem:s6] =	stream.linear.scatter [tilespmem:s31], [sflag:$0x1], $0x800, $0x38;
	[tilespmem:$0x1E000] =	vst v63  }
0x90: {  	_ =	swait.ge [sflag:s26], $0x800  }
0x91: {  	[sflag:s26] =	ssyncset.done $0x0  }
0x92: {  	s7 =	sadd.s32 $0x1000, s5;
	[sflag:s26] =	ssyncadd.s32 $0xFFFFF800  }
0x93: {  	[spmem:s7] =	stream.linear.scatter [tilespmem:s31], [sflag:$0x1], $0x800, $0x38;
	[tilespmem:$0x1E000] =	vst v63  }
0x94: {  	_ =	swait.ge [sflag:s26], $0x800  }
0x95: {  	[sflag:s26] =	ssyncset.done $0x0  }
0x96: {  	s8 =	sadd.s32 $0x1800, s5;
	[sflag:s26] =	ssyncadd.s32 $0xFFFFF800  }
0x97: {  	[spmem:s8] =	stream.linear.scatter [tilespmem:s31], [sflag:$0x1], $0x800, $0x38;
	[tilespmem:$0x1E000] =	vst v63  }
0x98: {  	_ =	swait.ge [sflag:s26], $0x800  }
0x99: {  	[sflag:s26] =	ssyncset.done $0x0  }
0x9a: {  	s9 =	sadd.s32 $0x2000, s5;
	[sflag:s26] =	ssyncadd.s32 $0xFFFFF800  }
0x9b: {  	[spmem:s9] =	stream.linear.scatter [tilespmem:s31], [sflag:$0x1], $0x800, $0x38;
	[tilespmem:$0x1E000] =	vst v63  }
0x9c: {  	_ =	swait.ge [sflag:s26], $0x800  }
0x9d: {  	[sflag:s26] =	ssyncset.done $0x0  }
0x9e: {  	s10 =	sadd.s32 $0x2800, s5;
	[sflag:s26] =	ssyncadd.s32 $0xFFFFF800  }
0x9f: {  	[spmem:s10] =	stream.linear.scatter [tilespmem:s31], [sflag:$0x1], $0x800, $0x38;
	[tilespmem:$0x1E000] =	vst v63  }
0xa0: {  	_ =	swait.ge [sflag:s26], $0x800  }
0xa1: {  	[sflag:s26] =	ssyncset.done $0x0  }
0xa2: {  	s11 =	sadd.s32 $0x3000, s5;
	[sflag:s26] =	ssyncadd.s32 $0xFFFFF800  }
0xa3: {  	[spmem:s11] =	stream.linear.scatter [tilespmem:s31], [sflag:$0x1], $0x800, $0x38;
	[tilespmem:$0x1E000] =	vst v63  }
0xa4: {  	_ =	swait.ge [sflag:s26], $0x800  }
0xa5: {  	[sflag:s26] =	ssyncset.done $0x0  }
0xa6: {  	s12 =	sadd.s32 $0x3800, s5;
	[sflag:s26] =	ssyncadd.s32 $0xFFFFF800  }
0xa7: {  	[spmem:s12] =	stream.linear.scatter [tilespmem:s31], [sflag:$0x1], $0x800, $0x38;
	[tilespmem:$0x1E000] =	vst v63  }
0xa8: {  	_ =	swait.ge [sflag:s26], $0x800  }
0xa9: {  	[sflag:s26] =	ssyncset.done $0x0  }
0xaa: {  	s13 =	sadd.s32 $0x4000, s5;
	[sflag:s26] =	ssyncadd.s32 $0xFFFFF800  }
0xab: {  	[spmem:s13] =	stream.linear.scatter [tilespmem:s31], [sflag:$0x1], $0x800, $0x38;
	[tilespmem:$0x1E000] =	vst v63  }
0xac: {  	_ =	swait.ge [sflag:s26], $0x800  }
0xad: {  	[sflag:s26] =	ssyncset.done $0x0  }
0xae: {  	s14 =	sadd.s32 $0x4800, s5;
	[sflag:s26] =	ssyncadd.s32 $0xFFFFF800  }
0xaf: {  	[spmem:s14] =	stream.linear.scatter [tilespmem:s31], [sflag:$0x1], $0x800, $0x38;
	[tilespmem:$0x1E000] =	vst v63  }
0xb0: {  	_ =	swait.ge [sflag:s26], $0x800  }
0xb1: {  	[sflag:s26] =	ssyncset.done $0x0  }
0xb2: {  	s15 =	sadd.s32 $0x5000, s5;
	[sflag:s26] =	ssyncadd.s32 $0xFFFFF800  }
0xb3: {  	[spmem:s15] =	stream.linear.scatter [tilespmem:s31], [sflag:$0x1], $0x800, $0x38;
	[tilespmem:$0x1E000] =	vst v63  }
0xb4: {  	_ =	swait.ge [sflag:s26], $0x800  }
0xb5: {  	[sflag:s26] =	ssyncset.done $0x0  }
0xb6: {  	s16 =	sadd.s32 $0x5800, s5;
	[sflag:s26] =	ssyncadd.s32 $0xFFFFF800  }
0xb7: {  	[spmem:s16] =	stream.linear.scatter [tilespmem:s31], [sflag:$0x1], $0x800, $0x38;
	[tilespmem:$0x1E000] =	vst v63  }
0xb8: {  	_ =	swait.ge [sflag:s26], $0x800  }
0xb9: {  	[sflag:s26] =	ssyncset.done $0x0  }
0xba: {  	s17 =	sadd.s32 $0x6000, s5;
	[sflag:s26] =	ssyncadd.s32 $0xFFFFF800  }
0xbb: {  	[spmem:s17] =	stream.linear.scatter [tilespmem:s31], [sflag:$0x1], $0x800, $0x38;
	[tilespmem:$0x1E000] =	vst v63  }
0xbc: {  	_ =	swait.ge [sflag:s26], $0x800  }
0xbd: {  	[sflag:s26] =	ssyncset.done $0x0  }
0xbe: {  	s18 =	sadd.s32 $0x6800, s5;
	[sflag:s26] =	ssyncadd.s32 $0xFFFFF800  }
0xbf: {  	[spmem:s18] =	stream.linear.scatter [tilespmem:s31], [sflag:$0x1], $0x800, $0x38;
	[tilespmem:$0x1E000] =	vst v63  }
0xc0: {  	_ =	swait.ge [sflag:s26], $0x800  }
0xc1: {  	[sflag:s26] =	ssyncset.done $0x0  }
0xc2: {  	s19 =	sadd.s32 $0x7000, s5;
	[sflag:s26] =	ssyncadd.s32 $0xFFFFF800  }
0xc3: {  	[spmem:s19] =	stream.linear.scatter [tilespmem:s31], [sflag:$0x1], $0x800, $0x38;
	[tilespmem:$0x1E000] =	vst v63  }
0xc4: {  	_ =	swait.ge [sflag:s26], $0x800  }
0xc5: {  	[sflag:s26] =	ssyncset.done $0x0  }
0xc6: {  	s20 =	sadd.s32 $0x7800, s5;
	[sflag:s26] =	ssyncadd.s32 $0xFFFFF800  }
0xc7: {  	[spmem:s20] =	stream.linear.scatter [tilespmem:s31], [sflag:$0x1], $0x800, $0x38;
	[tilespmem:$0x1E000] =	vst v63  }
0xc8: {  	_ =	swait.ge [sflag:s26], $0x800  }
0xc9: {  	[sflag:s26] =	ssyncset.done $0x0  }
0xca: {  	s21 =	sadd.s32 $0x8000, s5;
	[sflag:s26] =	ssyncadd.s32 $0xFFFFF800  }
0xcb: {  	[spmem:s21] =	stream.linear.scatter [tilespmem:s31], [sflag:$0x1], $0x800, $0x38;
	[tilespmem:$0x1E000] =	vst v63  }
0xcc: {  	_ =	swait.ge [sflag:s26], $0x800  }
0xcd: {  	[sflag:s26] =	ssyncset.done $0x0  }
0xce: {  	s22 =	sadd.s32 $0x8800, s5;
	[sflag:s26] =	ssyncadd.s32 $0xFFFFF800  }
0xcf: {  	[spmem:s22] =	stream.linear.scatter [tilespmem:s31], [sflag:$0x1], $0x800, $0x38;
	[tilespmem:$0x1E000] =	vst v63  }
0xd0: {  	_ =	swait.ge [sflag:s26], $0x800  }
0xd1: {  	[sflag:s26] =	ssyncset.done $0x0  }
0xd2: {  	s23 =	sadd.s32 $0x9000, s5;
	[sflag:s26] =	ssyncadd.s32 $0xFFFFF800  }
0xd3: {  	[spmem:s23] =	stream.linear.scatter [tilespmem:s31], [sflag:$0x1], $0x800, $0x38;
	[tilespmem:$0x1E000] =	vst v63  }
0xd4: {  	_ =	swait.ge [sflag:s26], $0x800  }
0xd5: {  	[sflag:s26] =	ssyncset.done $0x0  }
0xd6: {  	s24 =	sadd.s32 $0x9800, s5;
	[sflag:s26] =	ssyncadd.s32 $0xFFFFF800  }
0xd7: {  	[spmem:s24] =	stream.linear.scatter [tilespmem:s31], [sflag:$0x1], $0x800, $0x38;
	[tilespmem:$0x1E000] =	vst v63  }
0xd8: {  	_ =	swait.ge [sflag:s26], $0x800  }
0xd9: {  	[sflag:s26] =	ssyncset.done $0x0  }
0xda: {  	s25 =	sadd.s32 $0xA000, s5;
	[sflag:s26] =	ssyncadd.s32 $0xFFFFF800  }
0xdb: {  	[spmem:s25] =	stream.linear.scatter [tilespmem:s31], [sflag:$0x1], $0x800, $0x38;
	[tilespmem:$0x1E000] =	vst v63  }
0xdc: {  	_ =	swait.ge [sflag:s26], $0x800  }
0xdd: {  	[sflag:s26] =	ssyncset.done $0x0  }
0xde: {  	s28 =	simm.s32 $0x0;
	[sflag:s26] =	ssyncadd.s32 $0xFFFFF800  }
0xdf: {  	v0 =	vld [tilespmem:s28+$0x5070]  }
0xe0: {  	v2 =	vld [tilespmem:s28+$0x5010]  }
0xe1: {  	v3 =	vld [tilespmem:s28+$0x5020]  }
0xe2: {  	v4 =	vld [tilespmem:s28+$0x5030]  }
0xe3: {  	v7 =	vld [tilespmem:s28+$0x5040]  }
0xe4: {  	v8 =	vld [tilespmem:s28+$0x5050]  }
0xe5: {  	v9 =	vld [tilespmem:s28+$0x5060];
	_ =	sdelay $0x1  }
0xe6: {  	v1 =	vld [tilespmem:s28+$0x5000];
	v5 =	vand.u32 $0x3F, v0;
	vm0 =	vlt.u32 v0, $0x1400;
	vm1 =	vlt.u32 v2, $0x1400  }
0xe7: {  	v13 =	vand.u32 $0x3F, v4;
	vm2 =	vlt.u32 v3, $0x1400;
	v5 =	vor.u32 $0x1400, v5  }
0xe8: {  	v15 =	vand.u32 $0x3F, v7;
	vm3 =	vlt.u32 v4, $0x1400;
	v0 =	vsel vm0, v0, v5  }
0xe9: {  	s26 =	simm.s32 $0x80;
	v16 =	vand.u32 $0x3F, v8;
	v63 =	vand.u32 $0x3F, v9;
	vm4 =	vlt.u32 v9, $0x1400;
	[tilespmem:s28+$0xA070] =	vst v0  }
0xea: {  	v13 =	vor.u32 $0x1400, v13;
	v15 =	vor.u32 $0x1400, v15;
	v5 =	vand.u32 $0x3F, v2;
	v10 =	vld [tilespmem:s26+$0x5070]  }
0xeb: {  	vm0 =	vlt.u32 v1, $0x1400;
	v0 =	vand.u32 $0x3F, v1;
	v12 =	vor.u32 $0x1400, v5;
	v5 =	vld [tilespmem:s26+$0x5000]  }
0xec: {  	v13 =	vsel vm3, v4, v13;
	v11 =	vor.u32 $0x1400, v0;
	v0 =	vand.u32 $0x3F, v3;
	v6 =	vld [tilespmem:s26+$0x5010]  }
0xed: {  	v12 =	vsel vm1, v2, v12;
	v14 =	vor.u32 $0x1400, v0;
	v0 =	vld [tilespmem:s26+$0x5020];
	v11 =	vsel vm0, v1, v11  }
0xee: {  	vm1 =	vlt.u32 v8, $0x1400;
	v1 =	vld [tilespmem:s26+$0x5030];
	vm0 =	vlt.u32 v7, $0x1400;
	[tilespmem:s28+$0xA000] =	vst v11;
	v11 =	vor.u32 $0x1400, v16  }
0xef: {  	v16 =	vor.u32 $0x1400, v63;
	v2 =	vld [tilespmem:s26+$0x5040];
	[tilespmem:s28+$0xA010] =	vst v12;
	v12 =	vsel vm2, v3, v14;
	v14 =	vsel vm0, v7, v15  }
0xf0: {  	v15 =	vsel vm1, v8, v11;
	v8 =	vsel vm4, v9, v16;
	v4 =	vand.u32 $0x3F, v10  }
0xf1: {  	v3 =	vld [tilespmem:s26+$0x5050];
	[tilespmem:s28+$0xA020] =	vst v12;
	v7 =	vand.u32 $0x3F, v5;
	vm0 =	vlt.u32 v10, $0x1400;
	v9 =	vor.u32 $0x1400, v4  }
0xf2: {  	v11 =	vand.u32 $0x3F, v6;
	vm1 =	vlt.u32 v6, $0x1400;
	v4 =	vld [tilespmem:s26+$0x5060];
	[tilespmem:s28+$0xA030] =	vst v13;
	v10 =	vsel vm0, v10, v9  }
0xf3: {  	v7 =	vor.u32 $0x1400, v7;
	v9 =	vor.u32 $0x1400, v11;
	v11 =	vand.u32 $0x3F, v0;
	[tilespmem:s26+$0xA070] =	vst v10  }
0xf4: {  	s29 =	simm.s32 $0x100;
	vm2 =	vlt.u32 v0, $0x1400;
	v10 =	vor.u32 $0x1400, v11;
	v11 =	vand.u32 $0x3F, v1;
	[tilespmem:s28+$0xA040] =	vst v14  }
0xf5: {  	s30 =	simm.s32 $0x600;
	s4 =	sadd.s32 $0x2F200, s3;
	s3 =	sadd.s32 $0x5C200, s3;
	vm0 =	vlt.u32 v5, $0x1400;
	v12 =	vand.u32 $0x3F, v2;
	v11 =	vor.u32 $0x1400, v11;
	[tilespmem:s28+$0xA050] =	vst v15  }
.LBB2_1:
0xf6: {  	p0 =	sne.s32 s30, $0x13E00;
	v13 =	vld [tilespmem:s29+$0x5070];
	vm3 =	vlt.u32 v1, $0x1400;
	v12 =	vor.u32 $0x1400, v12;
	v14 =	vand.u32 $0x3F, v3;
	[tilespmem:s28+$0xA060] =	vst v8;
	s28 =	smov.u32 s26;
	s26 =	smov.u32 s29  }
0xf7: {  	vm4 =	vlt.u32 v2, $0x1400;
	v15 =	vld [tilespmem:s26+$0x5000];
	v8 =	vor.u32 $0x1400, v14;
	v14 =	vand.u32 $0x3F, v4  }
0xf8: {  	vm5 =	vlt.u32 v3, $0x1400;
	vm6 =	vlt.u32 v4, $0x1400;
	v16 =	vld [tilespmem:s26+$0x5010];
	v14 =	vor.u32 $0x1400, v14  }
0xf9: {  	v5 =	vsel vm0, v5, v7;
	v6 =	vsel vm1, v6, v9;
	v7 =	vsel vm2, v0, v10;
	v0 =	vld [tilespmem:s26+$0x5020]  }
0xfa: {  	v9 =	vsel vm3, v1, v11;
	v11 =	vsel vm4, v2, v12;
	v17 =	vsel vm5, v3, v8;
	[tilespmem:s28+$0xA000] =	vst v5;
	v1 =	vld [tilespmem:s26+$0x5030]  }
0xfb: {  	v8 =	vsel vm6, v4, v14;
	v2 =	vld [tilespmem:s26+$0x5040];
	v10 =	vand.u32 $0x3F, v13;
	[tilespmem:s28+$0xA010] =	vst v6  }
.Ltmp0:
0xfc: {  	vm0 =	vlt.u32 v13, $0x1400;
	v4 =	vand.u32 $0x3F, v15;
	v3 =	vld [tilespmem:s26+$0x5050];
	v14 =	vor.u32 $0x1400, v10;
	[tilespmem:s28+$0xA020] =	vst v7;
	v5 =	vmovc v15;
	(pc) =	sbr.rel @p0 .LBB2_1-.Ltmp0, $4  }
0xfd: {  	v7 =	vor.u32 $0x1400, v4;
	v10 =	vand.u32 $0x3F, v16;
	v4 =	vld [tilespmem:s26+$0x5060];
	v12 =	vsel vm0, v13, v14;
	[tilespmem:s28+$0xA030] =	vst v9;
	v6 =	vmovc v16  }
0xfe: {  	vm0 =	vlt.u32 v5, $0x1400;
	v9 =	vor.u32 $0x1400, v10;
	v10 =	vand.u32 $0x3F, v0;
	[tilespmem:s26+$0xA070] =	vst v12  }
0xff: {  	vm1 =	vlt.u32 v6, $0x1400;
	v10 =	vor.u32 $0x1400, v10;
	v12 =	vand.u32 $0x3F, v1;
	[tilespmem:s28+$0xA040] =	vst v11  }
0x100: {  	s29 =	sshra.s32 s30, $0x2;
	s30 =	sadd.s32 $0x200, s30;
	vm2 =	vlt.u32 v0, $0x1400;
	v11 =	vor.u32 $0x1400, v12;
	v12 =	vand.u32 $0x3F, v2;
	[tilespmem:s28+$0xA050] =	vst v17  }
0x101: {  	v13 =	vld [tilespmem:s29+$0x5070];
	[tilespmem:s28+$0xA060] =	vst v8  }
0x102: {  	v5 =	vsel vm0, v5, v7;
	vm14 =	vlt.u32 v1, $0x1400;
	v8 =	vld [tilespmem:s29+$0x5000]  }
0x103: {  	v41 =	vor.u32 $0x1400, v12;
	v42 =	vand.u32 $0x3F, v3;
	v6 =	vsel vm1, v6, v9;
	v14 =	vld [tilespmem:s29+$0x5010]  }
0x104: {  	vm15 =	vlt.u32 v2, $0x1400;
	vm3 =	vlt.u32 v3, $0x1400;
	v0 =	vsel vm2, v0, v10;
	v15 =	vld [tilespmem:s29+$0x5020]  }
0x105: {  	v40 =	vld [tilespmem:s29+$0x5030];
	[tilespmem:s26+$0xA000] =	vst v5;
	v12 =	vor.u32 $0x1400, v42;
	v16 =	vand.u32 $0x3F, v4;
	vm4 =	vlt.u32 v4, $0x1400  }
0x106: {  	v1 =	vsel vm14, v1, v11;
	v46 =	vsel vm15, v2, v41;
	v43 =	vld [tilespmem:s29+$0x5040];
	[tilespmem:s26+$0xA010] =	vst v6;
	v45 =	vand.u32 $0x3F, v13  }
0x107: {  	v44 =	vor.u32 $0x1400, v16;
	v6 =	vld [tilespmem:s29+$0x5050];
	[tilespmem:s26+$0xA020] =	vst v0;
	vm8 =	vlt.u32 v13, $0x1400;
	v47 =	vor.u32 $0x1400, v45  }
0x108: {  	v3 =	vsel vm3, v3, v12;
	v50 =	vsel vm4, v4, v44;
	v48 =	vld [tilespmem:s29+$0x5060];
	[tilespmem:s26+$0xA030] =	vst v1;
	v2 =	vsel vm8, v13, v47  }
0x109: {  	v49 =	vand.u32 $0x3F, v8;
	v52 =	vand.u32 $0x3F, v14;
	vm9 =	vlt.u32 v8, $0x1400;
	[tilespmem:s29+$0xA070] =	vst v2  }
0x10a: {  	v54 =	vand.u32 $0x3F, v15;
	vm10 =	vlt.u32 v14, $0x1400;
	v56 =	vand.u32 $0x3F, v40;
	[tilespmem:s26+$0xA040] =	vst v46  }
0x10b: {  	vm11 =	vlt.u32 v15, $0x1400;
	vm12 =	vlt.u32 v40, $0x1400;
	v51 =	vor.u32 $0x1400, v49;
	[tilespmem:s26+$0xA050] =	vst v3  }
0x10c: {  	v53 =	vor.u32 $0x1400, v52;
	v55 =	vor.u32 $0x1400, v54;
	v58 =	vsel vm9, v8, v51;
	[tilespmem:s26+$0xA060] =	vst v50  }
0x10d: {  	v57 =	vor.u32 $0x1400, v56;
	v59 =	vand.u32 $0x3F, v43;
	v2 =	vsel vm10, v14, v53;
	[tilespmem:s29+$0xA000] =	vst v58  }
0x10e: {  	vm13 =	vlt.u32 v43, $0x1400;
	v60 =	vor.u32 $0x1400, v59;
	v0 =	vsel vm11, v15, v55;
	[tilespmem:s29+$0xA010] =	vst v2  }
0x10f: {  	v61 =	vand.u32 $0x3F, v6;
	vm14 =	vlt.u32 v6, $0x1400;
	v3 =	vsel vm12, v40, v57;
	[tilespmem:s29+$0xA020] =	vst v0  }
0x110: {  	v62 =	vor.u32 $0x1400, v61;
	v63 =	vand.u32 $0x3F, v48;
	v1 =	vsel vm13, v43, v60;
	[tilespmem:s29+$0xA030] =	vst v3  }
0x111: {  	vm15 =	vlt.u32 v48, $0x1400;
	v0 =	vor.u32 $0x1400, v63;
	v2 =	vsel vm14, v6, v62;
	[tilespmem:s29+$0xA040] =	vst v1  }
0x112: {  	v0 =	vsel vm15, v48, v0;
	[tilespmem:s29+$0xA050] =	vst v2  }
0x113: {  	s28 =	simm.s32 $0x80;
	s30 =	simm.s32 $0x0;
	[tilespmem:s29+$0xA060] =	vst v0  }
0x114: {  	s26 =	simm.s32 $0x1;
	s29 =	simm.s32 $0xF000;
	[bflag:$0x0] =	sbarrier.arrive $0xFFFF  }
0x115: {  	[tilespmem:s29], [sflag:$0x1] =	stream.indirect.gather [hbm4b:s4+s28], $0x80, s30, s28, $0xb8;
	[tilespmem:$0x1E000] =	vst v63  }
0x116: {  	_ =	swait.ge [sflag:s26], $0x4000  }
0x117: {  	[sflag:s26] =	ssyncset.done $0x0  }
0x118: {  	s30 =	simm.s32 $0xA000;
	[sflag:s26] =	ssyncadd.s32 $0xFFFFC000  }
0x119: {  	[spmem:s1] =	stream.indirect.scatter.add.f32 [tilespmem:s29], [sflag:$0x1], $0x80, s30, s28, $0xb8;
	[tilespmem:$0x1E000] =	vst v63  }
0x11a: {  	_ =	swait.ge [sflag:s26], $0x4000  }
0x11b: {  	s31 =	simm.s32 $0x400;
	s30 =	simm.s32 $0x200;
	[sflag:s26] =	ssyncset.done $0x0  }
.LBB2_3:
0x11c: {  	s0 =	sshra.s32 s30, $0x2  }
0x11d: {  	[sflag:s26] =	ssyncadd.s32 $0xFFFFC000;
	s30 =	smov.u32 s31;
	s2 =	sadd.s32 $0x200, s31  }
0x11e: {  	[tilespmem:s29], [sflag:$0x1] =	stream.indirect.gather [hbm4b:s4+s28], $0x80, s0, s28, $0xb8;
	[tilespmem:$0x1E000] =	vst v63  }
0x11f: {  	p0 =	sne.s32 s31, $0x13E00;
	_ =	swait.ge [sflag:s26], $0x4000  }
.Ltmp1:
0x120: {  	[sflag:s26] =	ssyncset.done $0x0;
	(pc) =	sbr.rel @p0 .LBB2_3-.Ltmp1, $4  }
0x121: {  	s0 =	sadd.s32 $0xA000, s0;
	[sflag:s26] =	ssyncadd.s32 $0xFFFFC000  }
0x122: {  	[spmem:s1] =	stream.indirect.scatter.add.f32 [tilespmem:s29], [sflag:$0x1], $0x80, s0, s28, $0xb8;
	[tilespmem:$0x1E000] =	vst v63  }
0x123: {  	_ =	swait.ge [sflag:s26], $0x4000  }
0x124: {  	s31 =	smov.u32 s2;
	[sflag:s26] =	ssyncset.done $0x0  }
0x125: {  	s0 =	sshra.s32 s30, $0x2;
	[sflag:s26] =	ssyncadd.s32 $0xFFFFC000  }
0x126: {  	[tilespmem:s29], [sflag:$0x1] =	stream.indirect.gather [hbm4b:s4+s28], $0x80, s0, s28, $0xb8;
	[tilespmem:$0x1E000] =	vst v63  }
0x127: {  	_ =	swait.ge [sflag:s26], $0x4000  }
0x128: {  	s31 =	stileid.u32;
	[sflag:s26] =	ssyncset.done $0x0  }
0x129: {  	s0 =	sadd.s32 $0xA000, s0;
	s2 =	smul.u32 $0x1400, s31;
	[sflag:s26] =	ssyncadd.s32 $0xFFFFC000  }
0x12a: {  	[spmem:s1] =	stream.indirect.scatter.add.f32 [tilespmem:s29], [sflag:$0x1], $0x80, s0, s28, $0xb8;
	[tilespmem:$0x1E000] =	vst v63  }
0x12b: {  	s29 =	smul.u32 $0x28000, s31  }
0x12c: {  	s30 =	sshll.u32 s31, $0x6;
	_ =	swait.ge [sflag:s26], $0x4000  }
0x12d: {  	s2 =	sadd.s32 s3, s2;
	[sflag:s26] =	ssyncset.done $0x0;
	s0 =	sshrl.u32 s29, $0x2  }
0x12e: {  	[sflag:s26] =	ssyncadd.s32 $0xFFFFC000;
	s0 =	sadd.s32 s0, s1;
	s26 =	sor.u32 $0x1C01, s30  }
0x12f: {  	[bflag:$0x0] =	sbarrier.arrive $0xFFFF;
	s28 =	sshrl.u32 s0, $0x3;
	s0 =	simm.s32 $0x1  }
0x130: {  	[hbm:s2], [sflag:s26] =	dma.local [spmem:s28], $0x1400  }
0x131: {  	_ =	swait.ge [sflag:s0], $0x1400  }
0x132: {  	[sflag:s0] =	ssyncset.done $0x0  }
0x133: {  	[sflag:s0] =	ssyncadd.s32 $0xFFFFEC00  }
0x134: {  	s2 =	simm.s32 $0x13000;
	[bflag:$0x0] =	sbarrier.arrive $0xFFFF  }
0x135: {  	[spmem:s5] =	stream.linear.scatter [tilespmem:s2], [sflag:$0x1], $0x800, $0x38;
	[tilespmem:$0x1E000] =	vst v63  }
0x136: {  	_ =	swait.ge [sflag:s0], $0x800  }
0x137: {  	[sflag:s0] =	ssyncset.done $0x0  }
0x138: {  	[sflag:s0] =	ssyncadd.s32 $0xFFFFF800  }
0x139: {  	[spmem:s6] =	stream.linear.scatter [tilespmem:s2], [sflag:$0x1], $0x800, $0x38;
	[tilespmem:$0x1E000] =	vst v63  }
0x13a: {  	_ =	swait.ge [sflag:s0], $0x800  }
0x13b: {  	[sflag:s0] =	ssyncset.done $0x0  }
0x13c: {  	[sflag:s0] =	ssyncadd.s32 $0xFFFFF800  }
0x13d: {  	[spmem:s7] =	stream.linear.scatter [tilespmem:s2], [sflag:$0x1], $0x800, $0x38;
	[tilespmem:$0x1E000] =	vst v63  }
0x13e: {  	_ =	swait.ge [sflag:s0], $0x800  }
0x13f: {  	[sflag:s0] =	ssyncset.done $0x0  }
0x140: {  	[sflag:s0] =	ssyncadd.s32 $0xFFFFF800  }
0x141: {  	[spmem:s8] =	stream.linear.scatter [tilespmem:s2], [sflag:$0x1], $0x800, $0x38;
	[tilespmem:$0x1E000] =	vst v63  }
0x142: {  	_ =	swait.ge [sflag:s0], $0x800  }
0x143: {  	[sflag:s0] =	ssyncset.done $0x0  }
0x144: {  	[sflag:s0] =	ssyncadd.s32 $0xFFFFF800  }
0x145: {  	[spmem:s9] =	stream.linear.scatter [tilespmem:s2], [sflag:$0x1], $0x800, $0x38;
	[tilespmem:$0x1E000] =	vst v63  }
0x146: {  	_ =	swait.ge [sflag:s0], $0x800  }
0x147: {  	[sflag:s0] =	ssyncset.done $0x0  }
0x148: {  	[sflag:s0] =	ssyncadd.s32 $0xFFFFF800  }
0x149: {  	[spmem:s10] =	stream.linear.scatter [tilespmem:s2], [sflag:$0x1], $0x800, $0x38;
	[tilespmem:$0x1E000] =	vst v63  }
0x14a: {  	_ =	swait.ge [sflag:s0], $0x800  }
0x14b: {  	[sflag:s0] =	ssyncset.done $0x0  }
0x14c: {  	[sflag:s0] =	ssyncadd.s32 $0xFFFFF800  }
0x14d: {  	[spmem:s11] =	stream.linear.scatter [tilespmem:s2], [sflag:$0x1], $0x800, $0x38;
	[tilespmem:$0x1E000] =	vst v63  }
0x14e: {  	_ =	swait.ge [sflag:s0], $0x800  }
0x14f: {  	[sflag:s0] =	ssyncset.done $0x0  }
0x150: {  	[sflag:s0] =	ssyncadd.s32 $0xFFFFF800  }
0x151: {  	[spmem:s12] =	stream.linear.scatter [tilespmem:s2], [sflag:$0x1], $0x800, $0x38;
	[tilespmem:$0x1E000] =	vst v63  }
0x152: {  	_ =	swait.ge [sflag:s0], $0x800  }
0x153: {  	[sflag:s0] =	ssyncset.done $0x0  }
0x154: {  	[sflag:s0] =	ssyncadd.s32 $0xFFFFF800  }
0x155: {  	[spmem:s13] =	stream.linear.scatter [tilespmem:s2], [sflag:$0x1], $0x800, $0x38;
	[tilespmem:$0x1E000] =	vst v63  }
0x156: {  	_ =	swait.ge [sflag:s0], $0x800  }
0x157: {  	[sflag:s0] =	ssyncset.done $0x0  }
0x158: {  	[sflag:s0] =	ssyncadd.s32 $0xFFFFF800  }
0x159: {  	[spmem:s14] =	stream.linear.scatter [tilespmem:s2], [sflag:$0x1], $0x800, $0x38;
	[tilespmem:$0x1E000] =	vst v63  }
0x15a: {  	_ =	swait.ge [sflag:s0], $0x800  }
0x15b: {  	[sflag:s0] =	ssyncset.done $0x0  }
0x15c: {  	[sflag:s0] =	ssyncadd.s32 $0xFFFFF800  }
0x15d: {  	[spmem:s15] =	stream.linear.scatter [tilespmem:s2], [sflag:$0x1], $0x800, $0x38;
	[tilespmem:$0x1E000] =	vst v63  }
0x15e: {  	_ =	swait.ge [sflag:s0], $0x800  }
0x15f: {  	[sflag:s0] =	ssyncset.done $0x0  }
0x160: {  	[sflag:s0] =	ssyncadd.s32 $0xFFFFF800  }
0x161: {  	[spmem:s16] =	stream.linear.scatter [tilespmem:s2], [sflag:$0x1], $0x800, $0x38;
	[tilespmem:$0x1E000] =	vst v63  }
0x162: {  	_ =	swait.ge [sflag:s0], $0x800  }
0x163: {  	[sflag:s0] =	ssyncset.done $0x0  }
0x164: {  	[sflag:s0] =	ssyncadd.s32 $0xFFFFF800  }
0x165: {  	[spmem:s17] =	stream.linear.scatter [tilespmem:s2], [sflag:$0x1], $0x800, $0x38;
	[tilespmem:$0x1E000] =	vst v63  }
0x166: {  	_ =	swait.ge [sflag:s0], $0x800  }
0x167: {  	[sflag:s0] =	ssyncset.done $0x0  }
0x168: {  	[sflag:s0] =	ssyncadd.s32 $0xFFFFF800  }
0x169: {  	[spmem:s18] =	stream.linear.scatter [tilespmem:s2], [sflag:$0x1], $0x800, $0x38;
	[tilespmem:$0x1E000] =	vst v63  }
0x16a: {  	_ =	swait.ge [sflag:s0], $0x800  }
0x16b: {  	[sflag:s0] =	ssyncset.done $0x0  }
0x16c: {  	[sflag:s0] =	ssyncadd.s32 $0xFFFFF800  }
0x16d: {  	[spmem:s19] =	stream.linear.scatter [tilespmem:s2], [sflag:$0x1], $0x800, $0x38;
	[tilespmem:$0x1E000] =	vst v63  }
0x16e: {  	_ =	swait.ge [sflag:s0], $0x800  }
0x16f: {  	[sflag:s0] =	ssyncset.done $0x0  }
0x170: {  	[sflag:s0] =	ssyncadd.s32 $0xFFFFF800  }
0x171: {  	[spmem:s20] =	stream.linear.scatter [tilespmem:s2], [sflag:$0x1], $0x800, $0x38;
	[tilespmem:$0x1E000] =	vst v63  }
0x172: {  	_ =	swait.ge [sflag:s0], $0x800  }
0x173: {  	[sflag:s0] =	ssyncset.done $0x0  }
0x174: {  	[sflag:s0] =	ssyncadd.s32 $0xFFFFF800  }
0x175: {  	[spmem:s21] =	stream.linear.scatter [tilespmem:s2], [sflag:$0x1], $0x800, $0x38;
	[tilespmem:$0x1E000] =	vst v63  }
0x176: {  	_ =	swait.ge [sflag:s0], $0x800  }
0x177: {  	[sflag:s0] =	ssyncset.done $0x0  }
0x178: {  	[sflag:s0] =	ssyncadd.s32 $0xFFFFF800  }
0x179: {  	[spmem:s22] =	stream.linear.scatter [tilespmem:s2], [sflag:$0x1], $0x800, $0x38;
	[tilespmem:$0x1E000] =	vst v63  }
0x17a: {  	_ =	swait.ge [sflag:s0], $0x800  }
0x17b: {  	[sflag:s0] =	ssyncset.done $0x0  }
0x17c: {  	[sflag:s0] =	ssyncadd.s32 $0xFFFFF800  }
0x17d: {  	[spmem:s23] =	stream.linear.scatter [tilespmem:s2], [sflag:$0x1], $0x800, $0x38;
	[tilespmem:$0x1E000] =	vst v63  }
0x17e: {  	_ =	swait.ge [sflag:s0], $0x800  }
0x17f: {  	[sflag:s0] =	ssyncset.done $0x0  }
0x180: {  	[sflag:s0] =	ssyncadd.s32 $0xFFFFF800  }
0x181: {  	[spmem:s24] =	stream.linear.scatter [tilespmem:s2], [sflag:$0x1], $0x800, $0x38;
	[tilespmem:$0x1E000] =	vst v63  }
0x182: {  	_ =	swait.ge [sflag:s0], $0x800  }
0x183: {  	[sflag:s0] =	ssyncset.done $0x0  }
0x184: {  	[sflag:s0] =	ssyncadd.s32 $0xFFFFF800  }
0x185: {  	[spmem:s25] =	stream.linear.scatter [tilespmem:s2], [sflag:$0x1], $0x800, $0x38;
	[tilespmem:$0x1E000] =	vst v63  }
0x186: {  	_ =	swait.ge [sflag:s0], $0x800  }
0x187: {  	[sflag:s0] =	ssyncset.done $0x0  }
0x188: {  	s5 =	simm.s32 $0x0;
	[sflag:s0] =	ssyncadd.s32 $0xFFFFF800  }
0x189: {  	v0 =	vld [tilespmem:s5+$0x5070]  }
0x18a: {  	v1 =	vld [tilespmem:s5+$0x5000]  }
0x18b: {  	v3 =	vld [tilespmem:s5+$0x5010]  }
0x18c: {  	v4 =	vld [tilespmem:s5+$0x5020]  }
0x18d: {  	v6 =	vld [tilespmem:s5+$0x5040]  }
0x18e: {  	v9 =	vld [tilespmem:s5+$0x5050]  }
0x18f: {  	v5 =	vld [tilespmem:s5+$0x5030]  }
0x190: {  	v7 =	vadd.s32 $0xFFFFEC00, v0;
	v2 =	vand.u32 $0x3F, v0  }
0x191: {  	v0 =	vadd.s32 $0xFFFFEC00, v1;
	v10 =	vand.u32 $0x3F, v1;
	v12 =	vand.u32 $0x3F, v3  }
0x192: {  	v13 =	vld [tilespmem:s5+$0x5060];
	v1 =	vadd.s32 $0xFFFFEC00, v4;
	v15 =	vand.u32 $0x3F, v4;
	v4 =	vadd.s32 $0xFFFFEC00, v6  }
0x193: {  	v11 =	vand.u32 $0x3F, v9;
	vm0 =	vlt.u32 v7, $0x1400;
	v8 =	vor.u32 $0x1400, v2  }
0x194: {  	v2 =	vadd.s32 $0xFFFFEC00, v3;
	v3 =	vadd.s32 $0xFFFFEC00, v5;
	v12 =	vor.u32 $0x1400, v12  }
0x195: {  	vm2 =	vlt.u32 v1, $0x1400;
	v14 =	vsel vm0, v7, v8;
	vm0 =	vlt.u32 v0, $0x1400  }
0x196: {  	v8 =	vand.u32 $0x3F, v5;
	v7 =	vor.u32 $0x1400, v10;
	v10 =	vand.u32 $0x3F, v6  }
0x197: {  	vm1 =	vlt.u32 v2, $0x1400;
	v5 =	vadd.s32 $0xFFFFEC00, v9;
	v6 =	vadd.s32 $0xFFFFEC00, v13  }
0x198: {  	s6 =	simm.s32 $0x80;
	s7 =	simm.s32 $0x400;
	v9 =	vand.u32 $0x3F, v13;
	v13 =	vor.u32 $0x1400, v15;
	vm3 =	vlt.u32 v3, $0x1400;
	[tilespmem:s5+$0xA070] =	vst v14  }
.LBB2_5:
0x199: {  	p0 =	sne.s32 s7, $0x13E00;
	v14 =	vld [tilespmem:s6+$0x5070];
	v8 =	vor.u32 $0x1400, v8;
	vm4 =	vlt.u32 v4, $0x1400;
	v10 =	vor.u32 $0x1400, v10  }
0x19a: {  	vm5 =	vlt.u32 v5, $0x1400;
	v11 =	vor.u32 $0x1400, v11;
	vm6 =	vlt.u32 v6, $0x1400;
	v15 =	vld [tilespmem:s6+$0x5000]  }
0x19b: {  	v0 =	vsel vm0, v0, v7;
	v2 =	vsel vm1, v2, v12;
	v7 =	vor.u32 $0x1400, v9;
	v16 =	vld [tilespmem:s6+$0x5010]  }
0x19c: {  	v9 =	vld [tilespmem:s6+$0x5020];
	[tilespmem:s5+$0xA000] =	vst v0;
	v0 =	vsel vm2, v1, v13;
	v1 =	vsel vm3, v3, v8;
	v3 =	vsel vm4, v4, v10  }
0x19d: {  	v5 =	vsel vm5, v5, v11;
	v6 =	vsel vm6, v6, v7;
	v4 =	vld [tilespmem:s6+$0x5030];
	[tilespmem:s5+$0xA010] =	vst v2  }
0x19e: {  	v10 =	vld [tilespmem:s6+$0x5040];
	v7 =	vadd.s32 $0xFFFFEC00, v14;
	v2 =	vand.u32 $0x3F, v14;
	[tilespmem:s5+$0xA020] =	vst v0  }
0x19f: {  	v0 =	vadd.s32 $0xFFFFEC00, v15;
	v11 =	vld [tilespmem:s6+$0x5050];
	vm0 =	vlt.u32 v7, $0x1400;
	v8 =	vor.u32 $0x1400, v2;
	[tilespmem:s5+$0xA030] =	vst v1  }
0x1a0: {  	v12 =	vand.u32 $0x3F, v15;
	v2 =	vadd.s32 $0xFFFFEC00, v16;
	v13 =	vld [tilespmem:s6+$0x5060];
	v7 =	vsel vm0, v7, v8;
	[tilespmem:s5+$0xA040] =	vst v3  }
0x1a1: {  	v14 =	vand.u32 $0x3F, v16;
	v1 =	vadd.s32 $0xFFFFEC00, v9;
	v15 =	vand.u32 $0x3F, v9;
	[tilespmem:s6+$0xA070] =	vst v7  }
.Ltmp2:
0x1a2: {  	vm0 =	vlt.u32 v0, $0x1400;
	v3 =	vadd.s32 $0xFFFFEC00, v4;
	v8 =	vand.u32 $0x3F, v4;
	[tilespmem:s5+$0xA050] =	vst v5;
	(pc) =	sbr.rel @p0 .LBB2_5-.Ltmp2, $4  }
0x1a3: {  	v7 =	vor.u32 $0x1400, v12;
	v4 =	vadd.s32 $0xFFFFEC00, v10;
	v10 =	vand.u32 $0x3F, v10;
	[tilespmem:s5+$0xA060] =	vst v6;
	s5 =	smov.u32 s6  }
0x1a4: {  	vm1 =	vlt.u32 v2, $0x1400;
	v5 =	vadd.s32 $0xFFFFEC00, v11;
	v11 =	vand.u32 $0x3F, v11  }
0x1a5: {  	v12 =	vor.u32 $0x1400, v14;
	v6 =	vadd.s32 $0xFFFFEC00, v13;
	v9 =	vand.u32 $0x3F, v13  }
0x1a6: {  	vm2 =	vlt.u32 v1, $0x1400;
	s6 =	sshra.s32 s7, $0x2;
	s7 =	sadd.s32 $0x200, s7;
	vm3 =	vlt.u32 v3, $0x1400;
	v13 =	vor.u32 $0x1400, v15  }
0x1a7: {  	v14 =	vld [tilespmem:s6+$0x5070]  }
0x1a8: {  	v15 =	vld [tilespmem:s6+$0x5000];
	v0 =	vsel vm0, v0, v7;
	v8 =	vor.u32 $0x1400, v8  }
0x1a9: {  	v16 =	vld [tilespmem:s6+$0x5010];
	vm14 =	vlt.u32 v4, $0x1400;
	v41 =	vor.u32 $0x1400, v10;
	v2 =	vsel vm1, v2, v12  }
0x1aa: {  	v40 =	vld [tilespmem:s6+$0x5020];
	vm15 =	vlt.u32 v5, $0x1400;
	v11 =	vor.u32 $0x1400, v11;
	vm4 =	vlt.u32 v6, $0x1400  }
0x1ab: {  	v43 =	vor.u32 $0x1400, v9;
	v1 =	vsel vm2, v1, v13;
	[tilespmem:s5+$0xA000] =	vst v0;
	v3 =	vsel vm3, v3, v8  }
0x1ac: {  	v0 =	vsel vm14, v4, v41;
	v45 =	vsel vm15, v5, v11;
	v42 =	vld [tilespmem:s6+$0x5030];
	[tilespmem:s5+$0xA010] =	vst v2;
	v2 =	vsel vm4, v6, v43  }
0x1ad: {  	v46 =	vadd.s32 $0xFFFFEC00, v14;
	v47 =	vand.u32 $0x3F, v14;
	v48 =	vadd.s32 $0xFFFFEC00, v15  }
0x1ae: {  	v50 =	vand.u32 $0x3F, v15;
	v51 =	vadd.s32 $0xFFFFEC00, v16;
	v53 =	vand.u32 $0x3F, v16  }
0x1af: {  	v44 =	vld [tilespmem:s6+$0x5040];
	[tilespmem:s5+$0xA020] =	vst v1;
	v54 =	vadd.s32 $0xFFFFEC00, v40;
	v7 =	vand.u32 $0x3F, v40;
	vm8 =	vlt.u32 v46, $0x1400  }
0x1b0: {  	v49 =	vld [tilespmem:s6+$0x5050];
	[tilespmem:s5+$0xA030] =	vst v3;
	v5 =	vor.u32 $0x1400, v47;
	vm9 =	vlt.u32 v48, $0x1400;
	v3 =	vor.u32 $0x1400, v50  }
0x1b1: {  	v52 =	vld [tilespmem:s6+$0x5060];
	[tilespmem:s5+$0xA040] =	vst v0;
	vm10 =	vlt.u32 v51, $0x1400;
	vm11 =	vlt.u32 v54, $0x1400;
	v1 =	vsel vm8, v46, v5  }
0x1b2: {  	v59 =	vor.u32 $0x1400, v7;
	v55 =	vadd.s32 $0xFFFFEC00, v42;
	v10 =	vand.u32 $0x3F, v42;
	[tilespmem:s6+$0xA070] =	vst v1  }
0x1b3: {  	v5 =	vor.u32 $0x1400, v53;
	v3 =	vsel vm9, v48, v3;
	v6 =	vsel vm11, v54, v59;
	[tilespmem:s5+$0xA050] =	vst v45  }
0x1b4: {  	v56 =	vadd.s32 $0xFFFFEC00, v44;
	v8 =	vand.u32 $0x3F, v44;
	v5 =	vsel vm10, v51, v5;
	[tilespmem:s5+$0xA060] =	vst v2  }
0x1b5: {  	vm12 =	vlt.u32 v55, $0x1400;
	v60 =	vor.u32 $0x1400, v10;
	v57 =	vadd.s32 $0xFFFFEC00, v49;
	[tilespmem:s6+$0xA000] =	vst v3  }
0x1b6: {  	v9 =	vand.u32 $0x3F, v49;
	vm13 =	vlt.u32 v56, $0x1400;
	v61 =	vor.u32 $0x1400, v8;
	[tilespmem:s6+$0xA010] =	vst v5  }
0x1b7: {  	v0 =	vsel vm12, v55, v60;
	v58 =	vadd.s32 $0xFFFFEC00, v52;
	v12 =	vand.u32 $0x3F, v52;
	[tilespmem:s6+$0xA020] =	vst v6  }
0x1b8: {  	vm14 =	vlt.u32 v57, $0x1400;
	v62 =	vor.u32 $0x1400, v9;
	v1 =	vsel vm13, v56, v61;
	[tilespmem:s6+$0xA030] =	vst v0  }
0x1b9: {  	vm15 =	vlt.u32 v58, $0x1400;
	v63 =	vor.u32 $0x1400, v12;
	v3 =	vsel vm14, v57, v62;
	[tilespmem:s6+$0xA040] =	vst v1  }
0x1ba: {  	v0 =	vsel vm15, v58, v63;
	[tilespmem:s6+$0xA050] =	vst v3  }
0x1bb: {  	s7 =	simm.s32 $0xF000;
	s0 =	simm.s32 $0x0;
	[tilespmem:s6+$0xA060] =	vst v0  }
0x1bc: {  	s5 =	simm.s32 $0x1;
	s6 =	simm.s32 $0x80;
	[bflag:$0x0] =	sbarrier.arrive $0xFFFF  }
0x1bd: {  	[tilespmem:s7], [sflag:$0x1] =	stream.indirect.gather [hbm4b:s4+s6], $0x80, s0, s6, $0xb8;
	[tilespmem:$0x1E000] =	vst v63  }
0x1be: {  	_ =	swait.ge [sflag:s5], $0x4000  }
0x1bf: {  	[sflag:s5] =	ssyncset.done $0x0  }
0x1c0: {  	s30 =	simm.s32 $0xA000;
	[sflag:s5] =	ssyncadd.s32 $0xFFFFC000  }
0x1c1: {  	[spmem:s1] =	stream.indirect.scatter.add.f32 [tilespmem:s7], [sflag:$0x1], $0x80, s30, s6, $0xb8;
	[tilespmem:$0x1E000] =	vst v63  }
0x1c2: {  	_ =	swait.ge [sflag:s5], $0x4000  }
0x1c3: {  	s8 =	simm.s32 $0x200;
	s9 =	simm.s32 $0x400;
	[sflag:s5] =	ssyncset.done $0x0  }
.LBB2_7:
0x1c4: {  	s0 =	sshra.s32 s8, $0x2  }
0x1c5: {  	[sflag:s5] =	ssyncadd.s32 $0xFFFFC000;
	s8 =	smov.u32 s9;
	s2 =	sadd.s32 $0x200, s9  }
0x1c6: {  	[tilespmem:s7], [sflag:$0x1] =	stream.indirect.gather [hbm4b:s4+s6], $0x80, s0, s6, $0xb8;
	[tilespmem:$0x1E000] =	vst v63  }
0x1c7: {  	p0 =	sne.s32 s9, $0x13E00;
	_ =	swait.ge [sflag:s5], $0x4000  }
.Ltmp3:
0x1c8: {  	[sflag:s5] =	ssyncset.done $0x0;
	(pc) =	sbr.rel @p0 .LBB2_7-.Ltmp3, $4  }
0x1c9: {  	s0 =	sadd.s32 $0xA000, s0;
	[sflag:s5] =	ssyncadd.s32 $0xFFFFC000  }
0x1ca: {  	[spmem:s1] =	stream.indirect.scatter.add.f32 [tilespmem:s7], [sflag:$0x1], $0x80, s0, s6, $0xb8;
	[tilespmem:$0x1E000] =	vst v63  }
0x1cb: {  	_ =	swait.ge [sflag:s5], $0x4000  }
0x1cc: {  	s9 =	smov.u32 s2;
	[sflag:s5] =	ssyncset.done $0x0  }
0x1cd: {  	s0 =	sshra.s32 s8, $0x2;
	[sflag:s5] =	ssyncadd.s32 $0xFFFFC000  }
0x1ce: {  	[tilespmem:s7], [sflag:$0x1] =	stream.indirect.gather [hbm4b:s4+s6], $0x80, s0, s6, $0xb8;
	[tilespmem:$0x1E000] =	vst v63  }
0x1cf: {  	_ =	swait.ge [sflag:s5], $0x4000  }
0x1d0: {  	[sflag:s5] =	ssyncset.done $0x0  }
0x1d1: {  	s29 =	smul.u32 $0xA000, s31;
	s0 =	sadd.s32 $0xA000, s0;
	[sflag:s5] =	ssyncadd.s32 $0xFFFFC000  }
0x1d2: {  	[spmem:s1] =	stream.indirect.scatter.add.f32 [tilespmem:s7], [sflag:$0x1], $0x80, s0, s6, $0xb8;
	[tilespmem:$0x1E000] =	vst v63  }
0x1d3: {  	_ =	swait.ge [sflag:s5], $0x4000  }
0x1d4: {  	s0 =	sshrl.u32 s29, $0x3;
	[sflag:s5] =	ssyncset.done $0x0  }
0x1d5: {  	s0 =	sadd.s32 s3, s0;
	[sflag:s5] =	ssyncadd.s32 $0xFFFFC000  }
0x1d6: {  	s30 =	simm.s32 $0x1;
	s0 =	sadd.s32 $0x14000, s0;
	[bflag:$0x0] =	sbarrier.arrive $0xFFFF  }
0x1d7: {  	[hbm:s0], [sflag:s26] =	dma.local [spmem:s28], $0x1400  }
0x1d8: {  	_ =	swait.ge [sflag:s30], $0x1400  }
0x1d9: {  	[sflag:s30] =	ssyncset.done $0x0  }
0x1da: {  	[sflag:s30] =	ssyncadd.s32 $0xFFFFEC00  }
0x1db: {  	[bflag:$0x0] =	sbarrier.arrive $0xFFFF  }
0x1dc: {  	_ =	sfence.sel $0x180000  }
0x1dd: {  	[bflag:$0x0] =	sbarrier.arrive $0xFFFF  }
0x1de: {  	_ =	strace $0x9000004D  }
0x1df: {  	[bflag:$0x2] =	sbarrier.arrive $0xFFFF  }
0x1e0: {  	p0 =	sne.s32 s31, $0x0;
	s0 =	rddreg [dreg:$0x2]  }
0x1e1: {  	s0 =	sadd.s32 @!p0 $0x100000, s0  }
0x1e2: {  	[sflag:s0] =	ssyncadd.tile.s32 @!p0 $0x1;
	_ =	shalt  }
.Lfunc_end2:
_tile_overlayer_lowered:
.L_overlay_start_2:
0x1e3: {  	(tag) =	ssettag $0x2  }
0x1e4: {  	s0 =	rddreg [dreg:$0x0];
	s2 =	stileid.u32  }
0x1e5: {  	s1 =	rddreg [dreg:$0x1];
	p0 =	sne.s32 s2, $0x0  }
0x1e6: {  	s3 =	rddreg [dreg:$0x2];
	[bflag:$0x3] =	sbarrier.arrive $0xFFFF;
	s2 =	simm.s32 @!p0 $0x1C01  }
0x1e7: {  	[timem:s3], [sflag:s2] =	dma.local @!p0 [hbm:s0], s1  }
0x1e8: {  	s0 =	simm.s32 @!p0 $0x1  }
0x1e9: {  	_ =	swait.ge @!p0 [sflag:s0], s1  }
0x1ea: {  	s1 =	ssub.s32 @!p0 $0x0, s1;
	[sflag:s0] =	ssyncset.done @!p0 $0x0  }
0x1eb: {  	[sflag:s0] =	ssyncadd.s32 @!p0 s1  }
0x1ec: {  	[bflag:$0x3] =	sbarrier.arrive $0xFFFF  }
0x1ed: {  	_ =	shalt  }

// kernel: kernel.13.cloned.1.call-start
scs
__scs_entry_jumppad:
0x0: {  	(pc) =	sbr.rel $0x88, $3  }
0x1: {  	(tag) =	ssettag $0x0;
	lr =	simm.s32 $0x1  }
0x2: {  	[smem:$0x3F9B] =	sst lr;
	_ =	strace $0xD0000000  }
0x3: {  	_ = 	snop  }
0x4: {  	_ = 	snop  }
0x5: {  	_ = 	snop  }
0x6: {  	_ = 	snop  }
0x7: {  	_ = 	snop  }
__scs_overlays_trampoline_lowered:
0x8: {  	[smem:$0x3FAA] =	sst s0  }
0x9: {  	[smem:$0x3FAB] =	sst s1  }
0xa: {  	[smem:$0x3FAC] =	sst s2  }
0xb: {  	[smem:$0x3FAD] =	sst s3  }
0xc: {  	[smem:$0x3FAE] =	sst s4  }
0xd: {  	[smem:$0x3FAF] =	sst s5  }
0xe: {  	[smem:$0x3FB0] =	sst s6  }
0xf: {  	[smem:$0x3FB1] =	sst s7  }
0x10: {  	[smem:$0x3FB2] =	sst s8  }
0x11: {  	[smem:$0x3FB3] =	sst s9;
	s0 =	simm.s32 @!p0 $0x0  }
0x12: {  	s1 =	sld [smem:$0x3F99];
	s0 =	simm.s32 @p0 $0x1  }
0x13: {  	[smem:$0x3FB4] =	sst s0;
	s0 =	simm.s32 @!p1 $0x0  }
0x14: {  	s2 =	sld [smem:$0x3F98];
	s0 =	simm.s32 @p1 $0x1  }
0x15: {  	[smem:$0x3FB5] =	sst s0;
	s0 =	simm.s32 @!p2 $0x0  }
0x16: {  	s3 =	sld [smem:$0x3FDB];
	s0 =	simm.s32 @p2 $0x1  }
0x17: {  	s4 =	simm.s32 $0x1BF5;
	[smem:$0x3FB7] =	sst s0  }
0x18: {  	s0 =	sld [smem:$0x3F9A];
	_ =	swait.ge [sflag:s4], $0x0  }
0x19: {  	s7 =	sld [smem:$0x3F9B]  }
0x1a: {  	s8 =	sadd.s32 $0xFFFFE003, lr  }
0x1b: {  	s9 =	sadd.s32 $0xFFFFFEF7, lr;
	s5 =	simm.s32 $0xFFFFFFFF;
	p2 =	slt.u32 s8, $0xFFFFF086  }
0x1c: {  	p1 =	slt.u32 s9, $0xF7A;
	s5 =	simm.s32 @!p2 $0x0  }
0x1d: {  	s5 =	simm.s32 @p1 $0x1;
	p0 =	seq.s32 s7, s2  }
0x1e: {  	s7 =	smul.u32 @!p0 $0xF7A, s2;
	p2 =	seq.s32 @!p0 s5, $0x0  }
0x1f: {  	s9 =	smul.u32 $0xF7A, s1;
	s8 =	simm.s32 @!p0 $0x1BF5;
	p2 =	por !p2, p0  }
0x20: {  	[sflag:s8] =	ssyncset.s32 @!p0 $0xFFFFF086;
	s6 =	sadd.s32 @!p0 s3, s7;
	s7 =	simm.s32 @!p0 $0x108  }
0x21: {  	s3 =	sadd.s32 s3, s9;
	s6 =	sadd.s32 @!p0 $0x88, s6;
	s7 =	simm.s32 @p2 $0x1082  }
0x22: {  	[simem:s7], [sflag:s8] =	dma.local @!p0 [hbm:s6], $0xF7A  }
0x23: {  	s9 =	sor.u32 $0xD0000000, s2;
	s6 =	simm.s32 $0x108;
	_ =	swait.ge @!p0 [sflag:s8], $0x0  }
0x24: {  	s3 =	sadd.s32 $0x88, s3;
	s6 =	simm.s32 @!p1 $0x1082;
	[sflag:s4] =	ssyncset.s32 $0xFFFFF086  }
0x25: {  	[simem:s6], [sflag:s4] =	dma.local [hbm:s3], $0xF7A  }
0x26: {  	[smem:$0x3F9B] =	sst s1;
	(tag) =	ssettag s2;
	_ =	strace s9  }
0x27: {  	s1 =	sld [smem:$0x3FAB]  }
0x28: {  	s2 =	sld [smem:$0x3FAC]  }
0x29: {  	s4 =	sld [smem:$0x3FAE]  }
0x2a: {  	p0 =	seq.s32 s5, $0x0;
	s5 =	sld [smem:$0x3FAF]  }
0x2b: {  	s6 =	sld [smem:$0x3FB0]  }
0x2c: {  	s7 =	sld [smem:$0x3FB1]  }
0x2d: {  	s3 =	simm.s32 $0x108;
	s8 =	sld [smem:$0x3FB2]  }
0x2e: {  	s3 =	simm.s32 @!p0 $0x1082;
	s9 =	sld [smem:$0x3FB3]  }
0x2f: {  	lr =	sadd.s32 s0, s3;
	s0 =	sld [smem:$0x3FAA]  }
0x30: {  	s3 =	sld [smem:$0x3FAD]  }
0x31: {  	[smem:$0x3FB6] =	sst s10  }
0x32: {  	s10 =	sld [smem:$0x3FB4];
	_ =	sdelay $0x3  }
0x33: {  	p0 =	seq.s32 s10, $0x1;
	s10 =	sld [smem:$0x3FB6];
	_ =	sdelay $0x3  }
0x34: {  	[smem:$0x3FB6] =	sst s10  }
0x35: {  	s10 =	sld [smem:$0x3FB5];
	_ =	sdelay $0x3  }
0x36: {  	p1 =	seq.s32 s10, $0x1;
	s10 =	sld [smem:$0x3FB6];
	_ =	sdelay $0x3  }
0x37: {  	[smem:$0x3FB6] =	sst s10  }
0x38: {  	s10 =	sld [smem:$0x3FB7]  }
0x39: {  	_ = 	snop;
	(pc) =	sbr.ind lr, $3  }
0x3a: {  	_ = 	snop  }
0x3b: {  	_ = 	snop  }
0x3c: {  	p2 =	seq.s32 s10, $0x1;
	s10 =	sld [smem:$0x3FB6]  }
0x3d: {  	_ =	shalt  }
0x3e: {  	_ =	shalt  }
0x3f: {  	_ =	shalt  }
0x40: {  	_ =	shalt  }
0x41: {  	_ =	shalt  }
0x42: {  	_ =	shalt  }
0x43: {  	_ =	shalt  }
0x44: {  	_ =	shalt  }
0x45: {  	_ =	shalt  }
0x46: {  	_ =	shalt  }
0x47: {  	_ =	shalt  }
0x48: {  	_ =	shalt  }
0x49: {  	_ =	shalt  }
0x4a: {  	_ =	shalt  }
0x4b: {  	_ =	shalt  }
0x4c: {  	_ =	shalt  }
0x4d: {  	_ =	shalt  }
0x4e: {  	_ =	shalt  }
0x4f: {  	_ =	shalt  }
0x50: {  	_ =	shalt  }
0x51: {  	_ =	shalt  }
0x52: {  	_ =	shalt  }
0x53: {  	_ =	shalt  }
0x54: {  	_ =	shalt  }
0x55: {  	_ =	shalt  }
0x56: {  	_ =	shalt  }
0x57: {  	_ =	shalt  }
0x58: {  	_ =	shalt  }
0x59: {  	_ =	shalt  }
0x5a: {  	_ =	shalt  }
0x5b: {  	_ =	shalt  }
0x5c: {  	_ =	shalt  }
0x5d: {  	_ =	shalt  }
0x5e: {  	_ =	shalt  }
0x5f: {  	_ =	shalt  }
0x60: {  	_ =	shalt  }
0x61: {  	_ =	shalt  }
0x62: {  	_ =	shalt  }
0x63: {  	_ =	shalt  }
0x64: {  	_ =	shalt  }
0x65: {  	_ =	shalt  }
0x66: {  	_ =	shalt  }
0x67: {  	_ =	shalt  }
0x68: {  	_ =	shalt  }
0x69: {  	_ =	shalt  }
0x6a: {  	_ =	shalt  }
0x6b: {  	_ =	shalt  }
0x6c: {  	_ =	shalt  }
0x6d: {  	_ =	shalt  }
0x6e: {  	_ =	shalt  }
0x6f: {  	_ =	shalt  }
0x70: {  	_ =	shalt  }
0x71: {  	_ =	shalt  }
0x72: {  	_ =	shalt  }
0x73: {  	_ =	shalt  }
0x74: {  	_ =	shalt  }
0x75: {  	_ =	shalt  }
0x76: {  	_ =	shalt  }
0x77: {  	_ =	shalt  }
0x78: {  	_ =	shalt  }
0x79: {  	_ =	shalt  }
0x7a: {  	_ =	shalt  }
0x7b: {  	_ =	shalt  }
0x7c: {  	_ =	shalt  }
0x7d: {  	_ =	shalt  }
0x7e: {  	_ =	shalt  }
0x7f: {  	_ =	shalt  }
0x80: {  	_ =	shalt  }
0x81: {  	_ =	shalt  }
0x82: {  	_ =	shalt  }
0x83: {  	_ =	shalt  }
0x84: {  	_ =	shalt  }
0x85: {  	_ =	shalt  }
0x86: {  	_ =	shalt  }
0x87: {  	_ =	shalt  }
.Lfunc_end0:
.L_simem_size_0:
called_computation.2_lowered:
.L_overlay_start_0:
0x88: {  	s0 =	sld [smem:$0x3FD9]  }
0x89: {  	s1 =	sld [smem:$0x3FFE];
	_ =	sdelay $0x3  }
0x8a: {  	s0 =	sadd.s32 s1, s0  }
0x8b: {  	[smem:$0x3FC2] =	sst s0  }
0x8c: {  	_ = 	snop  }
0x8d: {  	(tm) =	ssettm $0x1  }
0x8e: {  	s15 =	sld [smem:$0x3FFB];
	_ =	sdelay $0x3  }
0x8f: {  	_ =	strace s15  }
0x90: {  	s0 =	sld [smem:$0x3FFC];
	_ =	sdelay $0x3  }
0x91: {  	_ =	strace s0  }
0x92: {  	s0 =	sld [smem:$0x3FFD];
	_ =	sdelay $0x3  }
0x93: {  	_ =	strace s0  }
0x94: {  	_ =	strace $0x8FFFFFFF  }
0x95: {  	s16 =	sld [smem:$0x3FDB];
	_ =	sdelay $0x1  }
0x96: {  	s17 =	simm.s32 $_scs_section_size  }
0x97: {  	s2 =	simm.s32 $_size__tile_overlayer_lowered;
	s3 =	simm.s32 $_tile_overlayer_lowered  }
0x98: {  	s20 =	simm.s32 $0x1BFF;
	s19 =	sshll.u32 s3, $0x1;
	s0 =	sadd.s32 s17, s16  }
0x99: {  	s4 =	simm.s32 $0x0;
	s18 =	sshll.u32 s2, $0x1;
	s2 =	sadd.s32 s19, s0  }
0x9a: {  	[timem:s4], [sflag:s20] =	dma.local [hbm:s2], s18  }
0x9b: {  	_ =	swait.ge [sflag:s20], s18  }
0x9c: {  	s1 =	ssub.s32 $0x0, s18;
	[sflag:s20] =	ssyncset.done $0x0  }
0x9d: {  	[sflag:s20] =	ssyncadd.s32 s1;
	_ =	sdelay $0x1  }
0x9e: {  	s21 =	simm.s32 $0x1B8B  }
0x9f: {  	_ =	swait.ge [sflag:s21], $0x1  }
0xa0: {  	[sflag:s21] =	ssyncset.done $0x0  }
0xa1: {  	s23 =	simm.s32 $0x1B8E;
	s22 =	sld [smem:$0x3FFE];
	[sflag:s21] =	ssyncadd.s32 $0xFFFFFFFF  }
0xa2: {  	s24 =	simm.s32 $execute0_lowered;
	[smem:$0x3FD2] =	sst s23  }
0xa3: {  	s2 =	sshll.u32 s24, $0x1;
	_ =	strace $0x80000049;
	[dreg:$0x1] =	wrdreg $0xFFFFFFFF  }
0xa4: {  	s25 =	simm.s32 $_size_execute0_lowered;
	s0 =	sadd.s32 s0, s2;
	[dreg:$0x0] =	wrdreg $0x0  }
0xa5: {  	s2 =	sshll.u32 s25, $0x1;
	[dreg:$0x2] =	wrdreg s0  }
0xa6: {  	[dreg:$0x3] =	wrdreg s2  }
0xa7: {  	[dreg:$0x4] =	wrdreg $0xC0  }
0xa8: {  	_ =	task [dreg:s4], $0x5FFFF  }
0xa9: {  	[dreg:$0x1] =	wrdreg $0xFFFFFFFF  }
0xaa: {  	[dreg:$0x0] =	wrdreg $0x60  }
0xab: {  	[dreg:$0x2] =	wrdreg s22  }
0xac: {  	[dreg:$0x3] =	wrdreg $0xA  }
0xad: {  	_ =	task.clear_ibuf [dreg:s4], $0x4FFFF;
	_ =	strace $0x90000049  }
0xae: {  	s26 =	simm.s32 $0xA;
	_ =	strace $0x8000004B  }
0xaf: {  	_ =	swait.ge [sflag:s26], $0x1  }
0xb0: {  	[sflag:s26] =	ssyncadd.s32 $0xFFFFFFFF  }
0xb1: {  	_ =	strace $0x9000004B  }
0xb2: {  	_ =	sfence  }
0xb3: {  	s28 =	sld [smem:$0x0];
	_ =	sdelay $0x1  }
0xb4: {  	s29 =	srdreg.scid  }
0xb5: {  	s30 =	sshll.u32 s29, $0xD;
	s31 =	sshrl.u32 s29, $0x2  }
0xb6: {  	s1 =	sand.u32 $0x1, s29;
	s2 =	sand.u32 $0x4000, s30;
	s0 =	sadd.s32 s31, s28  }
0xb7: {  	s1 =	sor.u32 s2, s1;
	s0 =	sshll.u32 s0, $0x11  }
0xb8: {  	s0 =	sor.u32 s0, s1  }
0xb9: {  	s0 =	sadd.s32 $0x8F2B, s0  }
0xba: {  	[sflag:s0] =	ssyncadd.remote.s32 $0x1  }
0xbb: {  	_ =	sfence.sel $0xFFFF  }
0xbc: {  	[dreg:$0x0] =	wrdreg $0xFFFFFFFF;
	(pc) =	sbr.abs _section_cstart, $3  }
0xbd: {  	[dreg:$0x1] =	wrdreg $0xFFFFFFFF  }
0xbe: {  	_ =	task.clear_ibuf [dreg:s4], $0x2FFFF;
	_ =	strace $0x9FFFFFFF  }
0xbf: {  	(tm) =	ssettm $0x7FFFFFFF  }
tec
execute0_lowered:
.L_overlay_start_1:
0x0: {  	(tag) =	ssettag $0x1  }
0x1: {  	s0 =	stileid.u32  }
0x2: {  	s2 =	sshrl.u32 s0, $0x3  }
0x3: {  	s1 =	sshll.u32 s0, $0x7;
	s4 =	smul.u32 $0x28000, s2  }
0x4: {  	s3 =	sand.u32 $0x380, s1  }
0x5: {  	s5 =	rddreg [dreg:$0x0];
	s6 =	simm.s32 $0x0;
	s4 =	sor.u32 s3, s4  }
0x6: {  	s8 =	simm.s32 $0x80;
	s9 =	simm.s32 $0x400;
	s4 =	sshrl.u32 s4, $0x3  }
0x7: {  	s29 =	simm.s32 $0x1;
	[smem:$0x7FF] =	sst s6;
	s4 =	sadd.s32 s4, s5  }
0x8: {  	s1 =	rddreg [dreg:$0x1];
	_ =	strace $0x8000004A;
	s7 =	sadd.s32 $0x25200, s4  }
0x9: {  	[tilespmem:s6], [sflag:$0x1] =	stream.strided.gather [hbm4b:s7+s8], $0x5000, s9, s8, $0x38;
	[tilespmem:$0xF080] =	vst v63  }
0xa: {  	_ =	swait.ge [sflag:s29], $0x5000  }
0xb: {  	[sflag:s29] =	ssyncset.done $0x0  }
0xc: {  	s10 =	simm.s32 $0x5000;
	s4 =	sadd.s32 $0x16200, s4;
	[sflag:s29] =	ssyncadd.s32 $0xFFFFB000  }
0xd: {  	[tilespmem:s10], [sflag:$0x1] =	stream.strided.gather [hbm4b:s4+s8], $0x5000, s9, s8, $0x38;
	[tilespmem:$0xF080] =	vst v63  }
0xe: {  	_ =	swait.ge [sflag:s29], $0x5000  }
0xf: {  	[sflag:s29] =	ssyncset.done $0x0  }
0x10: {  	s31 =	simm.s32 $0xA000;
	s30 =	sadd.s32 $0x20200, s5;
	[sflag:s29] =	ssyncadd.s32 $0xFFFFB000  }
0x11: {  	[tilespmem:s31], [sflag:$0x1] =	stream.linear.gather [hbm4b:s30+s6], $0x2800, $0x38;
	[tilespmem:$0xF080] =	vst v63  }
0x12: {  	_ =	swait.ge [sflag:s29], $0x2800  }
0x13: {  	s4 =	sadd.s32 $0x57200, s5;
	[sflag:s29] =	ssyncset.done $0x0  }
0x14: {  	v0 =	vimm.f32 $0.0e+00;
	s5 =	simm.s32 $0x40;
	s6 =	simm.s32 $0x0;
	[sflag:s29] =	ssyncadd.s32 $0xFFFFD800  }
.LBB2_1:
0x15: {  	p0 =	sne.s32 s5, $0x9FC0;
	[tilespmem:s6+$0xC800] =	vst v0;
	s6 =	smov.u32 s5;
	s5 =	sadd.s32 $0x40, s5  }
.Ltmp0:
0x16: {  	(pc) =	sbr.rel @p0 .LBB2_1-.Ltmp0, $2  }
0x17: {  	_ =	sdelay $0x2  }
0x18: {  	s6 =	sshra.s32 s6, $0x2  }
0x19: {  	v1 =	vimm.s32 $0xFFEDCBA9;
	v2 =	vimm.s32 $0x87654321  }
0x1a: {  	v1 =	vunpack.c.l.s4.s8 v1;
	v2 =	vunpack.c.l.s4.s8 v2;
	_ =	sdelay $0x1  }
0x1b: {  	v1 =	vunpack.c.0.s8.s32 v1;
	v2 =	vunpack.c.0.s8.s32 v2;
	_ =	sdelay $0x1  }
0x1c: {  	v1 =	vcombine.low v2, v1  }
0x1d: {  	s5 =	simm.s32 $0x0  }
0x1e: {  	[tilespmem:s6+$0xC800] =	vst v0;
	s6 =	simm.s32 $0xA000;
	s7 =	simm.s32 $0xF000;
	vm0 =	vcmask $0x3F3C;
	s8 =	simm.s32 $0xC800;
	vm1 =	vmmov $0x7fff;
	v0 =	vand.u32 $0xF, v1  }
.LBB2_3:
0x1f: {  	s9 =	sshra.s32 s5, $0x2  }
0x20: {  	v1 =	vld [tilespmem:s9+$0x5000];
	_ =	sdelay $0x6  }
0x21: {  	v2 =	vld [tilespmem:s9+$0x0]  }
0x22: {  	v1 =	vld.idx.msk [tilespmem:v1+s6+$0x0], $0xffff;
	_ =	sdelay $0x3  }
0x23: {  	v2 =	vxor.u32 $0x80000000, v2  }
0x24: {  	(xrf1) =	vsort.ascd.msk.u32 $0xffff, v2, v1;
	_ =	sdelay $0xd  }
0x25: {  	v1, v2, _ =	vpop (xrf1)  }
0x26: {  	v1 =	vxor.u32 $0x80000000, v1  }
0x27: {  	[tilespmem:$0xF000] =	vst v1  }
0x28: {  	(xrf2) =	vadd.scan.msk.f32 $0xffff, v2;
	v2 =	vld.idx.msk [tilespmem:v0+s7+$0x0], $0xffff;
	_ =	sdelay $0x4  }
0x29: {  	vm2 =	vne.s32 v1, v2  }
0x2a: {  	vm3 =	vmor vm2, vm0  }
0x2b: {  	vm2 =	vmand vm2, vm1;
	_ =	sdelay $0x2  }
0x2c: {  	v3, _, _ =	vpop (xrf2)  }
0x2d: {  	v4 =	vsub.f32 $0.0e+00, v3  }
0x2e: {  	[tilespmem:v1+s8+$0x0] =	vst.idx.add.f32.msk vm3, v3  }
0x2f: {  	[tilespmem:v2+s8+$0x0] =	vst.idx.add.f32.msk vm2, v4  }
0x30: {  	v1 =	vld [tilespmem:s9+$0x5010];
	_ =	sdelay $0x6  }
0x31: {  	v2 =	vld [tilespmem:s9+$0x10]  }
0x32: {  	v1 =	vld.idx.msk [tilespmem:v1+s6+$0x0], $0xffff;
	_ =	sdelay $0x3  }
0x33: {  	v2 =	vxor.u32 $0x80000000, v2  }
0x34: {  	(xrf1) =	vsort.ascd.msk.u32 $0xffff, v2, v1;
	_ =	sdelay $0xd  }
0x35: {  	v1, v2, _ =	vpop (xrf1)  }
0x36: {  	v1 =	vxor.u32 $0x80000000, v1  }
0x37: {  	[tilespmem:$0xF000] =	vst v1  }
0x38: {  	(xrf2) =	vadd.scan.msk.f32 $0xffff, v2;
	v2 =	vld.idx.msk [tilespmem:v0+s7+$0x0], $0xffff;
	_ =	sdelay $0x4  }
0x39: {  	vm2 =	vne.s32 v1, v2  }
0x3a: {  	vm3 =	vmor vm2, vm0  }
0x3b: {  	vm2 =	vmand vm2, vm1;
	_ =	sdelay $0x2  }
0x3c: {  	v3, _, _ =	vpop (xrf2)  }
0x3d: {  	v57 =	vsub.f32 $0.0e+00, v3  }
0x3e: {  	[tilespmem:v1+s8+$0x0] =	vst.idx.add.f32.msk vm3, v3  }
0x3f: {  	[tilespmem:v2+s8+$0x0] =	vst.idx.add.f32.msk vm2, v57  }
0x40: {  	v1 =	vld [tilespmem:s9+$0x5020];
	_ =	sdelay $0x6  }
0x41: {  	v2 =	vld [tilespmem:s9+$0x20]  }
0x42: {  	v1 =	vld.idx.msk [tilespmem:v1+s6+$0x0], $0xffff;
	_ =	sdelay $0x3  }
0x43: {  	v2 =	vxor.u32 $0x80000000, v2  }
0x44: {  	(xrf1) =	vsort.ascd.msk.u32 $0xffff, v2, v1;
	_ =	sdelay $0xd  }
0x45: {  	v1, v2, _ =	vpop (xrf1)  }
0x46: {  	v1 =	vxor.u32 $0x80000000, v1  }
0x47: {  	[tilespmem:$0xF000] =	vst v1  }
0x48: {  	(xrf2) =	vadd.scan.msk.f32 $0xffff, v2;
	v2 =	vld.idx.msk [tilespmem:v0+s7+$0x0], $0xffff;
	_ =	sdelay $0x4  }
0x49: {  	vm2 =	vne.s32 v1, v2  }
0x4a: {  	vm3 =	vmor vm2, vm0  }
0x4b: {  	vm2 =	vmand vm2, vm1;
	_ =	sdelay $0x2  }
0x4c: {  	v3, _, _ =	vpop (xrf2)  }
0x4d: {  	v58 =	vsub.f32 $0.0e+00, v3  }
0x4e: {  	[tilespmem:v1+s8+$0x0] =	vst.idx.add.f32.msk vm3, v3  }
0x4f: {  	[tilespmem:v2+s8+$0x0] =	vst.idx.add.f32.msk vm2, v58  }
0x50: {  	v1 =	vld [tilespmem:s9+$0x5030];
	_ =	sdelay $0x6  }
0x51: {  	v2 =	vld [tilespmem:s9+$0x30]  }
0x52: {  	v1 =	vld.idx.msk [tilespmem:v1+s6+$0x0], $0xffff;
	_ =	sdelay $0x3  }
0x53: {  	v2 =	vxor.u32 $0x80000000, v2  }
0x54: {  	(xrf1) =	vsort.ascd.msk.u32 $0xffff, v2, v1;
	_ =	sdelay $0xd  }
0x55: {  	v1, v2, _ =	vpop (xrf1)  }
0x56: {  	v1 =	vxor.u32 $0x80000000, v1  }
0x57: {  	[tilespmem:$0xF000] =	vst v1  }
0x58: {  	(xrf2) =	vadd.scan.msk.f32 $0xffff, v2;
	v2 =	vld.idx.msk [tilespmem:v0+s7+$0x0], $0xffff;
	_ =	sdelay $0x4  }
0x59: {  	vm2 =	vne.s32 v1, v2  }
0x5a: {  	vm3 =	vmor vm2, vm0  }
0x5b: {  	vm2 =	vmand vm2, vm1;
	_ =	sdelay $0x2  }
0x5c: {  	v3, _, _ =	vpop (xrf2)  }
0x5d: {  	v59 =	vsub.f32 $0.0e+00, v3  }
0x5e: {  	[tilespmem:v1+s8+$0x0] =	vst.idx.add.f32.msk vm3, v3  }
0x5f: {  	[tilespmem:v2+s8+$0x0] =	vst.idx.add.f32.msk vm2, v59  }
0x60: {  	v1 =	vld [tilespmem:s9+$0x5040];
	_ =	sdelay $0x6  }
0x61: {  	v2 =	vld [tilespmem:s9+$0x40]  }
0x62: {  	v1 =	vld.idx.msk [tilespmem:v1+s6+$0x0], $0xffff;
	_ =	sdelay $0x3  }
0x63: {  	v2 =	vxor.u32 $0x80000000, v2  }
0x64: {  	(xrf1) =	vsort.ascd.msk.u32 $0xffff, v2, v1;
	_ =	sdelay $0xd  }
0x65: {  	v1, v2, _ =	vpop (xrf1)  }
0x66: {  	v1 =	vxor.u32 $0x80000000, v1  }
0x67: {  	[tilespmem:$0xF000] =	vst v1  }
0x68: {  	(xrf2) =	vadd.scan.msk.f32 $0xffff, v2;
	v2 =	vld.idx.msk [tilespmem:v0+s7+$0x0], $0xffff;
	_ =	sdelay $0x4  }
0x69: {  	vm2 =	vne.s32 v1, v2  }
0x6a: {  	vm3 =	vmor vm2, vm0  }
0x6b: {  	vm2 =	vmand vm2, vm1;
	_ =	sdelay $0x2  }
0x6c: {  	v3, _, _ =	vpop (xrf2)  }
0x6d: {  	v60 =	vsub.f32 $0.0e+00, v3  }
0x6e: {  	[tilespmem:v1+s8+$0x0] =	vst.idx.add.f32.msk vm3, v3  }
0x6f: {  	[tilespmem:v2+s8+$0x0] =	vst.idx.add.f32.msk vm2, v60  }
0x70: {  	v1 =	vld [tilespmem:s9+$0x5050];
	_ =	sdelay $0x6  }
0x71: {  	v2 =	vld [tilespmem:s9+$0x50]  }
0x72: {  	v1 =	vld.idx.msk [tilespmem:v1+s6+$0x0], $0xffff;
	_ =	sdelay $0x3  }
0x73: {  	v2 =	vxor.u32 $0x80000000, v2  }
0x74: {  	(xrf1) =	vsort.ascd.msk.u32 $0xffff, v2, v1;
	_ =	sdelay $0xd  }
0x75: {  	v1, v2, _ =	vpop (xrf1)  }
0x76: {  	v1 =	vxor.u32 $0x80000000, v1  }
0x77: {  	[tilespmem:$0xF000] =	vst v1  }
0x78: {  	(xrf2) =	vadd.scan.msk.f32 $0xffff, v2;
	v2 =	vld.idx.msk [tilespmem:v0+s7+$0x0], $0xffff;
	_ =	sdelay $0x4  }
0x79: {  	vm2 =	vne.s32 v1, v2  }
0x7a: {  	vm3 =	vmor vm2, vm0  }
0x7b: {  	vm2 =	vmand vm2, vm1;
	_ =	sdelay $0x2  }
0x7c: {  	v3, _, _ =	vpop (xrf2)  }
0x7d: {  	v61 =	vsub.f32 $0.0e+00, v3  }
0x7e: {  	[tilespmem:v1+s8+$0x0] =	vst.idx.add.f32.msk vm3, v3  }
0x7f: {  	[tilespmem:v2+s8+$0x0] =	vst.idx.add.f32.msk vm2, v61  }
0x80: {  	v1 =	vld [tilespmem:s9+$0x5060];
	_ =	sdelay $0x6  }
0x81: {  	v2 =	vld [tilespmem:s9+$0x60]  }
0x82: {  	v1 =	vld.idx.msk [tilespmem:v1+s6+$0x0], $0xffff;
	_ =	sdelay $0x3  }
0x83: {  	v2 =	vxor.u32 $0x80000000, v2  }
0x84: {  	(xrf1) =	vsort.ascd.msk.u32 $0xffff, v2, v1;
	_ =	sdelay $0xd  }
0x85: {  	v1, v2, _ =	vpop (xrf1)  }
0x86: {  	v1 =	vxor.u32 $0x80000000, v1  }
0x87: {  	[tilespmem:$0xF000] =	vst v1  }
0x88: {  	(xrf2) =	vadd.scan.msk.f32 $0xffff, v2;
	v2 =	vld.idx.msk [tilespmem:v0+s7+$0x0], $0xffff;
	_ =	sdelay $0x4  }
0x89: {  	vm2 =	vne.s32 v1, v2  }
0x8a: {  	vm3 =	vmor vm2, vm0  }
0x8b: {  	vm2 =	vmand vm2, vm1;
	_ =	sdelay $0x2  }
0x8c: {  	v3, _, _ =	vpop (xrf2)  }
0x8d: {  	v62 =	vsub.f32 $0.0e+00, v3  }
0x8e: {  	[tilespmem:v1+s8+$0x0] =	vst.idx.add.f32.msk vm3, v3  }
0x8f: {  	[tilespmem:v2+s8+$0x0] =	vst.idx.add.f32.msk vm2, v62  }
0x90: {  	v1 =	vld [tilespmem:s9+$0x5070];
	_ =	sdelay $0x6  }
0x91: {  	v2 =	vld [tilespmem:s9+$0x70]  }
0x92: {  	v1 =	vld.idx.msk [tilespmem:v1+s6+$0x0], $0xffff;
	_ =	sdelay $0x3  }
0x93: {  	v2 =	vxor.u32 $0x80000000, v2  }
0x94: {  	(xrf1) =	vsort.ascd.msk.u32 $0xffff, v2, v1;
	_ =	sdelay $0xd  }
0x95: {  	v1, v2, _ =	vpop (xrf1)  }
0x96: {  	v1 =	vxor.u32 $0x80000000, v1  }
0x97: {  	[tilespmem:$0xF000] =	vst v1  }
0x98: {  	(xrf2) =	vadd.scan.msk.f32 $0xffff, v2;
	v2 =	vld.idx.msk [tilespmem:v0+s7+$0x0], $0xffff;
	_ =	sdelay $0x4  }
0x99: {  	vm2 =	vne.s32 v1, v2  }
0x9a: {  	vm3 =	vmor vm2, vm0  }
0x9b: {  	vm2 =	vmand vm2, vm1  }
0x9c: {  	p0 =	sne.s32 s5, $0x13E00  }
.Ltmp1:
0x9d: {  	_ = 	snop;
	(pc) =	sbr.rel @p0 .LBB2_3-.Ltmp1, $4  }
0x9e: {  	v3, _, _ =	vpop (xrf2)  }
0x9f: {  	v63 =	vsub.f32 $0.0e+00, v3  }
0xa0: {  	[tilespmem:v1+s8+$0x0] =	vst.idx.add.f32.msk vm3, v3  }
0xa1: {  	s5 =	sadd.s32 $0x200, s5;
	[tilespmem:v2+s8+$0x0] =	vst.idx.add.f32.msk vm2, v63  }
0xa2: {  	s2 =	smul.u32 $0x14000, s2;
	_ =	sdelay $0x1  }
0xa3: {  	s2 =	sor.u32 s3, s2  }
0xa4: {  	s29 =	simm.s32 $0x80;
	s30 =	simm.s32 $0x400;
	s2 =	sshrl.u32 s2, $0x3  }
0xa5: {  	s5 =	simm.s32 $0xC800;
	s31 =	simm.s32 $0x1;
	s2 =	sadd.s32 s4, s2  }
0xa6: {  	[hbm4b:s2+s29] =	stream.strided.scatter [tilespmem:s5], [sflag:$0x1], $0x2800, s30, s29, $0x38;
	[tilespmem:$0xF080] =	vst v63  }
0xa7: {  	_ =	swait.ge [sflag:s31], $0x2800  }
0xa8: {  	[sflag:s31] =	ssyncset.done $0x0  }
0xa9: {  	[sflag:s31] =	ssyncadd.s32 $0xFFFFD800  }
0xaa: {  	_ =	sfence.sel $0x180000  }
0xab: {  	[bflag:$0x0] =	sbarrier.arrive $0xFFFF  }
0xac: {  	p0 =	sne.s32 s0, $0x0;
	_ =	strace $0x9000004A  }
0xad: {  	s0 =	sadd.s32 @!p0 $0x100000, s1;
	[bflag:$0x2] =	sbarrier.arrive $0xFFFF  }
0xae: {  	[sflag:s0] =	ssyncadd.tile.s32 @!p0 $0x1;
	_ =	shalt  }
.Lfunc_end2:
_tile_overlayer_lowered:
.L_overlay_start_2:
0xaf: {  	(tag) =	ssettag $0x2  }
0xb0: {  	s0 =	rddreg [dreg:$0x0];
	s2 =	stileid.u32  }
0xb1: {  	s1 =	rddreg [dreg:$0x1];
	p0 =	sne.s32 s2, $0x0  }
0xb2: {  	s3 =	rddreg [dreg:$0x2];
	[bflag:$0x3] =	sbarrier.arrive $0xFFFF;
	s2 =	simm.s32 @!p0 $0x1C01  }
0xb3: {  	[timem:s3], [sflag:s2] =	dma.local @!p0 [hbm:s0], s1  }
0xb4: {  	s0 =	simm.s32 @!p0 $0x1  }
0xb5: {  	_ =	swait.ge @!p0 [sflag:s0], s1  }
0xb6: {  	s1 =	ssub.s32 @!p0 $0x0, s1;
	[sflag:s0] =	ssyncset.done @!p0 $0x0  }
0xb7: {  	[sflag:s0] =	ssyncadd.s32 @!p0 s1  }
0xb8: {  	[bflag:$0x3] =	sbarrier.arrive $0xFFFF  }
0xb9: {  	_ =	shalt  }

// kernel: kernel.7.cloned.1.call-start
scs
__scs_entry_jumppad:
0x0: {  	(pc) =	sbr.rel $0x88, $3  }
0x1: {  	(tag) =	ssettag $0x0;
	lr =	simm.s32 $0x1  }
0x2: {  	[smem:$0x3F9B] =	sst lr;
	_ =	strace $0xD0000000  }
0x3: {  	_ = 	snop  }
0x4: {  	_ = 	snop  }
0x5: {  	_ = 	snop  }
0x6: {  	_ = 	snop  }
0x7: {  	_ = 	snop  }
__scs_overlays_trampoline_lowered:
0x8: {  	[smem:$0x3FAA] =	sst s0  }
0x9: {  	[smem:$0x3FAB] =	sst s1  }
0xa: {  	[smem:$0x3FAC] =	sst s2  }
0xb: {  	[smem:$0x3FAD] =	sst s3  }
0xc: {  	[smem:$0x3FAE] =	sst s4  }
0xd: {  	[smem:$0x3FAF] =	sst s5  }
0xe: {  	[smem:$0x3FB0] =	sst s6  }
0xf: {  	[smem:$0x3FB1] =	sst s7  }
0x10: {  	[smem:$0x3FB2] =	sst s8  }
0x11: {  	[smem:$0x3FB3] =	sst s9;
	s0 =	simm.s32 @!p0 $0x0  }
0x12: {  	s1 =	sld [smem:$0x3F99];
	s0 =	simm.s32 @p0 $0x1  }
0x13: {  	[smem:$0x3FB4] =	sst s0;
	s0 =	simm.s32 @!p1 $0x0  }
0x14: {  	s2 =	sld [smem:$0x3F98];
	s0 =	simm.s32 @p1 $0x1  }
0x15: {  	[smem:$0x3FB5] =	sst s0;
	s0 =	simm.s32 @!p2 $0x0  }
0x16: {  	s3 =	sld [smem:$0x3FDB];
	s0 =	simm.s32 @p2 $0x1  }
0x17: {  	s4 =	simm.s32 $0x1BF5;
	[smem:$0x3FB7] =	sst s0  }
0x18: {  	s0 =	sld [smem:$0x3F9A];
	_ =	swait.ge [sflag:s4], $0x0  }
0x19: {  	s7 =	sld [smem:$0x3F9B]  }
0x1a: {  	s8 =	sadd.s32 $0xFFFFE003, lr  }
0x1b: {  	s9 =	sadd.s32 $0xFFFFFEF7, lr;
	s5 =	simm.s32 $0xFFFFFFFF;
	p2 =	slt.u32 s8, $0xFFFFF086  }
0x1c: {  	p1 =	slt.u32 s9, $0xF7A;
	s5 =	simm.s32 @!p2 $0x0  }
0x1d: {  	s5 =	simm.s32 @p1 $0x1;
	p0 =	seq.s32 s7, s2  }
0x1e: {  	s7 =	smul.u32 @!p0 $0xF7A, s2;
	p2 =	seq.s32 @!p0 s5, $0x0  }
0x1f: {  	s9 =	smul.u32 $0xF7A, s1;
	s8 =	simm.s32 @!p0 $0x1BF5;
	p2 =	por !p2, p0  }
0x20: {  	[sflag:s8] =	ssyncset.s32 @!p0 $0xFFFFF086;
	s6 =	sadd.s32 @!p0 s3, s7;
	s7 =	simm.s32 @!p0 $0x108  }
0x21: {  	s3 =	sadd.s32 s3, s9;
	s6 =	sadd.s32 @!p0 $0x88, s6;
	s7 =	simm.s32 @p2 $0x1082  }
0x22: {  	[simem:s7], [sflag:s8] =	dma.local @!p0 [hbm:s6], $0xF7A  }
0x23: {  	s9 =	sor.u32 $0xD0000000, s2;
	s6 =	simm.s32 $0x108;
	_ =	swait.ge @!p0 [sflag:s8], $0x0  }
0x24: {  	s3 =	sadd.s32 $0x88, s3;
	s6 =	simm.s32 @!p1 $0x1082;
	[sflag:s4] =	ssyncset.s32 $0xFFFFF086  }
0x25: {  	[simem:s6], [sflag:s4] =	dma.local [hbm:s3], $0xF7A  }
0x26: {  	[smem:$0x3F9B] =	sst s1;
	(tag) =	ssettag s2;
	_ =	strace s9  }
0x27: {  	s1 =	sld [smem:$0x3FAB]  }
0x28: {  	s2 =	sld [smem:$0x3FAC]  }
0x29: {  	s4 =	sld [smem:$0x3FAE]  }
0x2a: {  	p0 =	seq.s32 s5, $0x0;
	s5 =	sld [smem:$0x3FAF]  }
0x2b: {  	s6 =	sld [smem:$0x3FB0]  }
0x2c: {  	s7 =	sld [smem:$0x3FB1]  }
0x2d: {  	s3 =	simm.s32 $0x108;
	s8 =	sld [smem:$0x3FB2]  }
0x2e: {  	s3 =	simm.s32 @!p0 $0x1082;
	s9 =	sld [smem:$0x3FB3]  }
0x2f: {  	lr =	sadd.s32 s0, s3;
	s0 =	sld [smem:$0x3FAA]  }
0x30: {  	s3 =	sld [smem:$0x3FAD]  }
0x31: {  	[smem:$0x3FB6] =	sst s10  }
0x32: {  	s10 =	sld [smem:$0x3FB4];
	_ =	sdelay $0x3  }
0x33: {  	p0 =	seq.s32 s10, $0x1;
	s10 =	sld [smem:$0x3FB6];
	_ =	sdelay $0x3  }
0x34: {  	[smem:$0x3FB6] =	sst s10  }
0x35: {  	s10 =	sld [smem:$0x3FB5];
	_ =	sdelay $0x3  }
0x36: {  	p1 =	seq.s32 s10, $0x1;
	s10 =	sld [smem:$0x3FB6];
	_ =	sdelay $0x3  }
0x37: {  	[smem:$0x3FB6] =	sst s10  }
0x38: {  	s10 =	sld [smem:$0x3FB7]  }
0x39: {  	_ = 	snop;
	(pc) =	sbr.ind lr, $3  }
0x3a: {  	_ = 	snop  }
0x3b: {  	_ = 	snop  }
0x3c: {  	p2 =	seq.s32 s10, $0x1;
	s10 =	sld [smem:$0x3FB6]  }
0x3d: {  	_ =	shalt  }
0x3e: {  	_ =	shalt  }
0x3f: {  	_ =	shalt  }
0x40: {  	_ =	shalt  }
0x41: {  	_ =	shalt  }
0x42: {  	_ =	shalt  }
0x43: {  	_ =	shalt  }
0x44: {  	_ =	shalt  }
0x45: {  	_ =	shalt  }
0x46: {  	_ =	shalt  }
0x47: {  	_ =	shalt  }
0x48: {  	_ =	shalt  }
0x49: {  	_ =	shalt  }
0x4a: {  	_ =	shalt  }
0x4b: {  	_ =	shalt  }
0x4c: {  	_ =	shalt  }
0x4d: {  	_ =	shalt  }
0x4e: {  	_ =	shalt  }
0x4f: {  	_ =	shalt  }
0x50: {  	_ =	shalt  }
0x51: {  	_ =	shalt  }
0x52: {  	_ =	shalt  }
0x53: {  	_ =	shalt  }
0x54: {  	_ =	shalt  }
0x55: {  	_ =	shalt  }
0x56: {  	_ =	shalt  }
0x57: {  	_ =	shalt  }
0x58: {  	_ =	shalt  }
0x59: {  	_ =	shalt  }
0x5a: {  	_ =	shalt  }
0x5b: {  	_ =	shalt  }
0x5c: {  	_ =	shalt  }
0x5d: {  	_ =	shalt  }
0x5e: {  	_ =	shalt  }
0x5f: {  	_ =	shalt  }
0x60: {  	_ =	shalt  }
0x61: {  	_ =	shalt  }
0x62: {  	_ =	shalt  }
0x63: {  	_ =	shalt  }
0x64: {  	_ =	shalt  }
0x65: {  	_ =	shalt  }
0x66: {  	_ =	shalt  }
0x67: {  	_ =	shalt  }
0x68: {  	_ =	shalt  }
0x69: {  	_ =	shalt  }
0x6a: {  	_ =	shalt  }
0x6b: {  	_ =	shalt  }
0x6c: {  	_ =	shalt  }
0x6d: {  	_ =	shalt  }
0x6e: {  	_ =	shalt  }
0x6f: {  	_ =	shalt  }
0x70: {  	_ =	shalt  }
0x71: {  	_ =	shalt  }
0x72: {  	_ =	shalt  }
0x73: {  	_ =	shalt  }
0x74: {  	_ =	shalt  }
0x75: {  	_ =	shalt  }
0x76: {  	_ =	shalt  }
0x77: {  	_ =	shalt  }
0x78: {  	_ =	shalt  }
0x79: {  	_ =	shalt  }
0x7a: {  	_ =	shalt  }
0x7b: {  	_ =	shalt  }
0x7c: {  	_ =	shalt  }
0x7d: {  	_ =	shalt  }
0x7e: {  	_ =	shalt  }
0x7f: {  	_ =	shalt  }
0x80: {  	_ =	shalt  }
0x81: {  	_ =	shalt  }
0x82: {  	_ =	shalt  }
0x83: {  	_ =	shalt  }
0x84: {  	_ =	shalt  }
0x85: {  	_ =	shalt  }
0x86: {  	_ =	shalt  }
0x87: {  	_ =	shalt  }
.Lfunc_end0:
.L_simem_size_0:
called_computation_lowered:
.L_overlay_start_0:
0x88: {  	s0 =	sld [smem:$0x3FD9]  }
0x89: {  	s1 =	sld [smem:$0x3FFE];
	_ =	sdelay $0x3  }
0x8a: {  	s0 =	sadd.s32 s1, s0  }
0x8b: {  	[smem:$0x3FC2] =	sst s0  }
0x8c: {  	_ = 	snop  }
0x8d: {  	(tm) =	ssettm $0x1  }
0x8e: {  	s15 =	sld [smem:$0x3FFB];
	_ =	sdelay $0x3  }
0x8f: {  	_ =	strace s15  }
0x90: {  	s0 =	sld [smem:$0x3FFC];
	_ =	sdelay $0x3  }
0x91: {  	_ =	strace s0  }
0x92: {  	s0 =	sld [smem:$0x3FFD];
	_ =	sdelay $0x3  }
0x93: {  	_ =	strace s0  }
0x94: {  	_ =	strace $0x8FFFFFFF  }
0x95: {  	s16 =	sld [smem:$0x3FDB];
	_ =	sdelay $0x1  }
0x96: {  	s17 =	simm.s32 $_scs_section_size  }
0x97: {  	s2 =	simm.s32 $_size__tile_overlayer_lowered;
	s3 =	simm.s32 $_tile_overlayer_lowered  }
0x98: {  	s20 =	simm.s32 $0x1BFF;
	s19 =	sshll.u32 s3, $0x1;
	s0 =	sadd.s32 s17, s16  }
0x99: {  	s4 =	simm.s32 $0x0;
	s18 =	sshll.u32 s2, $0x1;
	s2 =	sadd.s32 s19, s0  }
0x9a: {  	[timem:s4], [sflag:s20] =	dma.local [hbm:s2], s18  }
0x9b: {  	_ =	swait.ge [sflag:s20], s18  }
0x9c: {  	s1 =	ssub.s32 $0x0, s18;
	[sflag:s20] =	ssyncset.done $0x0  }
0x9d: {  	[sflag:s20] =	ssyncadd.s32 s1;
	_ =	sdelay $0x1  }
0x9e: {  	s21 =	simm.s32 $0x1B8B  }
0x9f: {  	_ =	swait.ge [sflag:s21], $0x1  }
0xa0: {  	[sflag:s21] =	ssyncset.done $0x0  }
0xa1: {  	s23 =	simm.s32 $0x1B8E;
	s22 =	sld [smem:$0x3FFE];
	[sflag:s21] =	ssyncadd.s32 $0xFFFFFFFF  }
0xa2: {  	s24 =	simm.s32 $execute0_lowered;
	[smem:$0x3FD2] =	sst s23  }
0xa3: {  	s2 =	sshll.u32 s24, $0x1;
	_ =	strace $0x80000046;
	[dreg:$0x1] =	wrdreg $0xFFFFFFFF  }
0xa4: {  	s25 =	simm.s32 $_size_execute0_lowered;
	s0 =	sadd.s32 s0, s2;
	[dreg:$0x0] =	wrdreg $0x0  }
0xa5: {  	s2 =	sshll.u32 s25, $0x1;
	[dreg:$0x2] =	wrdreg s0  }
0xa6: {  	[dreg:$0x3] =	wrdreg s2  }
0xa7: {  	[dreg:$0x4] =	wrdreg $0xC0  }
0xa8: {  	_ =	task [dreg:s4], $0x5FFFF  }
0xa9: {  	[dreg:$0x1] =	wrdreg $0xFFFFFFFF  }
0xaa: {  	[dreg:$0x0] =	wrdreg $0x60  }
0xab: {  	[dreg:$0x2] =	wrdreg s22  }
0xac: {  	[dreg:$0x3] =	wrdreg $0x9  }
0xad: {  	_ =	task.clear_ibuf [dreg:s4], $0x4FFFF;
	_ =	strace $0x90000046  }
0xae: {  	s26 =	simm.s32 $0x9;
	_ =	strace $0x80000048  }
0xaf: {  	_ =	swait.ge [sflag:s26], $0x1  }
0xb0: {  	[sflag:s26] =	ssyncadd.s32 $0xFFFFFFFF  }
0xb1: {  	_ =	strace $0x90000048  }
0xb2: {  	_ =	sfence  }
0xb3: {  	s28 =	sld [smem:$0x0];
	_ =	sdelay $0x1  }
0xb4: {  	s29 =	srdreg.scid  }
0xb5: {  	s30 =	sshll.u32 s29, $0xD;
	s31 =	sshrl.u32 s29, $0x2  }
0xb6: {  	s1 =	sand.u32 $0x1, s29;
	s2 =	sand.u32 $0x4000, s30;
	s0 =	sadd.s32 s31, s28  }
0xb7: {  	s1 =	sor.u32 s2, s1;
	s0 =	sshll.u32 s0, $0x11  }
0xb8: {  	s0 =	sor.u32 s0, s1  }
0xb9: {  	s0 =	sadd.s32 $0x8F2B, s0  }
0xba: {  	[sflag:s0] =	ssyncadd.remote.s32 $0x1  }
0xbb: {  	_ =	sfence.sel $0xFFFF  }
0xbc: {  	[dreg:$0x0] =	wrdreg $0xFFFFFFFF;
	(pc) =	sbr.abs _section_cstart, $3  }
0xbd: {  	[dreg:$0x1] =	wrdreg $0xFFFFFFFF  }
0xbe: {  	_ =	task.clear_ibuf [dreg:s4], $0x2FFFF;
	_ =	strace $0x9FFFFFFF  }
0xbf: {  	(tm) =	ssettm $0x7FFFFFFF  }
tec
execute0_lowered:
.L_overlay_start_1:
0x0: {  	(tag) =	ssettag $0x1  }
0x1: {  	s0 =	stileid.u32  }
0x2: {  	s2 =	sshrl.u32 s0, $0x3  }
0x3: {  	s1 =	sshll.u32 s0, $0x7;
	s4 =	smul.u32 $0x28000, s2  }
0x4: {  	s3 =	sand.u32 $0x380, s1  }
0x5: {  	s5 =	rddreg [dreg:$0x0];
	s6 =	simm.s32 $0x0;
	s4 =	sor.u32 s3, s4  }
0x6: {  	s7 =	simm.s32 $0x80;
	s8 =	simm.s32 $0x400;
	s4 =	sshrl.u32 s4, $0x3  }
0x7: {  	s31 =	simm.s32 $0x1;
	[smem:$0x7FF] =	sst s6;
	s4 =	sadd.s32 s4, s5  }
0x8: {  	s1 =	rddreg [dreg:$0x1];
	_ =	strace $0x80000047;
	s4 =	sadd.s32 $0x16200, s4  }
0x9: {  	[tilespmem:s6], [sflag:$0x1] =	stream.strided.gather [hbm4b:s4+s7], $0x5000, s8, s7, $0x38;
	[tilespmem:$0x7880] =	vst v63  }
0xa: {  	_ =	swait.ge [sflag:s31], $0x5000  }
0xb: {  	s4 =	sadd.s32 $0x20200, s5;
	[sflag:s31] =	ssyncset.done $0x0  }
0xc: {  	v1 =	vimm.f32 $0.0e+00;
	s6 =	simm.s32 $0x40;
	s5 =	simm.s32 $0x0;
	[sflag:s31] =	ssyncadd.s32 $0xFFFFB000  }
.LBB2_1:
0xd: {  	p0 =	sne.s32 s6, $0x9FC0;
	[tilespmem:s5+$0x5000] =	vst v1;
	s5 =	smov.u32 s6;
	s6 =	sadd.s32 $0x40, s6  }
.Ltmp0:
0xe: {  	(pc) =	sbr.rel @p0 .LBB2_1-.Ltmp0, $2  }
0xf: {  	_ =	sdelay $0x2  }
0x10: {  	s5 =	sshra.s32 s5, $0x2  }
0x11: {  	v0 =	vimm.s32 $0xFFEDCBA9;
	v2 =	vimm.s32 $0x87654321  }
0x12: {  	v0 =	vunpack.c.l.s4.s8 v0;
	v2 =	vunpack.c.l.s4.s8 v2;
	_ =	sdelay $0x1  }
0x13: {  	v0 =	vunpack.c.0.s8.s32 v0;
	v2 =	vunpack.c.0.s8.s32 v2;
	_ =	sdelay $0x1  }
0x14: {  	v2 =	vcombine.low v2, v0  }
0x15: {  	vm0 =	vcmask $0x3F3C  }
0x16: {  	[tilespmem:s5+$0x5000] =	vst v1;
	s5 =	simm.s32 $0x0;
	s6 =	simm.s32 $0x7800;
	s7 =	simm.s32 $0x5000;
	vm1 =	vmmov $0x7fff;
	v0 =	vimm.f32 $1.000000000e+00;
	v1 =	vand.u32 $0xF, v2  }
.LBB2_3:
0x17: {  	s8 =	sshra.s32 s5, $0x2  }
0x18: {  	v2 =	vld [tilespmem:s8+$0x0];
	_ =	sdelay $0x4  }
0x19: {  	v2 =	vxor.u32 $0x80000000, v2  }
0x1a: {  	(xrf1) =	vsort.ascd.msk.u32 $0xffff, v2, v0;
	_ =	sdelay $0xd  }
0x1b: {  	v2, v3, _ =	vpop (xrf1)  }
0x1c: {  	v2 =	vxor.u32 $0x80000000, v2  }
0x1d: {  	[tilespmem:$0x7800] =	vst v2  }
0x1e: {  	(xrf2) =	vadd.scan.msk.f32 $0xffff, v3;
	v3 =	vld.idx.msk [tilespmem:v1+s6+$0x0], $0xffff;
	_ =	sdelay $0x4  }
0x1f: {  	vm2 =	vne.s32 v2, v3  }
0x20: {  	vm3 =	vmor vm2, vm0  }
0x21: {  	vm2 =	vmand vm2, vm1;
	_ =	sdelay $0x2  }
0x22: {  	v4, _, _ =	vpop (xrf2)  }
0x23: {  	v5 =	vsub.f32 $0.0e+00, v4  }
0x24: {  	[tilespmem:v2+s7+$0x0] =	vst.idx.add.f32.msk vm3, v4  }
0x25: {  	[tilespmem:v3+s7+$0x0] =	vst.idx.add.f32.msk vm2, v5  }
0x26: {  	v2 =	vld [tilespmem:s8+$0x10];
	_ =	sdelay $0x4  }
0x27: {  	v2 =	vxor.u32 $0x80000000, v2  }
0x28: {  	(xrf1) =	vsort.ascd.msk.u32 $0xffff, v2, v0;
	_ =	sdelay $0xd  }
0x29: {  	v2, v3, _ =	vpop (xrf1)  }
0x2a: {  	v2 =	vxor.u32 $0x80000000, v2  }
0x2b: {  	[tilespmem:$0x7800] =	vst v2  }
0x2c: {  	(xrf2) =	vadd.scan.msk.f32 $0xffff, v3;
	v3 =	vld.idx.msk [tilespmem:v1+s6+$0x0], $0xffff;
	_ =	sdelay $0x4  }
0x2d: {  	vm2 =	vne.s32 v2, v3  }
0x2e: {  	vm3 =	vmor vm2, vm0  }
0x2f: {  	vm2 =	vmand vm2, vm1;
	_ =	sdelay $0x2  }
0x30: {  	v50, _, _ =	vpop (xrf2)  }
0x31: {  	v51 =	vsub.f32 $0.0e+00, v50  }
0x32: {  	[tilespmem:v2+s7+$0x0] =	vst.idx.add.f32.msk vm3, v50  }
0x33: {  	[tilespmem:v3+s7+$0x0] =	vst.idx.add.f32.msk vm2, v51  }
0x34: {  	v2 =	vld [tilespmem:s8+$0x20];
	_ =	sdelay $0x4  }
0x35: {  	v2 =	vxor.u32 $0x80000000, v2  }
0x36: {  	(xrf1) =	vsort.ascd.msk.u32 $0xffff, v2, v0;
	_ =	sdelay $0xd  }
0x37: {  	v2, v3, _ =	vpop (xrf1)  }
0x38: {  	v2 =	vxor.u32 $0x80000000, v2  }
0x39: {  	[tilespmem:$0x7800] =	vst v2  }
0x3a: {  	(xrf2) =	vadd.scan.msk.f32 $0xffff, v3;
	v3 =	vld.idx.msk [tilespmem:v1+s6+$0x0], $0xffff;
	_ =	sdelay $0x4  }
0x3b: {  	vm2 =	vne.s32 v2, v3  }
0x3c: {  	vm3 =	vmor vm2, vm0  }
0x3d: {  	vm2 =	vmand vm2, vm1;
	_ =	sdelay $0x2  }
0x3e: {  	v52, _, _ =	vpop (xrf2)  }
0x3f: {  	v53 =	vsub.f32 $0.0e+00, v52  }
0x40: {  	[tilespmem:v2+s7+$0x0] =	vst.idx.add.f32.msk vm3, v52  }
0x41: {  	[tilespmem:v3+s7+$0x0] =	vst.idx.add.f32.msk vm2, v53  }
0x42: {  	v2 =	vld [tilespmem:s8+$0x30];
	_ =	sdelay $0x4  }
0x43: {  	v2 =	vxor.u32 $0x80000000, v2  }
0x44: {  	(xrf1) =	vsort.ascd.msk.u32 $0xffff, v2, v0;
	_ =	sdelay $0xd  }
0x45: {  	v2, v3, _ =	vpop (xrf1)  }
0x46: {  	v2 =	vxor.u32 $0x80000000, v2  }
0x47: {  	[tilespmem:$0x7800] =	vst v2  }
0x48: {  	(xrf2) =	vadd.scan.msk.f32 $0xffff, v3;
	v3 =	vld.idx.msk [tilespmem:v1+s6+$0x0], $0xffff;
	_ =	sdelay $0x4  }
0x49: {  	vm2 =	vne.s32 v2, v3  }
0x4a: {  	vm3 =	vmor vm2, vm0  }
0x4b: {  	vm2 =	vmand vm2, vm1;
	_ =	sdelay $0x2  }
0x4c: {  	v54, _, _ =	vpop (xrf2)  }
0x4d: {  	v55 =	vsub.f32 $0.0e+00, v54  }
0x4e: {  	[tilespmem:v2+s7+$0x0] =	vst.idx.add.f32.msk vm3, v54  }
0x4f: {  	[tilespmem:v3+s7+$0x0] =	vst.idx.add.f32.msk vm2, v55  }
0x50: {  	v2 =	vld [tilespmem:s8+$0x40];
	_ =	sdelay $0x4  }
0x51: {  	v2 =	vxor.u32 $0x80000000, v2  }
0x52: {  	(xrf1) =	vsort.ascd.msk.u32 $0xffff, v2, v0;
	_ =	sdelay $0xd  }
0x53: {  	v2, v3, _ =	vpop (xrf1)  }
0x54: {  	v2 =	vxor.u32 $0x80000000, v2  }
0x55: {  	[tilespmem:$0x7800] =	vst v2  }
0x56: {  	(xrf2) =	vadd.scan.msk.f32 $0xffff, v3;
	v3 =	vld.idx.msk [tilespmem:v1+s6+$0x0], $0xffff;
	_ =	sdelay $0x4  }
0x57: {  	vm2 =	vne.s32 v2, v3  }
0x58: {  	vm3 =	vmor vm2, vm0  }
0x59: {  	vm2 =	vmand vm2, vm1;
	_ =	sdelay $0x2  }
0x5a: {  	v56, _, _ =	vpop (xrf2)  }
0x5b: {  	v57 =	vsub.f32 $0.0e+00, v56  }
0x5c: {  	[tilespmem:v2+s7+$0x0] =	vst.idx.add.f32.msk vm3, v56  }
0x5d: {  	[tilespmem:v3+s7+$0x0] =	vst.idx.add.f32.msk vm2, v57  }
0x5e: {  	v2 =	vld [tilespmem:s8+$0x50];
	_ =	sdelay $0x4  }
0x5f: {  	v2 =	vxor.u32 $0x80000000, v2  }
0x60: {  	(xrf1) =	vsort.ascd.msk.u32 $0xffff, v2, v0;
	_ =	sdelay $0xd  }
0x61: {  	v2, v3, _ =	vpop (xrf1)  }
0x62: {  	v2 =	vxor.u32 $0x80000000, v2  }
0x63: {  	[tilespmem:$0x7800] =	vst v2  }
0x64: {  	(xrf2) =	vadd.scan.msk.f32 $0xffff, v3;
	v3 =	vld.idx.msk [tilespmem:v1+s6+$0x0], $0xffff;
	_ =	sdelay $0x4  }
0x65: {  	vm2 =	vne.s32 v2, v3  }
0x66: {  	vm3 =	vmor vm2, vm0  }
0x67: {  	vm2 =	vmand vm2, vm1;
	_ =	sdelay $0x2  }
0x68: {  	v58, _, _ =	vpop (xrf2)  }
0x69: {  	v59 =	vsub.f32 $0.0e+00, v58  }
0x6a: {  	[tilespmem:v2+s7+$0x0] =	vst.idx.add.f32.msk vm3, v58  }
0x6b: {  	[tilespmem:v3+s7+$0x0] =	vst.idx.add.f32.msk vm2, v59  }
0x6c: {  	v2 =	vld [tilespmem:s8+$0x60];
	_ =	sdelay $0x4  }
0x6d: {  	v2 =	vxor.u32 $0x80000000, v2  }
0x6e: {  	(xrf1) =	vsort.ascd.msk.u32 $0xffff, v2, v0;
	_ =	sdelay $0xd  }
0x6f: {  	v2, v3, _ =	vpop (xrf1)  }
0x70: {  	v2 =	vxor.u32 $0x80000000, v2  }
0x71: {  	[tilespmem:$0x7800] =	vst v2  }
0x72: {  	(xrf2) =	vadd.scan.msk.f32 $0xffff, v3;
	v3 =	vld.idx.msk [tilespmem:v1+s6+$0x0], $0xffff;
	_ =	sdelay $0x4  }
0x73: {  	vm2 =	vne.s32 v2, v3  }
0x74: {  	vm3 =	vmor vm2, vm0  }
0x75: {  	vm2 =	vmand vm2, vm1;
	_ =	sdelay $0x2  }
0x76: {  	v60, _, _ =	vpop (xrf2)  }
0x77: {  	v61 =	vsub.f32 $0.0e+00, v60  }
0x78: {  	[tilespmem:v2+s7+$0x0] =	vst.idx.add.f32.msk vm3, v60  }
0x79: {  	[tilespmem:v3+s7+$0x0] =	vst.idx.add.f32.msk vm2, v61  }
0x7a: {  	v2 =	vld [tilespmem:s8+$0x70];
	_ =	sdelay $0x4  }
0x7b: {  	v2 =	vxor.u32 $0x80000000, v2  }
0x7c: {  	(xrf1) =	vsort.ascd.msk.u32 $0xffff, v2, v0;
	_ =	sdelay $0xd  }
0x7d: {  	v2, v3, _ =	vpop (xrf1)  }
0x7e: {  	v2 =	vxor.u32 $0x80000000, v2  }
0x7f: {  	[tilespmem:$0x7800] =	vst v2  }
0x80: {  	(xrf2) =	vadd.scan.msk.f32 $0xffff, v3;
	v3 =	vld.idx.msk [tilespmem:v1+s6+$0x0], $0xffff;
	_ =	sdelay $0x4  }
0x81: {  	vm2 =	vne.s32 v2, v3  }
0x82: {  	vm3 =	vmor vm2, vm0  }
0x83: {  	vm2 =	vmand vm2, vm1  }
0x84: {  	p0 =	sne.s32 s5, $0x13E00  }
.Ltmp1:
0x85: {  	_ = 	snop;
	(pc) =	sbr.rel @p0 .LBB2_3-.Ltmp1, $4  }
0x86: {  	v62, _, _ =	vpop (xrf2)  }
0x87: {  	v63 =	vsub.f32 $0.0e+00, v62  }
0x88: {  	[tilespmem:v2+s7+$0x0] =	vst.idx.add.f32.msk vm3, v62  }
0x89: {  	s5 =	sadd.s32 $0x200, s5;
	[tilespmem:v3+s7+$0x0] =	vst.idx.add.f32.msk vm2, v63  }
0x8a: {  	s2 =	smul.u32 $0x14000, s2;
	_ =	sdelay $0x1  }
0x8b: {  	s2 =	sor.u32 s3, s2  }
0x8c: {  	s29 =	simm.s32 $0x80;
	s30 =	simm.s32 $0x400;
	s2 =	sshrl.u32 s2, $0x3  }
0x8d: {  	s5 =	simm.s32 $0x5000;
	s31 =	simm.s32 $0x1;
	s2 =	sadd.s32 s4, s2  }
0x8e: {  	[hbm4b:s2+s29] =	stream.strided.scatter [tilespmem:s5], [sflag:$0x1], $0x2800, s30, s29, $0x38;
	[tilespmem:$0x7880] =	vst v63  }
0x8f: {  	_ =	swait.ge [sflag:s31], $0x2800  }
0x90: {  	[sflag:s31] =	ssyncset.done $0x0  }
0x91: {  	[sflag:s31] =	ssyncadd.s32 $0xFFFFD800  }
0x92: {  	_ =	sfence.sel $0x180000  }
0x93: {  	[bflag:$0x0] =	sbarrier.arrive $0xFFFF  }
0x94: {  	p0 =	sne.s32 s0, $0x0;
	_ =	strace $0x90000047  }
0x95: {  	s0 =	sadd.s32 @!p0 $0x100000, s1;
	[bflag:$0x2] =	sbarrier.arrive $0xFFFF  }
0x96: {  	[sflag:s0] =	ssyncadd.tile.s32 @!p0 $0x1;
	_ =	shalt  }
.Lfunc_end2:
_tile_overlayer_lowered:
.L_overlay_start_2:
0x97: {  	(tag) =	ssettag $0x2  }
0x98: {  	s0 =	rddreg [dreg:$0x0];
	s2 =	stileid.u32  }
0x99: {  	s1 =	rddreg [dreg:$0x1];
	p0 =	sne.s32 s2, $0x0  }
0x9a: {  	s3 =	rddreg [dreg:$0x2];
	[bflag:$0x3] =	sbarrier.arrive $0xFFFF;
	s2 =	simm.s32 @!p0 $0x1C01  }
0x9b: {  	[timem:s3], [sflag:s2] =	dma.local @!p0 [hbm:s0], s1  }
0x9c: {  	s0 =	simm.s32 @!p0 $0x1  }
0x9d: {  	_ =	swait.ge @!p0 [sflag:s0], s1  }
0x9e: {  	s1 =	ssub.s32 @!p0 $0x0, s1;
	[sflag:s0] =	ssyncset.done @!p0 $0x0  }
0x9f: {  	[sflag:s0] =	ssyncadd.s32 @!p0 s1  }
0xa0: {  	[bflag:$0x3] =	sbarrier.arrive $0xFFFF  }
0xa1: {  	_ =	shalt  }

</sc_bundles>
